<compile_context>
chip_gen: v7x
topology: tpu7x:2x2x1
jax: 0.10.2.dev20260603
libtpu: 0.0.44.dev20260713+nightly
codegen_flags: <defaults>
</compile_context>

<pallas_src>
import functools
import jax
import jax.numpy as jnp
from jax import lax
from jax.experimental import pallas as pl
from jax.experimental.pallas import tpu as pltpu
from jax.experimental.pallas import tpu_sc as plsc

N = 10000
E = 320000
DA = 16
DH = 128
NG = 64
NC = 2
NS = 16
NW = NC * NS
EPW = E // NW
CH = 80
NCHUNK = EPW // CH
RPS = 640
RPS_LAST = N - RPS * (NS - 1)

_mesh = plsc.VectorSubcoreMesh(core_axis_name="c", subcore_axis_name="s")


def _worker_id():
    return lax.axis_index("s") * NC + lax.axis_index("c")


def _rowwise(s, fn):
    @pl.when(s < NS - 1)
    def _():
        fn(s * RPS, RPS)

    @pl.when(s == NS - 1)
    def _():
        fn((NS - 1) * RPS, RPS_LAST)




def _make_seg(mode):
    gather = mode in ("plain", "weighted")
    weighted = mode == "weighted"
    nbuf = 3
    scratch = (
        [pltpu.VMEM((CH,), jnp.int32)] * nbuf
        + [pltpu.VMEM((CH, DH), jnp.float32)] * nbuf
        + [pltpu.VMEM_SHARED((N, DH), jnp.float32)]
        + [pltpu.SemaphoreType.DMA] * (2 * nbuf)
    )
    if gather:
        scratch.append(pltpu.VMEM((EPW,), jnp.int32))
    if weighted:
        scratch += (
            [pltpu.VMEM((CH * 16,), jnp.float32)] * nbuf
            + [pltpu.SemaphoreType.DMA] * nbuf
        )

    @functools.partial(
        pl.kernel,
        out_type=jax.ShapeDtypeStruct((NC, N, DH), jnp.float32),
        mesh=_mesh,
        scratch_types=scratch,
    )
    def seg(x, src1, dst1, wvals, zeros, out, *refs):
        didxs, refs = refs[:nbuf], refs[nbuf:]
        rowss, refs = refs[:nbuf], refs[nbuf:]
        acc, refs = refs[0], refs[1:]
        gsems, refs = refs[:nbuf], refs[nbuf:]
        dsems, refs = refs[:nbuf], refs[nbuf:]
        if gather:
            sidx_all, refs = refs[0], refs[1:]
        if weighted:
            wbufs, wsems = refs[:nbuf], refs[nbuf:]
        else:
            wbufs = wsems = (None,) * nbuf
        c = lax.axis_index("c")
        s = lax.axis_index("s")
        wid = _worker_id()
        base = wid * EPW

        _rowwise(s, lambda row0, nrows: pltpu.sync_copy(
            zeros.at[pl.ds(0, nrows)], acc.at[pl.ds(row0, nrows)]))
        if gather:
            pltpu.sync_copy(src1.at[pl.ds(base, EPW)], sidx_all)
        plsc.subcore_barrier()

        def start_load(j, rows_n, gsem_n, didx_n, dsem_n, wb_n, wsem_n):
            pltpu.async_copy(dst1.at[pl.ds(base + j * CH, CH)], didx_n,
                             dsem_n)
            if gather:
                pltpu.async_copy(x.at[sidx_all.at[pl.ds(j * CH, CH)]],
                                 rows_n, gsem_n)
            else:
                pltpu.async_copy(x.at[pl.ds(base + j * CH, CH)], rows_n,
                                 gsem_n)
            if weighted:
                pltpu.async_copy(
                    wvals.at[pl.ds((base + j * CH) * 16, CH * 16)], wb_n,
                    wsem_n)

        def step(j, rows_c, gsem_c, didx_c, dsem_c, wb_c, wsem_c, nxt):
            if nxt is not None:
                start_load(j + nbuf - 1, *nxt)
            pltpu.make_async_copy(x.at[pl.ds(0, CH)], rows_c, gsem_c).wait()
            pltpu.make_async_copy(dst1.at[pl.ds(0, CH)], didx_c,
                                  dsem_c).wait()
            if weighted:
                pltpu.make_async_copy(wvals.at[pl.ds(0, CH * 16)], wb_c,
                                      wsem_c).wait()

                def scale(r, cc):
                    wv = wb_c[pl.ds(r * 16, 16)]
                    for g in range(DH // 16):
                        sl = pl.ds(g * 16, 16)
                        rows_c[r, sl] = rows_c[r, sl] * wv
                    return cc

                lax.fori_loop(0, CH, scale, 0)
            pltpu.sync_copy(rows_c, acc.at[didx_c], add=True)

        bufs = [(rowss[b], gsems[b], didxs[b], dsems[b], wbufs[b], wsems[b])
                for b in range(nbuf)]
        start_load(0, *bufs[0])
        start_load(1, *bufs[1])

        ntrip = (NCHUNK - (nbuf - 1)) // nbuf

        def trip(i, carry):
            for b in range(nbuf):
                step(nbuf * i + b, *bufs[b], nxt=bufs[(b + 2) % nbuf])
            return carry

        lax.fori_loop(0, ntrip, trip, 0)
        for j in range(ntrip * nbuf, NCHUNK):
            step(j, *bufs[j % nbuf],
                 nxt=bufs[(j + 2) % nbuf] if j + 2 < NCHUNK else None)

        plsc.subcore_barrier()
        _rowwise(s, lambda row0, nrows: pltpu.sync_copy(
            acc.at[pl.ds(row0, nrows)], out.at[c, pl.ds(row0, nrows)]))

    return seg


_seg128_linear_k = _make_seg("linear")
_seg128_plain_k = _make_seg("plain")
_seg128_weighted_k = _make_seg("weighted")



_NB = 10
_BR = N // _NB


def _mm_body(x_ref, W_ref, o_ref):
    o_ref[...] = jnp.dot(x_ref[...], W_ref[...],
                         preferred_element_type=jnp.float32)


def _t1_body(h_ref, a_ref, ew_ref, Wm_ref, bm_ref, out_ref):
    pre = h_ref[...] + a_ref[0] + a_ref[1] + ew_ref[0] + ew_ref[1]
    out_ref[...] = jnp.maximum(
        jnp.dot(pre, Wm_ref[...], preferred_element_type=jnp.float32)
        + bm_ref[...], 0.0)


def _t2_body(h1_ref, a2_ref, ew_ref, Wm_ref, bm_ref, Wg1_ref, bg1_ref,
             x1_ref):
    pre = h1_ref[...] + a2_ref[0] + a2_ref[1] + ew_ref[0] + ew_ref[1]
    h2 = jnp.maximum(
        jnp.dot(pre, Wm_ref[...], preferred_element_type=jnp.float32)
        + bm_ref[...], 0.0)
    x1_ref[...] = jnp.dot(h2, Wg1_ref[...],
                          preferred_element_type=jnp.float32) + bg1_ref[...]


def _t3_body(s1_ref, Wg2_ref, bg2_ref, x2_ref):
    h3 = jnp.maximum(s1_ref[0] + s1_ref[1], 0.0)
    x2_ref[...] = jnp.dot(h3, Wg2_ref[...],
                          preferred_element_type=jnp.float32) + bg2_ref[...]


def _t4_body(s2_ref, batch_ref, Wp1_ref, bp1_ref, Wp2_ref, bp2_ref,
             y_ref, fp_ref):
    i = pl.program_id(0)

    @pl.when(i == 0)
    def _():
        fp_ref[...] = jnp.zeros_like(fp_ref)

    h4 = jnp.maximum(s2_ref[0] + s2_ref[1], 0.0)
    b = batch_ref[0]
    onehot = (lax.broadcasted_iota(jnp.int32, (NG, _BR), 0) == b).astype(
        jnp.float32)
    fp_ref[...] += jnp.dot(onehot, h4, preferred_element_type=jnp.float32)

    @pl.when(i == _NB - 1)
    def _():
        hidden = jnp.maximum(
            jnp.dot(fp_ref[...], Wp1_ref[...],
                    preferred_element_type=jnp.float32) + bp1_ref[...], 0.0)
        y_ref[...] = jnp.dot(hidden, Wp2_ref[...],
                             preferred_element_type=jnp.float32) + bp2_ref[...]


def _row_spec(d):
    return pl.BlockSpec((_BR, d), lambda i: (i, 0))


def _part_spec(d):
    return pl.BlockSpec((NC, _BR, d), lambda i: (0, i, 0))


def _full_spec(a, b):
    return pl.BlockSpec((a, b), lambda i: (0, 0))



def kernel(node_attr, edge_attr, edge_index, adj_index, adj_value, batch,
           num_nodes, Wn, We, Wm, bm, Wg1, bg1, Wg2, bg2, Wp1, bp1, Wp2, bp2):
    src1 = edge_index[0]
    dst1 = edge_index[1]
    a_src1 = adj_index[0]
    a_dst1 = adj_index[1]
    z128 = jnp.zeros((RPS, DH), jnp.float32)
    wrep = jnp.broadcast_to(adj_value[:, None], (E, 16)).reshape(E * 16)
    dummy_w = jnp.zeros((128,), jnp.float32)

    bm2 = bm.reshape(1, DH)
    bg1_2 = bg1.reshape(1, DH)
    bg2_2 = bg2.reshape(1, DH)
    bp1_2 = bp1.reshape(1, 64)
    bp2_2 = bp2.reshape(1, 1)

    _EB = E // 160
    h_edge = pl.pallas_call(
        _mm_body,
        grid=(160,),
        in_specs=[pl.BlockSpec((_EB, DA), lambda i: (i, 0)),
                  _full_spec(DA, DH)],
        out_specs=pl.BlockSpec((_EB, DH), lambda i: (i, 0)),
        out_shape=jax.ShapeDtypeStruct((E, DH), jnp.float32),
    )(edge_attr, We)

    ew = _seg128_linear_k(h_edge, dst1, dst1, dummy_w, z128)

    h0 = pl.pallas_call(
        _mm_body,
        grid=(_NB,),
        in_specs=[_row_spec(DA), _full_spec(DA, DH)],
        out_specs=_row_spec(DH),
        out_shape=jax.ShapeDtypeStruct((N, DH), jnp.float32),
    )(node_attr, Wn)

    a1 = _seg128_plain_k(h0, src1, dst1, dummy_w, z128)

    h1 = pl.pallas_call(
        _t1_body,
        grid=(_NB,),
        in_specs=[_row_spec(DH), _part_spec(DH), _part_spec(DH),
                  _full_spec(DH, DH), _full_spec(1, DH)],
        out_specs=_row_spec(DH),
        out_shape=jax.ShapeDtypeStruct((N, DH), jnp.float32),
    )(h0, a1, ew, Wm, bm2)

    a2 = _seg128_plain_k(h1, src1, dst1, dummy_w, z128)

    x1 = pl.pallas_call(
        _t2_body,
        grid=(_NB,),
        in_specs=[_row_spec(DH), _part_spec(DH), _part_spec(DH),
                  _full_spec(DH, DH), _full_spec(1, DH),
                  _full_spec(DH, DH), _full_spec(1, DH)],
        out_specs=_row_spec(DH),
        out_shape=jax.ShapeDtypeStruct((N, DH), jnp.float32),
    )(h1, a2, ew, Wm, bm2, Wg1, bg1_2)

    s1 = _seg128_weighted_k(x1, a_src1, a_dst1, wrep, z128)

    x2 = pl.pallas_call(
        _t3_body,
        grid=(_NB,),
        in_specs=[_part_spec(DH), _full_spec(DH, DH), _full_spec(1, DH)],
        out_specs=_row_spec(DH),
        out_shape=jax.ShapeDtypeStruct((N, DH), jnp.float32),
    )(s1, Wg2, bg2_2)

    s2 = _seg128_weighted_k(x2, a_src1, a_dst1, wrep, z128)

    batch3 = batch.reshape(_NB, 1, _BR)

    y = pl.pallas_call(
        _t4_body,
        grid=(_NB,),
        in_specs=[_part_spec(DH),
                  pl.BlockSpec((1, 1, _BR), lambda i: (i, 0, 0)),
                  _full_spec(DH, 64), _full_spec(1, 64),
                  _full_spec(64, 1), _full_spec(1, 1)],
        out_specs=pl.BlockSpec((NG, 1), lambda i: (0, 0)),
        out_shape=jax.ShapeDtypeStruct((NG, 1), jnp.float32),
        scratch_shapes=[pltpu.VMEM((NG, DH), jnp.float32)],
    )(s2, batch3, Wp1, bp1_2, Wp2, bp2_2)

    return y

# --- scband reference (transcript-rebuilt; emitter-appended) ---
"""Pipeline reference for scband-artattr-encoder-gcn-32727650796179 (READ-ONLY COPY).

The authoritative reference and input builder live on the scoring server;
editing this copy changes nothing except your own understanding.
"""

import jax, jax.numpy as jnp
import numpy as np

N_NODES = 10000
N_EDGES = 320000
D_ATTR = 16
D_HID = 128
N_GRAPHS = 64
N_HOP = 2


def _glorot(key, shape):
    fan_in, fan_out = shape[0], shape[1]
    std = np.sqrt(2.0 / (fan_in + fan_out))
    return jax.random.normal(key, shape, dtype=jnp.float32) * std


def setup_inputs(seed: int = 0) -> dict:
    key = jax.random.key(seed)
    ks = jax.random.split(key, 20)
    node_attr = jax.random.normal(ks[0], (N_NODES, D_ATTR), dtype=jnp.float32)
    edge_attr = jax.random.normal(ks[1], (N_EDGES, D_ATTR), dtype=jnp.float32)
    edge_index = jax.random.randint(ks[2], (2, N_EDGES), 0, N_NODES, dtype=jnp.int32)
    adj_index = jax.random.randint(ks[3], (2, N_EDGES), 0, N_NODES, dtype=jnp.int32)
    adj_value = jax.random.uniform(ks[4], (N_EDGES,), dtype=jnp.float32)
    batch = jnp.sort(jax.random.randint(ks[5], (N_NODES,), 0, N_GRAPHS, dtype=jnp.int32))
    return {
        'node_attr': node_attr,
        'edge_attr': edge_attr,
        'edge_index': edge_index,
        'adj_index': adj_index,
        'adj_value': adj_value,
        'batch': batch,
        'num_nodes': N_NODES,
        'Wn': _glorot(ks[6], (D_ATTR, D_HID)),
        'We': _glorot(ks[7], (D_ATTR, D_HID)),
        'Wm': _glorot(ks[8], (D_HID, D_HID)),
        'bm': jnp.zeros((D_HID,), dtype=jnp.float32),
        'Wg1': _glorot(ks[9], (D_HID, D_HID)),
        'bg1': jnp.zeros((D_HID,), dtype=jnp.float32),
        'Wg2': _glorot(ks[10], (D_HID, D_HID)),
        'bg2': jnp.zeros((D_HID,), dtype=jnp.float32),
        'Wp1': _glorot(ks[11], (D_HID, 64)),
        'bp1': jnp.full((64,), 0.01, dtype=jnp.float32),
        'Wp2': _glorot(ks[12], (64, 1)),
        'bp2': jnp.full((1,), 0.01, dtype=jnp.float32),
    }


def reference(node_attr, edge_attr, edge_index, adj_index, adj_value, batch, num_nodes,
              Wn, We, Wm, bm, Wg1, bg1, Wg2, bg2, Wp1, bp1, Wp2, bp2):
    src = edge_index[0]
    dst = edge_index[1]
    n_static = node_attr.shape[0]
    num_nodes_zero = jnp.asarray(num_nodes, dtype=node_attr.dtype) * 0.0
    # --- AttrsEncoderLayers: mix node and edge attributes via n_hop message passing ---
    h_edge = edge_attr @ We
    h = node_attr @ Wn + num_nodes_zero
    for _ in range(N_HOP):
        msg = h[src] + h_edge  # gather node states along edges, fuse edge embedding
        agg = jax.ops.segment_sum(msg, dst, num_segments=n_static)  # scatter-add
        h = jax.nn.relu((h + agg) @ Wm + bm)
    mixed_attr = h
    # --- GraphConvLayer stack: h <- relu(tilde_A @ (h W) + b) ---
    a_src = adj_index[0]
    a_dst = adj_index[1]

    def gcn(x, W, b):
        xW = x @ W + b
        out = jax.ops.segment_sum(adj_value[:, None] * xW[a_src], a_dst,
                                  num_segments=n_static)  # sparse spmm via scatter-add
        return jax.nn.relu(out)

    h1 = gcn(mixed_attr, Wg1, bg1)
    h1 = gcn(h1, Wg2, bg2)
    # --- global_add_pool over graphs in batch ---
    fingerprint = jax.ops.segment_sum(h1, batch, num_segments=N_GRAPHS)
    # --- predictor MLP ---
    hidden = jax.nn.relu(fingerprint @ Wp1 + bp1)
    predicted_y = hidden @ Wp2 + bp2
    return predicted_y

if __name__ == "__main__":
    import jax
    _d = setup_inputs()
    print(jax.jit(kernel)(*tuple(_d.values())))

</pallas_src>

<mosaic_0001>
#map = affine_map<(d0, d1) -> (0, 0)>
#map1 = affine_map<(d0, d1) -> (0)>
#map2 = affine_map<(d0, d1) -> (0, 0, 0)>
module attributes {stable_mosaic.version = 14 : i64} {
  func.func @seg(%arg0: i32, %arg1: i32, %arg2: memref<320000x128xf32, #tpu.memory_space<hbm>>, %arg3: memref<320000xi32, #tpu.memory_space<hbm>>, %arg4: memref<320000xi32, #tpu.memory_space<hbm>>, %arg5: memref<128xf32, #tpu.memory_space<hbm>>, %arg6: memref<640x128xf32, #tpu.memory_space<hbm>>, %arg7: memref<2x10000x128xf32, #tpu.memory_space<hbm>>, %arg8: memref<80xi32, #tpu.memory_space<vmem>>, %arg9: memref<80xi32, #tpu.memory_space<vmem>>, %arg10: memref<80xi32, #tpu.memory_space<vmem>>, %arg11: memref<80x128xf32, #tpu.memory_space<vmem>>, %arg12: memref<80x128xf32, #tpu.memory_space<vmem>>, %arg13: memref<80x128xf32, #tpu.memory_space<vmem>>, %arg14: memref<10000x128xf32, #tpu.memory_space<vmem_shared>>, %arg15: memref<!tpu.dma_semaphore, #tpu.memory_space<semaphore_mem>>, %arg16: memref<!tpu.dma_semaphore, #tpu.memory_space<semaphore_mem>>, %arg17: memref<!tpu.dma_semaphore, #tpu.memory_space<semaphore_mem>>, %arg18: memref<!tpu.dma_semaphore, #tpu.memory_space<semaphore_mem>>, %arg19: memref<!tpu.dma_semaphore, #tpu.memory_space<semaphore_mem>>, %arg20: memref<!tpu.dma_semaphore, #tpu.memory_space<semaphore_mem>>) attributes {dimension_semantics = [#tpu.dimension_semantics<core_parallel>, #tpu.dimension_semantics<subcore_parallel>], iteration_bounds = array<i64: 2, 16>, scalar_prefetch = 0 : i64, scratch_operands = 13 : i64, tpu.core_type = #tpu.core_type<sc_vector_subcore>, window_params = [{transform_indices = #map}, {transform_indices = #map1}, {transform_indices = #map1}, {transform_indices = #map1}, {transform_indices = #map}, {transform_indices = #map2}]} {
    %mul3A = arith.constant 2 : i32
    %mul3A_0 = arith.muli %arg1, %mul3A : i32
    %add3A = arith.addi %mul3A_0, %arg0 : i32
    %mul3A_1 = arith.constant 10000 : i32
    %mul3A_2 = arith.muli %add3A, %mul3A_1 : i32
    %lt3A = arith.constant 15 : i32
    %lt3A_3 = arith.cmpi slt, %arg1, %lt3A : i32
    %convert_element_type3A = arith.extui %lt3A_3 : i1 to i32
    %cond3A = arith.constant 0 : i32
    %cond3A_4 = arith.cmpi ne, %convert_element_type3A, %cond3A : i32
    scf.if %cond3A_4 {
      %mul3A_63 = arith.constant 640 : i32
      %mul3A_64 = arith.muli %arg1, %mul3A_63 : i32
      "tpu.region"() ({
        %run_scoped3A = tpu.sem_alloc : memref<!tpu.dma_semaphore, #tpu.memory_space<semaphore_mem>>
        %dma_start3A_65 = arith.constant 0 : i32
        %dma_start3A_66 = tpu.memref_slice %arg14[%mul3A_64, %dma_start3A_65] : memref<10000x128xf32, #tpu.memory_space<vmem_shared>> -> memref<640x128xf32, #tpu.memory_space<vmem_shared>>
        %dma_start3A_67 = arith.constant 0 : i32
        %dma_start3A_68 = arith.constant 0 : i32
        %dma_start3A_69 = tpu.memref_slice %arg6[%dma_start3A_67, %dma_start3A_68] : memref<640x128xf32, #tpu.memory_space<hbm>> -> memref<640x128xf32, #tpu.memory_space<hbm>>
        tpu.enqueue_dma source(%dma_start3A_69 : memref<640x128xf32, #tpu.memory_space<hbm>>) target(%dma_start3A_66 : memref<640x128xf32, #tpu.memory_space<vmem_shared>>) target_semaphore(%run_scoped3A : memref<!tpu.dma_semaphore, #tpu.memory_space<semaphore_mem>>)
        %dma_wait3A_70 = arith.constant 0 : i32
        %dma_wait3A_71 = tpu.memref_slice %arg14[%mul3A_64, %dma_wait3A_70] : memref<10000x128xf32, #tpu.memory_space<vmem_shared>> -> memref<640x128xf32, #tpu.memory_space<vmem_shared>>
        %dma_wait3A_72 = arith.constant 0 : i32
        %dma_wait3A_73 = arith.constant 0 : i32
        %dma_wait3A_74 = tpu.memref_slice %arg6[%dma_wait3A_72, %dma_wait3A_73] : memref<640x128xf32, #tpu.memory_space<hbm>> -> memref<640x128xf32, #tpu.memory_space<hbm>>
        tpu.wait_dma2 semaphore(%run_scoped3A : memref<!tpu.dma_semaphore, #tpu.memory_space<semaphore_mem>>) src(%dma_wait3A_74 : memref<640x128xf32, #tpu.memory_space<hbm>>) dst(%dma_wait3A_71 : memref<640x128xf32, #tpu.memory_space<vmem_shared>>)
        tpu.yield
      }) : () -> ()
    } else {
    }
    %eq3A = arith.constant 15 : i32
    %eq3A_5 = arith.cmpi eq, %arg1, %eq3A : i32
    %convert_element_type3A_6 = arith.extui %eq3A_5 : i1 to i32
    %cond3A_7 = arith.constant 0 : i32
    %cond3A_8 = arith.cmpi ne, %convert_element_type3A_6, %cond3A_7 : i32
    scf.if %cond3A_8 {
      "tpu.region"() ({
        %run_scoped3A = tpu.sem_alloc : memref<!tpu.dma_semaphore, #tpu.memory_space<semaphore_mem>>
        %dma_start3A_63 = arith.constant 9600 : i32
        %dma_start3A_64 = arith.constant 0 : i32
        %dma_start3A_65 = tpu.memref_slice %arg14[%dma_start3A_63, %dma_start3A_64] : memref<10000x128xf32, #tpu.memory_space<vmem_shared>> -> memref<400x128xf32, #tpu.memory_space<vmem_shared>>
        %dma_start3A_66 = arith.constant 0 : i32
        %dma_start3A_67 = arith.constant 0 : i32
        %dma_start3A_68 = tpu.memref_slice %arg6[%dma_start3A_66, %dma_start3A_67] : memref<640x128xf32, #tpu.memory_space<hbm>> -> memref<400x128xf32, #tpu.memory_space<hbm>>
        tpu.enqueue_dma source(%dma_start3A_68 : memref<400x128xf32, #tpu.memory_space<hbm>>) target(%dma_start3A_65 : memref<400x128xf32, #tpu.memory_space<vmem_shared>>) target_semaphore(%run_scoped3A : memref<!tpu.dma_semaphore, #tpu.memory_space<semaphore_mem>>)
        %dma_wait3A_69 = arith.constant 9600 : i32
        %dma_wait3A_70 = arith.constant 0 : i32
        %dma_wait3A_71 = tpu.memref_slice %arg14[%dma_wait3A_69, %dma_wait3A_70] : memref<10000x128xf32, #tpu.memory_space<vmem_shared>> -> memref<400x128xf32, #tpu.memory_space<vmem_shared>>
        %dma_wait3A_72 = arith.constant 0 : i32
        %dma_wait3A_73 = arith.constant 0 : i32
        %dma_wait3A_74 = tpu.memref_slice %arg6[%dma_wait3A_72, %dma_wait3A_73] : memref<640x128xf32, #tpu.memory_space<hbm>> -> memref<400x128xf32, #tpu.memory_space<hbm>>
        tpu.wait_dma2 semaphore(%run_scoped3A : memref<!tpu.dma_semaphore, #tpu.memory_space<semaphore_mem>>) src(%dma_wait3A_74 : memref<400x128xf32, #tpu.memory_space<hbm>>) dst(%dma_wait3A_71 : memref<400x128xf32, #tpu.memory_space<vmem_shared>>)
        tpu.yield
      }) : () -> ()
    } else {
    }
    %barrier3A = arith.constant 0 : index
    tpu.barrier barrier_id(%barrier3A)
    %add3A_9 = arith.constant 0 : i32
    %add3A_10 = arith.addi %mul3A_2, %add3A_9 : i32
    %dma_start3A = tpu.memref_slice %arg4[%add3A_10] : memref<320000xi32, #tpu.memory_space<hbm>> -> memref<80xi32, #tpu.memory_space<hbm>>
    %dma_start3A_11 = tpu.memref_slice %arg4[%add3A_10] : memref<320000xi32, #tpu.memory_space<hbm>> -> memref<80xi32, #tpu.memory_space<hbm>>
    tpu.enqueue_dma source(%dma_start3A_11 : memref<80xi32, #tpu.memory_space<hbm>>) target(%arg8 : memref<80xi32, #tpu.memory_space<vmem>>) target_semaphore(%arg18 : memref<!tpu.dma_semaphore, #tpu.memory_space<semaphore_mem>>)
    %add3A_12 = arith.constant 0 : i32
    %add3A_13 = arith.addi %mul3A_2, %add3A_12 : i32
    %dma_start3A_14 = arith.constant 0 : i32
    %dma_start3A_15 = tpu.memref_slice %arg2[%add3A_13, %dma_start3A_14] : memref<320000x128xf32, #tpu.memory_space<hbm>> -> memref<80x128xf32, #tpu.memory_space<hbm>>
    %dma_start3A_16 = arith.constant 0 : i32
    %dma_start3A_17 = tpu.memref_slice %arg2[%add3A_13, %dma_start3A_16] : memref<320000x128xf32, #tpu.memory_space<hbm>> -> memref<80x128xf32, #tpu.memory_space<hbm>>
    tpu.enqueue_dma source(%dma_start3A_17 : memref<80x128xf32, #tpu.memory_space<hbm>>) target(%arg11 : memref<80x128xf32, #tpu.memory_space<vmem>>) target_semaphore(%arg15 : memref<!tpu.dma_semaphore, #tpu.memory_space<semaphore_mem>>)
    %add3A_18 = arith.constant 80 : i32
    %add3A_19 = arith.addi %mul3A_2, %add3A_18 : i32
    %dma_start3A_20 = tpu.memref_slice %arg4[%add3A_19] : memref<320000xi32, #tpu.memory_space<hbm>> -> memref<80xi32, #tpu.memory_space<hbm>>
    %dma_start3A_21 = tpu.memref_slice %arg4[%add3A_19] : memref<320000xi32, #tpu.memory_space<hbm>> -> memref<80xi32, #tpu.memory_space<hbm>>
    tpu.enqueue_dma source(%dma_start3A_21 : memref<80xi32, #tpu.memory_space<hbm>>) target(%arg9 : memref<80xi32, #tpu.memory_space<vmem>>) target_semaphore(%arg19 : memref<!tpu.dma_semaphore, #tpu.memory_space<semaphore_mem>>)
    %add3A_22 = arith.constant 80 : i32
    %add3A_23 = arith.addi %mul3A_2, %add3A_22 : i32
    %dma_start3A_24 = arith.constant 0 : i32
    %dma_start3A_25 = tpu.memref_slice %arg2[%add3A_23, %dma_start3A_24] : memref<320000x128xf32, #tpu.memory_space<hbm>> -> memref<80x128xf32, #tpu.memory_space<hbm>>
    %dma_start3A_26 = arith.constant 0 : i32
    %dma_start3A_27 = tpu.memref_slice %arg2[%add3A_23, %dma_start3A_26] : memref<320000x128xf32, #tpu.memory_space<hbm>> -> memref<80x128xf32, #tpu.memory_space<hbm>>
    tpu.enqueue_dma source(%dma_start3A_27 : memref<80x128xf32, #tpu.memory_space<hbm>>) target(%arg12 : memref<80x128xf32, #tpu.memory_space<vmem>>) target_semaphore(%arg16 : memref<!tpu.dma_semaphore, #tpu.memory_space<semaphore_mem>>)
    %scan3A = arith.constant 0 : i32
    %scan3A_28 = arith.constant 0 : i32
    %scan3A_29 = arith.constant 41 : i32
    %scan3A_30 = arith.addi %scan3A_28, %scan3A_29 : i32
    %scan3A_31 = arith.constant 1 : i32
    scf.for %scan3A_63 = %scan3A_28 to %scan3A_30 step %scan3A_31  : i32 {
      %mul3A_64 = arith.constant 3 : i32
      %mul3A_65 = arith.muli %mul3A_64, %scan3A_63 : i32
      %add3A_66 = arith.constant 0 : i32
      %add3A_67 = arith.addi %mul3A_65, %add3A_66 : i32
      %add3A_68 = arith.constant 3 : i32
      %add3A_69 = arith.addi %add3A_67, %add3A_68 : i32
      %sub3A = arith.constant 1 : i32
      %sub3A_70 = arith.subi %add3A_69, %sub3A : i32
      %mul3A_71 = arith.constant 80 : i32
      %mul3A_72 = arith.muli %sub3A_70, %mul3A_71 : i32
      %add3A_73 = arith.addi %mul3A_2, %mul3A_72 : i32
      %dma_start3A_74 = tpu.memref_slice %arg4[%add3A_73] : memref<320000xi32, #tpu.memory_space<hbm>> -> memref<80xi32, #tpu.memory_space<hbm>>
      %dma_start3A_75 = tpu.memref_slice %arg4[%add3A_73] : memref<320000xi32, #tpu.memory_space<hbm>> -> memref<80xi32, #tpu.memory_space<hbm>>
      tpu.enqueue_dma source(%dma_start3A_75 : memref<80xi32, #tpu.memory_space<hbm>>) target(%arg10 : memref<80xi32, #tpu.memory_space<vmem>>) target_semaphore(%arg20 : memref<!tpu.dma_semaphore, #tpu.memory_space<semaphore_mem>>)
      %mul3A_76 = arith.constant 80 : i32
      %mul3A_77 = arith.muli %sub3A_70, %mul3A_76 : i32
      %add3A_78 = arith.addi %mul3A_2, %mul3A_77 : i32
      %dma_start3A_79 = arith.constant 0 : i32
      %dma_start3A_80 = tpu.memref_slice %arg2[%add3A_78, %dma_start3A_79] : memref<320000x128xf32, #tpu.memory_space<hbm>> -> memref<80x128xf32, #tpu.memory_space<hbm>>
      %dma_start3A_81 = arith.constant 0 : i32
      %dma_start3A_82 = tpu.memref_slice %arg2[%add3A_78, %dma_start3A_81] : memref<320000x128xf32, #tpu.memory_space<hbm>> -> memref<80x128xf32, #tpu.memory_space<hbm>>
      tpu.enqueue_dma source(%dma_start3A_82 : memref<80x128xf32, #tpu.memory_space<hbm>>) target(%arg13 : memref<80x128xf32, #tpu.memory_space<vmem>>) target_semaphore(%arg17 : memref<!tpu.dma_semaphore, #tpu.memory_space<semaphore_mem>>)
      %dma_wait3A_83 = arith.constant 0 : i32
      %dma_wait3A_84 = arith.constant 0 : i32
      %dma_wait3A_85 = tpu.memref_slice %arg2[%dma_wait3A_83, %dma_wait3A_84] : memref<320000x128xf32, #tpu.memory_space<hbm>> -> memref<80x128xf32, #tpu.memory_space<hbm>>
      %dma_wait3A_86 = arith.constant 0 : i32
      %dma_wait3A_87 = arith.constant 0 : i32
      %dma_wait3A_88 = tpu.memref_slice %arg2[%dma_wait3A_86, %dma_wait3A_87] : memref<320000x128xf32, #tpu.memory_space<hbm>> -> memref<80x128xf32, #tpu.memory_space<hbm>>
      tpu.wait_dma2 semaphore(%arg15 : memref<!tpu.dma_semaphore, #tpu.memory_space<semaphore_mem>>) src(%dma_wait3A_88 : memref<80x128xf32, #tpu.memory_space<hbm>>) dst(%arg11 : memref<80x128xf32, #tpu.memory_space<vmem>>)
      %dma_wait3A_89 = arith.constant 0 : i32
      %dma_wait3A_90 = tpu.memref_slice %arg4[%dma_wait3A_89] : memref<320000xi32, #tpu.memory_space<hbm>> -> memref<80xi32, #tpu.memory_space<hbm>>
      %dma_wait3A_91 = arith.constant 0 : i32
      %dma_wait3A_92 = tpu.memref_slice %arg4[%dma_wait3A_91] : memref<320000xi32, #tpu.memory_space<hbm>> -> memref<80xi32, #tpu.memory_space<hbm>>
      tpu.wait_dma2 semaphore(%arg18 : memref<!tpu.dma_semaphore, #tpu.memory_space<semaphore_mem>>) src(%dma_wait3A_92 : memref<80xi32, #tpu.memory_space<hbm>>) dst(%arg8 : memref<80xi32, #tpu.memory_space<vmem>>)
      "tpu.region"() ({
        %run_scoped3A = tpu.sem_alloc : memref<!tpu.dma_semaphore, #tpu.memory_space<semaphore_mem>>
        %dma_start3A_153 = arith.constant 0 : i32
        %dma_start3A_154 = arith.constant 0 : i32
        %dma_start3A_155 = tpu.memref_slice %arg14[%dma_start3A_153, %dma_start3A_154] : memref<10000x128xf32, #tpu.memory_space<vmem_shared>> -> memref<10000x128xf32, #tpu.memory_space<vmem_shared>>
        tpu.enqueue_indirect_dma source(%arg11 : memref<80x128xf32, #tpu.memory_space<vmem>>) target(%dma_start3A_155 : memref<10000x128xf32, #tpu.memory_space<vmem_shared>>) offsets(%arg8 : memref<80xi32, #tpu.memory_space<vmem>>) semaphore(%run_scoped3A : memref<!tpu.dma_semaphore, #tpu.memory_space<semaphore_mem>>) {add = true}
        %dma_wait3A_156 = arith.constant 0 : i32
        %dma_wait3A_157 = arith.constant 0 : i32
        %dma_wait3A_158 = tpu.memref_slice %arg14[%dma_wait3A_156, %dma_wait3A_157] : memref<10000x128xf32, #tpu.memory_space<vmem_shared>> -> memref<10000x128xf32, #tpu.memory_space<vmem_shared>>
        tpu.wait_indirect_dma semaphore(%run_scoped3A : memref<!tpu.dma_semaphore, #tpu.memory_space<semaphore_mem>>) src(%arg11 : memref<80x128xf32, #tpu.memory_space<vmem>>) dst(%dma_wait3A_158 : memref<10000x128xf32, #tpu.memory_space<vmem_shared>>)
        tpu.yield
      }) : () -> ()
      %mul3A_93 = arith.constant 3 : i32
      %mul3A_94 = arith.muli %mul3A_93, %scan3A_63 : i32
      %add3A_95 = arith.constant 1 : i32
      %add3A_96 = arith.addi %mul3A_94, %add3A_95 : i32
      %add3A_97 = arith.constant 3 : i32
      %add3A_98 = arith.addi %add3A_96, %add3A_97 : i32
      %sub3A_99 = arith.constant 1 : i32
      %sub3A_100 = arith.subi %add3A_98, %sub3A_99 : i32
      %mul3A_101 = arith.constant 80 : i32
      %mul3A_102 = arith.muli %sub3A_100, %mul3A_101 : i32
      %add3A_103 = arith.addi %mul3A_2, %mul3A_102 : i32
      %dma_start3A_104 = tpu.memref_slice %arg4[%add3A_103] : memref<320000xi32, #tpu.memory_space<hbm>> -> memref<80xi32, #tpu.memory_space<hbm>>
      %dma_start3A_105 = tpu.memref_slice %arg4[%add3A_103] : memref<320000xi32, #tpu.memory_space<hbm>> -> memref<80xi32, #tpu.memory_space<hbm>>
      tpu.enqueue_dma source(%dma_start3A_105 : memref<80xi32, #tpu.memory_space<hbm>>) target(%arg8 : memref<80xi32, #tpu.memory_space<vmem>>) target_semaphore(%arg18 : memref<!tpu.dma_semaphore, #tpu.memory_space<semaphore_mem>>)
      %mul3A_106 = arith.constant 80 : i32
      %mul3A_107 = arith.muli %sub3A_100, %mul3A_106 : i32
      %add3A_108 = arith.addi %mul3A_2, %mul3A_107 : i32
      %dma_start3A_109 = arith.constant 0 : i32
      %dma_start3A_110 = tpu.memref_slice %arg2[%add3A_108, %dma_start3A_109] : memref<320000x128xf32, #tpu.memory_space<hbm>> -> memref<80x128xf32, #tpu.memory_space<hbm>>
      %dma_start3A_111 = arith.constant 0 : i32
      %dma_start3A_112 = tpu.memref_slice %arg2[%add3A_108, %dma_start3A_111] : memref<320000x128xf32, #tpu.memory_space<hbm>> -> memref<80x128xf32, #tpu.memory_space<hbm>>
      tpu.enqueue_dma source(%dma_start3A_112 : memref<80x128xf32, #tpu.memory_space<hbm>>) target(%arg11 : memref<80x128xf32, #tpu.memory_space<vmem>>) target_semaphore(%arg15 : memref<!tpu.dma_semaphore, #tpu.memory_space<semaphore_mem>>)
      %dma_wait3A_113 = arith.constant 0 : i32
      %dma_wait3A_114 = arith.constant 0 : i32
      %dma_wait3A_115 = tpu.memref_slice %arg2[%dma_wait3A_113, %dma_wait3A_114] : memref<320000x128xf32, #tpu.memory_space<hbm>> -> memref<80x128xf32, #tpu.memory_space<hbm>>
      %dma_wait3A_116 = arith.constant 0 : i32
      %dma_wait3A_117 = arith.constant 0 : i32
      %dma_wait3A_118 = tpu.memref_slice %arg2[%dma_wait3A_116, %dma_wait3A_117] : memref<320000x128xf32, #tpu.memory_space<hbm>> -> memref<80x128xf32, #tpu.memory_space<hbm>>
      tpu.wait_dma2 semaphore(%arg16 : memref<!tpu.dma_semaphore, #tpu.memory_space<semaphore_mem>>) src(%dma_wait3A_118 : memref<80x128xf32, #tpu.memory_space<hbm>>) dst(%arg12 : memref<80x128xf32, #tpu.memory_space<vmem>>)
      %dma_wait3A_119 = arith.constant 0 : i32
      %dma_wait3A_120 = tpu.memref_slice %arg4[%dma_wait3A_119] : memref<320000xi32, #tpu.memory_space<hbm>> -> memref<80xi32, #tpu.memory_space<hbm>>
      %dma_wait3A_121 = arith.constant 0 : i32
      %dma_wait3A_122 = tpu.memref_slice %arg4[%dma_wait3A_121] : memref<320000xi32, #tpu.memory_space<hbm>> -> memref<80xi32, #tpu.memory_space<hbm>>
      tpu.wait_dma2 semaphore(%arg19 : memref<!tpu.dma_semaphore, #tpu.memory_space<semaphore_mem>>) src(%dma_wait3A_122 : memref<80xi32, #tpu.memory_space<hbm>>) dst(%arg9 : memref<80xi32, #tpu.memory_space<vmem>>)
      "tpu.region"() ({
        %run_scoped3A = tpu.sem_alloc : memref<!tpu.dma_semaphore, #tpu.memory_space<semaphore_mem>>
        %dma_start3A_153 = arith.constant 0 : i32
        %dma_start3A_154 = arith.constant 0 : i32
        %dma_start3A_155 = tpu.memref_slice %arg14[%dma_start3A_153, %dma_start3A_154] : memref<10000x128xf32, #tpu.memory_space<vmem_shared>> -> memref<10000x128xf32, #tpu.memory_space<vmem_shared>>
        tpu.enqueue_indirect_dma source(%arg12 : memref<80x128xf32, #tpu.memory_space<vmem>>) target(%dma_start3A_155 : memref<10000x128xf32, #tpu.memory_space<vmem_shared>>) offsets(%arg9 : memref<80xi32, #tpu.memory_space<vmem>>) semaphore(%run_scoped3A : memref<!tpu.dma_semaphore, #tpu.memory_space<semaphore_mem>>) {add = true}
        %dma_wait3A_156 = arith.constant 0 : i32
        %dma_wait3A_157 = arith.constant 0 : i32
        %dma_wait3A_158 = tpu.memref_slice %arg14[%dma_wait3A_156, %dma_wait3A_157] : memref<10000x128xf32, #tpu.memory_space<vmem_shared>> -> memref<10000x128xf32, #tpu.memory_space<vmem_shared>>
        tpu.wait_indirect_dma semaphore(%run_scoped3A : memref<!tpu.dma_semaphore, #tpu.memory_space<semaphore_mem>>) src(%arg12 : memref<80x128xf32, #tpu.memory_space<vmem>>) dst(%dma_wait3A_158 : memref<10000x128xf32, #tpu.memory_space<vmem_shared>>)
        tpu.yield
      }) : () -> ()
      %mul3A_123 = arith.constant 3 : i32
      %mul3A_124 = arith.muli %mul3A_123, %scan3A_63 : i32
      %add3A_125 = arith.constant 2 : i32
      %add3A_126 = arith.addi %mul3A_124, %add3A_125 : i32
      %add3A_127 = arith.constant 3 : i32
      %add3A_128 = arith.addi %add3A_126, %add3A_127 : i32
      %sub3A_129 = arith.constant 1 : i32
      %sub3A_130 = arith.subi %add3A_128, %sub3A_129 : i32
      %mul3A_131 = arith.constant 80 : i32
      %mul3A_132 = arith.muli %sub3A_130, %mul3A_131 : i32
      %add3A_133 = arith.addi %mul3A_2, %mul3A_132 : i32
      %dma_start3A_134 = tpu.memref_slice %arg4[%add3A_133] : memref<320000xi32, #tpu.memory_space<hbm>> -> memref<80xi32, #tpu.memory_space<hbm>>
      %dma_start3A_135 = tpu.memref_slice %arg4[%add3A_133] : memref<320000xi32, #tpu.memory_space<hbm>> -> memref<80xi32, #tpu.memory_space<hbm>>
      tpu.enqueue_dma source(%dma_start3A_135 : memref<80xi32, #tpu.memory_space<hbm>>) target(%arg9 : memref<80xi32, #tpu.memory_space<vmem>>) target_semaphore(%arg19 : memref<!tpu.dma_semaphore, #tpu.memory_space<semaphore_mem>>)
      %mul3A_136 = arith.constant 80 : i32
      %mul3A_137 = arith.muli %sub3A_130, %mul3A_136 : i32
      %add3A_138 = arith.addi %mul3A_2, %mul3A_137 : i32
      %dma_start3A_139 = arith.constant 0 : i32
      %dma_start3A_140 = tpu.memref_slice %arg2[%add3A_138, %dma_start3A_139] : memref<320000x128xf32, #tpu.memory_space<hbm>> -> memref<80x128xf32, #tpu.memory_space<hbm>>
      %dma_start3A_141 = arith.constant 0 : i32
      %dma_start3A_142 = tpu.memref_slice %arg2[%add3A_138, %dma_start3A_141] : memref<320000x128xf32, #tpu.memory_space<hbm>> -> memref<80x128xf32, #tpu.memory_space<hbm>>
      tpu.enqueue_dma source(%dma_start3A_142 : memref<80x128xf32, #tpu.memory_space<hbm>>) target(%arg12 : memref<80x128xf32, #tpu.memory_space<vmem>>) target_semaphore(%arg16 : memref<!tpu.dma_semaphore, #tpu.memory_space<semaphore_mem>>)
      %dma_wait3A_143 = arith.constant 0 : i32
      %dma_wait3A_144 = arith.constant 0 : i32
      %dma_wait3A_145 = tpu.memref_slice %arg2[%dma_wait3A_143, %dma_wait3A_144] : memref<320000x128xf32, #tpu.memory_space<hbm>> -> memref<80x128xf32, #tpu.memory_space<hbm>>
      %dma_wait3A_146 = arith.constant 0 : i32
      %dma_wait3A_147 = arith.constant 0 : i32
      %dma_wait3A_148 = tpu.memref_slice %arg2[%dma_wait3A_146, %dma_wait3A_147] : memref<320000x128xf32, #tpu.memory_space<hbm>> -> memref<80x128xf32, #tpu.memory_space<hbm>>
      tpu.wait_dma2 semaphore(%arg17 : memref<!tpu.dma_semaphore, #tpu.memory_space<semaphore_mem>>) src(%dma_wait3A_148 : memref<80x128xf32, #tpu.memory_space<hbm>>) dst(%arg13 : memref<80x128xf32, #tpu.memory_space<vmem>>)
      %dma_wait3A_149 = arith.constant 0 : i32
      %dma_wait3A_150 = tpu.memref_slice %arg4[%dma_wait3A_149] : memref<320000xi32, #tpu.memory_space<hbm>> -> memref<80xi32, #tpu.memory_space<hbm>>
      %dma_wait3A_151 = arith.constant 0 : i32
      %dma_wait3A_152 = tpu.memref_slice %arg4[%dma_wait3A_151] : memref<320000xi32, #tpu.memory_space<hbm>> -> memref<80xi32, #tpu.memory_space<hbm>>
      tpu.wait_dma2 semaphore(%arg20 : memref<!tpu.dma_semaphore, #tpu.memory_space<semaphore_mem>>) src(%dma_wait3A_152 : memref<80xi32, #tpu.memory_space<hbm>>) dst(%arg10 : memref<80xi32, #tpu.memory_space<vmem>>)
      "tpu.region"() ({
        %run_scoped3A = tpu.sem_alloc : memref<!tpu.dma_semaphore, #tpu.memory_space<semaphore_mem>>
        %dma_start3A_153 = arith.constant 0 : i32
        %dma_start3A_154 = arith.constant 0 : i32
        %dma_start3A_155 = tpu.memref_slice %arg14[%dma_start3A_153, %dma_start3A_154] : memref<10000x128xf32, #tpu.memory_space<vmem_shared>> -> memref<10000x128xf32, #tpu.memory_space<vmem_shared>>
        tpu.enqueue_indirect_dma source(%arg13 : memref<80x128xf32, #tpu.memory_space<vmem>>) target(%dma_start3A_155 : memref<10000x128xf32, #tpu.memory_space<vmem_shared>>) offsets(%arg10 : memref<80xi32, #tpu.memory_space<vmem>>) semaphore(%run_scoped3A : memref<!tpu.dma_semaphore, #tpu.memory_space<semaphore_mem>>) {add = true}
        %dma_wait3A_156 = arith.constant 0 : i32
        %dma_wait3A_157 = arith.constant 0 : i32
        %dma_wait3A_158 = tpu.memref_slice %arg14[%dma_wait3A_156, %dma_wait3A_157] : memref<10000x128xf32, #tpu.memory_space<vmem_shared>> -> memref<10000x128xf32, #tpu.memory_space<vmem_shared>>
        tpu.wait_indirect_dma semaphore(%run_scoped3A : memref<!tpu.dma_semaphore, #tpu.memory_space<semaphore_mem>>) src(%arg13 : memref<80x128xf32, #tpu.memory_space<vmem>>) dst(%dma_wait3A_158 : memref<10000x128xf32, #tpu.memory_space<vmem_shared>>)
        tpu.yield
      }) : () -> ()
    }
    %scan3A_32 = arith.constant 41 : i32
    %dma_wait3A = arith.constant 0 : i32
    %dma_wait3A_33 = arith.constant 0 : i32
    %dma_wait3A_34 = tpu.memref_slice %arg2[%dma_wait3A, %dma_wait3A_33] : memref<320000x128xf32, #tpu.memory_space<hbm>> -> memref<80x128xf32, #tpu.memory_space<hbm>>
    %dma_wait3A_35 = arith.constant 0 : i32
    %dma_wait3A_36 = arith.constant 0 : i32
    %dma_wait3A_37 = tpu.memref_slice %arg2[%dma_wait3A_35, %dma_wait3A_36] : memref<320000x128xf32, #tpu.memory_space<hbm>> -> memref<80x128xf32, #tpu.memory_space<hbm>>
    tpu.wait_dma2 semaphore(%arg15 : memref<!tpu.dma_semaphore, #tpu.memory_space<semaphore_mem>>) src(%dma_wait3A_37 : memref<80x128xf32, #tpu.memory_space<hbm>>) dst(%arg11 : memref<80x128xf32, #tpu.memory_space<vmem>>)
    %dma_wait3A_38 = arith.constant 0 : i32
    %dma_wait3A_39 = tpu.memref_slice %arg4[%dma_wait3A_38] : memref<320000xi32, #tpu.memory_space<hbm>> -> memref<80xi32, #tpu.memory_space<hbm>>
    %dma_wait3A_40 = arith.constant 0 : i32
    %dma_wait3A_41 = tpu.memref_slice %arg4[%dma_wait3A_40] : memref<320000xi32, #tpu.memory_space<hbm>> -> memref<80xi32, #tpu.memory_space<hbm>>
    tpu.wait_dma2 semaphore(%arg18 : memref<!tpu.dma_semaphore, #tpu.memory_space<semaphore_mem>>) src(%dma_wait3A_41 : memref<80xi32, #tpu.memory_space<hbm>>) dst(%arg8 : memref<80xi32, #tpu.memory_space<vmem>>)
    "tpu.region"() ({
      %run_scoped3A = tpu.sem_alloc : memref<!tpu.dma_semaphore, #tpu.memory_space<semaphore_mem>>
      %dma_start3A_63 = arith.constant 0 : i32
      %dma_start3A_64 = arith.constant 0 : i32
      %dma_start3A_65 = tpu.memref_slice %arg14[%dma_start3A_63, %dma_start3A_64] : memref<10000x128xf32, #tpu.memory_space<vmem_shared>> -> memref<10000x128xf32, #tpu.memory_space<vmem_shared>>
      tpu.enqueue_indirect_dma source(%arg11 : memref<80x128xf32, #tpu.memory_space<vmem>>) target(%dma_start3A_65 : memref<10000x128xf32, #tpu.memory_space<vmem_shared>>) offsets(%arg8 : memref<80xi32, #tpu.memory_space<vmem>>) semaphore(%run_scoped3A : memref<!tpu.dma_semaphore, #tpu.memory_space<semaphore_mem>>) {add = true}
      %dma_wait3A_66 = arith.constant 0 : i32
      %dma_wait3A_67 = arith.constant 0 : i32
      %dma_wait3A_68 = tpu.memref_slice %arg14[%dma_wait3A_66, %dma_wait3A_67] : memref<10000x128xf32, #tpu.memory_space<vmem_shared>> -> memref<10000x128xf32, #tpu.memory_space<vmem_shared>>
      tpu.wait_indirect_dma semaphore(%run_scoped3A : memref<!tpu.dma_semaphore, #tpu.memory_space<semaphore_mem>>) src(%arg11 : memref<80x128xf32, #tpu.memory_space<vmem>>) dst(%dma_wait3A_68 : memref<10000x128xf32, #tpu.memory_space<vmem_shared>>)
      tpu.yield
    }) : () -> ()
    %dma_wait3A_42 = arith.constant 0 : i32
    %dma_wait3A_43 = arith.constant 0 : i32
    %dma_wait3A_44 = tpu.memref_slice %arg2[%dma_wait3A_42, %dma_wait3A_43] : memref<320000x128xf32, #tpu.memory_space<hbm>> -> memref<80x128xf32, #tpu.memory_space<hbm>>
    %dma_wait3A_45 = arith.constant 0 : i32
    %dma_wait3A_46 = arith.constant 0 : i32
    %dma_wait3A_47 = tpu.memref_slice %arg2[%dma_wait3A_45, %dma_wait3A_46] : memref<320000x128xf32, #tpu.memory_space<hbm>> -> memref<80x128xf32, #tpu.memory_space<hbm>>
    tpu.wait_dma2 semaphore(%arg16 : memref<!tpu.dma_semaphore, #tpu.memory_space<semaphore_mem>>) src(%dma_wait3A_47 : memref<80x128xf32, #tpu.memory_space<hbm>>) dst(%arg12 : memref<80x128xf32, #tpu.memory_space<vmem>>)
    %dma_wait3A_48 = arith.constant 0 : i32
    %dma_wait3A_49 = tpu.memref_slice %arg4[%dma_wait3A_48] : memref<320000xi32, #tpu.memory_space<hbm>> -> memref<80xi32, #tpu.memory_space<hbm>>
    %dma_wait3A_50 = arith.constant 0 : i32
    %dma_wait3A_51 = tpu.memref_slice %arg4[%dma_wait3A_50] : memref<320000xi32, #tpu.memory_space<hbm>> -> memref<80xi32, #tpu.memory_space<hbm>>
    tpu.wait_dma2 semaphore(%arg19 : memref<!tpu.dma_semaphore, #tpu.memory_space<semaphore_mem>>) src(%dma_wait3A_51 : memref<80xi32, #tpu.memory_space<hbm>>) dst(%arg9 : memref<80xi32, #tpu.memory_space<vmem>>)
    "tpu.region"() ({
      %run_scoped3A = tpu.sem_alloc : memref<!tpu.dma_semaphore, #tpu.memory_space<semaphore_mem>>
      %dma_start3A_63 = arith.constant 0 : i32
      %dma_start3A_64 = arith.constant 0 : i32
      %dma_start3A_65 = tpu.memref_slice %arg14[%dma_start3A_63, %dma_start3A_64] : memref<10000x128xf32, #tpu.memory_space<vmem_shared>> -> memref<10000x128xf32, #tpu.memory_space<vmem_shared>>
      tpu.enqueue_indirect_dma source(%arg12 : memref<80x128xf32, #tpu.memory_space<vmem>>) target(%dma_start3A_65 : memref<10000x128xf32, #tpu.memory_space<vmem_shared>>) offsets(%arg9 : memref<80xi32, #tpu.memory_space<vmem>>) semaphore(%run_scoped3A : memref<!tpu.dma_semaphore, #tpu.memory_space<semaphore_mem>>) {add = true}
      %dma_wait3A_66 = arith.constant 0 : i32
      %dma_wait3A_67 = arith.constant 0 : i32
      %dma_wait3A_68 = tpu.memref_slice %arg14[%dma_wait3A_66, %dma_wait3A_67] : memref<10000x128xf32, #tpu.memory_space<vmem_shared>> -> memref<10000x128xf32, #tpu.memory_space<vmem_shared>>
      tpu.wait_indirect_dma semaphore(%run_scoped3A : memref<!tpu.dma_semaphore, #tpu.memory_space<semaphore_mem>>) src(%arg12 : memref<80x128xf32, #tpu.memory_space<vmem>>) dst(%dma_wait3A_68 : memref<10000x128xf32, #tpu.memory_space<vmem_shared>>)
      tpu.yield
    }) : () -> ()
    %barrier3A_52 = arith.constant 0 : index
    tpu.barrier barrier_id(%barrier3A_52)
    %lt3A_53 = arith.constant 15 : i32
    %lt3A_54 = arith.cmpi slt, %arg1, %lt3A_53 : i32
    %convert_element_type3A_55 = arith.extui %lt3A_54 : i1 to i32
    %cond3A_56 = arith.constant 0 : i32
    %cond3A_57 = arith.cmpi ne, %convert_element_type3A_55, %cond3A_56 : i32
    scf.if %cond3A_57 {
      %mul3A_63 = arith.constant 640 : i32
      %mul3A_64 = arith.muli %arg1, %mul3A_63 : i32
      "tpu.region"() ({
        %run_scoped3A = tpu.sem_alloc : memref<!tpu.dma_semaphore, #tpu.memory_space<semaphore_mem>>
        %dma_start3A_65 = arith.constant 0 : i32
        %dma_start3A_66 = tpu.memref_slice %arg7[%arg0, %mul3A_64, %dma_start3A_65] : memref<2x10000x128xf32, #tpu.memory_space<hbm>> -> memref<1x640x128xf32, #tpu.memory_space<hbm>>
        %dma_start3A_67 = tpu.memref_squeeze %dma_start3A_66 : memref<1x640x128xf32, #tpu.memory_space<hbm>> -> memref<640x128xf32, #tpu.memory_space<hbm>>
        %dma_start3A_68 = arith.constant 0 : i32
        %dma_start3A_69 = tpu.memref_slice %arg14[%mul3A_64, %dma_start3A_68] : memref<10000x128xf32, #tpu.memory_space<vmem_shared>> -> memref<640x128xf32, #tpu.memory_space<vmem_shared>>
        tpu.enqueue_dma source(%dma_start3A_69 : memref<640x128xf32, #tpu.memory_space<vmem_shared>>) target(%dma_start3A_67 : memref<640x128xf32, #tpu.memory_space<hbm>>) target_semaphore(%run_scoped3A : memref<!tpu.dma_semaphore, #tpu.memory_space<semaphore_mem>>)
        %dma_wait3A_70 = arith.constant 0 : i32
        %dma_wait3A_71 = tpu.memref_slice %arg7[%arg0, %mul3A_64, %dma_wait3A_70] : memref<2x10000x128xf32, #tpu.memory_space<hbm>> -> memref<1x640x128xf32, #tpu.memory_space<hbm>>
        %dma_wait3A_72 = tpu.memref_squeeze %dma_wait3A_71 : memref<1x640x128xf32, #tpu.memory_space<hbm>> -> memref<640x128xf32, #tpu.memory_space<hbm>>
        %dma_wait3A_73 = arith.constant 0 : i32
        %dma_wait3A_74 = tpu.memref_slice %arg14[%mul3A_64, %dma_wait3A_73] : memref<10000x128xf32, #tpu.memory_space<vmem_shared>> -> memref<640x128xf32, #tpu.memory_space<vmem_shared>>
        tpu.wait_dma2 semaphore(%run_scoped3A : memref<!tpu.dma_semaphore, #tpu.memory_space<semaphore_mem>>) src(%dma_wait3A_74 : memref<640x128xf32, #tpu.memory_space<vmem_shared>>) dst(%dma_wait3A_72 : memref<640x128xf32, #tpu.memory_space<hbm>>)
        tpu.yield
      }) : () -> ()
    } else {
    }
    %eq3A_58 = arith.constant 15 : i32
    %eq3A_59 = arith.cmpi eq, %arg1, %eq3A_58 : i32
    %convert_element_type3A_60 = arith.extui %eq3A_59 : i1 to i32
    %cond3A_61 = arith.constant 0 : i32
    %cond3A_62 = arith.cmpi ne, %convert_element_type3A_60, %cond3A_61 : i32
    scf.if %cond3A_62 {
      "tpu.region"() ({
        %run_scoped3A = tpu.sem_alloc : memref<!tpu.dma_semaphore, #tpu.memory_space<semaphore_mem>>
        %dma_start3A_63 = arith.constant 9600 : i32
        %dma_start3A_64 = arith.constant 0 : i32
        %dma_start3A_65 = tpu.memref_slice %arg7[%arg0, %dma_start3A_63, %dma_start3A_64] : memref<2x10000x128xf32, #tpu.memory_space<hbm>> -> memref<1x400x128xf32, #tpu.memory_space<hbm>>
        %dma_start3A_66 = tpu.memref_squeeze %dma_start3A_65 : memref<1x400x128xf32, #tpu.memory_space<hbm>> -> memref<400x128xf32, #tpu.memory_space<hbm>>
        %dma_start3A_67 = arith.constant 9600 : i32
        %dma_start3A_68 = arith.constant 0 : i32
        %dma_start3A_69 = tpu.memref_slice %arg14[%dma_start3A_67, %dma_start3A_68] : memref<10000x128xf32, #tpu.memory_space<vmem_shared>> -> memref<400x128xf32, #tpu.memory_space<vmem_shared>>
        tpu.enqueue_dma source(%dma_start3A_69 : memref<400x128xf32, #tpu.memory_space<vmem_shared>>) target(%dma_start3A_66 : memref<400x128xf32, #tpu.memory_space<hbm>>) target_semaphore(%run_scoped3A : memref<!tpu.dma_semaphore, #tpu.memory_space<semaphore_mem>>)
        %dma_wait3A_70 = arith.constant 9600 : i32
        %dma_wait3A_71 = arith.constant 0 : i32
        %dma_wait3A_72 = tpu.memref_slice %arg7[%arg0, %dma_wait3A_70, %dma_wait3A_71] : memref<2x10000x128xf32, #tpu.memory_space<hbm>> -> memref<1x400x128xf32, #tpu.memory_space<hbm>>
        %dma_wait3A_73 = tpu.memref_squeeze %dma_wait3A_72 : memref<1x400x128xf32, #tpu.memory_space<hbm>> -> memref<400x128xf32, #tpu.memory_space<hbm>>
        %dma_wait3A_74 = arith.constant 9600 : i32
        %dma_wait3A_75 = arith.constant 0 : i32
        %dma_wait3A_76 = tpu.memref_slice %arg14[%dma_wait3A_74, %dma_wait3A_75] : memref<10000x128xf32, #tpu.memory_space<vmem_shared>> -> memref<400x128xf32, #tpu.memory_space<vmem_shared>>
        tpu.wait_dma2 semaphore(%run_scoped3A : memref<!tpu.dma_semaphore, #tpu.memory_space<semaphore_mem>>) src(%dma_wait3A_76 : memref<400x128xf32, #tpu.memory_space<vmem_shared>>) dst(%dma_wait3A_73 : memref<400x128xf32, #tpu.memory_space<hbm>>)
        tpu.yield
      }) : () -> ()
    } else {
    }
    return
  }
}

#map = affine_map<(d0, d1) -> (0, 0)>
#map1 = affine_map<(d0, d1) -> (0)>
#map2 = affine_map<(d0, d1) -> (0, 0, 0)>
module attributes {stable_mosaic.version = 14 : i64} {
  func.func @seg(%arg0: i32, %arg1: i32, %arg2: memref<10000x128xf32, #tpu.memory_space<hbm>>, %arg3: memref<320000xi32, #tpu.memory_space<hbm>>, %arg4: memref<320000xi32, #tpu.memory_space<hbm>>, %arg5: memref<128xf32, #tpu.memory_space<hbm>>, %arg6: memref<640x128xf32, #tpu.memory_space<hbm>>, %arg7: memref<2x10000x128xf32, #tpu.memory_space<hbm>>, %arg8: memref<80xi32, #tpu.memory_space<vmem>>, %arg9: memref<80xi32, #tpu.memory_space<vmem>>, %arg10: memref<80xi32, #tpu.memory_space<vmem>>, %arg11: memref<80x128xf32, #tpu.memory_space<vmem>>, %arg12: memref<80x128xf32, #tpu.memory_space<vmem>>, %arg13: memref<80x128xf32, #tpu.memory_space<vmem>>, %arg14: memref<10000x128xf32, #tpu.memory_space<vmem_shared>>, %arg15: memref<!tpu.dma_semaphore, #tpu.memory_space<semaphore_mem>>, %arg16: memref<!tpu.dma_semaphore, #tpu.memory_space<semaphore_mem>>, %arg17: memref<!tpu.dma_semaphore, #tpu.memory_space<semaphore_mem>>, %arg18: memref<!tpu.dma_semaphore, #tpu.memory_space<semaphore_mem>>, %arg19: memref<!tpu.dma_semaphore, #tpu.memory_space<semaphore_mem>>, %arg20: memref<!tpu.dma_semaphore, #tpu.memory_space<semaphore_mem>>, %arg21: memref<10000xi32, #tpu.memory_space<vmem>>) attributes {dimension_semantics = [#tpu.dimension_semantics<core_parallel>, #tpu.dimension_semantics<subcore_parallel>], iteration_bounds = array<i64: 2, 16>, scalar_prefetch = 0 : i64, scratch_operands = 14 : i64, tpu.core_type = #tpu.core_type<sc_vector_subcore>, window_params = [{transform_indices = #map}, {transform_indices = #map1}, {transform_indices = #map1}, {transform_indices = #map1}, {transform_indices = #map}, {transform_indices = #map2}]} {
    %mul3A = arith.constant 2 : i32
    %mul3A_0 = arith.muli %arg1, %mul3A : i32
    %add3A = arith.addi %mul3A_0, %arg0 : i32
    %mul3A_1 = arith.constant 10000 : i32
    %mul3A_2 = arith.muli %add3A, %mul3A_1 : i32
    %lt3A = arith.constant 15 : i32
    %lt3A_3 = arith.cmpi slt, %arg1, %lt3A : i32
    %convert_element_type3A = arith.extui %lt3A_3 : i1 to i32
    %cond3A = arith.constant 0 : i32
    %cond3A_4 = arith.cmpi ne, %convert_element_type3A, %cond3A : i32
    scf.if %cond3A_4 {
      %mul3A_61 = arith.constant 640 : i32
      %mul3A_62 = arith.muli %arg1, %mul3A_61 : i32
      "tpu.region"() ({
        %run_scoped3A = tpu.sem_alloc : memref<!tpu.dma_semaphore, #tpu.memory_space<semaphore_mem>>
        %dma_start3A_63 = arith.constant 0 : i32
        %dma_start3A_64 = tpu.memref_slice %arg14[%mul3A_62, %dma_start3A_63] : memref<10000x128xf32, #tpu.memory_space<vmem_shared>> -> memref<640x128xf32, #tpu.memory_space<vmem_shared>>
        %dma_start3A_65 = arith.constant 0 : i32
        %dma_start3A_66 = arith.constant 0 : i32
        %dma_start3A_67 = tpu.memref_slice %arg6[%dma_start3A_65, %dma_start3A_66] : memref<640x128xf32, #tpu.memory_space<hbm>> -> memref<640x128xf32, #tpu.memory_space<hbm>>
        tpu.enqueue_dma source(%dma_start3A_67 : memref<640x128xf32, #tpu.memory_space<hbm>>) target(%dma_start3A_64 : memref<640x128xf32, #tpu.memory_space<vmem_shared>>) target_semaphore(%run_scoped3A : memref<!tpu.dma_semaphore, #tpu.memory_space<semaphore_mem>>)
        %dma_wait3A_68 = arith.constant 0 : i32
        %dma_wait3A_69 = tpu.memref_slice %arg14[%mul3A_62, %dma_wait3A_68] : memref<10000x128xf32, #tpu.memory_space<vmem_shared>> -> memref<640x128xf32, #tpu.memory_space<vmem_shared>>
        %dma_wait3A_70 = arith.constant 0 : i32
        %dma_wait3A_71 = arith.constant 0 : i32
        %dma_wait3A_72 = tpu.memref_slice %arg6[%dma_wait3A_70, %dma_wait3A_71] : memref<640x128xf32, #tpu.memory_space<hbm>> -> memref<640x128xf32, #tpu.memory_space<hbm>>
        tpu.wait_dma2 semaphore(%run_scoped3A : memref<!tpu.dma_semaphore, #tpu.memory_space<semaphore_mem>>) src(%dma_wait3A_72 : memref<640x128xf32, #tpu.memory_space<hbm>>) dst(%dma_wait3A_69 : memref<640x128xf32, #tpu.memory_space<vmem_shared>>)
        tpu.yield
      }) : () -> ()
    } else {
    }
    %eq3A = arith.constant 15 : i32
    %eq3A_5 = arith.cmpi eq, %arg1, %eq3A : i32
    %convert_element_type3A_6 = arith.extui %eq3A_5 : i1 to i32
    %cond3A_7 = arith.constant 0 : i32
    %cond3A_8 = arith.cmpi ne, %convert_element_type3A_6, %cond3A_7 : i32
    scf.if %cond3A_8 {
      "tpu.region"() ({
        %run_scoped3A = tpu.sem_alloc : memref<!tpu.dma_semaphore, #tpu.memory_space<semaphore_mem>>
        %dma_start3A_61 = arith.constant 9600 : i32
        %dma_start3A_62 = arith.constant 0 : i32
        %dma_start3A_63 = tpu.memref_slice %arg14[%dma_start3A_61, %dma_start3A_62] : memref<10000x128xf32, #tpu.memory_space<vmem_shared>> -> memref<400x128xf32, #tpu.memory_space<vmem_shared>>
        %dma_start3A_64 = arith.constant 0 : i32
        %dma_start3A_65 = arith.constant 0 : i32
        %dma_start3A_66 = tpu.memref_slice %arg6[%dma_start3A_64, %dma_start3A_65] : memref<640x128xf32, #tpu.memory_space<hbm>> -> memref<400x128xf32, #tpu.memory_space<hbm>>
        tpu.enqueue_dma source(%dma_start3A_66 : memref<400x128xf32, #tpu.memory_space<hbm>>) target(%dma_start3A_63 : memref<400x128xf32, #tpu.memory_space<vmem_shared>>) target_semaphore(%run_scoped3A : memref<!tpu.dma_semaphore, #tpu.memory_space<semaphore_mem>>)
        %dma_wait3A_67 = arith.constant 9600 : i32
        %dma_wait3A_68 = arith.constant 0 : i32
        %dma_wait3A_69 = tpu.memref_slice %arg14[%dma_wait3A_67, %dma_wait3A_68] : memref<10000x128xf32, #tpu.memory_space<vmem_shared>> -> memref<400x128xf32, #tpu.memory_space<vmem_shared>>
        %dma_wait3A_70 = arith.constant 0 : i32
        %dma_wait3A_71 = arith.constant 0 : i32
        %dma_wait3A_72 = tpu.memref_slice %arg6[%dma_wait3A_70, %dma_wait3A_71] : memref<640x128xf32, #tpu.memory_space<hbm>> -> memref<400x128xf32, #tpu.memory_space<hbm>>
        tpu.wait_dma2 semaphore(%run_scoped3A : memref<!tpu.dma_semaphore, #tpu.memory_space<semaphore_mem>>) src(%dma_wait3A_72 : memref<400x128xf32, #tpu.memory_space<hbm>>) dst(%dma_wait3A_69 : memref<400x128xf32, #tpu.memory_space<vmem_shared>>)
        tpu.yield
      }) : () -> ()
    } else {
    }
    "tpu.region"() ({
      %run_scoped3A = tpu.sem_alloc : memref<!tpu.dma_semaphore, #tpu.memory_space<semaphore_mem>>
      %dma_start3A_61 = tpu.memref_slice %arg3[%mul3A_2] : memref<320000xi32, #tpu.memory_space<hbm>> -> memref<10000xi32, #tpu.memory_space<hbm>>
      %dma_start3A_62 = tpu.memref_slice %arg3[%mul3A_2] : memref<320000xi32, #tpu.memory_space<hbm>> -> memref<10000xi32, #tpu.memory_space<hbm>>
      tpu.enqueue_dma source(%dma_start3A_62 : memref<10000xi32, #tpu.memory_space<hbm>>) target(%arg21 : memref<10000xi32, #tpu.memory_space<vmem>>) target_semaphore(%run_scoped3A : memref<!tpu.dma_semaphore, #tpu.memory_space<semaphore_mem>>)
      %dma_wait3A_63 = tpu.memref_slice %arg3[%mul3A_2] : memref<320000xi32, #tpu.memory_space<hbm>> -> memref<10000xi32, #tpu.memory_space<hbm>>
      %dma_wait3A_64 = tpu.memref_slice %arg3[%mul3A_2] : memref<320000xi32, #tpu.memory_space<hbm>> -> memref<10000xi32, #tpu.memory_space<hbm>>
      tpu.wait_dma2 semaphore(%run_scoped3A : memref<!tpu.dma_semaphore, #tpu.memory_space<semaphore_mem>>) src(%dma_wait3A_64 : memref<10000xi32, #tpu.memory_space<hbm>>) dst(%arg21 : memref<10000xi32, #tpu.memory_space<vmem>>)
      tpu.yield
    }) : () -> ()
    %barrier3A = arith.constant 0 : index
    tpu.barrier barrier_id(%barrier3A)
    %add3A_9 = arith.constant 0 : i32
    %add3A_10 = arith.addi %mul3A_2, %add3A_9 : i32
    %dma_start3A = tpu.memref_slice %arg4[%add3A_10] : memref<320000xi32, #tpu.memory_space<hbm>> -> memref<80xi32, #tpu.memory_space<hbm>>
    %dma_start3A_11 = tpu.memref_slice %arg4[%add3A_10] : memref<320000xi32, #tpu.memory_space<hbm>> -> memref<80xi32, #tpu.memory_space<hbm>>
    tpu.enqueue_dma source(%dma_start3A_11 : memref<80xi32, #tpu.memory_space<hbm>>) target(%arg8 : memref<80xi32, #tpu.memory_space<vmem>>) target_semaphore(%arg18 : memref<!tpu.dma_semaphore, #tpu.memory_space<semaphore_mem>>)
    %dma_start3A_12 = arith.constant 0 : i32
    %dma_start3A_13 = tpu.memref_slice %arg21[%dma_start3A_12] : memref<10000xi32, #tpu.memory_space<vmem>> -> memref<80xi32, #tpu.memory_space<vmem>>
    %dma_start3A_14 = arith.constant 0 : i32
    %dma_start3A_15 = arith.constant 0 : i32
    %dma_start3A_16 = tpu.memref_slice %arg2[%dma_start3A_14, %dma_start3A_15] : memref<10000x128xf32, #tpu.memory_space<hbm>> -> memref<10000x128xf32, #tpu.memory_space<hbm>>
    tpu.enqueue_indirect_dma source(%dma_start3A_16 : memref<10000x128xf32, #tpu.memory_space<hbm>>) target(%arg11 : memref<80x128xf32, #tpu.memory_space<vmem>>) offsets(%dma_start3A_13 : memref<80xi32, #tpu.memory_space<vmem>>) semaphore(%arg15 : memref<!tpu.dma_semaphore, #tpu.memory_space<semaphore_mem>>)
    %add3A_17 = arith.constant 80 : i32
    %add3A_18 = arith.addi %mul3A_2, %add3A_17 : i32
    %dma_start3A_19 = tpu.memref_slice %arg4[%add3A_18] : memref<320000xi32, #tpu.memory_space<hbm>> -> memref<80xi32, #tpu.memory_space<hbm>>
    %dma_start3A_20 = tpu.memref_slice %arg4[%add3A_18] : memref<320000xi32, #tpu.memory_space<hbm>> -> memref<80xi32, #tpu.memory_space<hbm>>
    tpu.enqueue_dma source(%dma_start3A_20 : memref<80xi32, #tpu.memory_space<hbm>>) target(%arg9 : memref<80xi32, #tpu.memory_space<vmem>>) target_semaphore(%arg19 : memref<!tpu.dma_semaphore, #tpu.memory_space<semaphore_mem>>)
    %dma_start3A_21 = arith.constant 80 : i32
    %dma_start3A_22 = tpu.memref_slice %arg21[%dma_start3A_21] : memref<10000xi32, #tpu.memory_space<vmem>> -> memref<80xi32, #tpu.memory_space<vmem>>
    %dma_start3A_23 = arith.constant 0 : i32
    %dma_start3A_24 = arith.constant 0 : i32
    %dma_start3A_25 = tpu.memref_slice %arg2[%dma_start3A_23, %dma_start3A_24] : memref<10000x128xf32, #tpu.memory_space<hbm>> -> memref<10000x128xf32, #tpu.memory_space<hbm>>
    tpu.enqueue_indirect_dma source(%dma_start3A_25 : memref<10000x128xf32, #tpu.memory_space<hbm>>) target(%arg12 : memref<80x128xf32, #tpu.memory_space<vmem>>) offsets(%dma_start3A_22 : memref<80xi32, #tpu.memory_space<vmem>>) semaphore(%arg16 : memref<!tpu.dma_semaphore, #tpu.memory_space<semaphore_mem>>)
    %scan3A = arith.constant 0 : i32
    %scan3A_26 = arith.constant 0 : i32
    %scan3A_27 = arith.constant 41 : i32
    %scan3A_28 = arith.addi %scan3A_26, %scan3A_27 : i32
    %scan3A_29 = arith.constant 1 : i32
    scf.for %scan3A_61 = %scan3A_26 to %scan3A_28 step %scan3A_29  : i32 {
      %mul3A_62 = arith.constant 3 : i32
      %mul3A_63 = arith.muli %mul3A_62, %scan3A_61 : i32
      %add3A_64 = arith.constant 0 : i32
      %add3A_65 = arith.addi %mul3A_63, %add3A_64 : i32
      %add3A_66 = arith.constant 3 : i32
      %add3A_67 = arith.addi %add3A_65, %add3A_66 : i32
      %sub3A = arith.constant 1 : i32
      %sub3A_68 = arith.subi %add3A_67, %sub3A : i32
      %mul3A_69 = arith.constant 80 : i32
      %mul3A_70 = arith.muli %sub3A_68, %mul3A_69 : i32
      %add3A_71 = arith.addi %mul3A_2, %mul3A_70 : i32
      %dma_start3A_72 = tpu.memref_slice %arg4[%add3A_71] : memref<320000xi32, #tpu.memory_space<hbm>> -> memref<80xi32, #tpu.memory_space<hbm>>
      %dma_start3A_73 = tpu.memref_slice %arg4[%add3A_71] : memref<320000xi32, #tpu.memory_space<hbm>> -> memref<80xi32, #tpu.memory_space<hbm>>
      tpu.enqueue_dma source(%dma_start3A_73 : memref<80xi32, #tpu.memory_space<hbm>>) target(%arg10 : memref<80xi32, #tpu.memory_space<vmem>>) target_semaphore(%arg20 : memref<!tpu.dma_semaphore, #tpu.memory_space<semaphore_mem>>)
      %mul3A_74 = arith.constant 80 : i32
      %mul3A_75 = arith.muli %sub3A_68, %mul3A_74 : i32
      %dma_start3A_76 = tpu.memref_slice %arg21[%mul3A_75] : memref<10000xi32, #tpu.memory_space<vmem>> -> memref<80xi32, #tpu.memory_space<vmem>>
      %dma_start3A_77 = arith.constant 0 : i32
      %dma_start3A_78 = arith.constant 0 : i32
      %dma_start3A_79 = tpu.memref_slice %arg2[%dma_start3A_77, %dma_start3A_78] : memref<10000x128xf32, #tpu.memory_space<hbm>> -> memref<10000x128xf32, #tpu.memory_space<hbm>>
      tpu.enqueue_indirect_dma source(%dma_start3A_79 : memref<10000x128xf32, #tpu.memory_space<hbm>>) target(%arg13 : memref<80x128xf32, #tpu.memory_space<vmem>>) offsets(%dma_start3A_76 : memref<80xi32, #tpu.memory_space<vmem>>) semaphore(%arg17 : memref<!tpu.dma_semaphore, #tpu.memory_space<semaphore_mem>>)
      %dma_wait3A_80 = arith.constant 0 : i32
      %dma_wait3A_81 = arith.constant 0 : i32
      %dma_wait3A_82 = tpu.memref_slice %arg2[%dma_wait3A_80, %dma_wait3A_81] : memref<10000x128xf32, #tpu.memory_space<hbm>> -> memref<80x128xf32, #tpu.memory_space<hbm>>
      %dma_wait3A_83 = arith.constant 0 : i32
      %dma_wait3A_84 = arith.constant 0 : i32
      %dma_wait3A_85 = tpu.memref_slice %arg2[%dma_wait3A_83, %dma_wait3A_84] : memref<10000x128xf32, #tpu.memory_space<hbm>> -> memref<80x128xf32, #tpu.memory_space<hbm>>
      tpu.wait_dma2 semaphore(%arg15 : memref<!tpu.dma_semaphore, #tpu.memory_space<semaphore_mem>>) src(%dma_wait3A_85 : memref<80x128xf32, #tpu.memory_space<hbm>>) dst(%arg11 : memref<80x128xf32, #tpu.memory_space<vmem>>)
      %dma_wait3A_86 = arith.constant 0 : i32
      %dma_wait3A_87 = tpu.memref_slice %arg4[%dma_wait3A_86] : memref<320000xi32, #tpu.memory_space<hbm>> -> memref<80xi32, #tpu.memory_space<hbm>>
      %dma_wait3A_88 = arith.constant 0 : i32
      %dma_wait3A_89 = tpu.memref_slice %arg4[%dma_wait3A_88] : memref<320000xi32, #tpu.memory_space<hbm>> -> memref<80xi32, #tpu.memory_space<hbm>>
      tpu.wait_dma2 semaphore(%arg18 : memref<!tpu.dma_semaphore, #tpu.memory_space<semaphore_mem>>) src(%dma_wait3A_89 : memref<80xi32, #tpu.memory_space<hbm>>) dst(%arg8 : memref<80xi32, #tpu.memory_space<vmem>>)
      "tpu.region"() ({
        %run_scoped3A = tpu.sem_alloc : memref<!tpu.dma_semaphore, #tpu.memory_space<semaphore_mem>>
        %dma_start3A_148 = arith.constant 0 : i32
        %dma_start3A_149 = arith.constant 0 : i32
        %dma_start3A_150 = tpu.memref_slice %arg14[%dma_start3A_148, %dma_start3A_149] : memref<10000x128xf32, #tpu.memory_space<vmem_shared>> -> memref<10000x128xf32, #tpu.memory_space<vmem_shared>>
        tpu.enqueue_indirect_dma source(%arg11 : memref<80x128xf32, #tpu.memory_space<vmem>>) target(%dma_start3A_150 : memref<10000x128xf32, #tpu.memory_space<vmem_shared>>) offsets(%arg8 : memref<80xi32, #tpu.memory_space<vmem>>) semaphore(%run_scoped3A : memref<!tpu.dma_semaphore, #tpu.memory_space<semaphore_mem>>) {add = true}
        %dma_wait3A_151 = arith.constant 0 : i32
        %dma_wait3A_152 = arith.constant 0 : i32
        %dma_wait3A_153 = tpu.memref_slice %arg14[%dma_wait3A_151, %dma_wait3A_152] : memref<10000x128xf32, #tpu.memory_space<vmem_shared>> -> memref<10000x128xf32, #tpu.memory_space<vmem_shared>>
        tpu.wait_indirect_dma semaphore(%run_scoped3A : memref<!tpu.dma_semaphore, #tpu.memory_space<semaphore_mem>>) src(%arg11 : memref<80x128xf32, #tpu.memory_space<vmem>>) dst(%dma_wait3A_153 : memref<10000x128xf32, #tpu.memory_space<vmem_shared>>)
        tpu.yield
      }) : () -> ()
      %mul3A_90 = arith.constant 3 : i32
      %mul3A_91 = arith.muli %mul3A_90, %scan3A_61 : i32
      %add3A_92 = arith.constant 1 : i32
      %add3A_93 = arith.addi %mul3A_91, %add3A_92 : i32
      %add3A_94 = arith.constant 3 : i32
      %add3A_95 = arith.addi %add3A_93, %add3A_94 : i32
      %sub3A_96 = arith.constant 1 : i32
      %sub3A_97 = arith.subi %add3A_95, %sub3A_96 : i32
      %mul3A_98 = arith.constant 80 : i32
      %mul3A_99 = arith.muli %sub3A_97, %mul3A_98 : i32
      %add3A_100 = arith.addi %mul3A_2, %mul3A_99 : i32
      %dma_start3A_101 = tpu.memref_slice %arg4[%add3A_100] : memref<320000xi32, #tpu.memory_space<hbm>> -> memref<80xi32, #tpu.memory_space<hbm>>
      %dma_start3A_102 = tpu.memref_slice %arg4[%add3A_100] : memref<320000xi32, #tpu.memory_space<hbm>> -> memref<80xi32, #tpu.memory_space<hbm>>
      tpu.enqueue_dma source(%dma_start3A_102 : memref<80xi32, #tpu.memory_space<hbm>>) target(%arg8 : memref<80xi32, #tpu.memory_space<vmem>>) target_semaphore(%arg18 : memref<!tpu.dma_semaphore, #tpu.memory_space<semaphore_mem>>)
      %mul3A_103 = arith.constant 80 : i32
      %mul3A_104 = arith.muli %sub3A_97, %mul3A_103 : i32
      %dma_start3A_105 = tpu.memref_slice %arg21[%mul3A_104] : memref<10000xi32, #tpu.memory_space<vmem>> -> memref<80xi32, #tpu.memory_space<vmem>>
      %dma_start3A_106 = arith.constant 0 : i32
      %dma_start3A_107 = arith.constant 0 : i32
      %dma_start3A_108 = tpu.memref_slice %arg2[%dma_start3A_106, %dma_start3A_107] : memref<10000x128xf32, #tpu.memory_space<hbm>> -> memref<10000x128xf32, #tpu.memory_space<hbm>>
      tpu.enqueue_indirect_dma source(%dma_start3A_108 : memref<10000x128xf32, #tpu.memory_space<hbm>>) target(%arg11 : memref<80x128xf32, #tpu.memory_space<vmem>>) offsets(%dma_start3A_105 : memref<80xi32, #tpu.memory_space<vmem>>) semaphore(%arg15 : memref<!tpu.dma_semaphore, #tpu.memory_space<semaphore_mem>>)
      %dma_wait3A_109 = arith.constant 0 : i32
      %dma_wait3A_110 = arith.constant 0 : i32
      %dma_wait3A_111 = tpu.memref_slice %arg2[%dma_wait3A_109, %dma_wait3A_110] : memref<10000x128xf32, #tpu.memory_space<hbm>> -> memref<80x128xf32, #tpu.memory_space<hbm>>
      %dma_wait3A_112 = arith.constant 0 : i32
      %dma_wait3A_113 = arith.constant 0 : i32
      %dma_wait3A_114 = tpu.memref_slice %arg2[%dma_wait3A_112, %dma_wait3A_113] : memref<10000x128xf32, #tpu.memory_space<hbm>> -> memref<80x128xf32, #tpu.memory_space<hbm>>
      tpu.wait_dma2 semaphore(%arg16 : memref<!tpu.dma_semaphore, #tpu.memory_space<semaphore_mem>>) src(%dma_wait3A_114 : memref<80x128xf32, #tpu.memory_space<hbm>>) dst(%arg12 : memref<80x128xf32, #tpu.memory_space<vmem>>)
      %dma_wait3A_115 = arith.constant 0 : i32
      %dma_wait3A_116 = tpu.memref_slice %arg4[%dma_wait3A_115] : memref<320000xi32, #tpu.memory_space<hbm>> -> memref<80xi32, #tpu.memory_space<hbm>>
      %dma_wait3A_117 = arith.constant 0 : i32
      %dma_wait3A_118 = tpu.memref_slice %arg4[%dma_wait3A_117] : memref<320000xi32, #tpu.memory_space<hbm>> -> memref<80xi32, #tpu.memory_space<hbm>>
      tpu.wait_dma2 semaphore(%arg19 : memref<!tpu.dma_semaphore, #tpu.memory_space<semaphore_mem>>) src(%dma_wait3A_118 : memref<80xi32, #tpu.memory_space<hbm>>) dst(%arg9 : memref<80xi32, #tpu.memory_space<vmem>>)
      "tpu.region"() ({
        %run_scoped3A = tpu.sem_alloc : memref<!tpu.dma_semaphore, #tpu.memory_space<semaphore_mem>>
        %dma_start3A_148 = arith.constant 0 : i32
        %dma_start3A_149 = arith.constant 0 : i32
        %dma_start3A_150 = tpu.memref_slice %arg14[%dma_start3A_148, %dma_start3A_149] : memref<10000x128xf32, #tpu.memory_space<vmem_shared>> -> memref<10000x128xf32, #tpu.memory_space<vmem_shared>>
        tpu.enqueue_indirect_dma source(%arg12 : memref<80x128xf32, #tpu.memory_space<vmem>>) target(%dma_start3A_150 : memref<10000x128xf32, #tpu.memory_space<vmem_shared>>) offsets(%arg9 : memref<80xi32, #tpu.memory_space<vmem>>) semaphore(%run_scoped3A : memref<!tpu.dma_semaphore, #tpu.memory_space<semaphore_mem>>) {add = true}
        %dma_wait3A_151 = arith.constant 0 : i32
        %dma_wait3A_152 = arith.constant 0 : i32
        %dma_wait3A_153 = tpu.memref_slice %arg14[%dma_wait3A_151, %dma_wait3A_152] : memref<10000x128xf32, #tpu.memory_space<vmem_shared>> -> memref<10000x128xf32, #tpu.memory_space<vmem_shared>>
        tpu.wait_indirect_dma semaphore(%run_scoped3A : memref<!tpu.dma_semaphore, #tpu.memory_space<semaphore_mem>>) src(%arg12 : memref<80x128xf32, #tpu.memory_space<vmem>>) dst(%dma_wait3A_153 : memref<10000x128xf32, #tpu.memory_space<vmem_shared>>)
        tpu.yield
      }) : () -> ()
      %mul3A_119 = arith.constant 3 : i32
      %mul3A_120 = arith.muli %mul3A_119, %scan3A_61 : i32
      %add3A_121 = arith.constant 2 : i32
      %add3A_122 = arith.addi %mul3A_120, %add3A_121 : i32
      %add3A_123 = arith.constant 3 : i32
      %add3A_124 = arith.addi %add3A_122, %add3A_123 : i32
      %sub3A_125 = arith.constant 1 : i32
      %sub3A_126 = arith.subi %add3A_124, %sub3A_125 : i32
      %mul3A_127 = arith.constant 80 : i32
      %mul3A_128 = arith.muli %sub3A_126, %mul3A_127 : i32
      %add3A_129 = arith.addi %mul3A_2, %mul3A_128 : i32
      %dma_start3A_130 = tpu.memref_slice %arg4[%add3A_129] : memref<320000xi32, #tpu.memory_space<hbm>> -> memref<80xi32, #tpu.memory_space<hbm>>
      %dma_start3A_131 = tpu.memref_slice %arg4[%add3A_129] : memref<320000xi32, #tpu.memory_space<hbm>> -> memref<80xi32, #tpu.memory_space<hbm>>
      tpu.enqueue_dma source(%dma_start3A_131 : memref<80xi32, #tpu.memory_space<hbm>>) target(%arg9 : memref<80xi32, #tpu.memory_space<vmem>>) target_semaphore(%arg19 : memref<!tpu.dma_semaphore, #tpu.memory_space<semaphore_mem>>)
      %mul3A_132 = arith.constant 80 : i32
      %mul3A_133 = arith.muli %sub3A_126, %mul3A_132 : i32
      %dma_start3A_134 = tpu.memref_slice %arg21[%mul3A_133] : memref<10000xi32, #tpu.memory_space<vmem>> -> memref<80xi32, #tpu.memory_space<vmem>>
      %dma_start3A_135 = arith.constant 0 : i32
      %dma_start3A_136 = arith.constant 0 : i32
      %dma_start3A_137 = tpu.memref_slice %arg2[%dma_start3A_135, %dma_start3A_136] : memref<10000x128xf32, #tpu.memory_space<hbm>> -> memref<10000x128xf32, #tpu.memory_space<hbm>>
      tpu.enqueue_indirect_dma source(%dma_start3A_137 : memref<10000x128xf32, #tpu.memory_space<hbm>>) target(%arg12 : memref<80x128xf32, #tpu.memory_space<vmem>>) offsets(%dma_start3A_134 : memref<80xi32, #tpu.memory_space<vmem>>) semaphore(%arg16 : memref<!tpu.dma_semaphore, #tpu.memory_space<semaphore_mem>>)
      %dma_wait3A_138 = arith.constant 0 : i32
      %dma_wait3A_139 = arith.constant 0 : i32
      %dma_wait3A_140 = tpu.memref_slice %arg2[%dma_wait3A_138, %dma_wait3A_139] : memref<10000x128xf32, #tpu.memory_space<hbm>> -> memref<80x128xf32, #tpu.memory_space<hbm>>
      %dma_wait3A_141 = arith.constant 0 : i32
      %dma_wait3A_142 = arith.constant 0 : i32
      %dma_wait3A_143 = tpu.memref_slice %arg2[%dma_wait3A_141, %dma_wait3A_142] : memref<10000x128xf32, #tpu.memory_space<hbm>> -> memref<80x128xf32, #tpu.memory_space<hbm>>
      tpu.wait_dma2 semaphore(%arg17 : memref<!tpu.dma_semaphore, #tpu.memory_space<semaphore_mem>>) src(%dma_wait3A_143 : memref<80x128xf32, #tpu.memory_space<hbm>>) dst(%arg13 : memref<80x128xf32, #tpu.memory_space<vmem>>)
      %dma_wait3A_144 = arith.constant 0 : i32
      %dma_wait3A_145 = tpu.memref_slice %arg4[%dma_wait3A_144] : memref<320000xi32, #tpu.memory_space<hbm>> -> memref<80xi32, #tpu.memory_space<hbm>>
      %dma_wait3A_146 = arith.constant 0 : i32
      %dma_wait3A_147 = tpu.memref_slice %arg4[%dma_wait3A_146] : memref<320000xi32, #tpu.memory_space<hbm>> -> memref<80xi32, #tpu.memory_space<hbm>>
      tpu.wait_dma2 semaphore(%arg20 : memref<!tpu.dma_semaphore, #tpu.memory_space<semaphore_mem>>) src(%dma_wait3A_147 : memref<80xi32, #tpu.memory_space<hbm>>) dst(%arg10 : memref<80xi32, #tpu.memory_space<vmem>>)
      "tpu.region"() ({
        %run_scoped3A = tpu.sem_alloc : memref<!tpu.dma_semaphore, #tpu.memory_space<semaphore_mem>>
        %dma_start3A_148 = arith.constant 0 : i32
        %dma_start3A_149 = arith.constant 0 : i32
        %dma_start3A_150 = tpu.memref_slice %arg14[%dma_start3A_148, %dma_start3A_149] : memref<10000x128xf32, #tpu.memory_space<vmem_shared>> -> memref<10000x128xf32, #tpu.memory_space<vmem_shared>>
        tpu.enqueue_indirect_dma source(%arg13 : memref<80x128xf32, #tpu.memory_space<vmem>>) target(%dma_start3A_150 : memref<10000x128xf32, #tpu.memory_space<vmem_shared>>) offsets(%arg10 : memref<80xi32, #tpu.memory_space<vmem>>) semaphore(%run_scoped3A : memref<!tpu.dma_semaphore, #tpu.memory_space<semaphore_mem>>) {add = true}
        %dma_wait3A_151 = arith.constant 0 : i32
        %dma_wait3A_152 = arith.constant 0 : i32
        %dma_wait3A_153 = tpu.memref_slice %arg14[%dma_wait3A_151, %dma_wait3A_152] : memref<10000x128xf32, #tpu.memory_space<vmem_shared>> -> memref<10000x128xf32, #tpu.memory_space<vmem_shared>>
        tpu.wait_indirect_dma semaphore(%run_scoped3A : memref<!tpu.dma_semaphore, #tpu.memory_space<semaphore_mem>>) src(%arg13 : memref<80x128xf32, #tpu.memory_space<vmem>>) dst(%dma_wait3A_153 : memref<10000x128xf32, #tpu.memory_space<vmem_shared>>)
        tpu.yield
      }) : () -> ()
    }
    %scan3A_30 = arith.constant 41 : i32
    %dma_wait3A = arith.constant 0 : i32
    %dma_wait3A_31 = arith.constant 0 : i32
    %dma_wait3A_32 = tpu.memref_slice %arg2[%dma_wait3A, %dma_wait3A_31] : memref<10000x128xf32, #tpu.memory_space<hbm>> -> memref<80x128xf32, #tpu.memory_space<hbm>>
    %dma_wait3A_33 = arith.constant 0 : i32
    %dma_wait3A_34 = arith.constant 0 : i32
    %dma_wait3A_35 = tpu.memref_slice %arg2[%dma_wait3A_33, %dma_wait3A_34] : memref<10000x128xf32, #tpu.memory_space<hbm>> -> memref<80x128xf32, #tpu.memory_space<hbm>>
    tpu.wait_dma2 semaphore(%arg15 : memref<!tpu.dma_semaphore, #tpu.memory_space<semaphore_mem>>) src(%dma_wait3A_35 : memref<80x128xf32, #tpu.memory_space<hbm>>) dst(%arg11 : memref<80x128xf32, #tpu.memory_space<vmem>>)
    %dma_wait3A_36 = arith.constant 0 : i32
    %dma_wait3A_37 = tpu.memref_slice %arg4[%dma_wait3A_36] : memref<320000xi32, #tpu.memory_space<hbm>> -> memref<80xi32, #tpu.memory_space<hbm>>
    %dma_wait3A_38 = arith.constant 0 : i32
    %dma_wait3A_39 = tpu.memref_slice %arg4[%dma_wait3A_38] : memref<320000xi32, #tpu.memory_space<hbm>> -> memref<80xi32, #tpu.memory_space<hbm>>
    tpu.wait_dma2 semaphore(%arg18 : memref<!tpu.dma_semaphore, #tpu.memory_space<semaphore_mem>>) src(%dma_wait3A_39 : memref<80xi32, #tpu.memory_space<hbm>>) dst(%arg8 : memref<80xi32, #tpu.memory_space<vmem>>)
    "tpu.region"() ({
      %run_scoped3A = tpu.sem_alloc : memref<!tpu.dma_semaphore, #tpu.memory_space<semaphore_mem>>
      %dma_start3A_61 = arith.constant 0 : i32
      %dma_start3A_62 = arith.constant 0 : i32
      %dma_start3A_63 = tpu.memref_slice %arg14[%dma_start3A_61, %dma_start3A_62] : memref<10000x128xf32, #tpu.memory_space<vmem_shared>> -> memref<10000x128xf32, #tpu.memory_space<vmem_shared>>
      tpu.enqueue_indirect_dma source(%arg11 : memref<80x128xf32, #tpu.memory_space<vmem>>) target(%dma_start3A_63 : memref<10000x128xf32, #tpu.memory_space<vmem_shared>>) offsets(%arg8 : memref<80xi32, #tpu.memory_space<vmem>>) semaphore(%run_scoped3A : memref<!tpu.dma_semaphore, #tpu.memory_space<semaphore_mem>>) {add = true}
      %dma_wait3A_64 = arith.constant 0 : i32
      %dma_wait3A_65 = arith.constant 0 : i32
      %dma_wait3A_66 = tpu.memref_slice %arg14[%dma_wait3A_64, %dma_wait3A_65] : memref<10000x128xf32, #tpu.memory_space<vmem_shared>> -> memref<10000x128xf32, #tpu.memory_space<vmem_shared>>
      tpu.wait_indirect_dma semaphore(%run_scoped3A : memref<!tpu.dma_semaphore, #tpu.memory_space<semaphore_mem>>) src(%arg11 : memref<80x128xf32, #tpu.memory_space<vmem>>) dst(%dma_wait3A_66 : memref<10000x128xf32, #tpu.memory_space<vmem_shared>>)
      tpu.yield
    }) : () -> ()
    %dma_wait3A_40 = arith.constant 0 : i32
    %dma_wait3A_41 = arith.constant 0 : i32
    %dma_wait3A_42 = tpu.memref_slice %arg2[%dma_wait3A_40, %dma_wait3A_41] : memref<10000x128xf32, #tpu.memory_space<hbm>> -> memref<80x128xf32, #tpu.memory_space<hbm>>
    %dma_wait3A_43 = arith.constant 0 : i32
    %dma_wait3A_44 = arith.constant 0 : i32
    %dma_wait3A_45 = tpu.memref_slice %arg2[%dma_wait3A_43, %dma_wait3A_44] : memref<10000x128xf32, #tpu.memory_space<hbm>> -> memref<80x128xf32, #tpu.memory_space<hbm>>
    tpu.wait_dma2 semaphore(%arg16 : memref<!tpu.dma_semaphore, #tpu.memory_space<semaphore_mem>>) src(%dma_wait3A_45 : memref<80x128xf32, #tpu.memory_space<hbm>>) dst(%arg12 : memref<80x128xf32, #tpu.memory_space<vmem>>)
    %dma_wait3A_46 = arith.constant 0 : i32
    %dma_wait3A_47 = tpu.memref_slice %arg4[%dma_wait3A_46] : memref<320000xi32, #tpu.memory_space<hbm>> -> memref<80xi32, #tpu.memory_space<hbm>>
    %dma_wait3A_48 = arith.constant 0 : i32
    %dma_wait3A_49 = tpu.memref_slice %arg4[%dma_wait3A_48] : memref<320000xi32, #tpu.memory_space<hbm>> -> memref<80xi32, #tpu.memory_space<hbm>>
    tpu.wait_dma2 semaphore(%arg19 : memref<!tpu.dma_semaphore, #tpu.memory_space<semaphore_mem>>) src(%dma_wait3A_49 : memref<80xi32, #tpu.memory_space<hbm>>) dst(%arg9 : memref<80xi32, #tpu.memory_space<vmem>>)
    "tpu.region"() ({
      %run_scoped3A = tpu.sem_alloc : memref<!tpu.dma_semaphore, #tpu.memory_space<semaphore_mem>>
      %dma_start3A_61 = arith.constant 0 : i32
      %dma_start3A_62 = arith.constant 0 : i32
      %dma_start3A_63 = tpu.memref_slice %arg14[%dma_start3A_61, %dma_start3A_62] : memref<10000x128xf32, #tpu.memory_space<vmem_shared>> -> memref<10000x128xf32, #tpu.memory_space<vmem_shared>>
      tpu.enqueue_indirect_dma source(%arg12 : memref<80x128xf32, #tpu.memory_space<vmem>>) target(%dma_start3A_63 : memref<10000x128xf32, #tpu.memory_space<vmem_shared>>) offsets(%arg9 : memref<80xi32, #tpu.memory_space<vmem>>) semaphore(%run_scoped3A : memref<!tpu.dma_semaphore, #tpu.memory_space<semaphore_mem>>) {add = true}
      %dma_wait3A_64 = arith.constant 0 : i32
      %dma_wait3A_65 = arith.constant 0 : i32
      %dma_wait3A_66 = tpu.memref_slice %arg14[%dma_wait3A_64, %dma_wait3A_65] : memref<10000x128xf32, #tpu.memory_space<vmem_shared>> -> memref<10000x128xf32, #tpu.memory_space<vmem_shared>>
      tpu.wait_indirect_dma semaphore(%run_scoped3A : memref<!tpu.dma_semaphore, #tpu.memory_space<semaphore_mem>>) src(%arg12 : memref<80x128xf32, #tpu.memory_space<vmem>>) dst(%dma_wait3A_66 : memref<10000x128xf32, #tpu.memory_space<vmem_shared>>)
      tpu.yield
    }) : () -> ()
    %barrier3A_50 = arith.constant 0 : index
    tpu.barrier barrier_id(%barrier3A_50)
    %lt3A_51 = arith.constant 15 : i32
    %lt3A_52 = arith.cmpi slt, %arg1, %lt3A_51 : i32
    %convert_element_type3A_53 = arith.extui %lt3A_52 : i1 to i32
    %cond3A_54 = arith.constant 0 : i32
    %cond3A_55 = arith.cmpi ne, %convert_element_type3A_53, %cond3A_54 : i32
    scf.if %cond3A_55 {
      %mul3A_61 = arith.constant 640 : i32
      %mul3A_62 = arith.muli %arg1, %mul3A_61 : i32
      "tpu.region"() ({
        %run_scoped3A = tpu.sem_alloc : memref<!tpu.dma_semaphore, #tpu.memory_space<semaphore_mem>>
        %dma_start3A_63 = arith.constant 0 : i32
        %dma_start3A_64 = tpu.memref_slice %arg7[%arg0, %mul3A_62, %dma_start3A_63] : memref<2x10000x128xf32, #tpu.memory_space<hbm>> -> memref<1x640x128xf32, #tpu.memory_space<hbm>>
        %dma_start3A_65 = tpu.memref_squeeze %dma_start3A_64 : memref<1x640x128xf32, #tpu.memory_space<hbm>> -> memref<640x128xf32, #tpu.memory_space<hbm>>
        %dma_start3A_66 = arith.constant 0 : i32
        %dma_start3A_67 = tpu.memref_slice %arg14[%mul3A_62, %dma_start3A_66] : memref<10000x128xf32, #tpu.memory_space<vmem_shared>> -> memref<640x128xf32, #tpu.memory_space<vmem_shared>>
        tpu.enqueue_dma source(%dma_start3A_67 : memref<640x128xf32, #tpu.memory_space<vmem_shared>>) target(%dma_start3A_65 : memref<640x128xf32, #tpu.memory_space<hbm>>) target_semaphore(%run_scoped3A : memref<!tpu.dma_semaphore, #tpu.memory_space<semaphore_mem>>)
        %dma_wait3A_68 = arith.constant 0 : i32
        %dma_wait3A_69 = tpu.memref_slice %arg7[%arg0, %mul3A_62, %dma_wait3A_68] : memref<2x10000x128xf32, #tpu.memory_space<hbm>> -> memref<1x640x128xf32, #tpu.memory_space<hbm>>
        %dma_wait3A_70 = tpu.memref_squeeze %dma_wait3A_69 : memref<1x640x128xf32, #tpu.memory_space<hbm>> -> memref<640x128xf32, #tpu.memory_space<hbm>>
        %dma_wait3A_71 = arith.constant 0 : i32
        %dma_wait3A_72 = tpu.memref_slice %arg14[%mul3A_62, %dma_wait3A_71] : memref<10000x128xf32, #tpu.memory_space<vmem_shared>> -> memref<640x128xf32, #tpu.memory_space<vmem_shared>>
        tpu.wait_dma2 semaphore(%run_scoped3A : memref<!tpu.dma_semaphore, #tpu.memory_space<semaphore_mem>>) src(%dma_wait3A_72 : memref<640x128xf32, #tpu.memory_space<vmem_shared>>) dst(%dma_wait3A_70 : memref<640x128xf32, #tpu.memory_space<hbm>>)
        tpu.yield
      }) : () -> ()
    } else {
    }
    %eq3A_56 = arith.constant 15 : i32
    %eq3A_57 = arith.cmpi eq, %arg1, %eq3A_56 : i32
    %convert_element_type3A_58 = arith.extui %eq3A_57 : i1 to i32
    %cond3A_59 = arith.constant 0 : i32
    %cond3A_60 = arith.cmpi ne, %convert_element_type3A_58, %cond3A_59 : i32
    scf.if %cond3A_60 {
      "tpu.region"() ({
        %run_scoped3A = tpu.sem_alloc : memref<!tpu.dma_semaphore, #tpu.memory_space<semaphore_mem>>
        %dma_start3A_61 = arith.constant 9600 : i32
        %dma_start3A_62 = arith.constant 0 : i32
        %dma_start3A_63 = tpu.memref_slice %arg7[%arg0, %dma_start3A_61, %dma_start3A_62] : memref<2x10000x128xf32, #tpu.memory_space<hbm>> -> memref<1x400x128xf32, #tpu.memory_space<hbm>>
        %dma_start3A_64 = tpu.memref_squeeze %dma_start3A_63 : memref<1x400x128xf32, #tpu.memory_space<hbm>> -> memref<400x128xf32, #tpu.memory_space<hbm>>
        %dma_start3A_65 = arith.constant 9600 : i32
        %dma_start3A_66 = arith.constant 0 : i32
        %dma_start3A_67 = tpu.memref_slice %arg14[%dma_start3A_65, %dma_start3A_66] : memref<10000x128xf32, #tpu.memory_space<vmem_shared>> -> memref<400x128xf32, #tpu.memory_space<vmem_shared>>
        tpu.enqueue_dma source(%dma_start3A_67 : memref<400x128xf32, #tpu.memory_space<vmem_shared>>) target(%dma_start3A_64 : memref<400x128xf32, #tpu.memory_space<hbm>>) target_semaphore(%run_scoped3A : memref<!tpu.dma_semaphore, #tpu.memory_space<semaphore_mem>>)
        %dma_wait3A_68 = arith.constant 9600 : i32
        %dma_wait3A_69 = arith.constant 0 : i32
        %dma_wait3A_70 = tpu.memref_slice %arg7[%arg0, %dma_wait3A_68, %dma_wait3A_69] : memref<2x10000x128xf32, #tpu.memory_space<hbm>> -> memref<1x400x128xf32, #tpu.memory_space<hbm>>
        %dma_wait3A_71 = tpu.memref_squeeze %dma_wait3A_70 : memref<1x400x128xf32, #tpu.memory_space<hbm>> -> memref<400x128xf32, #tpu.memory_space<hbm>>
        %dma_wait3A_72 = arith.constant 9600 : i32
        %dma_wait3A_73 = arith.constant 0 : i32
        %dma_wait3A_74 = tpu.memref_slice %arg14[%dma_wait3A_72, %dma_wait3A_73] : memref<10000x128xf32, #tpu.memory_space<vmem_shared>> -> memref<400x128xf32, #tpu.memory_space<vmem_shared>>
        tpu.wait_dma2 semaphore(%run_scoped3A : memref<!tpu.dma_semaphore, #tpu.memory_space<semaphore_mem>>) src(%dma_wait3A_74 : memref<400x128xf32, #tpu.memory_space<vmem_shared>>) dst(%dma_wait3A_71 : memref<400x128xf32, #tpu.memory_space<hbm>>)
        tpu.yield
      }) : () -> ()
    } else {
    }
    return
  }
}

#map = affine_map<(d0, d1) -> (0, 0)>
#map1 = affine_map<(d0, d1) -> (0)>
#map2 = affine_map<(d0, d1) -> (0, 0, 0)>
module attributes {stable_mosaic.version = 14 : i64} {
  func.func @seg(%arg0: i32, %arg1: i32, %arg2: memref<10000x128xf32, #tpu.memory_space<hbm>>, %arg3: memref<320000xi32, #tpu.memory_space<hbm>>, %arg4: memref<320000xi32, #tpu.memory_space<hbm>>, %arg5: memref<128xf32, #tpu.memory_space<hbm>>, %arg6: memref<640x128xf32, #tpu.memory_space<hbm>>, %arg7: memref<2x10000x128xf32, #tpu.memory_space<hbm>>, %arg8: memref<80xi32, #tpu.memory_space<vmem>>, %arg9: memref<80xi32, #tpu.memory_space<vmem>>, %arg10: memref<80xi32, #tpu.memory_space<vmem>>, %arg11: memref<80x128xf32, #tpu.memory_space<vmem>>, %arg12: memref<80x128xf32, #tpu.memory_space<vmem>>, %arg13: memref<80x128xf32, #tpu.memory_space<vmem>>, %arg14: memref<10000x128xf32, #tpu.memory_space<vmem_shared>>, %arg15: memref<!tpu.dma_semaphore, #tpu.memory_space<semaphore_mem>>, %arg16: memref<!tpu.dma_semaphore, #tpu.memory_space<semaphore_mem>>, %arg17: memref<!tpu.dma_semaphore, #tpu.memory_space<semaphore_mem>>, %arg18: memref<!tpu.dma_semaphore, #tpu.memory_space<semaphore_mem>>, %arg19: memref<!tpu.dma_semaphore, #tpu.memory_space<semaphore_mem>>, %arg20: memref<!tpu.dma_semaphore, #tpu.memory_space<semaphore_mem>>, %arg21: memref<10000xi32, #tpu.memory_space<vmem>>) attributes {dimension_semantics = [#tpu.dimension_semantics<core_parallel>, #tpu.dimension_semantics<subcore_parallel>], iteration_bounds = array<i64: 2, 16>, scalar_prefetch = 0 : i64, scratch_operands = 14 : i64, tpu.core_type = #tpu.core_type<sc_vector_subcore>, window_params = [{transform_indices = #map}, {transform_indices = #map1}, {transform_indices = #map1}, {transform_indices = #map1}, {transform_indices = #map}, {transform_indices = #map2}]} {
    %mul3A = arith.constant 2 : i32
    %mul3A_0 = arith.muli %arg1, %mul3A : i32
    %add3A = arith.addi %mul3A_0, %arg0 : i32
    %mul3A_1 = arith.constant 10000 : i32
    %mul3A_2 = arith.muli %add3A, %mul3A_1 : i32
    %lt3A = arith.constant 15 : i32
    %lt3A_3 = arith.cmpi slt, %arg1, %lt3A : i32
    %convert_element_type3A = arith.extui %lt3A_3 : i1 to i32
    %cond3A = arith.constant 0 : i32
    %cond3A_4 = arith.cmpi ne, %convert_element_type3A, %cond3A : i32
    scf.if %cond3A_4 {
      %mul3A_61 = arith.constant 640 : i32
      %mul3A_62 = arith.muli %arg1, %mul3A_61 : i32
      "tpu.region"() ({
        %run_scoped3A = tpu.sem_alloc : memref<!tpu.dma_semaphore, #tpu.memory_space<semaphore_mem>>
        %dma_start3A_63 = arith.constant 0 : i32
        %dma_start3A_64 = tpu.memref_slice %arg14[%mul3A_62, %dma_start3A_63] : memref<10000x128xf32, #tpu.memory_space<vmem_shared>> -> memref<640x128xf32, #tpu.memory_space<vmem_shared>>
        %dma_start3A_65 = arith.constant 0 : i32
        %dma_start3A_66 = arith.constant 0 : i32
        %dma_start3A_67 = tpu.memref_slice %arg6[%dma_start3A_65, %dma_start3A_66] : memref<640x128xf32, #tpu.memory_space<hbm>> -> memref<640x128xf32, #tpu.memory_space<hbm>>
        tpu.enqueue_dma source(%dma_start3A_67 : memref<640x128xf32, #tpu.memory_space<hbm>>) target(%dma_start3A_64 : memref<640x128xf32, #tpu.memory_space<vmem_shared>>) target_semaphore(%run_scoped3A : memref<!tpu.dma_semaphore, #tpu.memory_space<semaphore_mem>>)
        %dma_wait3A_68 = arith.constant 0 : i32
        %dma_wait3A_69 = tpu.memref_slice %arg14[%mul3A_62, %dma_wait3A_68] : memref<10000x128xf32, #tpu.memory_space<vmem_shared>> -> memref<640x128xf32, #tpu.memory_space<vmem_shared>>
        %dma_wait3A_70 = arith.constant 0 : i32
        %dma_wait3A_71 = arith.constant 0 : i32
        %dma_wait3A_72 = tpu.memref_slice %arg6[%dma_wait3A_70, %dma_wait3A_71] : memref<640x128xf32, #tpu.memory_space<hbm>> -> memref<640x128xf32, #tpu.memory_space<hbm>>
        tpu.wait_dma2 semaphore(%run_scoped3A : memref<!tpu.dma_semaphore, #tpu.memory_space<semaphore_mem>>) src(%dma_wait3A_72 : memref<640x128xf32, #tpu.memory_space<hbm>>) dst(%dma_wait3A_69 : memref<640x128xf32, #tpu.memory_space<vmem_shared>>)
        tpu.yield
      }) : () -> ()
    } else {
    }
    %eq3A = arith.constant 15 : i32
    %eq3A_5 = arith.cmpi eq, %arg1, %eq3A : i32
    %convert_element_type3A_6 = arith.extui %eq3A_5 : i1 to i32
    %cond3A_7 = arith.constant 0 : i32
    %cond3A_8 = arith.cmpi ne, %convert_element_type3A_6, %cond3A_7 : i32
    scf.if %cond3A_8 {
      "tpu.region"() ({
        %run_scoped3A = tpu.sem_alloc : memref<!tpu.dma_semaphore, #tpu.memory_space<semaphore_mem>>
        %dma_start3A_61 = arith.constant 9600 : i32
        %dma_start3A_62 = arith.constant 0 : i32
        %dma_start3A_63 = tpu.memref_slice %arg14[%dma_start3A_61, %dma_start3A_62] : memref<10000x128xf32, #tpu.memory_space<vmem_shared>> -> memref<400x128xf32, #tpu.memory_space<vmem_shared>>
        %dma_start3A_64 = arith.constant 0 : i32
        %dma_start3A_65 = arith.constant 0 : i32
        %dma_start3A_66 = tpu.memref_slice %arg6[%dma_start3A_64, %dma_start3A_65] : memref<640x128xf32, #tpu.memory_space<hbm>> -> memref<400x128xf32, #tpu.memory_space<hbm>>
        tpu.enqueue_dma source(%dma_start3A_66 : memref<400x128xf32, #tpu.memory_space<hbm>>) target(%dma_start3A_63 : memref<400x128xf32, #tpu.memory_space<vmem_shared>>) target_semaphore(%run_scoped3A : memref<!tpu.dma_semaphore, #tpu.memory_space<semaphore_mem>>)
        %dma_wait3A_67 = arith.constant 9600 : i32
        %dma_wait3A_68 = arith.constant 0 : i32
        %dma_wait3A_69 = tpu.memref_slice %arg14[%dma_wait3A_67, %dma_wait3A_68] : memref<10000x128xf32, #tpu.memory_space<vmem_shared>> -> memref<400x128xf32, #tpu.memory_space<vmem_shared>>
        %dma_wait3A_70 = arith.constant 0 : i32
        %dma_wait3A_71 = arith.constant 0 : i32
        %dma_wait3A_72 = tpu.memref_slice %arg6[%dma_wait3A_70, %dma_wait3A_71] : memref<640x128xf32, #tpu.memory_space<hbm>> -> memref<400x128xf32, #tpu.memory_space<hbm>>
        tpu.wait_dma2 semaphore(%run_scoped3A : memref<!tpu.dma_semaphore, #tpu.memory_space<semaphore_mem>>) src(%dma_wait3A_72 : memref<400x128xf32, #tpu.memory_space<hbm>>) dst(%dma_wait3A_69 : memref<400x128xf32, #tpu.memory_space<vmem_shared>>)
        tpu.yield
      }) : () -> ()
    } else {
    }
    "tpu.region"() ({
      %run_scoped3A = tpu.sem_alloc : memref<!tpu.dma_semaphore, #tpu.memory_space<semaphore_mem>>
      %dma_start3A_61 = tpu.memref_slice %arg3[%mul3A_2] : memref<320000xi32, #tpu.memory_space<hbm>> -> memref<10000xi32, #tpu.memory_space<hbm>>
      %dma_start3A_62 = tpu.memref_slice %arg3[%mul3A_2] : memref<320000xi32, #tpu.memory_space<hbm>> -> memref<10000xi32, #tpu.memory_space<hbm>>
      tpu.enqueue_dma source(%dma_start3A_62 : memref<10000xi32, #tpu.memory_space<hbm>>) target(%arg21 : memref<10000xi32, #tpu.memory_space<vmem>>) target_semaphore(%run_scoped3A : memref<!tpu.dma_semaphore, #tpu.memory_space<semaphore_mem>>)
      %dma_wait3A_63 = tpu.memref_slice %arg3[%mul3A_2] : memref<320000xi32, #tpu.memory_space<hbm>> -> memref<10000xi32, #tpu.memory_space<hbm>>
      %dma_wait3A_64 = tpu.memref_slice %arg3[%mul3A_2] : memref<320000xi32, #tpu.memory_space<hbm>> -> memref<10000xi32, #tpu.memory_space<hbm>>
      tpu.wait_dma2 semaphore(%run_scoped3A : memref<!tpu.dma_semaphore, #tpu.memory_space<semaphore_mem>>) src(%dma_wait3A_64 : memref<10000xi32, #tpu.memory_space<hbm>>) dst(%arg21 : memref<10000xi32, #tpu.memory_space<vmem>>)
      tpu.yield
    }) : () -> ()
    %barrier3A = arith.constant 0 : index
    tpu.barrier barrier_id(%barrier3A)
    %add3A_9 = arith.constant 0 : i32
    %add3A_10 = arith.addi %mul3A_2, %add3A_9 : i32
    %dma_start3A = tpu.memref_slice %arg4[%add3A_10] : memref<320000xi32, #tpu.memory_space<hbm>> -> memref<80xi32, #tpu.memory_space<hbm>>
    %dma_start3A_11 = tpu.memref_slice %arg4[%add3A_10] : memref<320000xi32, #tpu.memory_space<hbm>> -> memref<80xi32, #tpu.memory_space<hbm>>
    tpu.enqueue_dma source(%dma_start3A_11 : memref<80xi32, #tpu.memory_space<hbm>>) target(%arg8 : memref<80xi32, #tpu.memory_space<vmem>>) target_semaphore(%arg18 : memref<!tpu.dma_semaphore, #tpu.memory_space<semaphore_mem>>)
    %dma_start3A_12 = arith.constant 0 : i32
    %dma_start3A_13 = tpu.memref_slice %arg21[%dma_start3A_12] : memref<10000xi32, #tpu.memory_space<vmem>> -> memref<80xi32, #tpu.memory_space<vmem>>
    %dma_start3A_14 = arith.constant 0 : i32
    %dma_start3A_15 = arith.constant 0 : i32
    %dma_start3A_16 = tpu.memref_slice %arg2[%dma_start3A_14, %dma_start3A_15] : memref<10000x128xf32, #tpu.memory_space<hbm>> -> memref<10000x128xf32, #tpu.memory_space<hbm>>
    tpu.enqueue_indirect_dma source(%dma_start3A_16 : memref<10000x128xf32, #tpu.memory_space<hbm>>) target(%arg11 : memref<80x128xf32, #tpu.memory_space<vmem>>) offsets(%dma_start3A_13 : memref<80xi32, #tpu.memory_space<vmem>>) semaphore(%arg15 : memref<!tpu.dma_semaphore, #tpu.memory_space<semaphore_mem>>)
    %add3A_17 = arith.constant 80 : i32
    %add3A_18 = arith.addi %mul3A_2, %add3A_17 : i32
    %dma_start3A_19 = tpu.memref_slice %arg4[%add3A_18] : memref<320000xi32, #tpu.memory_space<hbm>> -> memref<80xi32, #tpu.memory_space<hbm>>
    %dma_start3A_20 = tpu.memref_slice %arg4[%add3A_18] : memref<320000xi32, #tpu.memory_space<hbm>> -> memref<80xi32, #tpu.memory_space<hbm>>
    tpu.enqueue_dma source(%dma_start3A_20 : memref<80xi32, #tpu.memory_space<hbm>>) target(%arg9 : memref<80xi32, #tpu.memory_space<vmem>>) target_semaphore(%arg19 : memref<!tpu.dma_semaphore, #tpu.memory_space<semaphore_mem>>)
    %dma_start3A_21 = arith.constant 80 : i32
    %dma_start3A_22 = tpu.memref_slice %arg21[%dma_start3A_21] : memref<10000xi32, #tpu.memory_space<vmem>> -> memref<80xi32, #tpu.memory_space<vmem>>
    %dma_start3A_23 = arith.constant 0 : i32
    %dma_start3A_24 = arith.constant 0 : i32
    %dma_start3A_25 = tpu.memref_slice %arg2[%dma_start3A_23, %dma_start3A_24] : memref<10000x128xf32, #tpu.memory_space<hbm>> -> memref<10000x128xf32, #tpu.memory_space<hbm>>
    tpu.enqueue_indirect_dma source(%dma_start3A_25 : memref<10000x128xf32, #tpu.memory_space<hbm>>) target(%arg12 : memref<80x128xf32, #tpu.memory_space<vmem>>) offsets(%dma_start3A_22 : memref<80xi32, #tpu.memory_space<vmem>>) semaphore(%arg16 : memref<!tpu.dma_semaphore, #tpu.memory_space<semaphore_mem>>)
    %scan3A = arith.constant 0 : i32
    %scan3A_26 = arith.constant 0 : i32
    %scan3A_27 = arith.constant 41 : i32
    %scan3A_28 = arith.addi %scan3A_26, %scan3A_27 : i32
    %scan3A_29 = arith.constant 1 : i32
    scf.for %scan3A_61 = %scan3A_26 to %scan3A_28 step %scan3A_29  : i32 {
      %mul3A_62 = arith.constant 3 : i32
      %mul3A_63 = arith.muli %mul3A_62, %scan3A_61 : i32
      %add3A_64 = arith.constant 0 : i32
      %add3A_65 = arith.addi %mul3A_63, %add3A_64 : i32
      %add3A_66 = arith.constant 3 : i32
      %add3A_67 = arith.addi %add3A_65, %add3A_66 : i32
      %sub3A = arith.constant 1 : i32
      %sub3A_68 = arith.subi %add3A_67, %sub3A : i32
      %mul3A_69 = arith.constant 80 : i32
      %mul3A_70 = arith.muli %sub3A_68, %mul3A_69 : i32
      %add3A_71 = arith.addi %mul3A_2, %mul3A_70 : i32
      %dma_start3A_72 = tpu.memref_slice %arg4[%add3A_71] : memref<320000xi32, #tpu.memory_space<hbm>> -> memref<80xi32, #tpu.memory_space<hbm>>
      %dma_start3A_73 = tpu.memref_slice %arg4[%add3A_71] : memref<320000xi32, #tpu.memory_space<hbm>> -> memref<80xi32, #tpu.memory_space<hbm>>
      tpu.enqueue_dma source(%dma_start3A_73 : memref<80xi32, #tpu.memory_space<hbm>>) target(%arg10 : memref<80xi32, #tpu.memory_space<vmem>>) target_semaphore(%arg20 : memref<!tpu.dma_semaphore, #tpu.memory_space<semaphore_mem>>)
      %mul3A_74 = arith.constant 80 : i32
      %mul3A_75 = arith.muli %sub3A_68, %mul3A_74 : i32
      %dma_start3A_76 = tpu.memref_slice %arg21[%mul3A_75] : memref<10000xi32, #tpu.memory_space<vmem>> -> memref<80xi32, #tpu.memory_space<vmem>>
      %dma_start3A_77 = arith.constant 0 : i32
      %dma_start3A_78 = arith.constant 0 : i32
      %dma_start3A_79 = tpu.memref_slice %arg2[%dma_start3A_77, %dma_start3A_78] : memref<10000x128xf32, #tpu.memory_space<hbm>> -> memref<10000x128xf32, #tpu.memory_space<hbm>>
      tpu.enqueue_indirect_dma source(%dma_start3A_79 : memref<10000x128xf32, #tpu.memory_space<hbm>>) target(%arg13 : memref<80x128xf32, #tpu.memory_space<vmem>>) offsets(%dma_start3A_76 : memref<80xi32, #tpu.memory_space<vmem>>) semaphore(%arg17 : memref<!tpu.dma_semaphore, #tpu.memory_space<semaphore_mem>>)
      %dma_wait3A_80 = arith.constant 0 : i32
      %dma_wait3A_81 = arith.constant 0 : i32
      %dma_wait3A_82 = tpu.memref_slice %arg2[%dma_wait3A_80, %dma_wait3A_81] : memref<10000x128xf32, #tpu.memory_space<hbm>> -> memref<80x128xf32, #tpu.memory_space<hbm>>
      %dma_wait3A_83 = arith.constant 0 : i32
      %dma_wait3A_84 = arith.constant 0 : i32
      %dma_wait3A_85 = tpu.memref_slice %arg2[%dma_wait3A_83, %dma_wait3A_84] : memref<10000x128xf32, #tpu.memory_space<hbm>> -> memref<80x128xf32, #tpu.memory_space<hbm>>
      tpu.wait_dma2 semaphore(%arg15 : memref<!tpu.dma_semaphore, #tpu.memory_space<semaphore_mem>>) src(%dma_wait3A_85 : memref<80x128xf32, #tpu.memory_space<hbm>>) dst(%arg11 : memref<80x128xf32, #tpu.memory_space<vmem>>)
      %dma_wait3A_86 = arith.constant 0 : i32
      %dma_wait3A_87 = tpu.memref_slice %arg4[%dma_wait3A_86] : memref<320000xi32, #tpu.memory_space<hbm>> -> memref<80xi32, #tpu.memory_space<hbm>>
      %dma_wait3A_88 = arith.constant 0 : i32
      %dma_wait3A_89 = tpu.memref_slice %arg4[%dma_wait3A_88] : memref<320000xi32, #tpu.memory_space<hbm>> -> memref<80xi32, #tpu.memory_space<hbm>>
      tpu.wait_dma2 semaphore(%arg18 : memref<!tpu.dma_semaphore, #tpu.memory_space<semaphore_mem>>) src(%dma_wait3A_89 : memref<80xi32, #tpu.memory_space<hbm>>) dst(%arg8 : memref<80xi32, #tpu.memory_space<vmem>>)
      "tpu.region"() ({
        %run_scoped3A = tpu.sem_alloc : memref<!tpu.dma_semaphore, #tpu.memory_space<semaphore_mem>>
        %dma_start3A_148 = arith.constant 0 : i32
        %dma_start3A_149 = arith.constant 0 : i32
        %dma_start3A_150 = tpu.memref_slice %arg14[%dma_start3A_148, %dma_start3A_149] : memref<10000x128xf32, #tpu.memory_space<vmem_shared>> -> memref<10000x128xf32, #tpu.memory_space<vmem_shared>>
        tpu.enqueue_indirect_dma source(%arg11 : memref<80x128xf32, #tpu.memory_space<vmem>>) target(%dma_start3A_150 : memref<10000x128xf32, #tpu.memory_space<vmem_shared>>) offsets(%arg8 : memref<80xi32, #tpu.memory_space<vmem>>) semaphore(%run_scoped3A : memref<!tpu.dma_semaphore, #tpu.memory_space<semaphore_mem>>) {add = true}
        %dma_wait3A_151 = arith.constant 0 : i32
        %dma_wait3A_152 = arith.constant 0 : i32
        %dma_wait3A_153 = tpu.memref_slice %arg14[%dma_wait3A_151, %dma_wait3A_152] : memref<10000x128xf32, #tpu.memory_space<vmem_shared>> -> memref<10000x128xf32, #tpu.memory_space<vmem_shared>>
        tpu.wait_indirect_dma semaphore(%run_scoped3A : memref<!tpu.dma_semaphore, #tpu.memory_space<semaphore_mem>>) src(%arg11 : memref<80x128xf32, #tpu.memory_space<vmem>>) dst(%dma_wait3A_153 : memref<10000x128xf32, #tpu.memory_space<vmem_shared>>)
        tpu.yield
      }) : () -> ()
      %mul3A_90 = arith.constant 3 : i32
      %mul3A_91 = arith.muli %mul3A_90, %scan3A_61 : i32
      %add3A_92 = arith.constant 1 : i32
      %add3A_93 = arith.addi %mul3A_91, %add3A_92 : i32
      %add3A_94 = arith.constant 3 : i32
      %add3A_95 = arith.addi %add3A_93, %add3A_94 : i32
      %sub3A_96 = arith.constant 1 : i32
      %sub3A_97 = arith.subi %add3A_95, %sub3A_96 : i32
      %mul3A_98 = arith.constant 80 : i32
      %mul3A_99 = arith.muli %sub3A_97, %mul3A_98 : i32
      %add3A_100 = arith.addi %mul3A_2, %mul3A_99 : i32
      %dma_start3A_101 = tpu.memref_slice %arg4[%add3A_100] : memref<320000xi32, #tpu.memory_space<hbm>> -> memref<80xi32, #tpu.memory_space<hbm>>
      %dma_start3A_102 = tpu.memref_slice %arg4[%add3A_100] : memref<320000xi32, #tpu.memory_space<hbm>> -> memref<80xi32, #tpu.memory_space<hbm>>
      tpu.enqueue_dma source(%dma_start3A_102 : memref<80xi32, #tpu.memory_space<hbm>>) target(%arg8 : memref<80xi32, #tpu.memory_space<vmem>>) target_semaphore(%arg18 : memref<!tpu.dma_semaphore, #tpu.memory_space<semaphore_mem>>)
      %mul3A_103 = arith.constant 80 : i32
      %mul3A_104 = arith.muli %sub3A_97, %mul3A_103 : i32
      %dma_start3A_105 = tpu.memref_slice %arg21[%mul3A_104] : memref<10000xi32, #tpu.memory_space<vmem>> -> memref<80xi32, #tpu.memory_space<vmem>>
      %dma_start3A_106 = arith.constant 0 : i32
      %dma_start3A_107 = arith.constant 0 : i32
      %dma_start3A_108 = tpu.memref_slice %arg2[%dma_start3A_106, %dma_start3A_107] : memref<10000x128xf32, #tpu.memory_space<hbm>> -> memref<10000x128xf32, #tpu.memory_space<hbm>>
      tpu.enqueue_indirect_dma source(%dma_start3A_108 : memref<10000x128xf32, #tpu.memory_space<hbm>>) target(%arg11 : memref<80x128xf32, #tpu.memory_space<vmem>>) offsets(%dma_start3A_105 : memref<80xi32, #tpu.memory_space<vmem>>) semaphore(%arg15 : memref<!tpu.dma_semaphore, #tpu.memory_space<semaphore_mem>>)
      %dma_wait3A_109 = arith.constant 0 : i32
      %dma_wait3A_110 = arith.constant 0 : i32
      %dma_wait3A_111 = tpu.memref_slice %arg2[%dma_wait3A_109, %dma_wait3A_110] : memref<10000x128xf32, #tpu.memory_space<hbm>> -> memref<80x128xf32, #tpu.memory_space<hbm>>
      %dma_wait3A_112 = arith.constant 0 : i32
      %dma_wait3A_113 = arith.constant 0 : i32
      %dma_wait3A_114 = tpu.memref_slice %arg2[%dma_wait3A_112, %dma_wait3A_113] : memref<10000x128xf32, #tpu.memory_space<hbm>> -> memref<80x128xf32, #tpu.memory_space<hbm>>
      tpu.wait_dma2 semaphore(%arg16 : memref<!tpu.dma_semaphore, #tpu.memory_space<semaphore_mem>>) src(%dma_wait3A_114 : memref<80x128xf32, #tpu.memory_space<hbm>>) dst(%arg12 : memref<80x128xf32, #tpu.memory_space<vmem>>)
      %dma_wait3A_115 = arith.constant 0 : i32
      %dma_wait3A_116 = tpu.memref_slice %arg4[%dma_wait3A_115] : memref<320000xi32, #tpu.memory_space<hbm>> -> memref<80xi32, #tpu.memory_space<hbm>>
      %dma_wait3A_117 = arith.constant 0 : i32
      %dma_wait3A_118 = tpu.memref_slice %arg4[%dma_wait3A_117] : memref<320000xi32, #tpu.memory_space<hbm>> -> memref<80xi32, #tpu.memory_space<hbm>>
      tpu.wait_dma2 semaphore(%arg19 : memref<!tpu.dma_semaphore, #tpu.memory_space<semaphore_mem>>) src(%dma_wait3A_118 : memref<80xi32, #tpu.memory_space<hbm>>) dst(%arg9 : memref<80xi32, #tpu.memory_space<vmem>>)
      "tpu.region"() ({
        %run_scoped3A = tpu.sem_alloc : memref<!tpu.dma_semaphore, #tpu.memory_space<semaphore_mem>>
        %dma_start3A_148 = arith.constant 0 : i32
        %dma_start3A_149 = arith.constant 0 : i32
        %dma_start3A_150 = tpu.memref_slice %arg14[%dma_start3A_148, %dma_start3A_149] : memref<10000x128xf32, #tpu.memory_space<vmem_shared>> -> memref<10000x128xf32, #tpu.memory_space<vmem_shared>>
        tpu.enqueue_indirect_dma source(%arg12 : memref<80x128xf32, #tpu.memory_space<vmem>>) target(%dma_start3A_150 : memref<10000x128xf32, #tpu.memory_space<vmem_shared>>) offsets(%arg9 : memref<80xi32, #tpu.memory_space<vmem>>) semaphore(%run_scoped3A : memref<!tpu.dma_semaphore, #tpu.memory_space<semaphore_mem>>) {add = true}
        %dma_wait3A_151 = arith.constant 0 : i32
        %dma_wait3A_152 = arith.constant 0 : i32
        %dma_wait3A_153 = tpu.memref_slice %arg14[%dma_wait3A_151, %dma_wait3A_152] : memref<10000x128xf32, #tpu.memory_space<vmem_shared>> -> memref<10000x128xf32, #tpu.memory_space<vmem_shared>>
        tpu.wait_indirect_dma semaphore(%run_scoped3A : memref<!tpu.dma_semaphore, #tpu.memory_space<semaphore_mem>>) src(%arg12 : memref<80x128xf32, #tpu.memory_space<vmem>>) dst(%dma_wait3A_153 : memref<10000x128xf32, #tpu.memory_space<vmem_shared>>)
        tpu.yield
      }) : () -> ()
      %mul3A_119 = arith.constant 3 : i32
      %mul3A_120 = arith.muli %mul3A_119, %scan3A_61 : i32
      %add3A_121 = arith.constant 2 : i32
      %add3A_122 = arith.addi %mul3A_120, %add3A_121 : i32
      %add3A_123 = arith.constant 3 : i32
      %add3A_124 = arith.addi %add3A_122, %add3A_123 : i32
      %sub3A_125 = arith.constant 1 : i32
      %sub3A_126 = arith.subi %add3A_124, %sub3A_125 : i32
      %mul3A_127 = arith.constant 80 : i32
      %mul3A_128 = arith.muli %sub3A_126, %mul3A_127 : i32
      %add3A_129 = arith.addi %mul3A_2, %mul3A_128 : i32
      %dma_start3A_130 = tpu.memref_slice %arg4[%add3A_129] : memref<320000xi32, #tpu.memory_space<hbm>> -> memref<80xi32, #tpu.memory_space<hbm>>
      %dma_start3A_131 = tpu.memref_slice %arg4[%add3A_129] : memref<320000xi32, #tpu.memory_space<hbm>> -> memref<80xi32, #tpu.memory_space<hbm>>
      tpu.enqueue_dma source(%dma_start3A_131 : memref<80xi32, #tpu.memory_space<hbm>>) target(%arg9 : memref<80xi32, #tpu.memory_space<vmem>>) target_semaphore(%arg19 : memref<!tpu.dma_semaphore, #tpu.memory_space<semaphore_mem>>)
      %mul3A_132 = arith.constant 80 : i32
      %mul3A_133 = arith.muli %sub3A_126, %mul3A_132 : i32
      %dma_start3A_134 = tpu.memref_slice %arg21[%mul3A_133] : memref<10000xi32, #tpu.memory_space<vmem>> -> memref<80xi32, #tpu.memory_space<vmem>>
      %dma_start3A_135 = arith.constant 0 : i32
      %dma_start3A_136 = arith.constant 0 : i32
      %dma_start3A_137 = tpu.memref_slice %arg2[%dma_start3A_135, %dma_start3A_136] : memref<10000x128xf32, #tpu.memory_space<hbm>> -> memref<10000x128xf32, #tpu.memory_space<hbm>>
      tpu.enqueue_indirect_dma source(%dma_start3A_137 : memref<10000x128xf32, #tpu.memory_space<hbm>>) target(%arg12 : memref<80x128xf32, #tpu.memory_space<vmem>>) offsets(%dma_start3A_134 : memref<80xi32, #tpu.memory_space<vmem>>) semaphore(%arg16 : memref<!tpu.dma_semaphore, #tpu.memory_space<semaphore_mem>>)
      %dma_wait3A_138 = arith.constant 0 : i32
      %dma_wait3A_139 = arith.constant 0 : i32
      %dma_wait3A_140 = tpu.memref_slice %arg2[%dma_wait3A_138, %dma_wait3A_139] : memref<10000x128xf32, #tpu.memory_space<hbm>> -> memref<80x128xf32, #tpu.memory_space<hbm>>
      %dma_wait3A_141 = arith.constant 0 : i32
      %dma_wait3A_142 = arith.constant 0 : i32
      %dma_wait3A_143 = tpu.memref_slice %arg2[%dma_wait3A_141, %dma_wait3A_142] : memref<10000x128xf32, #tpu.memory_space<hbm>> -> memref<80x128xf32, #tpu.memory_space<hbm>>
      tpu.wait_dma2 semaphore(%arg17 : memref<!tpu.dma_semaphore, #tpu.memory_space<semaphore_mem>>) src(%dma_wait3A_143 : memref<80x128xf32, #tpu.memory_space<hbm>>) dst(%arg13 : memref<80x128xf32, #tpu.memory_space<vmem>>)
      %dma_wait3A_144 = arith.constant 0 : i32
      %dma_wait3A_145 = tpu.memref_slice %arg4[%dma_wait3A_144] : memref<320000xi32, #tpu.memory_space<hbm>> -> memref<80xi32, #tpu.memory_space<hbm>>
      %dma_wait3A_146 = arith.constant 0 : i32
      %dma_wait3A_147 = tpu.memref_slice %arg4[%dma_wait3A_146] : memref<320000xi32, #tpu.memory_space<hbm>> -> memref<80xi32, #tpu.memory_space<hbm>>
      tpu.wait_dma2 semaphore(%arg20 : memref<!tpu.dma_semaphore, #tpu.memory_space<semaphore_mem>>) src(%dma_wait3A_147 : memref<80xi32, #tpu.memory_space<hbm>>) dst(%arg10 : memref<80xi32, #tpu.memory_space<vmem>>)
      "tpu.region"() ({
        %run_scoped3A = tpu.sem_alloc : memref<!tpu.dma_semaphore, #tpu.memory_space<semaphore_mem>>
        %dma_start3A_148 = arith.constant 0 : i32
        %dma_start3A_149 = arith.constant 0 : i32
        %dma_start3A_150 = tpu.memref_slice %arg14[%dma_start3A_148, %dma_start3A_149] : memref<10000x128xf32, #tpu.memory_space<vmem_shared>> -> memref<10000x128xf32, #tpu.memory_space<vmem_shared>>
        tpu.enqueue_indirect_dma source(%arg13 : memref<80x128xf32, #tpu.memory_space<vmem>>) target(%dma_start3A_150 : memref<10000x128xf32, #tpu.memory_space<vmem_shared>>) offsets(%arg10 : memref<80xi32, #tpu.memory_space<vmem>>) semaphore(%run_scoped3A : memref<!tpu.dma_semaphore, #tpu.memory_space<semaphore_mem>>) {add = true}
        %dma_wait3A_151 = arith.constant 0 : i32
        %dma_wait3A_152 = arith.constant 0 : i32
        %dma_wait3A_153 = tpu.memref_slice %arg14[%dma_wait3A_151, %dma_wait3A_152] : memref<10000x128xf32, #tpu.memory_space<vmem_shared>> -> memref<10000x128xf32, #tpu.memory_space<vmem_shared>>
        tpu.wait_indirect_dma semaphore(%run_scoped3A : memref<!tpu.dma_semaphore, #tpu.memory_space<semaphore_mem>>) src(%arg13 : memref<80x128xf32, #tpu.memory_space<vmem>>) dst(%dma_wait3A_153 : memref<10000x128xf32, #tpu.memory_space<vmem_shared>>)
        tpu.yield
      }) : () -> ()
    }
    %scan3A_30 = arith.constant 41 : i32
    %dma_wait3A = arith.constant 0 : i32
    %dma_wait3A_31 = arith.constant 0 : i32
    %dma_wait3A_32 = tpu.memref_slice %arg2[%dma_wait3A, %dma_wait3A_31] : memref<10000x128xf32, #tpu.memory_space<hbm>> -> memref<80x128xf32, #tpu.memory_space<hbm>>
    %dma_wait3A_33 = arith.constant 0 : i32
    %dma_wait3A_34 = arith.constant 0 : i32
    %dma_wait3A_35 = tpu.memref_slice %arg2[%dma_wait3A_33, %dma_wait3A_34] : memref<10000x128xf32, #tpu.memory_space<hbm>> -> memref<80x128xf32, #tpu.memory_space<hbm>>
    tpu.wait_dma2 semaphore(%arg15 : memref<!tpu.dma_semaphore, #tpu.memory_space<semaphore_mem>>) src(%dma_wait3A_35 : memref<80x128xf32, #tpu.memory_space<hbm>>) dst(%arg11 : memref<80x128xf32, #tpu.memory_space<vmem>>)
    %dma_wait3A_36 = arith.constant 0 : i32
    %dma_wait3A_37 = tpu.memref_slice %arg4[%dma_wait3A_36] : memref<320000xi32, #tpu.memory_space<hbm>> -> memref<80xi32, #tpu.memory_space<hbm>>
    %dma_wait3A_38 = arith.constant 0 : i32
    %dma_wait3A_39 = tpu.memref_slice %arg4[%dma_wait3A_38] : memref<320000xi32, #tpu.memory_space<hbm>> -> memref<80xi32, #tpu.memory_space<hbm>>
    tpu.wait_dma2 semaphore(%arg18 : memref<!tpu.dma_semaphore, #tpu.memory_space<semaphore_mem>>) src(%dma_wait3A_39 : memref<80xi32, #tpu.memory_space<hbm>>) dst(%arg8 : memref<80xi32, #tpu.memory_space<vmem>>)
    "tpu.region"() ({
      %run_scoped3A = tpu.sem_alloc : memref<!tpu.dma_semaphore, #tpu.memory_space<semaphore_mem>>
      %dma_start3A_61 = arith.constant 0 : i32
      %dma_start3A_62 = arith.constant 0 : i32
      %dma_start3A_63 = tpu.memref_slice %arg14[%dma_start3A_61, %dma_start3A_62] : memref<10000x128xf32, #tpu.memory_space<vmem_shared>> -> memref<10000x128xf32, #tpu.memory_space<vmem_shared>>
      tpu.enqueue_indirect_dma source(%arg11 : memref<80x128xf32, #tpu.memory_space<vmem>>) target(%dma_start3A_63 : memref<10000x128xf32, #tpu.memory_space<vmem_shared>>) offsets(%arg8 : memref<80xi32, #tpu.memory_space<vmem>>) semaphore(%run_scoped3A : memref<!tpu.dma_semaphore, #tpu.memory_space<semaphore_mem>>) {add = true}
      %dma_wait3A_64 = arith.constant 0 : i32
      %dma_wait3A_65 = arith.constant 0 : i32
      %dma_wait3A_66 = tpu.memref_slice %arg14[%dma_wait3A_64, %dma_wait3A_65] : memref<10000x128xf32, #tpu.memory_space<vmem_shared>> -> memref<10000x128xf32, #tpu.memory_space<vmem_shared>>
      tpu.wait_indirect_dma semaphore(%run_scoped3A : memref<!tpu.dma_semaphore, #tpu.memory_space<semaphore_mem>>) src(%arg11 : memref<80x128xf32, #tpu.memory_space<vmem>>) dst(%dma_wait3A_66 : memref<10000x128xf32, #tpu.memory_space<vmem_shared>>)
      tpu.yield
    }) : () -> ()
    %dma_wait3A_40 = arith.constant 0 : i32
    %dma_wait3A_41 = arith.constant 0 : i32
    %dma_wait3A_42 = tpu.memref_slice %arg2[%dma_wait3A_40, %dma_wait3A_41] : memref<10000x128xf32, #tpu.memory_space<hbm>> -> memref<80x128xf32, #tpu.memory_space<hbm>>
    %dma_wait3A_43 = arith.constant 0 : i32
    %dma_wait3A_44 = arith.constant 0 : i32
    %dma_wait3A_45 = tpu.memref_slice %arg2[%dma_wait3A_43, %dma_wait3A_44] : memref<10000x128xf32, #tpu.memory_space<hbm>> -> memref<80x128xf32, #tpu.memory_space<hbm>>
    tpu.wait_dma2 semaphore(%arg16 : memref<!tpu.dma_semaphore, #tpu.memory_space<semaphore_mem>>) src(%dma_wait3A_45 : memref<80x128xf32, #tpu.memory_space<hbm>>) dst(%arg12 : memref<80x128xf32, #tpu.memory_space<vmem>>)
    %dma_wait3A_46 = arith.constant 0 : i32
    %dma_wait3A_47 = tpu.memref_slice %arg4[%dma_wait3A_46] : memref<320000xi32, #tpu.memory_space<hbm>> -> memref<80xi32, #tpu.memory_space<hbm>>
    %dma_wait3A_48 = arith.constant 0 : i32
    %dma_wait3A_49 = tpu.memref_slice %arg4[%dma_wait3A_48] : memref<320000xi32, #tpu.memory_space<hbm>> -> memref<80xi32, #tpu.memory_space<hbm>>
    tpu.wait_dma2 semaphore(%arg19 : memref<!tpu.dma_semaphore, #tpu.memory_space<semaphore_mem>>) src(%dma_wait3A_49 : memref<80xi32, #tpu.memory_space<hbm>>) dst(%arg9 : memref<80xi32, #tpu.memory_space<vmem>>)
    "tpu.region"() ({
      %run_scoped3A = tpu.sem_alloc : memref<!tpu.dma_semaphore, #tpu.memory_space<semaphore_mem>>
      %dma_start3A_61 = arith.constant 0 : i32
      %dma_start3A_62 = arith.constant 0 : i32
      %dma_start3A_63 = tpu.memref_slice %arg14[%dma_start3A_61, %dma_start3A_62] : memref<10000x128xf32, #tpu.memory_space<vmem_shared>> -> memref<10000x128xf32, #tpu.memory_space<vmem_shared>>
      tpu.enqueue_indirect_dma source(%arg12 : memref<80x128xf32, #tpu.memory_space<vmem>>) target(%dma_start3A_63 : memref<10000x128xf32, #tpu.memory_space<vmem_shared>>) offsets(%arg9 : memref<80xi32, #tpu.memory_space<vmem>>) semaphore(%run_scoped3A : memref<!tpu.dma_semaphore, #tpu.memory_space<semaphore_mem>>) {add = true}
      %dma_wait3A_64 = arith.constant 0 : i32
      %dma_wait3A_65 = arith.constant 0 : i32
      %dma_wait3A_66 = tpu.memref_slice %arg14[%dma_wait3A_64, %dma_wait3A_65] : memref<10000x128xf32, #tpu.memory_space<vmem_shared>> -> memref<10000x128xf32, #tpu.memory_space<vmem_shared>>
      tpu.wait_indirect_dma semaphore(%run_scoped3A : memref<!tpu.dma_semaphore, #tpu.memory_space<semaphore_mem>>) src(%arg12 : memref<80x128xf32, #tpu.memory_space<vmem>>) dst(%dma_wait3A_66 : memref<10000x128xf32, #tpu.memory_space<vmem_shared>>)
      tpu.yield
    }) : () -> ()
    %barrier3A_50 = arith.constant 0 : index
    tpu.barrier barrier_id(%barrier3A_50)
    %lt3A_51 = arith.constant 15 : i32
    %lt3A_52 = arith.cmpi slt, %arg1, %lt3A_51 : i32
    %convert_element_type3A_53 = arith.extui %lt3A_52 : i1 to i32
    %cond3A_54 = arith.constant 0 : i32
    %cond3A_55 = arith.cmpi ne, %convert_element_type3A_53, %cond3A_54 : i32
    scf.if %cond3A_55 {
      %mul3A_61 = arith.constant 640 : i32
      %mul3A_62 = arith.muli %arg1, %mul3A_61 : i32
      "tpu.region"() ({
        %run_scoped3A = tpu.sem_alloc : memref<!tpu.dma_semaphore, #tpu.memory_space<semaphore_mem>>
        %dma_start3A_63 = arith.constant 0 : i32
        %dma_start3A_64 = tpu.memref_slice %arg7[%arg0, %mul3A_62, %dma_start3A_63] : memref<2x10000x128xf32, #tpu.memory_space<hbm>> -> memref<1x640x128xf32, #tpu.memory_space<hbm>>
        %dma_start3A_65 = tpu.memref_squeeze %dma_start3A_64 : memref<1x640x128xf32, #tpu.memory_space<hbm>> -> memref<640x128xf32, #tpu.memory_space<hbm>>
        %dma_start3A_66 = arith.constant 0 : i32
        %dma_start3A_67 = tpu.memref_slice %arg14[%mul3A_62, %dma_start3A_66] : memref<10000x128xf32, #tpu.memory_space<vmem_shared>> -> memref<640x128xf32, #tpu.memory_space<vmem_shared>>
        tpu.enqueue_dma source(%dma_start3A_67 : memref<640x128xf32, #tpu.memory_space<vmem_shared>>) target(%dma_start3A_65 : memref<640x128xf32, #tpu.memory_space<hbm>>) target_semaphore(%run_scoped3A : memref<!tpu.dma_semaphore, #tpu.memory_space<semaphore_mem>>)
        %dma_wait3A_68 = arith.constant 0 : i32
        %dma_wait3A_69 = tpu.memref_slice %arg7[%arg0, %mul3A_62, %dma_wait3A_68] : memref<2x10000x128xf32, #tpu.memory_space<hbm>> -> memref<1x640x128xf32, #tpu.memory_space<hbm>>
        %dma_wait3A_70 = tpu.memref_squeeze %dma_wait3A_69 : memref<1x640x128xf32, #tpu.memory_space<hbm>> -> memref<640x128xf32, #tpu.memory_space<hbm>>
        %dma_wait3A_71 = arith.constant 0 : i32
        %dma_wait3A_72 = tpu.memref_slice %arg14[%mul3A_62, %dma_wait3A_71] : memref<10000x128xf32, #tpu.memory_space<vmem_shared>> -> memref<640x128xf32, #tpu.memory_space<vmem_shared>>
        tpu.wait_dma2 semaphore(%run_scoped3A : memref<!tpu.dma_semaphore, #tpu.memory_space<semaphore_mem>>) src(%dma_wait3A_72 : memref<640x128xf32, #tpu.memory_space<vmem_shared>>) dst(%dma_wait3A_70 : memref<640x128xf32, #tpu.memory_space<hbm>>)
        tpu.yield
      }) : () -> ()
    } else {
    }
    %eq3A_56 = arith.constant 15 : i32
    %eq3A_57 = arith.cmpi eq, %arg1, %eq3A_56 : i32
    %convert_element_type3A_58 = arith.extui %eq3A_57 : i1 to i32
    %cond3A_59 = arith.constant 0 : i32
    %cond3A_60 = arith.cmpi ne, %convert_element_type3A_58, %cond3A_59 : i32
    scf.if %cond3A_60 {
      "tpu.region"() ({
        %run_scoped3A = tpu.sem_alloc : memref<!tpu.dma_semaphore, #tpu.memory_space<semaphore_mem>>
        %dma_start3A_61 = arith.constant 9600 : i32
        %dma_start3A_62 = arith.constant 0 : i32
        %dma_start3A_63 = tpu.memref_slice %arg7[%arg0, %dma_start3A_61, %dma_start3A_62] : memref<2x10000x128xf32, #tpu.memory_space<hbm>> -> memref<1x400x128xf32, #tpu.memory_space<hbm>>
        %dma_start3A_64 = tpu.memref_squeeze %dma_start3A_63 : memref<1x400x128xf32, #tpu.memory_space<hbm>> -> memref<400x128xf32, #tpu.memory_space<hbm>>
        %dma_start3A_65 = arith.constant 9600 : i32
        %dma_start3A_66 = arith.constant 0 : i32
        %dma_start3A_67 = tpu.memref_slice %arg14[%dma_start3A_65, %dma_start3A_66] : memref<10000x128xf32, #tpu.memory_space<vmem_shared>> -> memref<400x128xf32, #tpu.memory_space<vmem_shared>>
        tpu.enqueue_dma source(%dma_start3A_67 : memref<400x128xf32, #tpu.memory_space<vmem_shared>>) target(%dma_start3A_64 : memref<400x128xf32, #tpu.memory_space<hbm>>) target_semaphore(%run_scoped3A : memref<!tpu.dma_semaphore, #tpu.memory_space<semaphore_mem>>)
        %dma_wait3A_68 = arith.constant 9600 : i32
        %dma_wait3A_69 = arith.constant 0 : i32
        %dma_wait3A_70 = tpu.memref_slice %arg7[%arg0, %dma_wait3A_68, %dma_wait3A_69] : memref<2x10000x128xf32, #tpu.memory_space<hbm>> -> memref<1x400x128xf32, #tpu.memory_space<hbm>>
        %dma_wait3A_71 = tpu.memref_squeeze %dma_wait3A_70 : memref<1x400x128xf32, #tpu.memory_space<hbm>> -> memref<400x128xf32, #tpu.memory_space<hbm>>
        %dma_wait3A_72 = arith.constant 9600 : i32
        %dma_wait3A_73 = arith.constant 0 : i32
        %dma_wait3A_74 = tpu.memref_slice %arg14[%dma_wait3A_72, %dma_wait3A_73] : memref<10000x128xf32, #tpu.memory_space<vmem_shared>> -> memref<400x128xf32, #tpu.memory_space<vmem_shared>>
        tpu.wait_dma2 semaphore(%run_scoped3A : memref<!tpu.dma_semaphore, #tpu.memory_space<semaphore_mem>>) src(%dma_wait3A_74 : memref<400x128xf32, #tpu.memory_space<vmem_shared>>) dst(%dma_wait3A_71 : memref<400x128xf32, #tpu.memory_space<hbm>>)
        tpu.yield
      }) : () -> ()
    } else {
    }
    return
  }
}

#map = affine_map<(d0, d1) -> (0, 0)>
#map1 = affine_map<(d0, d1) -> (0)>
#map2 = affine_map<(d0, d1) -> (0, 0, 0)>
module attributes {stable_mosaic.version = 14 : i64} {
  func.func @seg(%arg0: i32, %arg1: i32, %arg2: memref<10000x128xf32, #tpu.memory_space<hbm>>, %arg3: memref<320000xi32, #tpu.memory_space<hbm>>, %arg4: memref<320000xi32, #tpu.memory_space<hbm>>, %arg5: memref<5120000xf32, #tpu.memory_space<hbm>>, %arg6: memref<640x128xf32, #tpu.memory_space<hbm>>, %arg7: memref<2x10000x128xf32, #tpu.memory_space<hbm>>, %arg8: memref<80xi32, #tpu.memory_space<vmem>>, %arg9: memref<80xi32, #tpu.memory_space<vmem>>, %arg10: memref<80xi32, #tpu.memory_space<vmem>>, %arg11: memref<80x128xf32, #tpu.memory_space<vmem>>, %arg12: memref<80x128xf32, #tpu.memory_space<vmem>>, %arg13: memref<80x128xf32, #tpu.memory_space<vmem>>, %arg14: memref<10000x128xf32, #tpu.memory_space<vmem_shared>>, %arg15: memref<!tpu.dma_semaphore, #tpu.memory_space<semaphore_mem>>, %arg16: memref<!tpu.dma_semaphore, #tpu.memory_space<semaphore_mem>>, %arg17: memref<!tpu.dma_semaphore, #tpu.memory_space<semaphore_mem>>, %arg18: memref<!tpu.dma_semaphore, #tpu.memory_space<semaphore_mem>>, %arg19: memref<!tpu.dma_semaphore, #tpu.memory_space<semaphore_mem>>, %arg20: memref<!tpu.dma_semaphore, #tpu.memory_space<semaphore_mem>>, %arg21: memref<10000xi32, #tpu.memory_space<vmem>>, %arg22: memref<1280xf32, #tpu.memory_space<vmem>>, %arg23: memref<1280xf32, #tpu.memory_space<vmem>>, %arg24: memref<1280xf32, #tpu.memory_space<vmem>>, %arg25: memref<!tpu.dma_semaphore, #tpu.memory_space<semaphore_mem>>, %arg26: memref<!tpu.dma_semaphore, #tpu.memory_space<semaphore_mem>>, %arg27: memref<!tpu.dma_semaphore, #tpu.memory_space<semaphore_mem>>) attributes {dimension_semantics = [#tpu.dimension_semantics<core_parallel>, #tpu.dimension_semantics<subcore_parallel>], iteration_bounds = array<i64: 2, 16>, scalar_prefetch = 0 : i64, scratch_operands = 20 : i64, tpu.core_type = #tpu.core_type<sc_vector_subcore>, window_params = [{transform_indices = #map}, {transform_indices = #map1}, {transform_indices = #map1}, {transform_indices = #map1}, {transform_indices = #map}, {transform_indices = #map2}]} {
    %mul3A = arith.constant 2 : i32
    %mul3A_0 = arith.muli %arg1, %mul3A : i32
    %add3A = arith.addi %mul3A_0, %arg0 : i32
    %mul3A_1 = arith.constant 10000 : i32
    %mul3A_2 = arith.muli %add3A, %mul3A_1 : i32
    %lt3A = arith.constant 15 : i32
    %lt3A_3 = arith.cmpi slt, %arg1, %lt3A : i32
    %convert_element_type3A = arith.extui %lt3A_3 : i1 to i32
    %cond3A = arith.constant 0 : i32
    %cond3A_4 = arith.cmpi ne, %convert_element_type3A, %cond3A : i32
    scf.if %cond3A_4 {
      %mul3A_93 = arith.constant 640 : i32
      %mul3A_94 = arith.muli %arg1, %mul3A_93 : i32
      "tpu.region"() ({
        %run_scoped3A = tpu.sem_alloc : memref<!tpu.dma_semaphore, #tpu.memory_space<semaphore_mem>>
        %dma_start3A_95 = arith.constant 0 : i32
        %dma_start3A_96 = tpu.memref_slice %arg14[%mul3A_94, %dma_start3A_95] : memref<10000x128xf32, #tpu.memory_space<vmem_shared>> -> memref<640x128xf32, #tpu.memory_space<vmem_shared>>
        %dma_start3A_97 = arith.constant 0 : i32
        %dma_start3A_98 = arith.constant 0 : i32
        %dma_start3A_99 = tpu.memref_slice %arg6[%dma_start3A_97, %dma_start3A_98] : memref<640x128xf32, #tpu.memory_space<hbm>> -> memref<640x128xf32, #tpu.memory_space<hbm>>
        tpu.enqueue_dma source(%dma_start3A_99 : memref<640x128xf32, #tpu.memory_space<hbm>>) target(%dma_start3A_96 : memref<640x128xf32, #tpu.memory_space<vmem_shared>>) target_semaphore(%run_scoped3A : memref<!tpu.dma_semaphore, #tpu.memory_space<semaphore_mem>>)
        %dma_wait3A_100 = arith.constant 0 : i32
        %dma_wait3A_101 = tpu.memref_slice %arg14[%mul3A_94, %dma_wait3A_100] : memref<10000x128xf32, #tpu.memory_space<vmem_shared>> -> memref<640x128xf32, #tpu.memory_space<vmem_shared>>
        %dma_wait3A_102 = arith.constant 0 : i32
        %dma_wait3A_103 = arith.constant 0 : i32
        %dma_wait3A_104 = tpu.memref_slice %arg6[%dma_wait3A_102, %dma_wait3A_103] : memref<640x128xf32, #tpu.memory_space<hbm>> -> memref<640x128xf32, #tpu.memory_space<hbm>>
        tpu.wait_dma2 semaphore(%run_scoped3A : memref<!tpu.dma_semaphore, #tpu.memory_space<semaphore_mem>>) src(%dma_wait3A_104 : memref<640x128xf32, #tpu.memory_space<hbm>>) dst(%dma_wait3A_101 : memref<640x128xf32, #tpu.memory_space<vmem_shared>>)
        tpu.yield
      }) : () -> ()
    } else {
    }
    %eq3A = arith.constant 15 : i32
    %eq3A_5 = arith.cmpi eq, %arg1, %eq3A : i32
    %convert_element_type3A_6 = arith.extui %eq3A_5 : i1 to i32
    %cond3A_7 = arith.constant 0 : i32
    %cond3A_8 = arith.cmpi ne, %convert_element_type3A_6, %cond3A_7 : i32
    scf.if %cond3A_8 {
      "tpu.region"() ({
        %run_scoped3A = tpu.sem_alloc : memref<!tpu.dma_semaphore, #tpu.memory_space<semaphore_mem>>
        %dma_start3A_93 = arith.constant 9600 : i32
        %dma_start3A_94 = arith.constant 0 : i32
        %dma_start3A_95 = tpu.memref_slice %arg14[%dma_start3A_93, %dma_start3A_94] : memref<10000x128xf32, #tpu.memory_space<vmem_shared>> -> memref<400x128xf32, #tpu.memory_space<vmem_shared>>
        %dma_start3A_96 = arith.constant 0 : i32
        %dma_start3A_97 = arith.constant 0 : i32
        %dma_start3A_98 = tpu.memref_slice %arg6[%dma_start3A_96, %dma_start3A_97] : memref<640x128xf32, #tpu.memory_space<hbm>> -> memref<400x128xf32, #tpu.memory_space<hbm>>
        tpu.enqueue_dma source(%dma_start3A_98 : memref<400x128xf32, #tpu.memory_space<hbm>>) target(%dma_start3A_95 : memref<400x128xf32, #tpu.memory_space<vmem_shared>>) target_semaphore(%run_scoped3A : memref<!tpu.dma_semaphore, #tpu.memory_space<semaphore_mem>>)
        %dma_wait3A_99 = arith.constant 9600 : i32
        %dma_wait3A_100 = arith.constant 0 : i32
        %dma_wait3A_101 = tpu.memref_slice %arg14[%dma_wait3A_99, %dma_wait3A_100] : memref<10000x128xf32, #tpu.memory_space<vmem_shared>> -> memref<400x128xf32, #tpu.memory_space<vmem_shared>>
        %dma_wait3A_102 = arith.constant 0 : i32
        %dma_wait3A_103 = arith.constant 0 : i32
        %dma_wait3A_104 = tpu.memref_slice %arg6[%dma_wait3A_102, %dma_wait3A_103] : memref<640x128xf32, #tpu.memory_space<hbm>> -> memref<400x128xf32, #tpu.memory_space<hbm>>
        tpu.wait_dma2 semaphore(%run_scoped3A : memref<!tpu.dma_semaphore, #tpu.memory_space<semaphore_mem>>) src(%dma_wait3A_104 : memref<400x128xf32, #tpu.memory_space<hbm>>) dst(%dma_wait3A_101 : memref<400x128xf32, #tpu.memory_space<vmem_shared>>)
        tpu.yield
      }) : () -> ()
    } else {
    }
    "tpu.region"() ({
      %run_scoped3A = tpu.sem_alloc : memref<!tpu.dma_semaphore, #tpu.memory_space<semaphore_mem>>
      %dma_start3A_93 = tpu.memref_slice %arg3[%mul3A_2] : memref<320000xi32, #tpu.memory_space<hbm>> -> memref<10000xi32, #tpu.memory_space<hbm>>
      %dma_start3A_94 = tpu.memref_slice %arg3[%mul3A_2] : memref<320000xi32, #tpu.memory_space<hbm>> -> memref<10000xi32, #tpu.memory_space<hbm>>
      tpu.enqueue_dma source(%dma_start3A_94 : memref<10000xi32, #tpu.memory_space<hbm>>) target(%arg21 : memref<10000xi32, #tpu.memory_space<vmem>>) target_semaphore(%run_scoped3A : memref<!tpu.dma_semaphore, #tpu.memory_space<semaphore_mem>>)
      %dma_wait3A_95 = tpu.memref_slice %arg3[%mul3A_2] : memref<320000xi32, #tpu.memory_space<hbm>> -> memref<10000xi32, #tpu.memory_space<hbm>>
      %dma_wait3A_96 = tpu.memref_slice %arg3[%mul3A_2] : memref<320000xi32, #tpu.memory_space<hbm>> -> memref<10000xi32, #tpu.memory_space<hbm>>
      tpu.wait_dma2 semaphore(%run_scoped3A : memref<!tpu.dma_semaphore, #tpu.memory_space<semaphore_mem>>) src(%dma_wait3A_96 : memref<10000xi32, #tpu.memory_space<hbm>>) dst(%arg21 : memref<10000xi32, #tpu.memory_space<vmem>>)
      tpu.yield
    }) : () -> ()
    %barrier3A = arith.constant 0 : index
    tpu.barrier barrier_id(%barrier3A)
    %add3A_9 = arith.constant 0 : i32
    %add3A_10 = arith.addi %mul3A_2, %add3A_9 : i32
    %dma_start3A = tpu.memref_slice %arg4[%add3A_10] : memref<320000xi32, #tpu.memory_space<hbm>> -> memref<80xi32, #tpu.memory_space<hbm>>
    %dma_start3A_11 = tpu.memref_slice %arg4[%add3A_10] : memref<320000xi32, #tpu.memory_space<hbm>> -> memref<80xi32, #tpu.memory_space<hbm>>
    tpu.enqueue_dma source(%dma_start3A_11 : memref<80xi32, #tpu.memory_space<hbm>>) target(%arg8 : memref<80xi32, #tpu.memory_space<vmem>>) target_semaphore(%arg18 : memref<!tpu.dma_semaphore, #tpu.memory_space<semaphore_mem>>)
    %dma_start3A_12 = arith.constant 0 : i32
    %dma_start3A_13 = tpu.memref_slice %arg21[%dma_start3A_12] : memref<10000xi32, #tpu.memory_space<vmem>> -> memref<80xi32, #tpu.memory_space<vmem>>
    %dma_start3A_14 = arith.constant 0 : i32
    %dma_start3A_15 = arith.constant 0 : i32
    %dma_start3A_16 = tpu.memref_slice %arg2[%dma_start3A_14, %dma_start3A_15] : memref<10000x128xf32, #tpu.memory_space<hbm>> -> memref<10000x128xf32, #tpu.memory_space<hbm>>
    tpu.enqueue_indirect_dma source(%dma_start3A_16 : memref<10000x128xf32, #tpu.memory_space<hbm>>) target(%arg11 : memref<80x128xf32, #tpu.memory_space<vmem>>) offsets(%dma_start3A_13 : memref<80xi32, #tpu.memory_space<vmem>>) semaphore(%arg15 : memref<!tpu.dma_semaphore, #tpu.memory_space<semaphore_mem>>)
    %add3A_17 = arith.constant 0 : i32
    %add3A_18 = arith.addi %mul3A_2, %add3A_17 : i32
    %mul3A_19 = arith.constant 16 : i32
    %mul3A_20 = arith.muli %add3A_18, %mul3A_19 : i32
    %dma_start3A_21 = tpu.memref_slice %arg5[%mul3A_20] : memref<5120000xf32, #tpu.memory_space<hbm>> -> memref<1280xf32, #tpu.memory_space<hbm>>
    %dma_start3A_22 = tpu.memref_slice %arg5[%mul3A_20] : memref<5120000xf32, #tpu.memory_space<hbm>> -> memref<1280xf32, #tpu.memory_space<hbm>>
    tpu.enqueue_dma source(%dma_start3A_22 : memref<1280xf32, #tpu.memory_space<hbm>>) target(%arg22 : memref<1280xf32, #tpu.memory_space<vmem>>) target_semaphore(%arg25 : memref<!tpu.dma_semaphore, #tpu.memory_space<semaphore_mem>>)
    %add3A_23 = arith.constant 80 : i32
    %add3A_24 = arith.addi %mul3A_2, %add3A_23 : i32
    %dma_start3A_25 = tpu.memref_slice %arg4[%add3A_24] : memref<320000xi32, #tpu.memory_space<hbm>> -> memref<80xi32, #tpu.memory_space<hbm>>
    %dma_start3A_26 = tpu.memref_slice %arg4[%add3A_24] : memref<320000xi32, #tpu.memory_space<hbm>> -> memref<80xi32, #tpu.memory_space<hbm>>
    tpu.enqueue_dma source(%dma_start3A_26 : memref<80xi32, #tpu.memory_space<hbm>>) target(%arg9 : memref<80xi32, #tpu.memory_space<vmem>>) target_semaphore(%arg19 : memref<!tpu.dma_semaphore, #tpu.memory_space<semaphore_mem>>)
    %dma_start3A_27 = arith.constant 80 : i32
    %dma_start3A_28 = tpu.memref_slice %arg21[%dma_start3A_27] : memref<10000xi32, #tpu.memory_space<vmem>> -> memref<80xi32, #tpu.memory_space<vmem>>
    %dma_start3A_29 = arith.constant 0 : i32
    %dma_start3A_30 = arith.constant 0 : i32
    %dma_start3A_31 = tpu.memref_slice %arg2[%dma_start3A_29, %dma_start3A_30] : memref<10000x128xf32, #tpu.memory_space<hbm>> -> memref<10000x128xf32, #tpu.memory_space<hbm>>
    tpu.enqueue_indirect_dma source(%dma_start3A_31 : memref<10000x128xf32, #tpu.memory_space<hbm>>) target(%arg12 : memref<80x128xf32, #tpu.memory_space<vmem>>) offsets(%dma_start3A_28 : memref<80xi32, #tpu.memory_space<vmem>>) semaphore(%arg16 : memref<!tpu.dma_semaphore, #tpu.memory_space<semaphore_mem>>)
    %add3A_32 = arith.constant 80 : i32
    %add3A_33 = arith.addi %mul3A_2, %add3A_32 : i32
    %mul3A_34 = arith.constant 16 : i32
    %mul3A_35 = arith.muli %add3A_33, %mul3A_34 : i32
    %dma_start3A_36 = tpu.memref_slice %arg5[%mul3A_35] : memref<5120000xf32, #tpu.memory_space<hbm>> -> memref<1280xf32, #tpu.memory_space<hbm>>
    %dma_start3A_37 = tpu.memref_slice %arg5[%mul3A_35] : memref<5120000xf32, #tpu.memory_space<hbm>> -> memref<1280xf32, #tpu.memory_space<hbm>>
    tpu.enqueue_dma source(%dma_start3A_37 : memref<1280xf32, #tpu.memory_space<hbm>>) target(%arg23 : memref<1280xf32, #tpu.memory_space<vmem>>) target_semaphore(%arg26 : memref<!tpu.dma_semaphore, #tpu.memory_space<semaphore_mem>>)
    %scan3A = arith.constant 0 : i32
    %scan3A_38 = arith.constant 0 : i32
    %scan3A_39 = arith.constant 41 : i32
    %scan3A_40 = arith.addi %scan3A_38, %scan3A_39 : i32
    %scan3A_41 = arith.constant 1 : i32
    scf.for %scan3A_93 = %scan3A_38 to %scan3A_40 step %scan3A_41  : i32 {
      %mul3A_94 = arith.constant 3 : i32
      %mul3A_95 = arith.muli %mul3A_94, %scan3A_93 : i32
      %add3A_96 = arith.constant 0 : i32
      %add3A_97 = arith.addi %mul3A_95, %add3A_96 : i32
      %add3A_98 = arith.constant 3 : i32
      %add3A_99 = arith.addi %add3A_97, %add3A_98 : i32
      %sub3A = arith.constant 1 : i32
      %sub3A_100 = arith.subi %add3A_99, %sub3A : i32
      %mul3A_101 = arith.constant 80 : i32
      %mul3A_102 = arith.muli %sub3A_100, %mul3A_101 : i32
      %add3A_103 = arith.addi %mul3A_2, %mul3A_102 : i32
      %dma_start3A_104 = tpu.memref_slice %arg4[%add3A_103] : memref<320000xi32, #tpu.memory_space<hbm>> -> memref<80xi32, #tpu.memory_space<hbm>>
      %dma_start3A_105 = tpu.memref_slice %arg4[%add3A_103] : memref<320000xi32, #tpu.memory_space<hbm>> -> memref<80xi32, #tpu.memory_space<hbm>>
      tpu.enqueue_dma source(%dma_start3A_105 : memref<80xi32, #tpu.memory_space<hbm>>) target(%arg10 : memref<80xi32, #tpu.memory_space<vmem>>) target_semaphore(%arg20 : memref<!tpu.dma_semaphore, #tpu.memory_space<semaphore_mem>>)
      %mul3A_106 = arith.constant 80 : i32
      %mul3A_107 = arith.muli %sub3A_100, %mul3A_106 : i32
      %dma_start3A_108 = tpu.memref_slice %arg21[%mul3A_107] : memref<10000xi32, #tpu.memory_space<vmem>> -> memref<80xi32, #tpu.memory_space<vmem>>
      %dma_start3A_109 = arith.constant 0 : i32
      %dma_start3A_110 = arith.constant 0 : i32
      %dma_start3A_111 = tpu.memref_slice %arg2[%dma_start3A_109, %dma_start3A_110] : memref<10000x128xf32, #tpu.memory_space<hbm>> -> memref<10000x128xf32, #tpu.memory_space<hbm>>
      tpu.enqueue_indirect_dma source(%dma_start3A_111 : memref<10000x128xf32, #tpu.memory_space<hbm>>) target(%arg13 : memref<80x128xf32, #tpu.memory_space<vmem>>) offsets(%dma_start3A_108 : memref<80xi32, #tpu.memory_space<vmem>>) semaphore(%arg17 : memref<!tpu.dma_semaphore, #tpu.memory_space<semaphore_mem>>)
      %mul3A_112 = arith.constant 80 : i32
      %mul3A_113 = arith.muli %sub3A_100, %mul3A_112 : i32
      %add3A_114 = arith.addi %mul3A_2, %mul3A_113 : i32
      %mul3A_115 = arith.constant 16 : i32
      %mul3A_116 = arith.muli %add3A_114, %mul3A_115 : i32
      %dma_start3A_117 = tpu.memref_slice %arg5[%mul3A_116] : memref<5120000xf32, #tpu.memory_space<hbm>> -> memref<1280xf32, #tpu.memory_space<hbm>>
      %dma_start3A_118 = tpu.memref_slice %arg5[%mul3A_116] : memref<5120000xf32, #tpu.memory_space<hbm>> -> memref<1280xf32, #tpu.memory_space<hbm>>
      tpu.enqueue_dma source(%dma_start3A_118 : memref<1280xf32, #tpu.memory_space<hbm>>) target(%arg24 : memref<1280xf32, #tpu.memory_space<vmem>>) target_semaphore(%arg27 : memref<!tpu.dma_semaphore, #tpu.memory_space<semaphore_mem>>)
      %dma_wait3A_119 = arith.constant 0 : i32
      %dma_wait3A_120 = arith.constant 0 : i32
      %dma_wait3A_121 = tpu.memref_slice %arg2[%dma_wait3A_119, %dma_wait3A_120] : memref<10000x128xf32, #tpu.memory_space<hbm>> -> memref<80x128xf32, #tpu.memory_space<hbm>>
      %dma_wait3A_122 = arith.constant 0 : i32
      %dma_wait3A_123 = arith.constant 0 : i32
      %dma_wait3A_124 = tpu.memref_slice %arg2[%dma_wait3A_122, %dma_wait3A_123] : memref<10000x128xf32, #tpu.memory_space<hbm>> -> memref<80x128xf32, #tpu.memory_space<hbm>>
      tpu.wait_dma2 semaphore(%arg15 : memref<!tpu.dma_semaphore, #tpu.memory_space<semaphore_mem>>) src(%dma_wait3A_124 : memref<80x128xf32, #tpu.memory_space<hbm>>) dst(%arg11 : memref<80x128xf32, #tpu.memory_space<vmem>>)
      %dma_wait3A_125 = arith.constant 0 : i32
      %dma_wait3A_126 = tpu.memref_slice %arg4[%dma_wait3A_125] : memref<320000xi32, #tpu.memory_space<hbm>> -> memref<80xi32, #tpu.memory_space<hbm>>
      %dma_wait3A_127 = arith.constant 0 : i32
      %dma_wait3A_128 = tpu.memref_slice %arg4[%dma_wait3A_127] : memref<320000xi32, #tpu.memory_space<hbm>> -> memref<80xi32, #tpu.memory_space<hbm>>
      tpu.wait_dma2 semaphore(%arg18 : memref<!tpu.dma_semaphore, #tpu.memory_space<semaphore_mem>>) src(%dma_wait3A_128 : memref<80xi32, #tpu.memory_space<hbm>>) dst(%arg8 : memref<80xi32, #tpu.memory_space<vmem>>)
      %dma_wait3A_129 = arith.constant 0 : i32
      %dma_wait3A_130 = tpu.memref_slice %arg5[%dma_wait3A_129] : memref<5120000xf32, #tpu.memory_space<hbm>> -> memref<1280xf32, #tpu.memory_space<hbm>>
      %dma_wait3A_131 = arith.constant 0 : i32
      %dma_wait3A_132 = tpu.memref_slice %arg5[%dma_wait3A_131] : memref<5120000xf32, #tpu.memory_space<hbm>> -> memref<1280xf32, #tpu.memory_space<hbm>>
      tpu.wait_dma2 semaphore(%arg25 : memref<!tpu.dma_semaphore, #tpu.memory_space<semaphore_mem>>) src(%dma_wait3A_132 : memref<1280xf32, #tpu.memory_space<hbm>>) dst(%arg22 : memref<1280xf32, #tpu.memory_space<vmem>>)
      %scan3A_133 = arith.constant 0 : i32
      %scan3A_134 = arith.constant 0 : i32
      %scan3A_135 = arith.constant 80 : i32
      %scan3A_136 = arith.addi %scan3A_134, %scan3A_135 : i32
      %scan3A_137 = arith.constant 1 : i32
      scf.for %scan3A_231 = %scan3A_134 to %scan3A_136 step %scan3A_137  : i32 {
        %mul3A_232 = arith.constant 16 : i32
        %mul3A_233 = arith.muli %scan3A_231, %mul3A_232 : i32
        %get3A = arith.index_cast %mul3A_233 : i32 to index
        %get3A_234 = tpu.vector_load %arg22[%get3A] {strides = array<i32>} : memref<1280xf32, #tpu.memory_space<vmem>>, vector<16xf32>,
        %get3A_235 = vector.shape_cast %get3A_234 : vector<16xf32> to vector<16xf32>
        %get3A_236 = arith.index_cast %scan3A_231 : i32 to index
        %get3A_237 = arith.constant 0 : index
        %get3A_238 = tpu.vector_load %arg11[%get3A_236, %get3A_237] {strides = array<i32>} : memref<80x128xf32, #tpu.memory_space<vmem>>, vector<1x16xf32>,
        %get3A_239 = vector.shape_cast %get3A_238 : vector<1x16xf32> to vector<16xf32>
        %mul3A_240 = arith.mulf %get3A_239, %get3A_235 : vector<16xf32>
        %swap3A = arith.index_cast %scan3A_231 : i32 to index
        %swap3A_241 = arith.constant 0 : index
        %swap3A_242 = tpu.vector_load %arg11[%swap3A, %swap3A_241] {strides = array<i32>} : memref<80x128xf32, #tpu.memory_space<vmem>>, vector<1x16xf32>,
        %swap3A_243 = vector.shape_cast %swap3A_242 : vector<1x16xf32> to vector<16xf32>
        %swap3A_244 = vector.shape_cast %mul3A_240 : vector<16xf32> to vector<1x16xf32>
        tpu.vector_store %arg11[%swap3A, %swap3A_241], %swap3A_244 {strides = array<i32>} : memref<80x128xf32, #tpu.memory_space<vmem>>, vector<1x16xf32>,
        %get3A_245 = arith.index_cast %scan3A_231 : i32 to index
        %get3A_246 = arith.constant 16 : index
        %get3A_247 = tpu.vector_load %arg11[%get3A_245, %get3A_246] {strides = array<i32>} : memref<80x128xf32, #tpu.memory_space<vmem>>, vector<1x16xf32>,
        %get3A_248 = vector.shape_cast %get3A_247 : vector<1x16xf32> to vector<16xf32>
        %mul3A_249 = arith.mulf %get3A_248, %get3A_235 : vector<16xf32>
        %swap3A_250 = arith.index_cast %scan3A_231 : i32 to index
        %swap3A_251 = arith.constant 16 : index
        %swap3A_252 = tpu.vector_load %arg11[%swap3A_250, %swap3A_251] {strides = array<i32>} : memref<80x128xf32, #tpu.memory_space<vmem>>, vector<1x16xf32>,
        %swap3A_253 = vector.shape_cast %swap3A_252 : vector<1x16xf32> to vector<16xf32>
        %swap3A_254 = vector.shape_cast %mul3A_249 : vector<16xf32> to vector<1x16xf32>
        tpu.vector_store %arg11[%swap3A_250, %swap3A_251], %swap3A_254 {strides = array<i32>} : memref<80x128xf32, #tpu.memory_space<vmem>>, vector<1x16xf32>,
        %get3A_255 = arith.index_cast %scan3A_231 : i32 to index
        %get3A_256 = arith.constant 32 : index
        %get3A_257 = tpu.vector_load %arg11[%get3A_255, %get3A_256] {strides = array<i32>} : memref<80x128xf32, #tpu.memory_space<vmem>>, vector<1x16xf32>,
        %get3A_258 = vector.shape_cast %get3A_257 : vector<1x16xf32> to vector<16xf32>
        %mul3A_259 = arith.mulf %get3A_258, %get3A_235 : vector<16xf32>
        %swap3A_260 = arith.index_cast %scan3A_231 : i32 to index
        %swap3A_261 = arith.constant 32 : index
        %swap3A_262 = tpu.vector_load %arg11[%swap3A_260, %swap3A_261] {strides = array<i32>} : memref<80x128xf32, #tpu.memory_space<vmem>>, vector<1x16xf32>,
        %swap3A_263 = vector.shape_cast %swap3A_262 : vector<1x16xf32> to vector<16xf32>
        %swap3A_264 = vector.shape_cast %mul3A_259 : vector<16xf32> to vector<1x16xf32>
        tpu.vector_store %arg11[%swap3A_260, %swap3A_261], %swap3A_264 {strides = array<i32>} : memref<80x128xf32, #tpu.memory_space<vmem>>, vector<1x16xf32>,
        %get3A_265 = arith.index_cast %scan3A_231 : i32 to index
        %get3A_266 = arith.constant 48 : index
        %get3A_267 = tpu.vector_load %arg11[%get3A_265, %get3A_266] {strides = array<i32>} : memref<80x128xf32, #tpu.memory_space<vmem>>, vector<1x16xf32>,
        %get3A_268 = vector.shape_cast %get3A_267 : vector<1x16xf32> to vector<16xf32>
        %mul3A_269 = arith.mulf %get3A_268, %get3A_235 : vector<16xf32>
        %swap3A_270 = arith.index_cast %scan3A_231 : i32 to index
        %swap3A_271 = arith.constant 48 : index
        %swap3A_272 = tpu.vector_load %arg11[%swap3A_270, %swap3A_271] {strides = array<i32>} : memref<80x128xf32, #tpu.memory_space<vmem>>, vector<1x16xf32>,
        %swap3A_273 = vector.shape_cast %swap3A_272 : vector<1x16xf32> to vector<16xf32>
        %swap3A_274 = vector.shape_cast %mul3A_269 : vector<16xf32> to vector<1x16xf32>
        tpu.vector_store %arg11[%swap3A_270, %swap3A_271], %swap3A_274 {strides = array<i32>} : memref<80x128xf32, #tpu.memory_space<vmem>>, vector<1x16xf32>,
        %get3A_275 = arith.index_cast %scan3A_231 : i32 to index
        %get3A_276 = arith.constant 64 : index
        %get3A_277 = tpu.vector_load %arg11[%get3A_275, %get3A_276] {strides = array<i32>} : memref<80x128xf32, #tpu.memory_space<vmem>>, vector<1x16xf32>,
        %get3A_278 = vector.shape_cast %get3A_277 : vector<1x16xf32> to vector<16xf32>
        %mul3A_279 = arith.mulf %get3A_278, %get3A_235 : vector<16xf32>
        %swap3A_280 = arith.index_cast %scan3A_231 : i32 to index
        %swap3A_281 = arith.constant 64 : index
        %swap3A_282 = tpu.vector_load %arg11[%swap3A_280, %swap3A_281] {strides = array<i32>} : memref<80x128xf32, #tpu.memory_space<vmem>>, vector<1x16xf32>,
        %swap3A_283 = vector.shape_cast %swap3A_282 : vector<1x16xf32> to vector<16xf32>
        %swap3A_284 = vector.shape_cast %mul3A_279 : vector<16xf32> to vector<1x16xf32>
        tpu.vector_store %arg11[%swap3A_280, %swap3A_281], %swap3A_284 {strides = array<i32>} : memref<80x128xf32, #tpu.memory_space<vmem>>, vector<1x16xf32>,
        %get3A_285 = arith.index_cast %scan3A_231 : i32 to index
        %get3A_286 = arith.constant 80 : index
        %get3A_287 = tpu.vector_load %arg11[%get3A_285, %get3A_286] {strides = array<i32>} : memref<80x128xf32, #tpu.memory_space<vmem>>, vector<1x16xf32>,
        %get3A_288 = vector.shape_cast %get3A_287 : vector<1x16xf32> to vector<16xf32>
        %mul3A_289 = arith.mulf %get3A_288, %get3A_235 : vector<16xf32>
        %swap3A_290 = arith.index_cast %scan3A_231 : i32 to index
        %swap3A_291 = arith.constant 80 : index
        %swap3A_292 = tpu.vector_load %arg11[%swap3A_290, %swap3A_291] {strides = array<i32>} : memref<80x128xf32, #tpu.memory_space<vmem>>, vector<1x16xf32>,
        %swap3A_293 = vector.shape_cast %swap3A_292 : vector<1x16xf32> to vector<16xf32>
        %swap3A_294 = vector.shape_cast %mul3A_289 : vector<16xf32> to vector<1x16xf32>
        tpu.vector_store %arg11[%swap3A_290, %swap3A_291], %swap3A_294 {strides = array<i32>} : memref<80x128xf32, #tpu.memory_space<vmem>>, vector<1x16xf32>,
        %get3A_295 = arith.index_cast %scan3A_231 : i32 to index
        %get3A_296 = arith.constant 96 : index
        %get3A_297 = tpu.vector_load %arg11[%get3A_295, %get3A_296] {strides = array<i32>} : memref<80x128xf32, #tpu.memory_space<vmem>>, vector<1x16xf32>,
        %get3A_298 = vector.shape_cast %get3A_297 : vector<1x16xf32> to vector<16xf32>
        %mul3A_299 = arith.mulf %get3A_298, %get3A_235 : vector<16xf32>
        %swap3A_300 = arith.index_cast %scan3A_231 : i32 to index
        %swap3A_301 = arith.constant 96 : index
        %swap3A_302 = tpu.vector_load %arg11[%swap3A_300, %swap3A_301] {strides = array<i32>} : memref<80x128xf32, #tpu.memory_space<vmem>>, vector<1x16xf32>,
        %swap3A_303 = vector.shape_cast %swap3A_302 : vector<1x16xf32> to vector<16xf32>
        %swap3A_304 = vector.shape_cast %mul3A_299 : vector<16xf32> to vector<1x16xf32>
        tpu.vector_store %arg11[%swap3A_300, %swap3A_301], %swap3A_304 {strides = array<i32>} : memref<80x128xf32, #tpu.memory_space<vmem>>, vector<1x16xf32>,
        %get3A_305 = arith.index_cast %scan3A_231 : i32 to index
        %get3A_306 = arith.constant 112 : index
        %get3A_307 = tpu.vector_load %arg11[%get3A_305, %get3A_306] {strides = array<i32>} : memref<80x128xf32, #tpu.memory_space<vmem>>, vector<1x16xf32>,
        %get3A_308 = vector.shape_cast %get3A_307 : vector<1x16xf32> to vector<16xf32>
        %mul3A_309 = arith.mulf %get3A_308, %get3A_235 : vector<16xf32>
        %swap3A_310 = arith.index_cast %scan3A_231 : i32 to index
        %swap3A_311 = arith.constant 112 : index
        %swap3A_312 = tpu.vector_load %arg11[%swap3A_310, %swap3A_311] {strides = array<i32>} : memref<80x128xf32, #tpu.memory_space<vmem>>, vector<1x16xf32>,
        %swap3A_313 = vector.shape_cast %swap3A_312 : vector<1x16xf32> to vector<16xf32>
        %swap3A_314 = vector.shape_cast %mul3A_309 : vector<16xf32> to vector<1x16xf32>
        tpu.vector_store %arg11[%swap3A_310, %swap3A_311], %swap3A_314 {strides = array<i32>} : memref<80x128xf32, #tpu.memory_space<vmem>>, vector<1x16xf32>,
      }
      %scan3A_138 = arith.constant 80 : i32
      "tpu.region"() ({
        %run_scoped3A = tpu.sem_alloc : memref<!tpu.dma_semaphore, #tpu.memory_space<semaphore_mem>>
        %dma_start3A_231 = arith.constant 0 : i32
        %dma_start3A_232 = arith.constant 0 : i32
        %dma_start3A_233 = tpu.memref_slice %arg14[%dma_start3A_231, %dma_start3A_232] : memref<10000x128xf32, #tpu.memory_space<vmem_shared>> -> memref<10000x128xf32, #tpu.memory_space<vmem_shared>>
        tpu.enqueue_indirect_dma source(%arg11 : memref<80x128xf32, #tpu.memory_space<vmem>>) target(%dma_start3A_233 : memref<10000x128xf32, #tpu.memory_space<vmem_shared>>) offsets(%arg8 : memref<80xi32, #tpu.memory_space<vmem>>) semaphore(%run_scoped3A : memref<!tpu.dma_semaphore, #tpu.memory_space<semaphore_mem>>) {add = true}
        %dma_wait3A_234 = arith.constant 0 : i32
        %dma_wait3A_235 = arith.constant 0 : i32
        %dma_wait3A_236 = tpu.memref_slice %arg14[%dma_wait3A_234, %dma_wait3A_235] : memref<10000x128xf32, #tpu.memory_space<vmem_shared>> -> memref<10000x128xf32, #tpu.memory_space<vmem_shared>>
        tpu.wait_indirect_dma semaphore(%run_scoped3A : memref<!tpu.dma_semaphore, #tpu.memory_space<semaphore_mem>>) src(%arg11 : memref<80x128xf32, #tpu.memory_space<vmem>>) dst(%dma_wait3A_236 : memref<10000x128xf32, #tpu.memory_space<vmem_shared>>)
        tpu.yield
      }) : () -> ()
      %mul3A_139 = arith.constant 3 : i32
      %mul3A_140 = arith.muli %mul3A_139, %scan3A_93 : i32
      %add3A_141 = arith.constant 1 : i32
      %add3A_142 = arith.addi %mul3A_140, %add3A_141 : i32
      %add3A_143 = arith.constant 3 : i32
      %add3A_144 = arith.addi %add3A_142, %add3A_143 : i32
      %sub3A_145 = arith.constant 1 : i32
      %sub3A_146 = arith.subi %add3A_144, %sub3A_145 : i32
      %mul3A_147 = arith.constant 80 : i32
      %mul3A_148 = arith.muli %sub3A_146, %mul3A_147 : i32
      %add3A_149 = arith.addi %mul3A_2, %mul3A_148 : i32
      %dma_start3A_150 = tpu.memref_slice %arg4[%add3A_149] : memref<320000xi32, #tpu.memory_space<hbm>> -> memref<80xi32, #tpu.memory_space<hbm>>
      %dma_start3A_151 = tpu.memref_slice %arg4[%add3A_149] : memref<320000xi32, #tpu.memory_space<hbm>> -> memref<80xi32, #tpu.memory_space<hbm>>
      tpu.enqueue_dma source(%dma_start3A_151 : memref<80xi32, #tpu.memory_space<hbm>>) target(%arg8 : memref<80xi32, #tpu.memory_space<vmem>>) target_semaphore(%arg18 : memref<!tpu.dma_semaphore, #tpu.memory_space<semaphore_mem>>)
      %mul3A_152 = arith.constant 80 : i32
      %mul3A_153 = arith.muli %sub3A_146, %mul3A_152 : i32
      %dma_start3A_154 = tpu.memref_slice %arg21[%mul3A_153] : memref<10000xi32, #tpu.memory_space<vmem>> -> memref<80xi32, #tpu.memory_space<vmem>>
      %dma_start3A_155 = arith.constant 0 : i32
      %dma_start3A_156 = arith.constant 0 : i32
      %dma_start3A_157 = tpu.memref_slice %arg2[%dma_start3A_155, %dma_start3A_156] : memref<10000x128xf32, #tpu.memory_space<hbm>> -> memref<10000x128xf32, #tpu.memory_space<hbm>>
      tpu.enqueue_indirect_dma source(%dma_start3A_157 : memref<10000x128xf32, #tpu.memory_space<hbm>>) target(%arg11 : memref<80x128xf32, #tpu.memory_space<vmem>>) offsets(%dma_start3A_154 : memref<80xi32, #tpu.memory_space<vmem>>) semaphore(%arg15 : memref<!tpu.dma_semaphore, #tpu.memory_space<semaphore_mem>>)
      %mul3A_158 = arith.constant 80 : i32
      %mul3A_159 = arith.muli %sub3A_146, %mul3A_158 : i32
      %add3A_160 = arith.addi %mul3A_2, %mul3A_159 : i32
      %mul3A_161 = arith.constant 16 : i32
      %mul3A_162 = arith.muli %add3A_160, %mul3A_161 : i32
      %dma_start3A_163 = tpu.memref_slice %arg5[%mul3A_162] : memref<5120000xf32, #tpu.memory_space<hbm>> -> memref<1280xf32, #tpu.memory_space<hbm>>
      %dma_start3A_164 = tpu.memref_slice %arg5[%mul3A_162] : memref<5120000xf32, #tpu.memory_space<hbm>> -> memref<1280xf32, #tpu.memory_space<hbm>>
      tpu.enqueue_dma source(%dma_start3A_164 : memref<1280xf32, #tpu.memory_space<hbm>>) target(%arg22 : memref<1280xf32, #tpu.memory_space<vmem>>) target_semaphore(%arg25 : memref<!tpu.dma_semaphore, #tpu.memory_space<semaphore_mem>>)
      %dma_wait3A_165 = arith.constant 0 : i32
      %dma_wait3A_166 = arith.constant 0 : i32
      %dma_wait3A_167 = tpu.memref_slice %arg2[%dma_wait3A_165, %dma_wait3A_166] : memref<10000x128xf32, #tpu.memory_space<hbm>> -> memref<80x128xf32, #tpu.memory_space<hbm>>
      %dma_wait3A_168 = arith.constant 0 : i32
      %dma_wait3A_169 = arith.constant 0 : i32
      %dma_wait3A_170 = tpu.memref_slice %arg2[%dma_wait3A_168, %dma_wait3A_169] : memref<10000x128xf32, #tpu.memory_space<hbm>> -> memref<80x128xf32, #tpu.memory_space<hbm>>
      tpu.wait_dma2 semaphore(%arg16 : memref<!tpu.dma_semaphore, #tpu.memory_space<semaphore_mem>>) src(%dma_wait3A_170 : memref<80x128xf32, #tpu.memory_space<hbm>>) dst(%arg12 : memref<80x128xf32, #tpu.memory_space<vmem>>)
      %dma_wait3A_171 = arith.constant 0 : i32
      %dma_wait3A_172 = tpu.memref_slice %arg4[%dma_wait3A_171] : memref<320000xi32, #tpu.memory_space<hbm>> -> memref<80xi32, #tpu.memory_space<hbm>>
      %dma_wait3A_173 = arith.constant 0 : i32
      %dma_wait3A_174 = tpu.memref_slice %arg4[%dma_wait3A_173] : memref<320000xi32, #tpu.memory_space<hbm>> -> memref<80xi32, #tpu.memory_space<hbm>>
      tpu.wait_dma2 semaphore(%arg19 : memref<!tpu.dma_semaphore, #tpu.memory_space<semaphore_mem>>) src(%dma_wait3A_174 : memref<80xi32, #tpu.memory_space<hbm>>) dst(%arg9 : memref<80xi32, #tpu.memory_space<vmem>>)
      %dma_wait3A_175 = arith.constant 0 : i32
      %dma_wait3A_176 = tpu.memref_slice %arg5[%dma_wait3A_175] : memref<5120000xf32, #tpu.memory_space<hbm>> -> memref<1280xf32, #tpu.memory_space<hbm>>
      %dma_wait3A_177 = arith.constant 0 : i32
      %dma_wait3A_178 = tpu.memref_slice %arg5[%dma_wait3A_177] : memref<5120000xf32, #tpu.memory_space<hbm>> -> memref<1280xf32, #tpu.memory_space<hbm>>
      tpu.wait_dma2 semaphore(%arg26 : memref<!tpu.dma_semaphore, #tpu.memory_space<semaphore_mem>>) src(%dma_wait3A_178 : memref<1280xf32, #tpu.memory_space<hbm>>) dst(%arg23 : memref<1280xf32, #tpu.memory_space<vmem>>)
      %scan3A_179 = arith.constant 0 : i32
      %scan3A_180 = arith.constant 0 : i32
      %scan3A_181 = arith.constant 80 : i32
      %scan3A_182 = arith.addi %scan3A_180, %scan3A_181 : i32
      %scan3A_183 = arith.constant 1 : i32
      scf.for %scan3A_231 = %scan3A_180 to %scan3A_182 step %scan3A_183  : i32 {
        %mul3A_232 = arith.constant 16 : i32
        %mul3A_233 = arith.muli %scan3A_231, %mul3A_232 : i32
        %get3A = arith.index_cast %mul3A_233 : i32 to index
        %get3A_234 = tpu.vector_load %arg23[%get3A] {strides = array<i32>} : memref<1280xf32, #tpu.memory_space<vmem>>, vector<16xf32>,
        %get3A_235 = vector.shape_cast %get3A_234 : vector<16xf32> to vector<16xf32>
        %get3A_236 = arith.index_cast %scan3A_231 : i32 to index
        %get3A_237 = arith.constant 0 : index
        %get3A_238 = tpu.vector_load %arg12[%get3A_236, %get3A_237] {strides = array<i32>} : memref<80x128xf32, #tpu.memory_space<vmem>>, vector<1x16xf32>,
        %get3A_239 = vector.shape_cast %get3A_238 : vector<1x16xf32> to vector<16xf32>
        %mul3A_240 = arith.mulf %get3A_239, %get3A_235 : vector<16xf32>
        %swap3A = arith.index_cast %scan3A_231 : i32 to index
        %swap3A_241 = arith.constant 0 : index
        %swap3A_242 = tpu.vector_load %arg12[%swap3A, %swap3A_241] {strides = array<i32>} : memref<80x128xf32, #tpu.memory_space<vmem>>, vector<1x16xf32>,
        %swap3A_243 = vector.shape_cast %swap3A_242 : vector<1x16xf32> to vector<16xf32>
        %swap3A_244 = vector.shape_cast %mul3A_240 : vector<16xf32> to vector<1x16xf32>
        tpu.vector_store %arg12[%swap3A, %swap3A_241], %swap3A_244 {strides = array<i32>} : memref<80x128xf32, #tpu.memory_space<vmem>>, vector<1x16xf32>,
        %get3A_245 = arith.index_cast %scan3A_231 : i32 to index
        %get3A_246 = arith.constant 16 : index
        %get3A_247 = tpu.vector_load %arg12[%get3A_245, %get3A_246] {strides = array<i32>} : memref<80x128xf32, #tpu.memory_space<vmem>>, vector<1x16xf32>,
        %get3A_248 = vector.shape_cast %get3A_247 : vector<1x16xf32> to vector<16xf32>
        %mul3A_249 = arith.mulf %get3A_248, %get3A_235 : vector<16xf32>
        %swap3A_250 = arith.index_cast %scan3A_231 : i32 to index
        %swap3A_251 = arith.constant 16 : index
        %swap3A_252 = tpu.vector_load %arg12[%swap3A_250, %swap3A_251] {strides = array<i32>} : memref<80x128xf32, #tpu.memory_space<vmem>>, vector<1x16xf32>,
        %swap3A_253 = vector.shape_cast %swap3A_252 : vector<1x16xf32> to vector<16xf32>
        %swap3A_254 = vector.shape_cast %mul3A_249 : vector<16xf32> to vector<1x16xf32>
        tpu.vector_store %arg12[%swap3A_250, %swap3A_251], %swap3A_254 {strides = array<i32>} : memref<80x128xf32, #tpu.memory_space<vmem>>, vector<1x16xf32>,
        %get3A_255 = arith.index_cast %scan3A_231 : i32 to index
        %get3A_256 = arith.constant 32 : index
        %get3A_257 = tpu.vector_load %arg12[%get3A_255, %get3A_256] {strides = array<i32>} : memref<80x128xf32, #tpu.memory_space<vmem>>, vector<1x16xf32>,
        %get3A_258 = vector.shape_cast %get3A_257 : vector<1x16xf32> to vector<16xf32>
        %mul3A_259 = arith.mulf %get3A_258, %get3A_235 : vector<16xf32>
        %swap3A_260 = arith.index_cast %scan3A_231 : i32 to index
        %swap3A_261 = arith.constant 32 : index
        %swap3A_262 = tpu.vector_load %arg12[%swap3A_260, %swap3A_261] {strides = array<i32>} : memref<80x128xf32, #tpu.memory_space<vmem>>, vector<1x16xf32>,
        %swap3A_263 = vector.shape_cast %swap3A_262 : vector<1x16xf32> to vector<16xf32>
        %swap3A_264 = vector.shape_cast %mul3A_259 : vector<16xf32> to vector<1x16xf32>
        tpu.vector_store %arg12[%swap3A_260, %swap3A_261], %swap3A_264 {strides = array<i32>} : memref<80x128xf32, #tpu.memory_space<vmem>>, vector<1x16xf32>,
        %get3A_265 = arith.index_cast %scan3A_231 : i32 to index
        %get3A_266 = arith.constant 48 : index
        %get3A_267 = tpu.vector_load %arg12[%get3A_265, %get3A_266] {strides = array<i32>} : memref<80x128xf32, #tpu.memory_space<vmem>>, vector<1x16xf32>,
        %get3A_268 = vector.shape_cast %get3A_267 : vector<1x16xf32> to vector<16xf32>
        %mul3A_269 = arith.mulf %get3A_268, %get3A_235 : vector<16xf32>
        %swap3A_270 = arith.index_cast %scan3A_231 : i32 to index
        %swap3A_271 = arith.constant 48 : index
        %swap3A_272 = tpu.vector_load %arg12[%swap3A_270, %swap3A_271] {strides = array<i32>} : memref<80x128xf32, #tpu.memory_space<vmem>>, vector<1x16xf32>,
        %swap3A_273 = vector.shape_cast %swap3A_272 : vector<1x16xf32> to vector<16xf32>
        %swap3A_274 = vector.shape_cast %mul3A_269 : vector<16xf32> to vector<1x16xf32>
        tpu.vector_store %arg12[%swap3A_270, %swap3A_271], %swap3A_274 {strides = array<i32>} : memref<80x128xf32, #tpu.memory_space<vmem>>, vector<1x16xf32>,
        %get3A_275 = arith.index_cast %scan3A_231 : i32 to index
        %get3A_276 = arith.constant 64 : index
        %get3A_277 = tpu.vector_load %arg12[%get3A_275, %get3A_276] {strides = array<i32>} : memref<80x128xf32, #tpu.memory_space<vmem>>, vector<1x16xf32>,
        %get3A_278 = vector.shape_cast %get3A_277 : vector<1x16xf32> to vector<16xf32>
        %mul3A_279 = arith.mulf %get3A_278, %get3A_235 : vector<16xf32>
        %swap3A_280 = arith.index_cast %scan3A_231 : i32 to index
        %swap3A_281 = arith.constant 64 : index
        %swap3A_282 = tpu.vector_load %arg12[%swap3A_280, %swap3A_281] {strides = array<i32>} : memref<80x128xf32, #tpu.memory_space<vmem>>, vector<1x16xf32>,
        %swap3A_283 = vector.shape_cast %swap3A_282 : vector<1x16xf32> to vector<16xf32>
        %swap3A_284 = vector.shape_cast %mul3A_279 : vector<16xf32> to vector<1x16xf32>
        tpu.vector_store %arg12[%swap3A_280, %swap3A_281], %swap3A_284 {strides = array<i32>} : memref<80x128xf32, #tpu.memory_space<vmem>>, vector<1x16xf32>,
        %get3A_285 = arith.index_cast %scan3A_231 : i32 to index
        %get3A_286 = arith.constant 80 : index
        %get3A_287 = tpu.vector_load %arg12[%get3A_285, %get3A_286] {strides = array<i32>} : memref<80x128xf32, #tpu.memory_space<vmem>>, vector<1x16xf32>,
        %get3A_288 = vector.shape_cast %get3A_287 : vector<1x16xf32> to vector<16xf32>
        %mul3A_289 = arith.mulf %get3A_288, %get3A_235 : vector<16xf32>
        %swap3A_290 = arith.index_cast %scan3A_231 : i32 to index
        %swap3A_291 = arith.constant 80 : index
        %swap3A_292 = tpu.vector_load %arg12[%swap3A_290, %swap3A_291] {strides = array<i32>} : memref<80x128xf32, #tpu.memory_space<vmem>>, vector<1x16xf32>,
        %swap3A_293 = vector.shape_cast %swap3A_292 : vector<1x16xf32> to vector<16xf32>
        %swap3A_294 = vector.shape_cast %mul3A_289 : vector<16xf32> to vector<1x16xf32>
        tpu.vector_store %arg12[%swap3A_290, %swap3A_291], %swap3A_294 {strides = array<i32>} : memref<80x128xf32, #tpu.memory_space<vmem>>, vector<1x16xf32>,
        %get3A_295 = arith.index_cast %scan3A_231 : i32 to index
        %get3A_296 = arith.constant 96 : index
        %get3A_297 = tpu.vector_load %arg12[%get3A_295, %get3A_296] {strides = array<i32>} : memref<80x128xf32, #tpu.memory_space<vmem>>, vector<1x16xf32>,
        %get3A_298 = vector.shape_cast %get3A_297 : vector<1x16xf32> to vector<16xf32>
        %mul3A_299 = arith.mulf %get3A_298, %get3A_235 : vector<16xf32>
        %swap3A_300 = arith.index_cast %scan3A_231 : i32 to index
        %swap3A_301 = arith.constant 96 : index
        %swap3A_302 = tpu.vector_load %arg12[%swap3A_300, %swap3A_301] {strides = array<i32>} : memref<80x128xf32, #tpu.memory_space<vmem>>, vector<1x16xf32>,
        %swap3A_303 = vector.shape_cast %swap3A_302 : vector<1x16xf32> to vector<16xf32>
        %swap3A_304 = vector.shape_cast %mul3A_299 : vector<16xf32> to vector<1x16xf32>
        tpu.vector_store %arg12[%swap3A_300, %swap3A_301], %swap3A_304 {strides = array<i32>} : memref<80x128xf32, #tpu.memory_space<vmem>>, vector<1x16xf32>,
        %get3A_305 = arith.index_cast %scan3A_231 : i32 to index
        %get3A_306 = arith.constant 112 : index
        %get3A_307 = tpu.vector_load %arg12[%get3A_305, %get3A_306] {strides = array<i32>} : memref<80x128xf32, #tpu.memory_space<vmem>>, vector<1x16xf32>,
        %get3A_308 = vector.shape_cast %get3A_307 : vector<1x16xf32> to vector<16xf32>
        %mul3A_309 = arith.mulf %get3A_308, %get3A_235 : vector<16xf32>
        %swap3A_310 = arith.index_cast %scan3A_231 : i32 to index
        %swap3A_311 = arith.constant 112 : index
        %swap3A_312 = tpu.vector_load %arg12[%swap3A_310, %swap3A_311] {strides = array<i32>} : memref<80x128xf32, #tpu.memory_space<vmem>>, vector<1x16xf32>,
        %swap3A_313 = vector.shape_cast %swap3A_312 : vector<1x16xf32> to vector<16xf32>
        %swap3A_314 = vector.shape_cast %mul3A_309 : vector<16xf32> to vector<1x16xf32>
        tpu.vector_store %arg12[%swap3A_310, %swap3A_311], %swap3A_314 {strides = array<i32>} : memref<80x128xf32, #tpu.memory_space<vmem>>, vector<1x16xf32>,
      }
      %scan3A_184 = arith.constant 80 : i32
      "tpu.region"() ({
        %run_scoped3A = tpu.sem_alloc : memref<!tpu.dma_semaphore, #tpu.memory_space<semaphore_mem>>
        %dma_start3A_231 = arith.constant 0 : i32
        %dma_start3A_232 = arith.constant 0 : i32
        %dma_start3A_233 = tpu.memref_slice %arg14[%dma_start3A_231, %dma_start3A_232] : memref<10000x128xf32, #tpu.memory_space<vmem_shared>> -> memref<10000x128xf32, #tpu.memory_space<vmem_shared>>
        tpu.enqueue_indirect_dma source(%arg12 : memref<80x128xf32, #tpu.memory_space<vmem>>) target(%dma_start3A_233 : memref<10000x128xf32, #tpu.memory_space<vmem_shared>>) offsets(%arg9 : memref<80xi32, #tpu.memory_space<vmem>>) semaphore(%run_scoped3A : memref<!tpu.dma_semaphore, #tpu.memory_space<semaphore_mem>>) {add = true}
        %dma_wait3A_234 = arith.constant 0 : i32
        %dma_wait3A_235 = arith.constant 0 : i32
        %dma_wait3A_236 = tpu.memref_slice %arg14[%dma_wait3A_234, %dma_wait3A_235] : memref<10000x128xf32, #tpu.memory_space<vmem_shared>> -> memref<10000x128xf32, #tpu.memory_space<vmem_shared>>
        tpu.wait_indirect_dma semaphore(%run_scoped3A : memref<!tpu.dma_semaphore, #tpu.memory_space<semaphore_mem>>) src(%arg12 : memref<80x128xf32, #tpu.memory_space<vmem>>) dst(%dma_wait3A_236 : memref<10000x128xf32, #tpu.memory_space<vmem_shared>>)
        tpu.yield
      }) : () -> ()
      %mul3A_185 = arith.constant 3 : i32
      %mul3A_186 = arith.muli %mul3A_185, %scan3A_93 : i32
      %add3A_187 = arith.constant 2 : i32
      %add3A_188 = arith.addi %mul3A_186, %add3A_187 : i32
      %add3A_189 = arith.constant 3 : i32
      %add3A_190 = arith.addi %add3A_188, %add3A_189 : i32
      %sub3A_191 = arith.constant 1 : i32
      %sub3A_192 = arith.subi %add3A_190, %sub3A_191 : i32
      %mul3A_193 = arith.constant 80 : i32
      %mul3A_194 = arith.muli %sub3A_192, %mul3A_193 : i32
      %add3A_195 = arith.addi %mul3A_2, %mul3A_194 : i32
      %dma_start3A_196 = tpu.memref_slice %arg4[%add3A_195] : memref<320000xi32, #tpu.memory_space<hbm>> -> memref<80xi32, #tpu.memory_space<hbm>>
      %dma_start3A_197 = tpu.memref_slice %arg4[%add3A_195] : memref<320000xi32, #tpu.memory_space<hbm>> -> memref<80xi32, #tpu.memory_space<hbm>>
      tpu.enqueue_dma source(%dma_start3A_197 : memref<80xi32, #tpu.memory_space<hbm>>) target(%arg9 : memref<80xi32, #tpu.memory_space<vmem>>) target_semaphore(%arg19 : memref<!tpu.dma_semaphore, #tpu.memory_space<semaphore_mem>>)
      %mul3A_198 = arith.constant 80 : i32
      %mul3A_199 = arith.muli %sub3A_192, %mul3A_198 : i32
      %dma_start3A_200 = tpu.memref_slice %arg21[%mul3A_199] : memref<10000xi32, #tpu.memory_space<vmem>> -> memref<80xi32, #tpu.memory_space<vmem>>
      %dma_start3A_201 = arith.constant 0 : i32
      %dma_start3A_202 = arith.constant 0 : i32
      %dma_start3A_203 = tpu.memref_slice %arg2[%dma_start3A_201, %dma_start3A_202] : memref<10000x128xf32, #tpu.memory_space<hbm>> -> memref<10000x128xf32, #tpu.memory_space<hbm>>
      tpu.enqueue_indirect_dma source(%dma_start3A_203 : memref<10000x128xf32, #tpu.memory_space<hbm>>) target(%arg12 : memref<80x128xf32, #tpu.memory_space<vmem>>) offsets(%dma_start3A_200 : memref<80xi32, #tpu.memory_space<vmem>>) semaphore(%arg16 : memref<!tpu.dma_semaphore, #tpu.memory_space<semaphore_mem>>)
      %mul3A_204 = arith.constant 80 : i32
      %mul3A_205 = arith.muli %sub3A_192, %mul3A_204 : i32
      %add3A_206 = arith.addi %mul3A_2, %mul3A_205 : i32
      %mul3A_207 = arith.constant 16 : i32
      %mul3A_208 = arith.muli %add3A_206, %mul3A_207 : i32
      %dma_start3A_209 = tpu.memref_slice %arg5[%mul3A_208] : memref<5120000xf32, #tpu.memory_space<hbm>> -> memref<1280xf32, #tpu.memory_space<hbm>>
      %dma_start3A_210 = tpu.memref_slice %arg5[%mul3A_208] : memref<5120000xf32, #tpu.memory_space<hbm>> -> memref<1280xf32, #tpu.memory_space<hbm>>
      tpu.enqueue_dma source(%dma_start3A_210 : memref<1280xf32, #tpu.memory_space<hbm>>) target(%arg23 : memref<1280xf32, #tpu.memory_space<vmem>>) target_semaphore(%arg26 : memref<!tpu.dma_semaphore, #tpu.memory_space<semaphore_mem>>)
      %dma_wait3A_211 = arith.constant 0 : i32
      %dma_wait3A_212 = arith.constant 0 : i32
      %dma_wait3A_213 = tpu.memref_slice %arg2[%dma_wait3A_211, %dma_wait3A_212] : memref<10000x128xf32, #tpu.memory_space<hbm>> -> memref<80x128xf32, #tpu.memory_space<hbm>>
      %dma_wait3A_214 = arith.constant 0 : i32
      %dma_wait3A_215 = arith.constant 0 : i32
      %dma_wait3A_216 = tpu.memref_slice %arg2[%dma_wait3A_214, %dma_wait3A_215] : memref<10000x128xf32, #tpu.memory_space<hbm>> -> memref<80x128xf32, #tpu.memory_space<hbm>>
      tpu.wait_dma2 semaphore(%arg17 : memref<!tpu.dma_semaphore, #tpu.memory_space<semaphore_mem>>) src(%dma_wait3A_216 : memref<80x128xf32, #tpu.memory_space<hbm>>) dst(%arg13 : memref<80x128xf32, #tpu.memory_space<vmem>>)
      %dma_wait3A_217 = arith.constant 0 : i32
      %dma_wait3A_218 = tpu.memref_slice %arg4[%dma_wait3A_217] : memref<320000xi32, #tpu.memory_space<hbm>> -> memref<80xi32, #tpu.memory_space<hbm>>
      %dma_wait3A_219 = arith.constant 0 : i32
      %dma_wait3A_220 = tpu.memref_slice %arg4[%dma_wait3A_219] : memref<320000xi32, #tpu.memory_space<hbm>> -> memref<80xi32, #tpu.memory_space<hbm>>
      tpu.wait_dma2 semaphore(%arg20 : memref<!tpu.dma_semaphore, #tpu.memory_space<semaphore_mem>>) src(%dma_wait3A_220 : memref<80xi32, #tpu.memory_space<hbm>>) dst(%arg10 : memref<80xi32, #tpu.memory_space<vmem>>)
      %dma_wait3A_221 = arith.constant 0 : i32
      %dma_wait3A_222 = tpu.memref_slice %arg5[%dma_wait3A_221] : memref<5120000xf32, #tpu.memory_space<hbm>> -> memref<1280xf32, #tpu.memory_space<hbm>>
      %dma_wait3A_223 = arith.constant 0 : i32
      %dma_wait3A_224 = tpu.memref_slice %arg5[%dma_wait3A_223] : memref<5120000xf32, #tpu.memory_space<hbm>> -> memref<1280xf32, #tpu.memory_space<hbm>>
      tpu.wait_dma2 semaphore(%arg27 : memref<!tpu.dma_semaphore, #tpu.memory_space<semaphore_mem>>) src(%dma_wait3A_224 : memref<1280xf32, #tpu.memory_space<hbm>>) dst(%arg24 : memref<1280xf32, #tpu.memory_space<vmem>>)
      %scan3A_225 = arith.constant 0 : i32
      %scan3A_226 = arith.constant 0 : i32
      %scan3A_227 = arith.constant 80 : i32
      %scan3A_228 = arith.addi %scan3A_226, %scan3A_227 : i32
      %scan3A_229 = arith.constant 1 : i32
      scf.for %scan3A_231 = %scan3A_226 to %scan3A_228 step %scan3A_229  : i32 {
        %mul3A_232 = arith.constant 16 : i32
        %mul3A_233 = arith.muli %scan3A_231, %mul3A_232 : i32
        %get3A = arith.index_cast %mul3A_233 : i32 to index
        %get3A_234 = tpu.vector_load %arg24[%get3A] {strides = array<i32>} : memref<1280xf32, #tpu.memory_space<vmem>>, vector<16xf32>,
        %get3A_235 = vector.shape_cast %get3A_234 : vector<16xf32> to vector<16xf32>
        %get3A_236 = arith.index_cast %scan3A_231 : i32 to index
        %get3A_237 = arith.constant 0 : index
        %get3A_238 = tpu.vector_load %arg13[%get3A_236, %get3A_237] {strides = array<i32>} : memref<80x128xf32, #tpu.memory_space<vmem>>, vector<1x16xf32>,
        %get3A_239 = vector.shape_cast %get3A_238 : vector<1x16xf32> to vector<16xf32>
        %mul3A_240 = arith.mulf %get3A_239, %get3A_235 : vector<16xf32>
        %swap3A = arith.index_cast %scan3A_231 : i32 to index
        %swap3A_241 = arith.constant 0 : index
        %swap3A_242 = tpu.vector_load %arg13[%swap3A, %swap3A_241] {strides = array<i32>} : memref<80x128xf32, #tpu.memory_space<vmem>>, vector<1x16xf32>,
        %swap3A_243 = vector.shape_cast %swap3A_242 : vector<1x16xf32> to vector<16xf32>
        %swap3A_244 = vector.shape_cast %mul3A_240 : vector<16xf32> to vector<1x16xf32>
        tpu.vector_store %arg13[%swap3A, %swap3A_241], %swap3A_244 {strides = array<i32>} : memref<80x128xf32, #tpu.memory_space<vmem>>, vector<1x16xf32>,
        %get3A_245 = arith.index_cast %scan3A_231 : i32 to index
        %get3A_246 = arith.constant 16 : index
        %get3A_247 = tpu.vector_load %arg13[%get3A_245, %get3A_246] {strides = array<i32>} : memref<80x128xf32, #tpu.memory_space<vmem>>, vector<1x16xf32>,
        %get3A_248 = vector.shape_cast %get3A_247 : vector<1x16xf32> to vector<16xf32>
        %mul3A_249 = arith.mulf %get3A_248, %get3A_235 : vector<16xf32>
        %swap3A_250 = arith.index_cast %scan3A_231 : i32 to index
        %swap3A_251 = arith.constant 16 : index
        %swap3A_252 = tpu.vector_load %arg13[%swap3A_250, %swap3A_251] {strides = array<i32>} : memref<80x128xf32, #tpu.memory_space<vmem>>, vector<1x16xf32>,
        %swap3A_253 = vector.shape_cast %swap3A_252 : vector<1x16xf32> to vector<16xf32>
        %swap3A_254 = vector.shape_cast %mul3A_249 : vector<16xf32> to vector<1x16xf32>
        tpu.vector_store %arg13[%swap3A_250, %swap3A_251], %swap3A_254 {strides = array<i32>} : memref<80x128xf32, #tpu.memory_space<vmem>>, vector<1x16xf32>,
        %get3A_255 = arith.index_cast %scan3A_231 : i32 to index
        %get3A_256 = arith.constant 32 : index
        %get3A_257 = tpu.vector_load %arg13[%get3A_255, %get3A_256] {strides = array<i32>} : memref<80x128xf32, #tpu.memory_space<vmem>>, vector<1x16xf32>,
        %get3A_258 = vector.shape_cast %get3A_257 : vector<1x16xf32> to vector<16xf32>
        %mul3A_259 = arith.mulf %get3A_258, %get3A_235 : vector<16xf32>
        %swap3A_260 = arith.index_cast %scan3A_231 : i32 to index
        %swap3A_261 = arith.constant 32 : index
        %swap3A_262 = tpu.vector_load %arg13[%swap3A_260, %swap3A_261] {strides = array<i32>} : memref<80x128xf32, #tpu.memory_space<vmem>>, vector<1x16xf32>,
        %swap3A_263 = vector.shape_cast %swap3A_262 : vector<1x16xf32> to vector<16xf32>
        %swap3A_264 = vector.shape_cast %mul3A_259 : vector<16xf32> to vector<1x16xf32>
        tpu.vector_store %arg13[%swap3A_260, %swap3A_261], %swap3A_264 {strides = array<i32>} : memref<80x128xf32, #tpu.memory_space<vmem>>, vector<1x16xf32>,
        %get3A_265 = arith.index_cast %scan3A_231 : i32 to index
        %get3A_266 = arith.constant 48 : index
        %get3A_267 = tpu.vector_load %arg13[%get3A_265, %get3A_266] {strides = array<i32>} : memref<80x128xf32, #tpu.memory_space<vmem>>, vector<1x16xf32>,
        %get3A_268 = vector.shape_cast %get3A_267 : vector<1x16xf32> to vector<16xf32>
        %mul3A_269 = arith.mulf %get3A_268, %get3A_235 : vector<16xf32>
        %swap3A_270 = arith.index_cast %scan3A_231 : i32 to index
        %swap3A_271 = arith.constant 48 : index
        %swap3A_272 = tpu.vector_load %arg13[%swap3A_270, %swap3A_271] {strides = array<i32>} : memref<80x128xf32, #tpu.memory_space<vmem>>, vector<1x16xf32>,
        %swap3A_273 = vector.shape_cast %swap3A_272 : vector<1x16xf32> to vector<16xf32>
        %swap3A_274 = vector.shape_cast %mul3A_269 : vector<16xf32> to vector<1x16xf32>
        tpu.vector_store %arg13[%swap3A_270, %swap3A_271], %swap3A_274 {strides = array<i32>} : memref<80x128xf32, #tpu.memory_space<vmem>>, vector<1x16xf32>,
        %get3A_275 = arith.index_cast %scan3A_231 : i32 to index
        %get3A_276 = arith.constant 64 : index
        %get3A_277 = tpu.vector_load %arg13[%get3A_275, %get3A_276] {strides = array<i32>} : memref<80x128xf32, #tpu.memory_space<vmem>>, vector<1x16xf32>,
        %get3A_278 = vector.shape_cast %get3A_277 : vector<1x16xf32> to vector<16xf32>
        %mul3A_279 = arith.mulf %get3A_278, %get3A_235 : vector<16xf32>
        %swap3A_280 = arith.index_cast %scan3A_231 : i32 to index
        %swap3A_281 = arith.constant 64 : index
        %swap3A_282 = tpu.vector_load %arg13[%swap3A_280, %swap3A_281] {strides = array<i32>} : memref<80x128xf32, #tpu.memory_space<vmem>>, vector<1x16xf32>,
        %swap3A_283 = vector.shape_cast %swap3A_282 : vector<1x16xf32> to vector<16xf32>
        %swap3A_284 = vector.shape_cast %mul3A_279 : vector<16xf32> to vector<1x16xf32>
        tpu.vector_store %arg13[%swap3A_280, %swap3A_281], %swap3A_284 {strides = array<i32>} : memref<80x128xf32, #tpu.memory_space<vmem>>, vector<1x16xf32>,
        %get3A_285 = arith.index_cast %scan3A_231 : i32 to index
        %get3A_286 = arith.constant 80 : index
        %get3A_287 = tpu.vector_load %arg13[%get3A_285, %get3A_286] {strides = array<i32>} : memref<80x128xf32, #tpu.memory_space<vmem>>, vector<1x16xf32>,
        %get3A_288 = vector.shape_cast %get3A_287 : vector<1x16xf32> to vector<16xf32>
        %mul3A_289 = arith.mulf %get3A_288, %get3A_235 : vector<16xf32>
        %swap3A_290 = arith.index_cast %scan3A_231 : i32 to index
        %swap3A_291 = arith.constant 80 : index
        %swap3A_292 = tpu.vector_load %arg13[%swap3A_290, %swap3A_291] {strides = array<i32>} : memref<80x128xf32, #tpu.memory_space<vmem>>, vector<1x16xf32>,
        %swap3A_293 = vector.shape_cast %swap3A_292 : vector<1x16xf32> to vector<16xf32>
        %swap3A_294 = vector.shape_cast %mul3A_289 : vector<16xf32> to vector<1x16xf32>
        tpu.vector_store %arg13[%swap3A_290, %swap3A_291], %swap3A_294 {strides = array<i32>} : memref<80x128xf32, #tpu.memory_space<vmem>>, vector<1x16xf32>,
        %get3A_295 = arith.index_cast %scan3A_231 : i32 to index
        %get3A_296 = arith.constant 96 : index
        %get3A_297 = tpu.vector_load %arg13[%get3A_295, %get3A_296] {strides = array<i32>} : memref<80x128xf32, #tpu.memory_space<vmem>>, vector<1x16xf32>,
        %get3A_298 = vector.shape_cast %get3A_297 : vector<1x16xf32> to vector<16xf32>
        %mul3A_299 = arith.mulf %get3A_298, %get3A_235 : vector<16xf32>
        %swap3A_300 = arith.index_cast %scan3A_231 : i32 to index
        %swap3A_301 = arith.constant 96 : index
        %swap3A_302 = tpu.vector_load %arg13[%swap3A_300, %swap3A_301] {strides = array<i32>} : memref<80x128xf32, #tpu.memory_space<vmem>>, vector<1x16xf32>,
        %swap3A_303 = vector.shape_cast %swap3A_302 : vector<1x16xf32> to vector<16xf32>
        %swap3A_304 = vector.shape_cast %mul3A_299 : vector<16xf32> to vector<1x16xf32>
        tpu.vector_store %arg13[%swap3A_300, %swap3A_301], %swap3A_304 {strides = array<i32>} : memref<80x128xf32, #tpu.memory_space<vmem>>, vector<1x16xf32>,
        %get3A_305 = arith.index_cast %scan3A_231 : i32 to index
        %get3A_306 = arith.constant 112 : index
        %get3A_307 = tpu.vector_load %arg13[%get3A_305, %get3A_306] {strides = array<i32>} : memref<80x128xf32, #tpu.memory_space<vmem>>, vector<1x16xf32>,
        %get3A_308 = vector.shape_cast %get3A_307 : vector<1x16xf32> to vector<16xf32>
        %mul3A_309 = arith.mulf %get3A_308, %get3A_235 : vector<16xf32>
        %swap3A_310 = arith.index_cast %scan3A_231 : i32 to index
        %swap3A_311 = arith.constant 112 : index
        %swap3A_312 = tpu.vector_load %arg13[%swap3A_310, %swap3A_311] {strides = array<i32>} : memref<80x128xf32, #tpu.memory_space<vmem>>, vector<1x16xf32>,
        %swap3A_313 = vector.shape_cast %swap3A_312 : vector<1x16xf32> to vector<16xf32>
        %swap3A_314 = vector.shape_cast %mul3A_309 : vector<16xf32> to vector<1x16xf32>
        tpu.vector_store %arg13[%swap3A_310, %swap3A_311], %swap3A_314 {strides = array<i32>} : memref<80x128xf32, #tpu.memory_space<vmem>>, vector<1x16xf32>,
      }
      %scan3A_230 = arith.constant 80 : i32
      "tpu.region"() ({
        %run_scoped3A = tpu.sem_alloc : memref<!tpu.dma_semaphore, #tpu.memory_space<semaphore_mem>>
        %dma_start3A_231 = arith.constant 0 : i32
        %dma_start3A_232 = arith.constant 0 : i32
        %dma_start3A_233 = tpu.memref_slice %arg14[%dma_start3A_231, %dma_start3A_232] : memref<10000x128xf32, #tpu.memory_space<vmem_shared>> -> memref<10000x128xf32, #tpu.memory_space<vmem_shared>>
        tpu.enqueue_indirect_dma source(%arg13 : memref<80x128xf32, #tpu.memory_space<vmem>>) target(%dma_start3A_233 : memref<10000x128xf32, #tpu.memory_space<vmem_shared>>) offsets(%arg10 : memref<80xi32, #tpu.memory_space<vmem>>) semaphore(%run_scoped3A : memref<!tpu.dma_semaphore, #tpu.memory_space<semaphore_mem>>) {add = true}
        %dma_wait3A_234 = arith.constant 0 : i32
        %dma_wait3A_235 = arith.constant 0 : i32
        %dma_wait3A_236 = tpu.memref_slice %arg14[%dma_wait3A_234, %dma_wait3A_235] : memref<10000x128xf32, #tpu.memory_space<vmem_shared>> -> memref<10000x128xf32, #tpu.memory_space<vmem_shared>>
        tpu.wait_indirect_dma semaphore(%run_scoped3A : memref<!tpu.dma_semaphore, #tpu.memory_space<semaphore_mem>>) src(%arg13 : memref<80x128xf32, #tpu.memory_space<vmem>>) dst(%dma_wait3A_236 : memref<10000x128xf32, #tpu.memory_space<vmem_shared>>)
        tpu.yield
      }) : () -> ()
    }
    %scan3A_42 = arith.constant 41 : i32
    %dma_wait3A = arith.constant 0 : i32
    %dma_wait3A_43 = arith.constant 0 : i32
    %dma_wait3A_44 = tpu.memref_slice %arg2[%dma_wait3A, %dma_wait3A_43] : memref<10000x128xf32, #tpu.memory_space<hbm>> -> memref<80x128xf32, #tpu.memory_space<hbm>>
    %dma_wait3A_45 = arith.constant 0 : i32
    %dma_wait3A_46 = arith.constant 0 : i32
    %dma_wait3A_47 = tpu.memref_slice %arg2[%dma_wait3A_45, %dma_wait3A_46] : memref<10000x128xf32, #tpu.memory_space<hbm>> -> memref<80x128xf32, #tpu.memory_space<hbm>>
    tpu.wait_dma2 semaphore(%arg15 : memref<!tpu.dma_semaphore, #tpu.memory_space<semaphore_mem>>) src(%dma_wait3A_47 : memref<80x128xf32, #tpu.memory_space<hbm>>) dst(%arg11 : memref<80x128xf32, #tpu.memory_space<vmem>>)
    %dma_wait3A_48 = arith.constant 0 : i32
    %dma_wait3A_49 = tpu.memref_slice %arg4[%dma_wait3A_48] : memref<320000xi32, #tpu.memory_space<hbm>> -> memref<80xi32, #tpu.memory_space<hbm>>
    %dma_wait3A_50 = arith.constant 0 : i32
    %dma_wait3A_51 = tpu.memref_slice %arg4[%dma_wait3A_50] : memref<320000xi32, #tpu.memory_space<hbm>> -> memref<80xi32, #tpu.memory_space<hbm>>
    tpu.wait_dma2 semaphore(%arg18 : memref<!tpu.dma_semaphore, #tpu.memory_space<semaphore_mem>>) src(%dma_wait3A_51 : memref<80xi32, #tpu.memory_space<hbm>>) dst(%arg8 : memref<80xi32, #tpu.memory_space<vmem>>)
    %dma_wait3A_52 = arith.constant 0 : i32
    %dma_wait3A_53 = tpu.memref_slice %arg5[%dma_wait3A_52] : memref<5120000xf32, #tpu.memory_space<hbm>> -> memref<1280xf32, #tpu.memory_space<hbm>>
    %dma_wait3A_54 = arith.constant 0 : i32
    %dma_wait3A_55 = tpu.memref_slice %arg5[%dma_wait3A_54] : memref<5120000xf32, #tpu.memory_space<hbm>> -> memref<1280xf32, #tpu.memory_space<hbm>>
    tpu.wait_dma2 semaphore(%arg25 : memref<!tpu.dma_semaphore, #tpu.memory_space<semaphore_mem>>) src(%dma_wait3A_55 : memref<1280xf32, #tpu.memory_space<hbm>>) dst(%arg22 : memref<1280xf32, #tpu.memory_space<vmem>>)
    %scan3A_56 = arith.constant 0 : i32
    %scan3A_57 = arith.constant 0 : i32
    %scan3A_58 = arith.constant 80 : i32
    %scan3A_59 = arith.addi %scan3A_57, %scan3A_58 : i32
    %scan3A_60 = arith.constant 1 : i32
    scf.for %scan3A_93 = %scan3A_57 to %scan3A_59 step %scan3A_60  : i32 {
      %mul3A_94 = arith.constant 16 : i32
      %mul3A_95 = arith.muli %scan3A_93, %mul3A_94 : i32
      %get3A = arith.index_cast %mul3A_95 : i32 to index
      %get3A_96 = tpu.vector_load %arg22[%get3A] {strides = array<i32>} : memref<1280xf32, #tpu.memory_space<vmem>>, vector<16xf32>,
      %get3A_97 = vector.shape_cast %get3A_96 : vector<16xf32> to vector<16xf32>
      %get3A_98 = arith.index_cast %scan3A_93 : i32 to index
      %get3A_99 = arith.constant 0 : index
      %get3A_100 = tpu.vector_load %arg11[%get3A_98, %get3A_99] {strides = array<i32>} : memref<80x128xf32, #tpu.memory_space<vmem>>, vector<1x16xf32>,
      %get3A_101 = vector.shape_cast %get3A_100 : vector<1x16xf32> to vector<16xf32>
      %mul3A_102 = arith.mulf %get3A_101, %get3A_97 : vector<16xf32>
      %swap3A = arith.index_cast %scan3A_93 : i32 to index
      %swap3A_103 = arith.constant 0 : index
      %swap3A_104 = tpu.vector_load %arg11[%swap3A, %swap3A_103] {strides = array<i32>} : memref<80x128xf32, #tpu.memory_space<vmem>>, vector<1x16xf32>,
      %swap3A_105 = vector.shape_cast %swap3A_104 : vector<1x16xf32> to vector<16xf32>
      %swap3A_106 = vector.shape_cast %mul3A_102 : vector<16xf32> to vector<1x16xf32>
      tpu.vector_store %arg11[%swap3A, %swap3A_103], %swap3A_106 {strides = array<i32>} : memref<80x128xf32, #tpu.memory_space<vmem>>, vector<1x16xf32>,
      %get3A_107 = arith.index_cast %scan3A_93 : i32 to index
      %get3A_108 = arith.constant 16 : index
      %get3A_109 = tpu.vector_load %arg11[%get3A_107, %get3A_108] {strides = array<i32>} : memref<80x128xf32, #tpu.memory_space<vmem>>, vector<1x16xf32>,
      %get3A_110 = vector.shape_cast %get3A_109 : vector<1x16xf32> to vector<16xf32>
      %mul3A_111 = arith.mulf %get3A_110, %get3A_97 : vector<16xf32>
      %swap3A_112 = arith.index_cast %scan3A_93 : i32 to index
      %swap3A_113 = arith.constant 16 : index
      %swap3A_114 = tpu.vector_load %arg11[%swap3A_112, %swap3A_113] {strides = array<i32>} : memref<80x128xf32, #tpu.memory_space<vmem>>, vector<1x16xf32>,
      %swap3A_115 = vector.shape_cast %swap3A_114 : vector<1x16xf32> to vector<16xf32>
      %swap3A_116 = vector.shape_cast %mul3A_111 : vector<16xf32> to vector<1x16xf32>
      tpu.vector_store %arg11[%swap3A_112, %swap3A_113], %swap3A_116 {strides = array<i32>} : memref<80x128xf32, #tpu.memory_space<vmem>>, vector<1x16xf32>,
      %get3A_117 = arith.index_cast %scan3A_93 : i32 to index
      %get3A_118 = arith.constant 32 : index
      %get3A_119 = tpu.vector_load %arg11[%get3A_117, %get3A_118] {strides = array<i32>} : memref<80x128xf32, #tpu.memory_space<vmem>>, vector<1x16xf32>,
      %get3A_120 = vector.shape_cast %get3A_119 : vector<1x16xf32> to vector<16xf32>
      %mul3A_121 = arith.mulf %get3A_120, %get3A_97 : vector<16xf32>
      %swap3A_122 = arith.index_cast %scan3A_93 : i32 to index
      %swap3A_123 = arith.constant 32 : index
      %swap3A_124 = tpu.vector_load %arg11[%swap3A_122, %swap3A_123] {strides = array<i32>} : memref<80x128xf32, #tpu.memory_space<vmem>>, vector<1x16xf32>,
      %swap3A_125 = vector.shape_cast %swap3A_124 : vector<1x16xf32> to vector<16xf32>
      %swap3A_126 = vector.shape_cast %mul3A_121 : vector<16xf32> to vector<1x16xf32>
      tpu.vector_store %arg11[%swap3A_122, %swap3A_123], %swap3A_126 {strides = array<i32>} : memref<80x128xf32, #tpu.memory_space<vmem>>, vector<1x16xf32>,
      %get3A_127 = arith.index_cast %scan3A_93 : i32 to index
      %get3A_128 = arith.constant 48 : index
      %get3A_129 = tpu.vector_load %arg11[%get3A_127, %get3A_128] {strides = array<i32>} : memref<80x128xf32, #tpu.memory_space<vmem>>, vector<1x16xf32>,
      %get3A_130 = vector.shape_cast %get3A_129 : vector<1x16xf32> to vector<16xf32>
      %mul3A_131 = arith.mulf %get3A_130, %get3A_97 : vector<16xf32>
      %swap3A_132 = arith.index_cast %scan3A_93 : i32 to index
      %swap3A_133 = arith.constant 48 : index
      %swap3A_134 = tpu.vector_load %arg11[%swap3A_132, %swap3A_133] {strides = array<i32>} : memref<80x128xf32, #tpu.memory_space<vmem>>, vector<1x16xf32>,
      %swap3A_135 = vector.shape_cast %swap3A_134 : vector<1x16xf32> to vector<16xf32>
      %swap3A_136 = vector.shape_cast %mul3A_131 : vector<16xf32> to vector<1x16xf32>
      tpu.vector_store %arg11[%swap3A_132, %swap3A_133], %swap3A_136 {strides = array<i32>} : memref<80x128xf32, #tpu.memory_space<vmem>>, vector<1x16xf32>,
      %get3A_137 = arith.index_cast %scan3A_93 : i32 to index
      %get3A_138 = arith.constant 64 : index
      %get3A_139 = tpu.vector_load %arg11[%get3A_137, %get3A_138] {strides = array<i32>} : memref<80x128xf32, #tpu.memory_space<vmem>>, vector<1x16xf32>,
      %get3A_140 = vector.shape_cast %get3A_139 : vector<1x16xf32> to vector<16xf32>
      %mul3A_141 = arith.mulf %get3A_140, %get3A_97 : vector<16xf32>
      %swap3A_142 = arith.index_cast %scan3A_93 : i32 to index
      %swap3A_143 = arith.constant 64 : index
      %swap3A_144 = tpu.vector_load %arg11[%swap3A_142, %swap3A_143] {strides = array<i32>} : memref<80x128xf32, #tpu.memory_space<vmem>>, vector<1x16xf32>,
      %swap3A_145 = vector.shape_cast %swap3A_144 : vector<1x16xf32> to vector<16xf32>
      %swap3A_146 = vector.shape_cast %mul3A_141 : vector<16xf32> to vector<1x16xf32>
      tpu.vector_store %arg11[%swap3A_142, %swap3A_143], %swap3A_146 {strides = array<i32>} : memref<80x128xf32, #tpu.memory_space<vmem>>, vector<1x16xf32>,
      %get3A_147 = arith.index_cast %scan3A_93 : i32 to index
      %get3A_148 = arith.constant 80 : index
      %get3A_149 = tpu.vector_load %arg11[%get3A_147, %get3A_148] {strides = array<i32>} : memref<80x128xf32, #tpu.memory_space<vmem>>, vector<1x16xf32>,
      %get3A_150 = vector.shape_cast %get3A_149 : vector<1x16xf32> to vector<16xf32>
      %mul3A_151 = arith.mulf %get3A_150, %get3A_97 : vector<16xf32>
      %swap3A_152 = arith.index_cast %scan3A_93 : i32 to index
      %swap3A_153 = arith.constant 80 : index
      %swap3A_154 = tpu.vector_load %arg11[%swap3A_152, %swap3A_153] {strides = array<i32>} : memref<80x128xf32, #tpu.memory_space<vmem>>, vector<1x16xf32>,
      %swap3A_155 = vector.shape_cast %swap3A_154 : vector<1x16xf32> to vector<16xf32>
      %swap3A_156 = vector.shape_cast %mul3A_151 : vector<16xf32> to vector<1x16xf32>
      tpu.vector_store %arg11[%swap3A_152, %swap3A_153], %swap3A_156 {strides = array<i32>} : memref<80x128xf32, #tpu.memory_space<vmem>>, vector<1x16xf32>,
      %get3A_157 = arith.index_cast %scan3A_93 : i32 to index
      %get3A_158 = arith.constant 96 : index
      %get3A_159 = tpu.vector_load %arg11[%get3A_157, %get3A_158] {strides = array<i32>} : memref<80x128xf32, #tpu.memory_space<vmem>>, vector<1x16xf32>,
      %get3A_160 = vector.shape_cast %get3A_159 : vector<1x16xf32> to vector<16xf32>
      %mul3A_161 = arith.mulf %get3A_160, %get3A_97 : vector<16xf32>
      %swap3A_162 = arith.index_cast %scan3A_93 : i32 to index
      %swap3A_163 = arith.constant 96 : index
      %swap3A_164 = tpu.vector_load %arg11[%swap3A_162, %swap3A_163] {strides = array<i32>} : memref<80x128xf32, #tpu.memory_space<vmem>>, vector<1x16xf32>,
      %swap3A_165 = vector.shape_cast %swap3A_164 : vector<1x16xf32> to vector<16xf32>
      %swap3A_166 = vector.shape_cast %mul3A_161 : vector<16xf32> to vector<1x16xf32>
      tpu.vector_store %arg11[%swap3A_162, %swap3A_163], %swap3A_166 {strides = array<i32>} : memref<80x128xf32, #tpu.memory_space<vmem>>, vector<1x16xf32>,
      %get3A_167 = arith.index_cast %scan3A_93 : i32 to index
      %get3A_168 = arith.constant 112 : index
      %get3A_169 = tpu.vector_load %arg11[%get3A_167, %get3A_168] {strides = array<i32>} : memref<80x128xf32, #tpu.memory_space<vmem>>, vector<1x16xf32>,
      %get3A_170 = vector.shape_cast %get3A_169 : vector<1x16xf32> to vector<16xf32>
      %mul3A_171 = arith.mulf %get3A_170, %get3A_97 : vector<16xf32>
      %swap3A_172 = arith.index_cast %scan3A_93 : i32 to index
      %swap3A_173 = arith.constant 112 : index
      %swap3A_174 = tpu.vector_load %arg11[%swap3A_172, %swap3A_173] {strides = array<i32>} : memref<80x128xf32, #tpu.memory_space<vmem>>, vector<1x16xf32>,
      %swap3A_175 = vector.shape_cast %swap3A_174 : vector<1x16xf32> to vector<16xf32>
      %swap3A_176 = vector.shape_cast %mul3A_171 : vector<16xf32> to vector<1x16xf32>
      tpu.vector_store %arg11[%swap3A_172, %swap3A_173], %swap3A_176 {strides = array<i32>} : memref<80x128xf32, #tpu.memory_space<vmem>>, vector<1x16xf32>,
    }
    %scan3A_61 = arith.constant 80 : i32
    "tpu.region"() ({
      %run_scoped3A = tpu.sem_alloc : memref<!tpu.dma_semaphore, #tpu.memory_space<semaphore_mem>>
      %dma_start3A_93 = arith.constant 0 : i32
      %dma_start3A_94 = arith.constant 0 : i32
      %dma_start3A_95 = tpu.memref_slice %arg14[%dma_start3A_93, %dma_start3A_94] : memref<10000x128xf32, #tpu.memory_space<vmem_shared>> -> memref<10000x128xf32, #tpu.memory_space<vmem_shared>>
      tpu.enqueue_indirect_dma source(%arg11 : memref<80x128xf32, #tpu.memory_space<vmem>>) target(%dma_start3A_95 : memref<10000x128xf32, #tpu.memory_space<vmem_shared>>) offsets(%arg8 : memref<80xi32, #tpu.memory_space<vmem>>) semaphore(%run_scoped3A : memref<!tpu.dma_semaphore, #tpu.memory_space<semaphore_mem>>) {add = true}
      %dma_wait3A_96 = arith.constant 0 : i32
      %dma_wait3A_97 = arith.constant 0 : i32
      %dma_wait3A_98 = tpu.memref_slice %arg14[%dma_wait3A_96, %dma_wait3A_97] : memref<10000x128xf32, #tpu.memory_space<vmem_shared>> -> memref<10000x128xf32, #tpu.memory_space<vmem_shared>>
      tpu.wait_indirect_dma semaphore(%run_scoped3A : memref<!tpu.dma_semaphore, #tpu.memory_space<semaphore_mem>>) src(%arg11 : memref<80x128xf32, #tpu.memory_space<vmem>>) dst(%dma_wait3A_98 : memref<10000x128xf32, #tpu.memory_space<vmem_shared>>)
      tpu.yield
    }) : () -> ()
    %dma_wait3A_62 = arith.constant 0 : i32
    %dma_wait3A_63 = arith.constant 0 : i32
    %dma_wait3A_64 = tpu.memref_slice %arg2[%dma_wait3A_62, %dma_wait3A_63] : memref<10000x128xf32, #tpu.memory_space<hbm>> -> memref<80x128xf32, #tpu.memory_space<hbm>>
    %dma_wait3A_65 = arith.constant 0 : i32
    %dma_wait3A_66 = arith.constant 0 : i32
    %dma_wait3A_67 = tpu.memref_slice %arg2[%dma_wait3A_65, %dma_wait3A_66] : memref<10000x128xf32, #tpu.memory_space<hbm>> -> memref<80x128xf32, #tpu.memory_space<hbm>>
    tpu.wait_dma2 semaphore(%arg16 : memref<!tpu.dma_semaphore, #tpu.memory_space<semaphore_mem>>) src(%dma_wait3A_67 : memref<80x128xf32, #tpu.memory_space<hbm>>) dst(%arg12 : memref<80x128xf32, #tpu.memory_space<vmem>>)
    %dma_wait3A_68 = arith.constant 0 : i32
    %dma_wait3A_69 = tpu.memref_slice %arg4[%dma_wait3A_68] : memref<320000xi32, #tpu.memory_space<hbm>> -> memref<80xi32, #tpu.memory_space<hbm>>
    %dma_wait3A_70 = arith.constant 0 : i32
    %dma_wait3A_71 = tpu.memref_slice %arg4[%dma_wait3A_70] : memref<320000xi32, #tpu.memory_space<hbm>> -> memref<80xi32, #tpu.memory_space<hbm>>
    tpu.wait_dma2 semaphore(%arg19 : memref<!tpu.dma_semaphore, #tpu.memory_space<semaphore_mem>>) src(%dma_wait3A_71 : memref<80xi32, #tpu.memory_space<hbm>>) dst(%arg9 : memref<80xi32, #tpu.memory_space<vmem>>)
    %dma_wait3A_72 = arith.constant 0 : i32
    %dma_wait3A_73 = tpu.memref_slice %arg5[%dma_wait3A_72] : memref<5120000xf32, #tpu.memory_space<hbm>> -> memref<1280xf32, #tpu.memory_space<hbm>>
    %dma_wait3A_74 = arith.constant 0 : i32
    %dma_wait3A_75 = tpu.memref_slice %arg5[%dma_wait3A_74] : memref<5120000xf32, #tpu.memory_space<hbm>> -> memref<1280xf32, #tpu.memory_space<hbm>>
    tpu.wait_dma2 semaphore(%arg26 : memref<!tpu.dma_semaphore, #tpu.memory_space<semaphore_mem>>) src(%dma_wait3A_75 : memref<1280xf32, #tpu.memory_space<hbm>>) dst(%arg23 : memref<1280xf32, #tpu.memory_space<vmem>>)
    %scan3A_76 = arith.constant 0 : i32
    %scan3A_77 = arith.constant 0 : i32
    %scan3A_78 = arith.constant 80 : i32
    %scan3A_79 = arith.addi %scan3A_77, %scan3A_78 : i32
    %scan3A_80 = arith.constant 1 : i32
    scf.for %scan3A_93 = %scan3A_77 to %scan3A_79 step %scan3A_80  : i32 {
      %mul3A_94 = arith.constant 16 : i32
      %mul3A_95 = arith.muli %scan3A_93, %mul3A_94 : i32
      %get3A = arith.index_cast %mul3A_95 : i32 to index
      %get3A_96 = tpu.vector_load %arg23[%get3A] {strides = array<i32>} : memref<1280xf32, #tpu.memory_space<vmem>>, vector<16xf32>,
      %get3A_97 = vector.shape_cast %get3A_96 : vector<16xf32> to vector<16xf32>
      %get3A_98 = arith.index_cast %scan3A_93 : i32 to index
      %get3A_99 = arith.constant 0 : index
      %get3A_100 = tpu.vector_load %arg12[%get3A_98, %get3A_99] {strides = array<i32>} : memref<80x128xf32, #tpu.memory_space<vmem>>, vector<1x16xf32>,
      %get3A_101 = vector.shape_cast %get3A_100 : vector<1x16xf32> to vector<16xf32>
      %mul3A_102 = arith.mulf %get3A_101, %get3A_97 : vector<16xf32>
      %swap3A = arith.index_cast %scan3A_93 : i32 to index
      %swap3A_103 = arith.constant 0 : index
      %swap3A_104 = tpu.vector_load %arg12[%swap3A, %swap3A_103] {strides = array<i32>} : memref<80x128xf32, #tpu.memory_space<vmem>>, vector<1x16xf32>,
      %swap3A_105 = vector.shape_cast %swap3A_104 : vector<1x16xf32> to vector<16xf32>
      %swap3A_106 = vector.shape_cast %mul3A_102 : vector<16xf32> to vector<1x16xf32>
      tpu.vector_store %arg12[%swap3A, %swap3A_103], %swap3A_106 {strides = array<i32>} : memref<80x128xf32, #tpu.memory_space<vmem>>, vector<1x16xf32>,
      %get3A_107 = arith.index_cast %scan3A_93 : i32 to index
      %get3A_108 = arith.constant 16 : index
      %get3A_109 = tpu.vector_load %arg12[%get3A_107, %get3A_108] {strides = array<i32>} : memref<80x128xf32, #tpu.memory_space<vmem>>, vector<1x16xf32>,
      %get3A_110 = vector.shape_cast %get3A_109 : vector<1x16xf32> to vector<16xf32>
      %mul3A_111 = arith.mulf %get3A_110, %get3A_97 : vector<16xf32>
      %swap3A_112 = arith.index_cast %scan3A_93 : i32 to index
      %swap3A_113 = arith.constant 16 : index
      %swap3A_114 = tpu.vector_load %arg12[%swap3A_112, %swap3A_113] {strides = array<i32>} : memref<80x128xf32, #tpu.memory_space<vmem>>, vector<1x16xf32>,
      %swap3A_115 = vector.shape_cast %swap3A_114 : vector<1x16xf32> to vector<16xf32>
      %swap3A_116 = vector.shape_cast %mul3A_111 : vector<16xf32> to vector<1x16xf32>
      tpu.vector_store %arg12[%swap3A_112, %swap3A_113], %swap3A_116 {strides = array<i32>} : memref<80x128xf32, #tpu.memory_space<vmem>>, vector<1x16xf32>,
      %get3A_117 = arith.index_cast %scan3A_93 : i32 to index
      %get3A_118 = arith.constant 32 : index
      %get3A_119 = tpu.vector_load %arg12[%get3A_117, %get3A_118] {strides = array<i32>} : memref<80x128xf32, #tpu.memory_space<vmem>>, vector<1x16xf32>,
      %get3A_120 = vector.shape_cast %get3A_119 : vector<1x16xf32> to vector<16xf32>
      %mul3A_121 = arith.mulf %get3A_120, %get3A_97 : vector<16xf32>
      %swap3A_122 = arith.index_cast %scan3A_93 : i32 to index
      %swap3A_123 = arith.constant 32 : index
      %swap3A_124 = tpu.vector_load %arg12[%swap3A_122, %swap3A_123] {strides = array<i32>} : memref<80x128xf32, #tpu.memory_space<vmem>>, vector<1x16xf32>,
      %swap3A_125 = vector.shape_cast %swap3A_124 : vector<1x16xf32> to vector<16xf32>
      %swap3A_126 = vector.shape_cast %mul3A_121 : vector<16xf32> to vector<1x16xf32>
      tpu.vector_store %arg12[%swap3A_122, %swap3A_123], %swap3A_126 {strides = array<i32>} : memref<80x128xf32, #tpu.memory_space<vmem>>, vector<1x16xf32>,
      %get3A_127 = arith.index_cast %scan3A_93 : i32 to index
      %get3A_128 = arith.constant 48 : index
      %get3A_129 = tpu.vector_load %arg12[%get3A_127, %get3A_128] {strides = array<i32>} : memref<80x128xf32, #tpu.memory_space<vmem>>, vector<1x16xf32>,
      %get3A_130 = vector.shape_cast %get3A_129 : vector<1x16xf32> to vector<16xf32>
      %mul3A_131 = arith.mulf %get3A_130, %get3A_97 : vector<16xf32>
      %swap3A_132 = arith.index_cast %scan3A_93 : i32 to index
      %swap3A_133 = arith.constant 48 : index
      %swap3A_134 = tpu.vector_load %arg12[%swap3A_132, %swap3A_133] {strides = array<i32>} : memref<80x128xf32, #tpu.memory_space<vmem>>, vector<1x16xf32>,
      %swap3A_135 = vector.shape_cast %swap3A_134 : vector<1x16xf32> to vector<16xf32>
      %swap3A_136 = vector.shape_cast %mul3A_131 : vector<16xf32> to vector<1x16xf32>
      tpu.vector_store %arg12[%swap3A_132, %swap3A_133], %swap3A_136 {strides = array<i32>} : memref<80x128xf32, #tpu.memory_space<vmem>>, vector<1x16xf32>,
      %get3A_137 = arith.index_cast %scan3A_93 : i32 to index
      %get3A_138 = arith.constant 64 : index
      %get3A_139 = tpu.vector_load %arg12[%get3A_137, %get3A_138] {strides = array<i32>} : memref<80x128xf32, #tpu.memory_space<vmem>>, vector<1x16xf32>,
      %get3A_140 = vector.shape_cast %get3A_139 : vector<1x16xf32> to vector<16xf32>
      %mul3A_141 = arith.mulf %get3A_140, %get3A_97 : vector<16xf32>
      %swap3A_142 = arith.index_cast %scan3A_93 : i32 to index
      %swap3A_143 = arith.constant 64 : index
      %swap3A_144 = tpu.vector_load %arg12[%swap3A_142, %swap3A_143] {strides = array<i32>} : memref<80x128xf32, #tpu.memory_space<vmem>>, vector<1x16xf32>,
      %swap3A_145 = vector.shape_cast %swap3A_144 : vector<1x16xf32> to vector<16xf32>
      %swap3A_146 = vector.shape_cast %mul3A_141 : vector<16xf32> to vector<1x16xf32>
      tpu.vector_store %arg12[%swap3A_142, %swap3A_143], %swap3A_146 {strides = array<i32>} : memref<80x128xf32, #tpu.memory_space<vmem>>, vector<1x16xf32>,
      %get3A_147 = arith.index_cast %scan3A_93 : i32 to index
      %get3A_148 = arith.constant 80 : index
      %get3A_149 = tpu.vector_load %arg12[%get3A_147, %get3A_148] {strides = array<i32>} : memref<80x128xf32, #tpu.memory_space<vmem>>, vector<1x16xf32>,
      %get3A_150 = vector.shape_cast %get3A_149 : vector<1x16xf32> to vector<16xf32>
      %mul3A_151 = arith.mulf %get3A_150, %get3A_97 : vector<16xf32>
      %swap3A_152 = arith.index_cast %scan3A_93 : i32 to index
      %swap3A_153 = arith.constant 80 : index
      %swap3A_154 = tpu.vector_load %arg12[%swap3A_152, %swap3A_153] {strides = array<i32>} : memref<80x128xf32, #tpu.memory_space<vmem>>, vector<1x16xf32>,
      %swap3A_155 = vector.shape_cast %swap3A_154 : vector<1x16xf32> to vector<16xf32>
      %swap3A_156 = vector.shape_cast %mul3A_151 : vector<16xf32> to vector<1x16xf32>
      tpu.vector_store %arg12[%swap3A_152, %swap3A_153], %swap3A_156 {strides = array<i32>} : memref<80x128xf32, #tpu.memory_space<vmem>>, vector<1x16xf32>,
      %get3A_157 = arith.index_cast %scan3A_93 : i32 to index
      %get3A_158 = arith.constant 96 : index
      %get3A_159 = tpu.vector_load %arg12[%get3A_157, %get3A_158] {strides = array<i32>} : memref<80x128xf32, #tpu.memory_space<vmem>>, vector<1x16xf32>,
      %get3A_160 = vector.shape_cast %get3A_159 : vector<1x16xf32> to vector<16xf32>
      %mul3A_161 = arith.mulf %get3A_160, %get3A_97 : vector<16xf32>
      %swap3A_162 = arith.index_cast %scan3A_93 : i32 to index
      %swap3A_163 = arith.constant 96 : index
      %swap3A_164 = tpu.vector_load %arg12[%swap3A_162, %swap3A_163] {strides = array<i32>} : memref<80x128xf32, #tpu.memory_space<vmem>>, vector<1x16xf32>,
      %swap3A_165 = vector.shape_cast %swap3A_164 : vector<1x16xf32> to vector<16xf32>
      %swap3A_166 = vector.shape_cast %mul3A_161 : vector<16xf32> to vector<1x16xf32>
      tpu.vector_store %arg12[%swap3A_162, %swap3A_163], %swap3A_166 {strides = array<i32>} : memref<80x128xf32, #tpu.memory_space<vmem>>, vector<1x16xf32>,
      %get3A_167 = arith.index_cast %scan3A_93 : i32 to index
      %get3A_168 = arith.constant 112 : index
      %get3A_169 = tpu.vector_load %arg12[%get3A_167, %get3A_168] {strides = array<i32>} : memref<80x128xf32, #tpu.memory_space<vmem>>, vector<1x16xf32>,
      %get3A_170 = vector.shape_cast %get3A_169 : vector<1x16xf32> to vector<16xf32>
      %mul3A_171 = arith.mulf %get3A_170, %get3A_97 : vector<16xf32>
      %swap3A_172 = arith.index_cast %scan3A_93 : i32 to index
      %swap3A_173 = arith.constant 112 : index
      %swap3A_174 = tpu.vector_load %arg12[%swap3A_172, %swap3A_173] {strides = array<i32>} : memref<80x128xf32, #tpu.memory_space<vmem>>, vector<1x16xf32>,
      %swap3A_175 = vector.shape_cast %swap3A_174 : vector<1x16xf32> to vector<16xf32>
      %swap3A_176 = vector.shape_cast %mul3A_171 : vector<16xf32> to vector<1x16xf32>
      tpu.vector_store %arg12[%swap3A_172, %swap3A_173], %swap3A_176 {strides = array<i32>} : memref<80x128xf32, #tpu.memory_space<vmem>>, vector<1x16xf32>,
    }
    %scan3A_81 = arith.constant 80 : i32
    "tpu.region"() ({
      %run_scoped3A = tpu.sem_alloc : memref<!tpu.dma_semaphore, #tpu.memory_space<semaphore_mem>>
      %dma_start3A_93 = arith.constant 0 : i32
      %dma_start3A_94 = arith.constant 0 : i32
      %dma_start3A_95 = tpu.memref_slice %arg14[%dma_start3A_93, %dma_start3A_94] : memref<10000x128xf32, #tpu.memory_space<vmem_shared>> -> memref<10000x128xf32, #tpu.memory_space<vmem_shared>>
      tpu.enqueue_indirect_dma source(%arg12 : memref<80x128xf32, #tpu.memory_space<vmem>>) target(%dma_start3A_95 : memref<10000x128xf32, #tpu.memory_space<vmem_shared>>) offsets(%arg9 : memref<80xi32, #tpu.memory_space<vmem>>) semaphore(%run_scoped3A : memref<!tpu.dma_semaphore, #tpu.memory_space<semaphore_mem>>) {add = true}
      %dma_wait3A_96 = arith.constant 0 : i32
      %dma_wait3A_97 = arith.constant 0 : i32
      %dma_wait3A_98 = tpu.memref_slice %arg14[%dma_wait3A_96, %dma_wait3A_97] : memref<10000x128xf32, #tpu.memory_space<vmem_shared>> -> memref<10000x128xf32, #tpu.memory_space<vmem_shared>>
      tpu.wait_indirect_dma semaphore(%run_scoped3A : memref<!tpu.dma_semaphore, #tpu.memory_space<semaphore_mem>>) src(%arg12 : memref<80x128xf32, #tpu.memory_space<vmem>>) dst(%dma_wait3A_98 : memref<10000x128xf32, #tpu.memory_space<vmem_shared>>)
      tpu.yield
    }) : () -> ()
    %barrier3A_82 = arith.constant 0 : index
    tpu.barrier barrier_id(%barrier3A_82)
    %lt3A_83 = arith.constant 15 : i32
    %lt3A_84 = arith.cmpi slt, %arg1, %lt3A_83 : i32
    %convert_element_type3A_85 = arith.extui %lt3A_84 : i1 to i32
    %cond3A_86 = arith.constant 0 : i32
    %cond3A_87 = arith.cmpi ne, %convert_element_type3A_85, %cond3A_86 : i32
    scf.if %cond3A_87 {
      %mul3A_93 = arith.constant 640 : i32
      %mul3A_94 = arith.muli %arg1, %mul3A_93 : i32
      "tpu.region"() ({
        %run_scoped3A = tpu.sem_alloc : memref<!tpu.dma_semaphore, #tpu.memory_space<semaphore_mem>>
        %dma_start3A_95 = arith.constant 0 : i32
        %dma_start3A_96 = tpu.memref_slice %arg7[%arg0, %mul3A_94, %dma_start3A_95] : memref<2x10000x128xf32, #tpu.memory_space<hbm>> -> memref<1x640x128xf32, #tpu.memory_space<hbm>>
        %dma_start3A_97 = tpu.memref_squeeze %dma_start3A_96 : memref<1x640x128xf32, #tpu.memory_space<hbm>> -> memref<640x128xf32, #tpu.memory_space<hbm>>
        %dma_start3A_98 = arith.constant 0 : i32
        %dma_start3A_99 = tpu.memref_slice %arg14[%mul3A_94, %dma_start3A_98] : memref<10000x128xf32, #tpu.memory_space<vmem_shared>> -> memref<640x128xf32, #tpu.memory_space<vmem_shared>>
        tpu.enqueue_dma source(%dma_start3A_99 : memref<640x128xf32, #tpu.memory_space<vmem_shared>>) target(%dma_start3A_97 : memref<640x128xf32, #tpu.memory_space<hbm>>) target_semaphore(%run_scoped3A : memref<!tpu.dma_semaphore, #tpu.memory_space<semaphore_mem>>)
        %dma_wait3A_100 = arith.constant 0 : i32
        %dma_wait3A_101 = tpu.memref_slice %arg7[%arg0, %mul3A_94, %dma_wait3A_100] : memref<2x10000x128xf32, #tpu.memory_space<hbm>> -> memref<1x640x128xf32, #tpu.memory_space<hbm>>
        %dma_wait3A_102 = tpu.memref_squeeze %dma_wait3A_101 : memref<1x640x128xf32, #tpu.memory_space<hbm>> -> memref<640x128xf32, #tpu.memory_space<hbm>>
        %dma_wait3A_103 = arith.constant 0 : i32
        %dma_wait3A_104 = tpu.memref_slice %arg14[%mul3A_94, %dma_wait3A_103] : memref<10000x128xf32, #tpu.memory_space<vmem_shared>> -> memref<640x128xf32, #tpu.memory_space<vmem_shared>>
        tpu.wait_dma2 semaphore(%run_scoped3A : memref<!tpu.dma_semaphore, #tpu.memory_space<semaphore_mem>>) src(%dma_wait3A_104 : memref<640x128xf32, #tpu.memory_space<vmem_shared>>) dst(%dma_wait3A_102 : memref<640x128xf32, #tpu.memory_space<hbm>>)
        tpu.yield
      }) : () -> ()
    } else {
    }
    %eq3A_88 = arith.constant 15 : i32
    %eq3A_89 = arith.cmpi eq, %arg1, %eq3A_88 : i32
    %convert_element_type3A_90 = arith.extui %eq3A_89 : i1 to i32
    %cond3A_91 = arith.constant 0 : i32
    %cond3A_92 = arith.cmpi ne, %convert_element_type3A_90, %cond3A_91 : i32
    scf.if %cond3A_92 {
      "tpu.region"() ({
        %run_scoped3A = tpu.sem_alloc : memref<!tpu.dma_semaphore, #tpu.memory_space<semaphore_mem>>
        %dma_start3A_93 = arith.constant 9600 : i32
        %dma_start3A_94 = arith.constant 0 : i32
        %dma_start3A_95 = tpu.memref_slice %arg7[%arg0, %dma_start3A_93, %dma_start3A_94] : memref<2x10000x128xf32, #tpu.memory_space<hbm>> -> memref<1x400x128xf32, #tpu.memory_space<hbm>>
        %dma_start3A_96 = tpu.memref_squeeze %dma_start3A_95 : memref<1x400x128xf32, #tpu.memory_space<hbm>> -> memref<400x128xf32, #tpu.memory_space<hbm>>
        %dma_start3A_97 = arith.constant 9600 : i32
        %dma_start3A_98 = arith.constant 0 : i32
        %dma_start3A_99 = tpu.memref_slice %arg14[%dma_start3A_97, %dma_start3A_98] : memref<10000x128xf32, #tpu.memory_space<vmem_shared>> -> memref<400x128xf32, #tpu.memory_space<vmem_shared>>
        tpu.enqueue_dma source(%dma_start3A_99 : memref<400x128xf32, #tpu.memory_space<vmem_shared>>) target(%dma_start3A_96 : memref<400x128xf32, #tpu.memory_space<hbm>>) target_semaphore(%run_scoped3A : memref<!tpu.dma_semaphore, #tpu.memory_space<semaphore_mem>>)
        %dma_wait3A_100 = arith.constant 9600 : i32
        %dma_wait3A_101 = arith.constant 0 : i32
        %dma_wait3A_102 = tpu.memref_slice %arg7[%arg0, %dma_wait3A_100, %dma_wait3A_101] : memref<2x10000x128xf32, #tpu.memory_space<hbm>> -> memref<1x400x128xf32, #tpu.memory_space<hbm>>
        %dma_wait3A_103 = tpu.memref_squeeze %dma_wait3A_102 : memref<1x400x128xf32, #tpu.memory_space<hbm>> -> memref<400x128xf32, #tpu.memory_space<hbm>>
        %dma_wait3A_104 = arith.constant 9600 : i32
        %dma_wait3A_105 = arith.constant 0 : i32
        %dma_wait3A_106 = tpu.memref_slice %arg14[%dma_wait3A_104, %dma_wait3A_105] : memref<10000x128xf32, #tpu.memory_space<vmem_shared>> -> memref<400x128xf32, #tpu.memory_space<vmem_shared>>
        tpu.wait_dma2 semaphore(%run_scoped3A : memref<!tpu.dma_semaphore, #tpu.memory_space<semaphore_mem>>) src(%dma_wait3A_106 : memref<400x128xf32, #tpu.memory_space<vmem_shared>>) dst(%dma_wait3A_103 : memref<400x128xf32, #tpu.memory_space<hbm>>)
        tpu.yield
      }) : () -> ()
    } else {
    }
    return
  }
}

#map = affine_map<(d0, d1) -> (0, 0)>
#map1 = affine_map<(d0, d1) -> (0)>
#map2 = affine_map<(d0, d1) -> (0, 0, 0)>
module attributes {stable_mosaic.version = 14 : i64} {
  func.func @seg(%arg0: i32, %arg1: i32, %arg2: memref<10000x128xf32, #tpu.memory_space<hbm>>, %arg3: memref<320000xi32, #tpu.memory_space<hbm>>, %arg4: memref<320000xi32, #tpu.memory_space<hbm>>, %arg5: memref<5120000xf32, #tpu.memory_space<hbm>>, %arg6: memref<640x128xf32, #tpu.memory_space<hbm>>, %arg7: memref<2x10000x128xf32, #tpu.memory_space<hbm>>, %arg8: memref<80xi32, #tpu.memory_space<vmem>>, %arg9: memref<80xi32, #tpu.memory_space<vmem>>, %arg10: memref<80xi32, #tpu.memory_space<vmem>>, %arg11: memref<80x128xf32, #tpu.memory_space<vmem>>, %arg12: memref<80x128xf32, #tpu.memory_space<vmem>>, %arg13: memref<80x128xf32, #tpu.memory_space<vmem>>, %arg14: memref<10000x128xf32, #tpu.memory_space<vmem_shared>>, %arg15: memref<!tpu.dma_semaphore, #tpu.memory_space<semaphore_mem>>, %arg16: memref<!tpu.dma_semaphore, #tpu.memory_space<semaphore_mem>>, %arg17: memref<!tpu.dma_semaphore, #tpu.memory_space<semaphore_mem>>, %arg18: memref<!tpu.dma_semaphore, #tpu.memory_space<semaphore_mem>>, %arg19: memref<!tpu.dma_semaphore, #tpu.memory_space<semaphore_mem>>, %arg20: memref<!tpu.dma_semaphore, #tpu.memory_space<semaphore_mem>>, %arg21: memref<10000xi32, #tpu.memory_space<vmem>>, %arg22: memref<1280xf32, #tpu.memory_space<vmem>>, %arg23: memref<1280xf32, #tpu.memory_space<vmem>>, %arg24: memref<1280xf32, #tpu.memory_space<vmem>>, %arg25: memref<!tpu.dma_semaphore, #tpu.memory_space<semaphore_mem>>, %arg26: memref<!tpu.dma_semaphore, #tpu.memory_space<semaphore_mem>>, %arg27: memref<!tpu.dma_semaphore, #tpu.memory_space<semaphore_mem>>) attributes {dimension_semantics = [#tpu.dimension_semantics<core_parallel>, #tpu.dimension_semantics<subcore_parallel>], iteration_bounds = array<i64: 2, 16>, scalar_prefetch = 0 : i64, scratch_operands = 20 : i64, tpu.core_type = #tpu.core_type<sc_vector_subcore>, window_params = [{transform_indices = #map}, {transform_indices = #map1}, {transform_indices = #map1}, {transform_indices = #map1}, {transform_indices = #map}, {transform_indices = #map2}]} {
    %mul3A = arith.constant 2 : i32
    %mul3A_0 = arith.muli %arg1, %mul3A : i32
    %add3A = arith.addi %mul3A_0, %arg0 : i32
    %mul3A_1 = arith.constant 10000 : i32
    %mul3A_2 = arith.muli %add3A, %mul3A_1 : i32
    %lt3A = arith.constant 15 : i32
    %lt3A_3 = arith.cmpi slt, %arg1, %lt3A : i32
    %convert_element_type3A = arith.extui %lt3A_3 : i1 to i32
    %cond3A = arith.constant 0 : i32
    %cond3A_4 = arith.cmpi ne, %convert_element_type3A, %cond3A : i32
    scf.if %cond3A_4 {
      %mul3A_93 = arith.constant 640 : i32
      %mul3A_94 = arith.muli %arg1, %mul3A_93 : i32
      "tpu.region"() ({
        %run_scoped3A = tpu.sem_alloc : memref<!tpu.dma_semaphore, #tpu.memory_space<semaphore_mem>>
        %dma_start3A_95 = arith.constant 0 : i32
        %dma_start3A_96 = tpu.memref_slice %arg14[%mul3A_94, %dma_start3A_95] : memref<10000x128xf32, #tpu.memory_space<vmem_shared>> -> memref<640x128xf32, #tpu.memory_space<vmem_shared>>
        %dma_start3A_97 = arith.constant 0 : i32
        %dma_start3A_98 = arith.constant 0 : i32
        %dma_start3A_99 = tpu.memref_slice %arg6[%dma_start3A_97, %dma_start3A_98] : memref<640x128xf32, #tpu.memory_space<hbm>> -> memref<640x128xf32, #tpu.memory_space<hbm>>
        tpu.enqueue_dma source(%dma_start3A_99 : memref<640x128xf32, #tpu.memory_space<hbm>>) target(%dma_start3A_96 : memref<640x128xf32, #tpu.memory_space<vmem_shared>>) target_semaphore(%run_scoped3A : memref<!tpu.dma_semaphore, #tpu.memory_space<semaphore_mem>>)
        %dma_wait3A_100 = arith.constant 0 : i32
        %dma_wait3A_101 = tpu.memref_slice %arg14[%mul3A_94, %dma_wait3A_100] : memref<10000x128xf32, #tpu.memory_space<vmem_shared>> -> memref<640x128xf32, #tpu.memory_space<vmem_shared>>
        %dma_wait3A_102 = arith.constant 0 : i32
        %dma_wait3A_103 = arith.constant 0 : i32
        %dma_wait3A_104 = tpu.memref_slice %arg6[%dma_wait3A_102, %dma_wait3A_103] : memref<640x128xf32, #tpu.memory_space<hbm>> -> memref<640x128xf32, #tpu.memory_space<hbm>>
        tpu.wait_dma2 semaphore(%run_scoped3A : memref<!tpu.dma_semaphore, #tpu.memory_space<semaphore_mem>>) src(%dma_wait3A_104 : memref<640x128xf32, #tpu.memory_space<hbm>>) dst(%dma_wait3A_101 : memref<640x128xf32, #tpu.memory_space<vmem_shared>>)
        tpu.yield
      }) : () -> ()
    } else {
    }
    %eq3A = arith.constant 15 : i32
    %eq3A_5 = arith.cmpi eq, %arg1, %eq3A : i32
    %convert_element_type3A_6 = arith.extui %eq3A_5 : i1 to i32
    %cond3A_7 = arith.constant 0 : i32
    %cond3A_8 = arith.cmpi ne, %convert_element_type3A_6, %cond3A_7 : i32
    scf.if %cond3A_8 {
      "tpu.region"() ({
        %run_scoped3A = tpu.sem_alloc : memref<!tpu.dma_semaphore, #tpu.memory_space<semaphore_mem>>
        %dma_start3A_93 = arith.constant 9600 : i32
        %dma_start3A_94 = arith.constant 0 : i32
        %dma_start3A_95 = tpu.memref_slice %arg14[%dma_start3A_93, %dma_start3A_94] : memref<10000x128xf32, #tpu.memory_space<vmem_shared>> -> memref<400x128xf32, #tpu.memory_space<vmem_shared>>
        %dma_start3A_96 = arith.constant 0 : i32
        %dma_start3A_97 = arith.constant 0 : i32
        %dma_start3A_98 = tpu.memref_slice %arg6[%dma_start3A_96, %dma_start3A_97] : memref<640x128xf32, #tpu.memory_space<hbm>> -> memref<400x128xf32, #tpu.memory_space<hbm>>
        tpu.enqueue_dma source(%dma_start3A_98 : memref<400x128xf32, #tpu.memory_space<hbm>>) target(%dma_start3A_95 : memref<400x128xf32, #tpu.memory_space<vmem_shared>>) target_semaphore(%run_scoped3A : memref<!tpu.dma_semaphore, #tpu.memory_space<semaphore_mem>>)
        %dma_wait3A_99 = arith.constant 9600 : i32
        %dma_wait3A_100 = arith.constant 0 : i32
        %dma_wait3A_101 = tpu.memref_slice %arg14[%dma_wait3A_99, %dma_wait3A_100] : memref<10000x128xf32, #tpu.memory_space<vmem_shared>> -> memref<400x128xf32, #tpu.memory_space<vmem_shared>>
        %dma_wait3A_102 = arith.constant 0 : i32
        %dma_wait3A_103 = arith.constant 0 : i32
        %dma_wait3A_104 = tpu.memref_slice %arg6[%dma_wait3A_102, %dma_wait3A_103] : memref<640x128xf32, #tpu.memory_space<hbm>> -> memref<400x128xf32, #tpu.memory_space<hbm>>
        tpu.wait_dma2 semaphore(%run_scoped3A : memref<!tpu.dma_semaphore, #tpu.memory_space<semaphore_mem>>) src(%dma_wait3A_104 : memref<400x128xf32, #tpu.memory_space<hbm>>) dst(%dma_wait3A_101 : memref<400x128xf32, #tpu.memory_space<vmem_shared>>)
        tpu.yield
      }) : () -> ()
    } else {
    }
    "tpu.region"() ({
      %run_scoped3A = tpu.sem_alloc : memref<!tpu.dma_semaphore, #tpu.memory_space<semaphore_mem>>
      %dma_start3A_93 = tpu.memref_slice %arg3[%mul3A_2] : memref<320000xi32, #tpu.memory_space<hbm>> -> memref<10000xi32, #tpu.memory_space<hbm>>
      %dma_start3A_94 = tpu.memref_slice %arg3[%mul3A_2] : memref<320000xi32, #tpu.memory_space<hbm>> -> memref<10000xi32, #tpu.memory_space<hbm>>
      tpu.enqueue_dma source(%dma_start3A_94 : memref<10000xi32, #tpu.memory_space<hbm>>) target(%arg21 : memref<10000xi32, #tpu.memory_space<vmem>>) target_semaphore(%run_scoped3A : memref<!tpu.dma_semaphore, #tpu.memory_space<semaphore_mem>>)
      %dma_wait3A_95 = tpu.memref_slice %arg3[%mul3A_2] : memref<320000xi32, #tpu.memory_space<hbm>> -> memref<10000xi32, #tpu.memory_space<hbm>>
      %dma_wait3A_96 = tpu.memref_slice %arg3[%mul3A_2] : memref<320000xi32, #tpu.memory_space<hbm>> -> memref<10000xi32, #tpu.memory_space<hbm>>
      tpu.wait_dma2 semaphore(%run_scoped3A : memref<!tpu.dma_semaphore, #tpu.memory_space<semaphore_mem>>) src(%dma_wait3A_96 : memref<10000xi32, #tpu.memory_space<hbm>>) dst(%arg21 : memref<10000xi32, #tpu.memory_space<vmem>>)
      tpu.yield
    }) : () -> ()
    %barrier3A = arith.constant 0 : index
    tpu.barrier barrier_id(%barrier3A)
    %add3A_9 = arith.constant 0 : i32
    %add3A_10 = arith.addi %mul3A_2, %add3A_9 : i32
    %dma_start3A = tpu.memref_slice %arg4[%add3A_10] : memref<320000xi32, #tpu.memory_space<hbm>> -> memref<80xi32, #tpu.memory_space<hbm>>
    %dma_start3A_11 = tpu.memref_slice %arg4[%add3A_10] : memref<320000xi32, #tpu.memory_space<hbm>> -> memref<80xi32, #tpu.memory_space<hbm>>
    tpu.enqueue_dma source(%dma_start3A_11 : memref<80xi32, #tpu.memory_space<hbm>>) target(%arg8 : memref<80xi32, #tpu.memory_space<vmem>>) target_semaphore(%arg18 : memref<!tpu.dma_semaphore, #tpu.memory_space<semaphore_mem>>)
    %dma_start3A_12 = arith.constant 0 : i32
    %dma_start3A_13 = tpu.memref_slice %arg21[%dma_start3A_12] : memref<10000xi32, #tpu.memory_space<vmem>> -> memref<80xi32, #tpu.memory_space<vmem>>
    %dma_start3A_14 = arith.constant 0 : i32
    %dma_start3A_15 = arith.constant 0 : i32
    %dma_start3A_16 = tpu.memref_slice %arg2[%dma_start3A_14, %dma_start3A_15] : memref<10000x128xf32, #tpu.memory_space<hbm>> -> memref<10000x128xf32, #tpu.memory_space<hbm>>
    tpu.enqueue_indirect_dma source(%dma_start3A_16 : memref<10000x128xf32, #tpu.memory_space<hbm>>) target(%arg11 : memref<80x128xf32, #tpu.memory_space<vmem>>) offsets(%dma_start3A_13 : memref<80xi32, #tpu.memory_space<vmem>>) semaphore(%arg15 : memref<!tpu.dma_semaphore, #tpu.memory_space<semaphore_mem>>)
    %add3A_17 = arith.constant 0 : i32
    %add3A_18 = arith.addi %mul3A_2, %add3A_17 : i32
    %mul3A_19 = arith.constant 16 : i32
    %mul3A_20 = arith.muli %add3A_18, %mul3A_19 : i32
    %dma_start3A_21 = tpu.memref_slice %arg5[%mul3A_20] : memref<5120000xf32, #tpu.memory_space<hbm>> -> memref<1280xf32, #tpu.memory_space<hbm>>
    %dma_start3A_22 = tpu.memref_slice %arg5[%mul3A_20] : memref<5120000xf32, #tpu.memory_space<hbm>> -> memref<1280xf32, #tpu.memory_space<hbm>>
    tpu.enqueue_dma source(%dma_start3A_22 : memref<1280xf32, #tpu.memory_space<hbm>>) target(%arg22 : memref<1280xf32, #tpu.memory_space<vmem>>) target_semaphore(%arg25 : memref<!tpu.dma_semaphore, #tpu.memory_space<semaphore_mem>>)
    %add3A_23 = arith.constant 80 : i32
    %add3A_24 = arith.addi %mul3A_2, %add3A_23 : i32
    %dma_start3A_25 = tpu.memref_slice %arg4[%add3A_24] : memref<320000xi32, #tpu.memory_space<hbm>> -> memref<80xi32, #tpu.memory_space<hbm>>
    %dma_start3A_26 = tpu.memref_slice %arg4[%add3A_24] : memref<320000xi32, #tpu.memory_space<hbm>> -> memref<80xi32, #tpu.memory_space<hbm>>
    tpu.enqueue_dma source(%dma_start3A_26 : memref<80xi32, #tpu.memory_space<hbm>>) target(%arg9 : memref<80xi32, #tpu.memory_space<vmem>>) target_semaphore(%arg19 : memref<!tpu.dma_semaphore, #tpu.memory_space<semaphore_mem>>)
    %dma_start3A_27 = arith.constant 80 : i32
    %dma_start3A_28 = tpu.memref_slice %arg21[%dma_start3A_27] : memref<10000xi32, #tpu.memory_space<vmem>> -> memref<80xi32, #tpu.memory_space<vmem>>
    %dma_start3A_29 = arith.constant 0 : i32
    %dma_start3A_30 = arith.constant 0 : i32
    %dma_start3A_31 = tpu.memref_slice %arg2[%dma_start3A_29, %dma_start3A_30] : memref<10000x128xf32, #tpu.memory_space<hbm>> -> memref<10000x128xf32, #tpu.memory_space<hbm>>
    tpu.enqueue_indirect_dma source(%dma_start3A_31 : memref<10000x128xf32, #tpu.memory_space<hbm>>) target(%arg12 : memref<80x128xf32, #tpu.memory_space<vmem>>) offsets(%dma_start3A_28 : memref<80xi32, #tpu.memory_space<vmem>>) semaphore(%arg16 : memref<!tpu.dma_semaphore, #tpu.memory_space<semaphore_mem>>)
    %add3A_32 = arith.constant 80 : i32
    %add3A_33 = arith.addi %mul3A_2, %add3A_32 : i32
    %mul3A_34 = arith.constant 16 : i32
    %mul3A_35 = arith.muli %add3A_33, %mul3A_34 : i32
    %dma_start3A_36 = tpu.memref_slice %arg5[%mul3A_35] : memref<5120000xf32, #tpu.memory_space<hbm>> -> memref<1280xf32, #tpu.memory_space<hbm>>
    %dma_start3A_37 = tpu.memref_slice %arg5[%mul3A_35] : memref<5120000xf32, #tpu.memory_space<hbm>> -> memref<1280xf32, #tpu.memory_space<hbm>>
    tpu.enqueue_dma source(%dma_start3A_37 : memref<1280xf32, #tpu.memory_space<hbm>>) target(%arg23 : memref<1280xf32, #tpu.memory_space<vmem>>) target_semaphore(%arg26 : memref<!tpu.dma_semaphore, #tpu.memory_space<semaphore_mem>>)
    %scan3A = arith.constant 0 : i32
    %scan3A_38 = arith.constant 0 : i32
    %scan3A_39 = arith.constant 41 : i32
    %scan3A_40 = arith.addi %scan3A_38, %scan3A_39 : i32
    %scan3A_41 = arith.constant 1 : i32
    scf.for %scan3A_93 = %scan3A_38 to %scan3A_40 step %scan3A_41  : i32 {
      %mul3A_94 = arith.constant 3 : i32
      %mul3A_95 = arith.muli %mul3A_94, %scan3A_93 : i32
      %add3A_96 = arith.constant 0 : i32
      %add3A_97 = arith.addi %mul3A_95, %add3A_96 : i32
      %add3A_98 = arith.constant 3 : i32
      %add3A_99 = arith.addi %add3A_97, %add3A_98 : i32
      %sub3A = arith.constant 1 : i32
      %sub3A_100 = arith.subi %add3A_99, %sub3A : i32
      %mul3A_101 = arith.constant 80 : i32
      %mul3A_102 = arith.muli %sub3A_100, %mul3A_101 : i32
      %add3A_103 = arith.addi %mul3A_2, %mul3A_102 : i32
      %dma_start3A_104 = tpu.memref_slice %arg4[%add3A_103] : memref<320000xi32, #tpu.memory_space<hbm>> -> memref<80xi32, #tpu.memory_space<hbm>>
      %dma_start3A_105 = tpu.memref_slice %arg4[%add3A_103] : memref<320000xi32, #tpu.memory_space<hbm>> -> memref<80xi32, #tpu.memory_space<hbm>>
      tpu.enqueue_dma source(%dma_start3A_105 : memref<80xi32, #tpu.memory_space<hbm>>) target(%arg10 : memref<80xi32, #tpu.memory_space<vmem>>) target_semaphore(%arg20 : memref<!tpu.dma_semaphore, #tpu.memory_space<semaphore_mem>>)
      %mul3A_106 = arith.constant 80 : i32
      %mul3A_107 = arith.muli %sub3A_100, %mul3A_106 : i32
      %dma_start3A_108 = tpu.memref_slice %arg21[%mul3A_107] : memref<10000xi32, #tpu.memory_space<vmem>> -> memref<80xi32, #tpu.memory_space<vmem>>
      %dma_start3A_109 = arith.constant 0 : i32
      %dma_start3A_110 = arith.constant 0 : i32
      %dma_start3A_111 = tpu.memref_slice %arg2[%dma_start3A_109, %dma_start3A_110] : memref<10000x128xf32, #tpu.memory_space<hbm>> -> memref<10000x128xf32, #tpu.memory_space<hbm>>
      tpu.enqueue_indirect_dma source(%dma_start3A_111 : memref<10000x128xf32, #tpu.memory_space<hbm>>) target(%arg13 : memref<80x128xf32, #tpu.memory_space<vmem>>) offsets(%dma_start3A_108 : memref<80xi32, #tpu.memory_space<vmem>>) semaphore(%arg17 : memref<!tpu.dma_semaphore, #tpu.memory_space<semaphore_mem>>)
      %mul3A_112 = arith.constant 80 : i32
      %mul3A_113 = arith.muli %sub3A_100, %mul3A_112 : i32
      %add3A_114 = arith.addi %mul3A_2, %mul3A_113 : i32
      %mul3A_115 = arith.constant 16 : i32
      %mul3A_116 = arith.muli %add3A_114, %mul3A_115 : i32
      %dma_start3A_117 = tpu.memref_slice %arg5[%mul3A_116] : memref<5120000xf32, #tpu.memory_space<hbm>> -> memref<1280xf32, #tpu.memory_space<hbm>>
      %dma_start3A_118 = tpu.memref_slice %arg5[%mul3A_116] : memref<5120000xf32, #tpu.memory_space<hbm>> -> memref<1280xf32, #tpu.memory_space<hbm>>
      tpu.enqueue_dma source(%dma_start3A_118 : memref<1280xf32, #tpu.memory_space<hbm>>) target(%arg24 : memref<1280xf32, #tpu.memory_space<vmem>>) target_semaphore(%arg27 : memref<!tpu.dma_semaphore, #tpu.memory_space<semaphore_mem>>)
      %dma_wait3A_119 = arith.constant 0 : i32
      %dma_wait3A_120 = arith.constant 0 : i32
      %dma_wait3A_121 = tpu.memref_slice %arg2[%dma_wait3A_119, %dma_wait3A_120] : memref<10000x128xf32, #tpu.memory_space<hbm>> -> memref<80x128xf32, #tpu.memory_space<hbm>>
      %dma_wait3A_122 = arith.constant 0 : i32
      %dma_wait3A_123 = arith.constant 0 : i32
      %dma_wait3A_124 = tpu.memref_slice %arg2[%dma_wait3A_122, %dma_wait3A_123] : memref<10000x128xf32, #tpu.memory_space<hbm>> -> memref<80x128xf32, #tpu.memory_space<hbm>>
      tpu.wait_dma2 semaphore(%arg15 : memref<!tpu.dma_semaphore, #tpu.memory_space<semaphore_mem>>) src(%dma_wait3A_124 : memref<80x128xf32, #tpu.memory_space<hbm>>) dst(%arg11 : memref<80x128xf32, #tpu.memory_space<vmem>>)
      %dma_wait3A_125 = arith.constant 0 : i32
      %dma_wait3A_126 = tpu.memref_slice %arg4[%dma_wait3A_125] : memref<320000xi32, #tpu.memory_space<hbm>> -> memref<80xi32, #tpu.memory_space<hbm>>
      %dma_wait3A_127 = arith.constant 0 : i32
      %dma_wait3A_128 = tpu.memref_slice %arg4[%dma_wait3A_127] : memref<320000xi32, #tpu.memory_space<hbm>> -> memref<80xi32, #tpu.memory_space<hbm>>
      tpu.wait_dma2 semaphore(%arg18 : memref<!tpu.dma_semaphore, #tpu.memory_space<semaphore_mem>>) src(%dma_wait3A_128 : memref<80xi32, #tpu.memory_space<hbm>>) dst(%arg8 : memref<80xi32, #tpu.memory_space<vmem>>)
      %dma_wait3A_129 = arith.constant 0 : i32
      %dma_wait3A_130 = tpu.memref_slice %arg5[%dma_wait3A_129] : memref<5120000xf32, #tpu.memory_space<hbm>> -> memref<1280xf32, #tpu.memory_space<hbm>>
      %dma_wait3A_131 = arith.constant 0 : i32
      %dma_wait3A_132 = tpu.memref_slice %arg5[%dma_wait3A_131] : memref<5120000xf32, #tpu.memory_space<hbm>> -> memref<1280xf32, #tpu.memory_space<hbm>>
      tpu.wait_dma2 semaphore(%arg25 : memref<!tpu.dma_semaphore, #tpu.memory_space<semaphore_mem>>) src(%dma_wait3A_132 : memref<1280xf32, #tpu.memory_space<hbm>>) dst(%arg22 : memref<1280xf32, #tpu.memory_space<vmem>>)
      %scan3A_133 = arith.constant 0 : i32
      %scan3A_134 = arith.constant 0 : i32
      %scan3A_135 = arith.constant 80 : i32
      %scan3A_136 = arith.addi %scan3A_134, %scan3A_135 : i32
      %scan3A_137 = arith.constant 1 : i32
      scf.for %scan3A_231 = %scan3A_134 to %scan3A_136 step %scan3A_137  : i32 {
        %mul3A_232 = arith.constant 16 : i32
        %mul3A_233 = arith.muli %scan3A_231, %mul3A_232 : i32
        %get3A = arith.index_cast %mul3A_233 : i32 to index
        %get3A_234 = tpu.vector_load %arg22[%get3A] {strides = array<i32>} : memref<1280xf32, #tpu.memory_space<vmem>>, vector<16xf32>,
        %get3A_235 = vector.shape_cast %get3A_234 : vector<16xf32> to vector<16xf32>
        %get3A_236 = arith.index_cast %scan3A_231 : i32 to index
        %get3A_237 = arith.constant 0 : index
        %get3A_238 = tpu.vector_load %arg11[%get3A_236, %get3A_237] {strides = array<i32>} : memref<80x128xf32, #tpu.memory_space<vmem>>, vector<1x16xf32>,
        %get3A_239 = vector.shape_cast %get3A_238 : vector<1x16xf32> to vector<16xf32>
        %mul3A_240 = arith.mulf %get3A_239, %get3A_235 : vector<16xf32>
        %swap3A = arith.index_cast %scan3A_231 : i32 to index
        %swap3A_241 = arith.constant 0 : index
        %swap3A_242 = tpu.vector_load %arg11[%swap3A, %swap3A_241] {strides = array<i32>} : memref<80x128xf32, #tpu.memory_space<vmem>>, vector<1x16xf32>,
        %swap3A_243 = vector.shape_cast %swap3A_242 : vector<1x16xf32> to vector<16xf32>
        %swap3A_244 = vector.shape_cast %mul3A_240 : vector<16xf32> to vector<1x16xf32>
        tpu.vector_store %arg11[%swap3A, %swap3A_241], %swap3A_244 {strides = array<i32>} : memref<80x128xf32, #tpu.memory_space<vmem>>, vector<1x16xf32>,
        %get3A_245 = arith.index_cast %scan3A_231 : i32 to index
        %get3A_246 = arith.constant 16 : index
        %get3A_247 = tpu.vector_load %arg11[%get3A_245, %get3A_246] {strides = array<i32>} : memref<80x128xf32, #tpu.memory_space<vmem>>, vector<1x16xf32>,
        %get3A_248 = vector.shape_cast %get3A_247 : vector<1x16xf32> to vector<16xf32>
        %mul3A_249 = arith.mulf %get3A_248, %get3A_235 : vector<16xf32>
        %swap3A_250 = arith.index_cast %scan3A_231 : i32 to index
        %swap3A_251 = arith.constant 16 : index
        %swap3A_252 = tpu.vector_load %arg11[%swap3A_250, %swap3A_251] {strides = array<i32>} : memref<80x128xf32, #tpu.memory_space<vmem>>, vector<1x16xf32>,
        %swap3A_253 = vector.shape_cast %swap3A_252 : vector<1x16xf32> to vector<16xf32>
        %swap3A_254 = vector.shape_cast %mul3A_249 : vector<16xf32> to vector<1x16xf32>
        tpu.vector_store %arg11[%swap3A_250, %swap3A_251], %swap3A_254 {strides = array<i32>} : memref<80x128xf32, #tpu.memory_space<vmem>>, vector<1x16xf32>,
        %get3A_255 = arith.index_cast %scan3A_231 : i32 to index
        %get3A_256 = arith.constant 32 : index
        %get3A_257 = tpu.vector_load %arg11[%get3A_255, %get3A_256] {strides = array<i32>} : memref<80x128xf32, #tpu.memory_space<vmem>>, vector<1x16xf32>,
        %get3A_258 = vector.shape_cast %get3A_257 : vector<1x16xf32> to vector<16xf32>
        %mul3A_259 = arith.mulf %get3A_258, %get3A_235 : vector<16xf32>
        %swap3A_260 = arith.index_cast %scan3A_231 : i32 to index
        %swap3A_261 = arith.constant 32 : index
        %swap3A_262 = tpu.vector_load %arg11[%swap3A_260, %swap3A_261] {strides = array<i32>} : memref<80x128xf32, #tpu.memory_space<vmem>>, vector<1x16xf32>,
        %swap3A_263 = vector.shape_cast %swap3A_262 : vector<1x16xf32> to vector<16xf32>
        %swap3A_264 = vector.shape_cast %mul3A_259 : vector<16xf32> to vector<1x16xf32>
        tpu.vector_store %arg11[%swap3A_260, %swap3A_261], %swap3A_264 {strides = array<i32>} : memref<80x128xf32, #tpu.memory_space<vmem>>, vector<1x16xf32>,
        %get3A_265 = arith.index_cast %scan3A_231 : i32 to index
        %get3A_266 = arith.constant 48 : index
        %get3A_267 = tpu.vector_load %arg11[%get3A_265, %get3A_266] {strides = array<i32>} : memref<80x128xf32, #tpu.memory_space<vmem>>, vector<1x16xf32>,
        %get3A_268 = vector.shape_cast %get3A_267 : vector<1x16xf32> to vector<16xf32>
        %mul3A_269 = arith.mulf %get3A_268, %get3A_235 : vector<16xf32>
        %swap3A_270 = arith.index_cast %scan3A_231 : i32 to index
        %swap3A_271 = arith.constant 48 : index
        %swap3A_272 = tpu.vector_load %arg11[%swap3A_270, %swap3A_271] {strides = array<i32>} : memref<80x128xf32, #tpu.memory_space<vmem>>, vector<1x16xf32>,
        %swap3A_273 = vector.shape_cast %swap3A_272 : vector<1x16xf32> to vector<16xf32>
        %swap3A_274 = vector.shape_cast %mul3A_269 : vector<16xf32> to vector<1x16xf32>
        tpu.vector_store %arg11[%swap3A_270, %swap3A_271], %swap3A_274 {strides = array<i32>} : memref<80x128xf32, #tpu.memory_space<vmem>>, vector<1x16xf32>,
        %get3A_275 = arith.index_cast %scan3A_231 : i32 to index
        %get3A_276 = arith.constant 64 : index
        %get3A_277 = tpu.vector_load %arg11[%get3A_275, %get3A_276] {strides = array<i32>} : memref<80x128xf32, #tpu.memory_space<vmem>>, vector<1x16xf32>,
        %get3A_278 = vector.shape_cast %get3A_277 : vector<1x16xf32> to vector<16xf32>
        %mul3A_279 = arith.mulf %get3A_278, %get3A_235 : vector<16xf32>
        %swap3A_280 = arith.index_cast %scan3A_231 : i32 to index
        %swap3A_281 = arith.constant 64 : index
        %swap3A_282 = tpu.vector_load %arg11[%swap3A_280, %swap3A_281] {strides = array<i32>} : memref<80x128xf32, #tpu.memory_space<vmem>>, vector<1x16xf32>,
        %swap3A_283 = vector.shape_cast %swap3A_282 : vector<1x16xf32> to vector<16xf32>
        %swap3A_284 = vector.shape_cast %mul3A_279 : vector<16xf32> to vector<1x16xf32>
        tpu.vector_store %arg11[%swap3A_280, %swap3A_281], %swap3A_284 {strides = array<i32>} : memref<80x128xf32, #tpu.memory_space<vmem>>, vector<1x16xf32>,
        %get3A_285 = arith.index_cast %scan3A_231 : i32 to index
        %get3A_286 = arith.constant 80 : index
        %get3A_287 = tpu.vector_load %arg11[%get3A_285, %get3A_286] {strides = array<i32>} : memref<80x128xf32, #tpu.memory_space<vmem>>, vector<1x16xf32>,
        %get3A_288 = vector.shape_cast %get3A_287 : vector<1x16xf32> to vector<16xf32>
        %mul3A_289 = arith.mulf %get3A_288, %get3A_235 : vector<16xf32>
        %swap3A_290 = arith.index_cast %scan3A_231 : i32 to index
        %swap3A_291 = arith.constant 80 : index
        %swap3A_292 = tpu.vector_load %arg11[%swap3A_290, %swap3A_291] {strides = array<i32>} : memref<80x128xf32, #tpu.memory_space<vmem>>, vector<1x16xf32>,
        %swap3A_293 = vector.shape_cast %swap3A_292 : vector<1x16xf32> to vector<16xf32>
        %swap3A_294 = vector.shape_cast %mul3A_289 : vector<16xf32> to vector<1x16xf32>
        tpu.vector_store %arg11[%swap3A_290, %swap3A_291], %swap3A_294 {strides = array<i32>} : memref<80x128xf32, #tpu.memory_space<vmem>>, vector<1x16xf32>,
        %get3A_295 = arith.index_cast %scan3A_231 : i32 to index
        %get3A_296 = arith.constant 96 : index
        %get3A_297 = tpu.vector_load %arg11[%get3A_295, %get3A_296] {strides = array<i32>} : memref<80x128xf32, #tpu.memory_space<vmem>>, vector<1x16xf32>,
        %get3A_298 = vector.shape_cast %get3A_297 : vector<1x16xf32> to vector<16xf32>
        %mul3A_299 = arith.mulf %get3A_298, %get3A_235 : vector<16xf32>
        %swap3A_300 = arith.index_cast %scan3A_231 : i32 to index
        %swap3A_301 = arith.constant 96 : index
        %swap3A_302 = tpu.vector_load %arg11[%swap3A_300, %swap3A_301] {strides = array<i32>} : memref<80x128xf32, #tpu.memory_space<vmem>>, vector<1x16xf32>,
        %swap3A_303 = vector.shape_cast %swap3A_302 : vector<1x16xf32> to vector<16xf32>
        %swap3A_304 = vector.shape_cast %mul3A_299 : vector<16xf32> to vector<1x16xf32>
        tpu.vector_store %arg11[%swap3A_300, %swap3A_301], %swap3A_304 {strides = array<i32>} : memref<80x128xf32, #tpu.memory_space<vmem>>, vector<1x16xf32>,
        %get3A_305 = arith.index_cast %scan3A_231 : i32 to index
        %get3A_306 = arith.constant 112 : index
        %get3A_307 = tpu.vector_load %arg11[%get3A_305, %get3A_306] {strides = array<i32>} : memref<80x128xf32, #tpu.memory_space<vmem>>, vector<1x16xf32>,
        %get3A_308 = vector.shape_cast %get3A_307 : vector<1x16xf32> to vector<16xf32>
        %mul3A_309 = arith.mulf %get3A_308, %get3A_235 : vector<16xf32>
        %swap3A_310 = arith.index_cast %scan3A_231 : i32 to index
        %swap3A_311 = arith.constant 112 : index
        %swap3A_312 = tpu.vector_load %arg11[%swap3A_310, %swap3A_311] {strides = array<i32>} : memref<80x128xf32, #tpu.memory_space<vmem>>, vector<1x16xf32>,
        %swap3A_313 = vector.shape_cast %swap3A_312 : vector<1x16xf32> to vector<16xf32>
        %swap3A_314 = vector.shape_cast %mul3A_309 : vector<16xf32> to vector<1x16xf32>
        tpu.vector_store %arg11[%swap3A_310, %swap3A_311], %swap3A_314 {strides = array<i32>} : memref<80x128xf32, #tpu.memory_space<vmem>>, vector<1x16xf32>,
      }
      %scan3A_138 = arith.constant 80 : i32
      "tpu.region"() ({
        %run_scoped3A = tpu.sem_alloc : memref<!tpu.dma_semaphore, #tpu.memory_space<semaphore_mem>>
        %dma_start3A_231 = arith.constant 0 : i32
        %dma_start3A_232 = arith.constant 0 : i32
        %dma_start3A_233 = tpu.memref_slice %arg14[%dma_start3A_231, %dma_start3A_232] : memref<10000x128xf32, #tpu.memory_space<vmem_shared>> -> memref<10000x128xf32, #tpu.memory_space<vmem_shared>>
        tpu.enqueue_indirect_dma source(%arg11 : memref<80x128xf32, #tpu.memory_space<vmem>>) target(%dma_start3A_233 : memref<10000x128xf32, #tpu.memory_space<vmem_shared>>) offsets(%arg8 : memref<80xi32, #tpu.memory_space<vmem>>) semaphore(%run_scoped3A : memref<!tpu.dma_semaphore, #tpu.memory_space<semaphore_mem>>) {add = true}
        %dma_wait3A_234 = arith.constant 0 : i32
        %dma_wait3A_235 = arith.constant 0 : i32
        %dma_wait3A_236 = tpu.memref_slice %arg14[%dma_wait3A_234, %dma_wait3A_235] : memref<10000x128xf32, #tpu.memory_space<vmem_shared>> -> memref<10000x128xf32, #tpu.memory_space<vmem_shared>>
        tpu.wait_indirect_dma semaphore(%run_scoped3A : memref<!tpu.dma_semaphore, #tpu.memory_space<semaphore_mem>>) src(%arg11 : memref<80x128xf32, #tpu.memory_space<vmem>>) dst(%dma_wait3A_236 : memref<10000x128xf32, #tpu.memory_space<vmem_shared>>)
        tpu.yield
      }) : () -> ()
      %mul3A_139 = arith.constant 3 : i32
      %mul3A_140 = arith.muli %mul3A_139, %scan3A_93 : i32
      %add3A_141 = arith.constant 1 : i32
      %add3A_142 = arith.addi %mul3A_140, %add3A_141 : i32
      %add3A_143 = arith.constant 3 : i32
      %add3A_144 = arith.addi %add3A_142, %add3A_143 : i32
      %sub3A_145 = arith.constant 1 : i32
      %sub3A_146 = arith.subi %add3A_144, %sub3A_145 : i32
      %mul3A_147 = arith.constant 80 : i32
      %mul3A_148 = arith.muli %sub3A_146, %mul3A_147 : i32
      %add3A_149 = arith.addi %mul3A_2, %mul3A_148 : i32
      %dma_start3A_150 = tpu.memref_slice %arg4[%add3A_149] : memref<320000xi32, #tpu.memory_space<hbm>> -> memref<80xi32, #tpu.memory_space<hbm>>
      %dma_start3A_151 = tpu.memref_slice %arg4[%add3A_149] : memref<320000xi32, #tpu.memory_space<hbm>> -> memref<80xi32, #tpu.memory_space<hbm>>
      tpu.enqueue_dma source(%dma_start3A_151 : memref<80xi32, #tpu.memory_space<hbm>>) target(%arg8 : memref<80xi32, #tpu.memory_space<vmem>>) target_semaphore(%arg18 : memref<!tpu.dma_semaphore, #tpu.memory_space<semaphore_mem>>)
      %mul3A_152 = arith.constant 80 : i32
      %mul3A_153 = arith.muli %sub3A_146, %mul3A_152 : i32
      %dma_start3A_154 = tpu.memref_slice %arg21[%mul3A_153] : memref<10000xi32, #tpu.memory_space<vmem>> -> memref<80xi32, #tpu.memory_space<vmem>>
      %dma_start3A_155 = arith.constant 0 : i32
      %dma_start3A_156 = arith.constant 0 : i32
      %dma_start3A_157 = tpu.memref_slice %arg2[%dma_start3A_155, %dma_start3A_156] : memref<10000x128xf32, #tpu.memory_space<hbm>> -> memref<10000x128xf32, #tpu.memory_space<hbm>>
      tpu.enqueue_indirect_dma source(%dma_start3A_157 : memref<10000x128xf32, #tpu.memory_space<hbm>>) target(%arg11 : memref<80x128xf32, #tpu.memory_space<vmem>>) offsets(%dma_start3A_154 : memref<80xi32, #tpu.memory_space<vmem>>) semaphore(%arg15 : memref<!tpu.dma_semaphore, #tpu.memory_space<semaphore_mem>>)
      %mul3A_158 = arith.constant 80 : i32
      %mul3A_159 = arith.muli %sub3A_146, %mul3A_158 : i32
      %add3A_160 = arith.addi %mul3A_2, %mul3A_159 : i32
      %mul3A_161 = arith.constant 16 : i32
      %mul3A_162 = arith.muli %add3A_160, %mul3A_161 : i32
      %dma_start3A_163 = tpu.memref_slice %arg5[%mul3A_162] : memref<5120000xf32, #tpu.memory_space<hbm>> -> memref<1280xf32, #tpu.memory_space<hbm>>
      %dma_start3A_164 = tpu.memref_slice %arg5[%mul3A_162] : memref<5120000xf32, #tpu.memory_space<hbm>> -> memref<1280xf32, #tpu.memory_space<hbm>>
      tpu.enqueue_dma source(%dma_start3A_164 : memref<1280xf32, #tpu.memory_space<hbm>>) target(%arg22 : memref<1280xf32, #tpu.memory_space<vmem>>) target_semaphore(%arg25 : memref<!tpu.dma_semaphore, #tpu.memory_space<semaphore_mem>>)
      %dma_wait3A_165 = arith.constant 0 : i32
      %dma_wait3A_166 = arith.constant 0 : i32
      %dma_wait3A_167 = tpu.memref_slice %arg2[%dma_wait3A_165, %dma_wait3A_166] : memref<10000x128xf32, #tpu.memory_space<hbm>> -> memref<80x128xf32, #tpu.memory_space<hbm>>
      %dma_wait3A_168 = arith.constant 0 : i32
      %dma_wait3A_169 = arith.constant 0 : i32
      %dma_wait3A_170 = tpu.memref_slice %arg2[%dma_wait3A_168, %dma_wait3A_169] : memref<10000x128xf32, #tpu.memory_space<hbm>> -> memref<80x128xf32, #tpu.memory_space<hbm>>
      tpu.wait_dma2 semaphore(%arg16 : memref<!tpu.dma_semaphore, #tpu.memory_space<semaphore_mem>>) src(%dma_wait3A_170 : memref<80x128xf32, #tpu.memory_space<hbm>>) dst(%arg12 : memref<80x128xf32, #tpu.memory_space<vmem>>)
      %dma_wait3A_171 = arith.constant 0 : i32
      %dma_wait3A_172 = tpu.memref_slice %arg4[%dma_wait3A_171] : memref<320000xi32, #tpu.memory_space<hbm>> -> memref<80xi32, #tpu.memory_space<hbm>>
      %dma_wait3A_173 = arith.constant 0 : i32
      %dma_wait3A_174 = tpu.memref_slice %arg4[%dma_wait3A_173] : memref<320000xi32, #tpu.memory_space<hbm>> -> memref<80xi32, #tpu.memory_space<hbm>>
      tpu.wait_dma2 semaphore(%arg19 : memref<!tpu.dma_semaphore, #tpu.memory_space<semaphore_mem>>) src(%dma_wait3A_174 : memref<80xi32, #tpu.memory_space<hbm>>) dst(%arg9 : memref<80xi32, #tpu.memory_space<vmem>>)
      %dma_wait3A_175 = arith.constant 0 : i32
      %dma_wait3A_176 = tpu.memref_slice %arg5[%dma_wait3A_175] : memref<5120000xf32, #tpu.memory_space<hbm>> -> memref<1280xf32, #tpu.memory_space<hbm>>
      %dma_wait3A_177 = arith.constant 0 : i32
      %dma_wait3A_178 = tpu.memref_slice %arg5[%dma_wait3A_177] : memref<5120000xf32, #tpu.memory_space<hbm>> -> memref<1280xf32, #tpu.memory_space<hbm>>
      tpu.wait_dma2 semaphore(%arg26 : memref<!tpu.dma_semaphore, #tpu.memory_space<semaphore_mem>>) src(%dma_wait3A_178 : memref<1280xf32, #tpu.memory_space<hbm>>) dst(%arg23 : memref<1280xf32, #tpu.memory_space<vmem>>)
      %scan3A_179 = arith.constant 0 : i32
      %scan3A_180 = arith.constant 0 : i32
      %scan3A_181 = arith.constant 80 : i32
      %scan3A_182 = arith.addi %scan3A_180, %scan3A_181 : i32
      %scan3A_183 = arith.constant 1 : i32
      scf.for %scan3A_231 = %scan3A_180 to %scan3A_182 step %scan3A_183  : i32 {
        %mul3A_232 = arith.constant 16 : i32
        %mul3A_233 = arith.muli %scan3A_231, %mul3A_232 : i32
        %get3A = arith.index_cast %mul3A_233 : i32 to index
        %get3A_234 = tpu.vector_load %arg23[%get3A] {strides = array<i32>} : memref<1280xf32, #tpu.memory_space<vmem>>, vector<16xf32>,
        %get3A_235 = vector.shape_cast %get3A_234 : vector<16xf32> to vector<16xf32>
        %get3A_236 = arith.index_cast %scan3A_231 : i32 to index
        %get3A_237 = arith.constant 0 : index
        %get3A_238 = tpu.vector_load %arg12[%get3A_236, %get3A_237] {strides = array<i32>} : memref<80x128xf32, #tpu.memory_space<vmem>>, vector<1x16xf32>,
        %get3A_239 = vector.shape_cast %get3A_238 : vector<1x16xf32> to vector<16xf32>
        %mul3A_240 = arith.mulf %get3A_239, %get3A_235 : vector<16xf32>
        %swap3A = arith.index_cast %scan3A_231 : i32 to index
        %swap3A_241 = arith.constant 0 : index
        %swap3A_242 = tpu.vector_load %arg12[%swap3A, %swap3A_241] {strides = array<i32>} : memref<80x128xf32, #tpu.memory_space<vmem>>, vector<1x16xf32>,
        %swap3A_243 = vector.shape_cast %swap3A_242 : vector<1x16xf32> to vector<16xf32>
        %swap3A_244 = vector.shape_cast %mul3A_240 : vector<16xf32> to vector<1x16xf32>
        tpu.vector_store %arg12[%swap3A, %swap3A_241], %swap3A_244 {strides = array<i32>} : memref<80x128xf32, #tpu.memory_space<vmem>>, vector<1x16xf32>,
        %get3A_245 = arith.index_cast %scan3A_231 : i32 to index
        %get3A_246 = arith.constant 16 : index
        %get3A_247 = tpu.vector_load %arg12[%get3A_245, %get3A_246] {strides = array<i32>} : memref<80x128xf32, #tpu.memory_space<vmem>>, vector<1x16xf32>,
        %get3A_248 = vector.shape_cast %get3A_247 : vector<1x16xf32> to vector<16xf32>
        %mul3A_249 = arith.mulf %get3A_248, %get3A_235 : vector<16xf32>
        %swap3A_250 = arith.index_cast %scan3A_231 : i32 to index
        %swap3A_251 = arith.constant 16 : index
        %swap3A_252 = tpu.vector_load %arg12[%swap3A_250, %swap3A_251] {strides = array<i32>} : memref<80x128xf32, #tpu.memory_space<vmem>>, vector<1x16xf32>,
        %swap3A_253 = vector.shape_cast %swap3A_252 : vector<1x16xf32> to vector<16xf32>
        %swap3A_254 = vector.shape_cast %mul3A_249 : vector<16xf32> to vector<1x16xf32>
        tpu.vector_store %arg12[%swap3A_250, %swap3A_251], %swap3A_254 {strides = array<i32>} : memref<80x128xf32, #tpu.memory_space<vmem>>, vector<1x16xf32>,
        %get3A_255 = arith.index_cast %scan3A_231 : i32 to index
        %get3A_256 = arith.constant 32 : index
        %get3A_257 = tpu.vector_load %arg12[%get3A_255, %get3A_256] {strides = array<i32>} : memref<80x128xf32, #tpu.memory_space<vmem>>, vector<1x16xf32>,
        %get3A_258 = vector.shape_cast %get3A_257 : vector<1x16xf32> to vector<16xf32>
        %mul3A_259 = arith.mulf %get3A_258, %get3A_235 : vector<16xf32>
        %swap3A_260 = arith.index_cast %scan3A_231 : i32 to index
        %swap3A_261 = arith.constant 32 : index
        %swap3A_262 = tpu.vector_load %arg12[%swap3A_260, %swap3A_261] {strides = array<i32>} : memref<80x128xf32, #tpu.memory_space<vmem>>, vector<1x16xf32>,
        %swap3A_263 = vector.shape_cast %swap3A_262 : vector<1x16xf32> to vector<16xf32>
        %swap3A_264 = vector.shape_cast %mul3A_259 : vector<16xf32> to vector<1x16xf32>
        tpu.vector_store %arg12[%swap3A_260, %swap3A_261], %swap3A_264 {strides = array<i32>} : memref<80x128xf32, #tpu.memory_space<vmem>>, vector<1x16xf32>,
        %get3A_265 = arith.index_cast %scan3A_231 : i32 to index
        %get3A_266 = arith.constant 48 : index
        %get3A_267 = tpu.vector_load %arg12[%get3A_265, %get3A_266] {strides = array<i32>} : memref<80x128xf32, #tpu.memory_space<vmem>>, vector<1x16xf32>,
        %get3A_268 = vector.shape_cast %get3A_267 : vector<1x16xf32> to vector<16xf32>
        %mul3A_269 = arith.mulf %get3A_268, %get3A_235 : vector<16xf32>
        %swap3A_270 = arith.index_cast %scan3A_231 : i32 to index
        %swap3A_271 = arith.constant 48 : index
        %swap3A_272 = tpu.vector_load %arg12[%swap3A_270, %swap3A_271] {strides = array<i32>} : memref<80x128xf32, #tpu.memory_space<vmem>>, vector<1x16xf32>,
        %swap3A_273 = vector.shape_cast %swap3A_272 : vector<1x16xf32> to vector<16xf32>
        %swap3A_274 = vector.shape_cast %mul3A_269 : vector<16xf32> to vector<1x16xf32>
        tpu.vector_store %arg12[%swap3A_270, %swap3A_271], %swap3A_274 {strides = array<i32>} : memref<80x128xf32, #tpu.memory_space<vmem>>, vector<1x16xf32>,
        %get3A_275 = arith.index_cast %scan3A_231 : i32 to index
        %get3A_276 = arith.constant 64 : index
        %get3A_277 = tpu.vector_load %arg12[%get3A_275, %get3A_276] {strides = array<i32>} : memref<80x128xf32, #tpu.memory_space<vmem>>, vector<1x16xf32>,
        %get3A_278 = vector.shape_cast %get3A_277 : vector<1x16xf32> to vector<16xf32>
        %mul3A_279 = arith.mulf %get3A_278, %get3A_235 : vector<16xf32>
        %swap3A_280 = arith.index_cast %scan3A_231 : i32 to index
        %swap3A_281 = arith.constant 64 : index
        %swap3A_282 = tpu.vector_load %arg12[%swap3A_280, %swap3A_281] {strides = array<i32>} : memref<80x128xf32, #tpu.memory_space<vmem>>, vector<1x16xf32>,
        %swap3A_283 = vector.shape_cast %swap3A_282 : vector<1x16xf32> to vector<16xf32>
        %swap3A_284 = vector.shape_cast %mul3A_279 : vector<16xf32> to vector<1x16xf32>
        tpu.vector_store %arg12[%swap3A_280, %swap3A_281], %swap3A_284 {strides = array<i32>} : memref<80x128xf32, #tpu.memory_space<vmem>>, vector<1x16xf32>,
        %get3A_285 = arith.index_cast %scan3A_231 : i32 to index
        %get3A_286 = arith.constant 80 : index
        %get3A_287 = tpu.vector_load %arg12[%get3A_285, %get3A_286] {strides = array<i32>} : memref<80x128xf32, #tpu.memory_space<vmem>>, vector<1x16xf32>,
        %get3A_288 = vector.shape_cast %get3A_287 : vector<1x16xf32> to vector<16xf32>
        %mul3A_289 = arith.mulf %get3A_288, %get3A_235 : vector<16xf32>
        %swap3A_290 = arith.index_cast %scan3A_231 : i32 to index
        %swap3A_291 = arith.constant 80 : index
        %swap3A_292 = tpu.vector_load %arg12[%swap3A_290, %swap3A_291] {strides = array<i32>} : memref<80x128xf32, #tpu.memory_space<vmem>>, vector<1x16xf32>,
        %swap3A_293 = vector.shape_cast %swap3A_292 : vector<1x16xf32> to vector<16xf32>
        %swap3A_294 = vector.shape_cast %mul3A_289 : vector<16xf32> to vector<1x16xf32>
        tpu.vector_store %arg12[%swap3A_290, %swap3A_291], %swap3A_294 {strides = array<i32>} : memref<80x128xf32, #tpu.memory_space<vmem>>, vector<1x16xf32>,
        %get3A_295 = arith.index_cast %scan3A_231 : i32 to index
        %get3A_296 = arith.constant 96 : index
        %get3A_297 = tpu.vector_load %arg12[%get3A_295, %get3A_296] {strides = array<i32>} : memref<80x128xf32, #tpu.memory_space<vmem>>, vector<1x16xf32>,
        %get3A_298 = vector.shape_cast %get3A_297 : vector<1x16xf32> to vector<16xf32>
        %mul3A_299 = arith.mulf %get3A_298, %get3A_235 : vector<16xf32>
        %swap3A_300 = arith.index_cast %scan3A_231 : i32 to index
        %swap3A_301 = arith.constant 96 : index
        %swap3A_302 = tpu.vector_load %arg12[%swap3A_300, %swap3A_301] {strides = array<i32>} : memref<80x128xf32, #tpu.memory_space<vmem>>, vector<1x16xf32>,
        %swap3A_303 = vector.shape_cast %swap3A_302 : vector<1x16xf32> to vector<16xf32>
        %swap3A_304 = vector.shape_cast %mul3A_299 : vector<16xf32> to vector<1x16xf32>
        tpu.vector_store %arg12[%swap3A_300, %swap3A_301], %swap3A_304 {strides = array<i32>} : memref<80x128xf32, #tpu.memory_space<vmem>>, vector<1x16xf32>,
        %get3A_305 = arith.index_cast %scan3A_231 : i32 to index
        %get3A_306 = arith.constant 112 : index
        %get3A_307 = tpu.vector_load %arg12[%get3A_305, %get3A_306] {strides = array<i32>} : memref<80x128xf32, #tpu.memory_space<vmem>>, vector<1x16xf32>,
        %get3A_308 = vector.shape_cast %get3A_307 : vector<1x16xf32> to vector<16xf32>
        %mul3A_309 = arith.mulf %get3A_308, %get3A_235 : vector<16xf32>
        %swap3A_310 = arith.index_cast %scan3A_231 : i32 to index
        %swap3A_311 = arith.constant 112 : index
        %swap3A_312 = tpu.vector_load %arg12[%swap3A_310, %swap3A_311] {strides = array<i32>} : memref<80x128xf32, #tpu.memory_space<vmem>>, vector<1x16xf32>,
        %swap3A_313 = vector.shape_cast %swap3A_312 : vector<1x16xf32> to vector<16xf32>
        %swap3A_314 = vector.shape_cast %mul3A_309 : vector<16xf32> to vector<1x16xf32>
        tpu.vector_store %arg12[%swap3A_310, %swap3A_311], %swap3A_314 {strides = array<i32>} : memref<80x128xf32, #tpu.memory_space<vmem>>, vector<1x16xf32>,
      }
      %scan3A_184 = arith.constant 80 : i32
      "tpu.region"() ({
        %run_scoped3A = tpu.sem_alloc : memref<!tpu.dma_semaphore, #tpu.memory_space<semaphore_mem>>
        %dma_start3A_231 = arith.constant 0 : i32
        %dma_start3A_232 = arith.constant 0 : i32
        %dma_start3A_233 = tpu.memref_slice %arg14[%dma_start3A_231, %dma_start3A_232] : memref<10000x128xf32, #tpu.memory_space<vmem_shared>> -> memref<10000x128xf32, #tpu.memory_space<vmem_shared>>
        tpu.enqueue_indirect_dma source(%arg12 : memref<80x128xf32, #tpu.memory_space<vmem>>) target(%dma_start3A_233 : memref<10000x128xf32, #tpu.memory_space<vmem_shared>>) offsets(%arg9 : memref<80xi32, #tpu.memory_space<vmem>>) semaphore(%run_scoped3A : memref<!tpu.dma_semaphore, #tpu.memory_space<semaphore_mem>>) {add = true}
        %dma_wait3A_234 = arith.constant 0 : i32
        %dma_wait3A_235 = arith.constant 0 : i32
        %dma_wait3A_236 = tpu.memref_slice %arg14[%dma_wait3A_234, %dma_wait3A_235] : memref<10000x128xf32, #tpu.memory_space<vmem_shared>> -> memref<10000x128xf32, #tpu.memory_space<vmem_shared>>
        tpu.wait_indirect_dma semaphore(%run_scoped3A : memref<!tpu.dma_semaphore, #tpu.memory_space<semaphore_mem>>) src(%arg12 : memref<80x128xf32, #tpu.memory_space<vmem>>) dst(%dma_wait3A_236 : memref<10000x128xf32, #tpu.memory_space<vmem_shared>>)
        tpu.yield
      }) : () -> ()
      %mul3A_185 = arith.constant 3 : i32
      %mul3A_186 = arith.muli %mul3A_185, %scan3A_93 : i32
      %add3A_187 = arith.constant 2 : i32
      %add3A_188 = arith.addi %mul3A_186, %add3A_187 : i32
      %add3A_189 = arith.constant 3 : i32
      %add3A_190 = arith.addi %add3A_188, %add3A_189 : i32
      %sub3A_191 = arith.constant 1 : i32
      %sub3A_192 = arith.subi %add3A_190, %sub3A_191 : i32
      %mul3A_193 = arith.constant 80 : i32
      %mul3A_194 = arith.muli %sub3A_192, %mul3A_193 : i32
      %add3A_195 = arith.addi %mul3A_2, %mul3A_194 : i32
      %dma_start3A_196 = tpu.memref_slice %arg4[%add3A_195] : memref<320000xi32, #tpu.memory_space<hbm>> -> memref<80xi32, #tpu.memory_space<hbm>>
      %dma_start3A_197 = tpu.memref_slice %arg4[%add3A_195] : memref<320000xi32, #tpu.memory_space<hbm>> -> memref<80xi32, #tpu.memory_space<hbm>>
      tpu.enqueue_dma source(%dma_start3A_197 : memref<80xi32, #tpu.memory_space<hbm>>) target(%arg9 : memref<80xi32, #tpu.memory_space<vmem>>) target_semaphore(%arg19 : memref<!tpu.dma_semaphore, #tpu.memory_space<semaphore_mem>>)
      %mul3A_198 = arith.constant 80 : i32
      %mul3A_199 = arith.muli %sub3A_192, %mul3A_198 : i32
      %dma_start3A_200 = tpu.memref_slice %arg21[%mul3A_199] : memref<10000xi32, #tpu.memory_space<vmem>> -> memref<80xi32, #tpu.memory_space<vmem>>
      %dma_start3A_201 = arith.constant 0 : i32
      %dma_start3A_202 = arith.constant 0 : i32
      %dma_start3A_203 = tpu.memref_slice %arg2[%dma_start3A_201, %dma_start3A_202] : memref<10000x128xf32, #tpu.memory_space<hbm>> -> memref<10000x128xf32, #tpu.memory_space<hbm>>
      tpu.enqueue_indirect_dma source(%dma_start3A_203 : memref<10000x128xf32, #tpu.memory_space<hbm>>) target(%arg12 : memref<80x128xf32, #tpu.memory_space<vmem>>) offsets(%dma_start3A_200 : memref<80xi32, #tpu.memory_space<vmem>>) semaphore(%arg16 : memref<!tpu.dma_semaphore, #tpu.memory_space<semaphore_mem>>)
      %mul3A_204 = arith.constant 80 : i32
      %mul3A_205 = arith.muli %sub3A_192, %mul3A_204 : i32
      %add3A_206 = arith.addi %mul3A_2, %mul3A_205 : i32
      %mul3A_207 = arith.constant 16 : i32
      %mul3A_208 = arith.muli %add3A_206, %mul3A_207 : i32
      %dma_start3A_209 = tpu.memref_slice %arg5[%mul3A_208] : memref<5120000xf32, #tpu.memory_space<hbm>> -> memref<1280xf32, #tpu.memory_space<hbm>>
      %dma_start3A_210 = tpu.memref_slice %arg5[%mul3A_208] : memref<5120000xf32, #tpu.memory_space<hbm>> -> memref<1280xf32, #tpu.memory_space<hbm>>
      tpu.enqueue_dma source(%dma_start3A_210 : memref<1280xf32, #tpu.memory_space<hbm>>) target(%arg23 : memref<1280xf32, #tpu.memory_space<vmem>>) target_semaphore(%arg26 : memref<!tpu.dma_semaphore, #tpu.memory_space<semaphore_mem>>)
      %dma_wait3A_211 = arith.constant 0 : i32
      %dma_wait3A_212 = arith.constant 0 : i32
      %dma_wait3A_213 = tpu.memref_slice %arg2[%dma_wait3A_211, %dma_wait3A_212] : memref<10000x128xf32, #tpu.memory_space<hbm>> -> memref<80x128xf32, #tpu.memory_space<hbm>>
      %dma_wait3A_214 = arith.constant 0 : i32
      %dma_wait3A_215 = arith.constant 0 : i32
      %dma_wait3A_216 = tpu.memref_slice %arg2[%dma_wait3A_214, %dma_wait3A_215] : memref<10000x128xf32, #tpu.memory_space<hbm>> -> memref<80x128xf32, #tpu.memory_space<hbm>>
      tpu.wait_dma2 semaphore(%arg17 : memref<!tpu.dma_semaphore, #tpu.memory_space<semaphore_mem>>) src(%dma_wait3A_216 : memref<80x128xf32, #tpu.memory_space<hbm>>) dst(%arg13 : memref<80x128xf32, #tpu.memory_space<vmem>>)
      %dma_wait3A_217 = arith.constant 0 : i32
      %dma_wait3A_218 = tpu.memref_slice %arg4[%dma_wait3A_217] : memref<320000xi32, #tpu.memory_space<hbm>> -> memref<80xi32, #tpu.memory_space<hbm>>
      %dma_wait3A_219 = arith.constant 0 : i32
      %dma_wait3A_220 = tpu.memref_slice %arg4[%dma_wait3A_219] : memref<320000xi32, #tpu.memory_space<hbm>> -> memref<80xi32, #tpu.memory_space<hbm>>
      tpu.wait_dma2 semaphore(%arg20 : memref<!tpu.dma_semaphore, #tpu.memory_space<semaphore_mem>>) src(%dma_wait3A_220 : memref<80xi32, #tpu.memory_space<hbm>>) dst(%arg10 : memref<80xi32, #tpu.memory_space<vmem>>)
      %dma_wait3A_221 = arith.constant 0 : i32
      %dma_wait3A_222 = tpu.memref_slice %arg5[%dma_wait3A_221] : memref<5120000xf32, #tpu.memory_space<hbm>> -> memref<1280xf32, #tpu.memory_space<hbm>>
      %dma_wait3A_223 = arith.constant 0 : i32
      %dma_wait3A_224 = tpu.memref_slice %arg5[%dma_wait3A_223] : memref<5120000xf32, #tpu.memory_space<hbm>> -> memref<1280xf32, #tpu.memory_space<hbm>>
      tpu.wait_dma2 semaphore(%arg27 : memref<!tpu.dma_semaphore, #tpu.memory_space<semaphore_mem>>) src(%dma_wait3A_224 : memref<1280xf32, #tpu.memory_space<hbm>>) dst(%arg24 : memref<1280xf32, #tpu.memory_space<vmem>>)
      %scan3A_225 = arith.constant 0 : i32
      %scan3A_226 = arith.constant 0 : i32
      %scan3A_227 = arith.constant 80 : i32
      %scan3A_228 = arith.addi %scan3A_226, %scan3A_227 : i32
      %scan3A_229 = arith.constant 1 : i32
      scf.for %scan3A_231 = %scan3A_226 to %scan3A_228 step %scan3A_229  : i32 {
        %mul3A_232 = arith.constant 16 : i32
        %mul3A_233 = arith.muli %scan3A_231, %mul3A_232 : i32
        %get3A = arith.index_cast %mul3A_233 : i32 to index
        %get3A_234 = tpu.vector_load %arg24[%get3A] {strides = array<i32>} : memref<1280xf32, #tpu.memory_space<vmem>>, vector<16xf32>,
        %get3A_235 = vector.shape_cast %get3A_234 : vector<16xf32> to vector<16xf32>
        %get3A_236 = arith.index_cast %scan3A_231 : i32 to index
        %get3A_237 = arith.constant 0 : index
        %get3A_238 = tpu.vector_load %arg13[%get3A_236, %get3A_237] {strides = array<i32>} : memref<80x128xf32, #tpu.memory_space<vmem>>, vector<1x16xf32>,
        %get3A_239 = vector.shape_cast %get3A_238 : vector<1x16xf32> to vector<16xf32>
        %mul3A_240 = arith.mulf %get3A_239, %get3A_235 : vector<16xf32>
        %swap3A = arith.index_cast %scan3A_231 : i32 to index
        %swap3A_241 = arith.constant 0 : index
        %swap3A_242 = tpu.vector_load %arg13[%swap3A, %swap3A_241] {strides = array<i32>} : memref<80x128xf32, #tpu.memory_space<vmem>>, vector<1x16xf32>,
        %swap3A_243 = vector.shape_cast %swap3A_242 : vector<1x16xf32> to vector<16xf32>
        %swap3A_244 = vector.shape_cast %mul3A_240 : vector<16xf32> to vector<1x16xf32>
        tpu.vector_store %arg13[%swap3A, %swap3A_241], %swap3A_244 {strides = array<i32>} : memref<80x128xf32, #tpu.memory_space<vmem>>, vector<1x16xf32>,
        %get3A_245 = arith.index_cast %scan3A_231 : i32 to index
        %get3A_246 = arith.constant 16 : index
        %get3A_247 = tpu.vector_load %arg13[%get3A_245, %get3A_246] {strides = array<i32>} : memref<80x128xf32, #tpu.memory_space<vmem>>, vector<1x16xf32>,
        %get3A_248 = vector.shape_cast %get3A_247 : vector<1x16xf32> to vector<16xf32>
        %mul3A_249 = arith.mulf %get3A_248, %get3A_235 : vector<16xf32>
        %swap3A_250 = arith.index_cast %scan3A_231 : i32 to index
        %swap3A_251 = arith.constant 16 : index
        %swap3A_252 = tpu.vector_load %arg13[%swap3A_250, %swap3A_251] {strides = array<i32>} : memref<80x128xf32, #tpu.memory_space<vmem>>, vector<1x16xf32>,
        %swap3A_253 = vector.shape_cast %swap3A_252 : vector<1x16xf32> to vector<16xf32>
        %swap3A_254 = vector.shape_cast %mul3A_249 : vector<16xf32> to vector<1x16xf32>
        tpu.vector_store %arg13[%swap3A_250, %swap3A_251], %swap3A_254 {strides = array<i32>} : memref<80x128xf32, #tpu.memory_space<vmem>>, vector<1x16xf32>,
        %get3A_255 = arith.index_cast %scan3A_231 : i32 to index
        %get3A_256 = arith.constant 32 : index
        %get3A_257 = tpu.vector_load %arg13[%get3A_255, %get3A_256] {strides = array<i32>} : memref<80x128xf32, #tpu.memory_space<vmem>>, vector<1x16xf32>,
        %get3A_258 = vector.shape_cast %get3A_257 : vector<1x16xf32> to vector<16xf32>
        %mul3A_259 = arith.mulf %get3A_258, %get3A_235 : vector<16xf32>
        %swap3A_260 = arith.index_cast %scan3A_231 : i32 to index
        %swap3A_261 = arith.constant 32 : index
        %swap3A_262 = tpu.vector_load %arg13[%swap3A_260, %swap3A_261] {strides = array<i32>} : memref<80x128xf32, #tpu.memory_space<vmem>>, vector<1x16xf32>,
        %swap3A_263 = vector.shape_cast %swap3A_262 : vector<1x16xf32> to vector<16xf32>
        %swap3A_264 = vector.shape_cast %mul3A_259 : vector<16xf32> to vector<1x16xf32>
        tpu.vector_store %arg13[%swap3A_260, %swap3A_261], %swap3A_264 {strides = array<i32>} : memref<80x128xf32, #tpu.memory_space<vmem>>, vector<1x16xf32>,
        %get3A_265 = arith.index_cast %scan3A_231 : i32 to index
        %get3A_266 = arith.constant 48 : index
        %get3A_267 = tpu.vector_load %arg13[%get3A_265, %get3A_266] {strides = array<i32>} : memref<80x128xf32, #tpu.memory_space<vmem>>, vector<1x16xf32>,
        %get3A_268 = vector.shape_cast %get3A_267 : vector<1x16xf32> to vector<16xf32>
        %mul3A_269 = arith.mulf %get3A_268, %get3A_235 : vector<16xf32>
        %swap3A_270 = arith.index_cast %scan3A_231 : i32 to index
        %swap3A_271 = arith.constant 48 : index
        %swap3A_272 = tpu.vector_load %arg13[%swap3A_270, %swap3A_271] {strides = array<i32>} : memref<80x128xf32, #tpu.memory_space<vmem>>, vector<1x16xf32>,
        %swap3A_273 = vector.shape_cast %swap3A_272 : vector<1x16xf32> to vector<16xf32>
        %swap3A_274 = vector.shape_cast %mul3A_269 : vector<16xf32> to vector<1x16xf32>
        tpu.vector_store %arg13[%swap3A_270, %swap3A_271], %swap3A_274 {strides = array<i32>} : memref<80x128xf32, #tpu.memory_space<vmem>>, vector<1x16xf32>,
        %get3A_275 = arith.index_cast %scan3A_231 : i32 to index
        %get3A_276 = arith.constant 64 : index
        %get3A_277 = tpu.vector_load %arg13[%get3A_275, %get3A_276] {strides = array<i32>} : memref<80x128xf32, #tpu.memory_space<vmem>>, vector<1x16xf32>,
        %get3A_278 = vector.shape_cast %get3A_277 : vector<1x16xf32> to vector<16xf32>
        %mul3A_279 = arith.mulf %get3A_278, %get3A_235 : vector<16xf32>
        %swap3A_280 = arith.index_cast %scan3A_231 : i32 to index
        %swap3A_281 = arith.constant 64 : index
        %swap3A_282 = tpu.vector_load %arg13[%swap3A_280, %swap3A_281] {strides = array<i32>} : memref<80x128xf32, #tpu.memory_space<vmem>>, vector<1x16xf32>,
        %swap3A_283 = vector.shape_cast %swap3A_282 : vector<1x16xf32> to vector<16xf32>
        %swap3A_284 = vector.shape_cast %mul3A_279 : vector<16xf32> to vector<1x16xf32>
        tpu.vector_store %arg13[%swap3A_280, %swap3A_281], %swap3A_284 {strides = array<i32>} : memref<80x128xf32, #tpu.memory_space<vmem>>, vector<1x16xf32>,
        %get3A_285 = arith.index_cast %scan3A_231 : i32 to index
        %get3A_286 = arith.constant 80 : index
        %get3A_287 = tpu.vector_load %arg13[%get3A_285, %get3A_286] {strides = array<i32>} : memref<80x128xf32, #tpu.memory_space<vmem>>, vector<1x16xf32>,
        %get3A_288 = vector.shape_cast %get3A_287 : vector<1x16xf32> to vector<16xf32>
        %mul3A_289 = arith.mulf %get3A_288, %get3A_235 : vector<16xf32>
        %swap3A_290 = arith.index_cast %scan3A_231 : i32 to index
        %swap3A_291 = arith.constant 80 : index
        %swap3A_292 = tpu.vector_load %arg13[%swap3A_290, %swap3A_291] {strides = array<i32>} : memref<80x128xf32, #tpu.memory_space<vmem>>, vector<1x16xf32>,
        %swap3A_293 = vector.shape_cast %swap3A_292 : vector<1x16xf32> to vector<16xf32>
        %swap3A_294 = vector.shape_cast %mul3A_289 : vector<16xf32> to vector<1x16xf32>
        tpu.vector_store %arg13[%swap3A_290, %swap3A_291], %swap3A_294 {strides = array<i32>} : memref<80x128xf32, #tpu.memory_space<vmem>>, vector<1x16xf32>,
        %get3A_295 = arith.index_cast %scan3A_231 : i32 to index
        %get3A_296 = arith.constant 96 : index
        %get3A_297 = tpu.vector_load %arg13[%get3A_295, %get3A_296] {strides = array<i32>} : memref<80x128xf32, #tpu.memory_space<vmem>>, vector<1x16xf32>,
        %get3A_298 = vector.shape_cast %get3A_297 : vector<1x16xf32> to vector<16xf32>
        %mul3A_299 = arith.mulf %get3A_298, %get3A_235 : vector<16xf32>
        %swap3A_300 = arith.index_cast %scan3A_231 : i32 to index
        %swap3A_301 = arith.constant 96 : index
        %swap3A_302 = tpu.vector_load %arg13[%swap3A_300, %swap3A_301] {strides = array<i32>} : memref<80x128xf32, #tpu.memory_space<vmem>>, vector<1x16xf32>,
        %swap3A_303 = vector.shape_cast %swap3A_302 : vector<1x16xf32> to vector<16xf32>
        %swap3A_304 = vector.shape_cast %mul3A_299 : vector<16xf32> to vector<1x16xf32>
        tpu.vector_store %arg13[%swap3A_300, %swap3A_301], %swap3A_304 {strides = array<i32>} : memref<80x128xf32, #tpu.memory_space<vmem>>, vector<1x16xf32>,
        %get3A_305 = arith.index_cast %scan3A_231 : i32 to index
        %get3A_306 = arith.constant 112 : index
        %get3A_307 = tpu.vector_load %arg13[%get3A_305, %get3A_306] {strides = array<i32>} : memref<80x128xf32, #tpu.memory_space<vmem>>, vector<1x16xf32>,
        %get3A_308 = vector.shape_cast %get3A_307 : vector<1x16xf32> to vector<16xf32>
        %mul3A_309 = arith.mulf %get3A_308, %get3A_235 : vector<16xf32>
        %swap3A_310 = arith.index_cast %scan3A_231 : i32 to index
        %swap3A_311 = arith.constant 112 : index
        %swap3A_312 = tpu.vector_load %arg13[%swap3A_310, %swap3A_311] {strides = array<i32>} : memref<80x128xf32, #tpu.memory_space<vmem>>, vector<1x16xf32>,
        %swap3A_313 = vector.shape_cast %swap3A_312 : vector<1x16xf32> to vector<16xf32>
        %swap3A_314 = vector.shape_cast %mul3A_309 : vector<16xf32> to vector<1x16xf32>
        tpu.vector_store %arg13[%swap3A_310, %swap3A_311], %swap3A_314 {strides = array<i32>} : memref<80x128xf32, #tpu.memory_space<vmem>>, vector<1x16xf32>,
      }
      %scan3A_230 = arith.constant 80 : i32
      "tpu.region"() ({
        %run_scoped3A = tpu.sem_alloc : memref<!tpu.dma_semaphore, #tpu.memory_space<semaphore_mem>>
        %dma_start3A_231 = arith.constant 0 : i32
        %dma_start3A_232 = arith.constant 0 : i32
        %dma_start3A_233 = tpu.memref_slice %arg14[%dma_start3A_231, %dma_start3A_232] : memref<10000x128xf32, #tpu.memory_space<vmem_shared>> -> memref<10000x128xf32, #tpu.memory_space<vmem_shared>>
        tpu.enqueue_indirect_dma source(%arg13 : memref<80x128xf32, #tpu.memory_space<vmem>>) target(%dma_start3A_233 : memref<10000x128xf32, #tpu.memory_space<vmem_shared>>) offsets(%arg10 : memref<80xi32, #tpu.memory_space<vmem>>) semaphore(%run_scoped3A : memref<!tpu.dma_semaphore, #tpu.memory_space<semaphore_mem>>) {add = true}
        %dma_wait3A_234 = arith.constant 0 : i32
        %dma_wait3A_235 = arith.constant 0 : i32
        %dma_wait3A_236 = tpu.memref_slice %arg14[%dma_wait3A_234, %dma_wait3A_235] : memref<10000x128xf32, #tpu.memory_space<vmem_shared>> -> memref<10000x128xf32, #tpu.memory_space<vmem_shared>>
        tpu.wait_indirect_dma semaphore(%run_scoped3A : memref<!tpu.dma_semaphore, #tpu.memory_space<semaphore_mem>>) src(%arg13 : memref<80x128xf32, #tpu.memory_space<vmem>>) dst(%dma_wait3A_236 : memref<10000x128xf32, #tpu.memory_space<vmem_shared>>)
        tpu.yield
      }) : () -> ()
    }
    %scan3A_42 = arith.constant 41 : i32
    %dma_wait3A = arith.constant 0 : i32
    %dma_wait3A_43 = arith.constant 0 : i32
    %dma_wait3A_44 = tpu.memref_slice %arg2[%dma_wait3A, %dma_wait3A_43] : memref<10000x128xf32, #tpu.memory_space<hbm>> -> memref<80x128xf32, #tpu.memory_space<hbm>>
    %dma_wait3A_45 = arith.constant 0 : i32
    %dma_wait3A_46 = arith.constant 0 : i32
    %dma_wait3A_47 = tpu.memref_slice %arg2[%dma_wait3A_45, %dma_wait3A_46] : memref<10000x128xf32, #tpu.memory_space<hbm>> -> memref<80x128xf32, #tpu.memory_space<hbm>>
    tpu.wait_dma2 semaphore(%arg15 : memref<!tpu.dma_semaphore, #tpu.memory_space<semaphore_mem>>) src(%dma_wait3A_47 : memref<80x128xf32, #tpu.memory_space<hbm>>) dst(%arg11 : memref<80x128xf32, #tpu.memory_space<vmem>>)
    %dma_wait3A_48 = arith.constant 0 : i32
    %dma_wait3A_49 = tpu.memref_slice %arg4[%dma_wait3A_48] : memref<320000xi32, #tpu.memory_space<hbm>> -> memref<80xi32, #tpu.memory_space<hbm>>
    %dma_wait3A_50 = arith.constant 0 : i32
    %dma_wait3A_51 = tpu.memref_slice %arg4[%dma_wait3A_50] : memref<320000xi32, #tpu.memory_space<hbm>> -> memref<80xi32, #tpu.memory_space<hbm>>
    tpu.wait_dma2 semaphore(%arg18 : memref<!tpu.dma_semaphore, #tpu.memory_space<semaphore_mem>>) src(%dma_wait3A_51 : memref<80xi32, #tpu.memory_space<hbm>>) dst(%arg8 : memref<80xi32, #tpu.memory_space<vmem>>)
    %dma_wait3A_52 = arith.constant 0 : i32
    %dma_wait3A_53 = tpu.memref_slice %arg5[%dma_wait3A_52] : memref<5120000xf32, #tpu.memory_space<hbm>> -> memref<1280xf32, #tpu.memory_space<hbm>>
    %dma_wait3A_54 = arith.constant 0 : i32
    %dma_wait3A_55 = tpu.memref_slice %arg5[%dma_wait3A_54] : memref<5120000xf32, #tpu.memory_space<hbm>> -> memref<1280xf32, #tpu.memory_space<hbm>>
    tpu.wait_dma2 semaphore(%arg25 : memref<!tpu.dma_semaphore, #tpu.memory_space<semaphore_mem>>) src(%dma_wait3A_55 : memref<1280xf32, #tpu.memory_space<hbm>>) dst(%arg22 : memref<1280xf32, #tpu.memory_space<vmem>>)
    %scan3A_56 = arith.constant 0 : i32
    %scan3A_57 = arith.constant 0 : i32
    %scan3A_58 = arith.constant 80 : i32
    %scan3A_59 = arith.addi %scan3A_57, %scan3A_58 : i32
    %scan3A_60 = arith.constant 1 : i32
    scf.for %scan3A_93 = %scan3A_57 to %scan3A_59 step %scan3A_60  : i32 {
      %mul3A_94 = arith.constant 16 : i32
      %mul3A_95 = arith.muli %scan3A_93, %mul3A_94 : i32
      %get3A = arith.index_cast %mul3A_95 : i32 to index
      %get3A_96 = tpu.vector_load %arg22[%get3A] {strides = array<i32>} : memref<1280xf32, #tpu.memory_space<vmem>>, vector<16xf32>,
      %get3A_97 = vector.shape_cast %get3A_96 : vector<16xf32> to vector<16xf32>
      %get3A_98 = arith.index_cast %scan3A_93 : i32 to index
      %get3A_99 = arith.constant 0 : index
      %get3A_100 = tpu.vector_load %arg11[%get3A_98, %get3A_99] {strides = array<i32>} : memref<80x128xf32, #tpu.memory_space<vmem>>, vector<1x16xf32>,
      %get3A_101 = vector.shape_cast %get3A_100 : vector<1x16xf32> to vector<16xf32>
      %mul3A_102 = arith.mulf %get3A_101, %get3A_97 : vector<16xf32>
      %swap3A = arith.index_cast %scan3A_93 : i32 to index
      %swap3A_103 = arith.constant 0 : index
      %swap3A_104 = tpu.vector_load %arg11[%swap3A, %swap3A_103] {strides = array<i32>} : memref<80x128xf32, #tpu.memory_space<vmem>>, vector<1x16xf32>,
      %swap3A_105 = vector.shape_cast %swap3A_104 : vector<1x16xf32> to vector<16xf32>
      %swap3A_106 = vector.shape_cast %mul3A_102 : vector<16xf32> to vector<1x16xf32>
      tpu.vector_store %arg11[%swap3A, %swap3A_103], %swap3A_106 {strides = array<i32>} : memref<80x128xf32, #tpu.memory_space<vmem>>, vector<1x16xf32>,
      %get3A_107 = arith.index_cast %scan3A_93 : i32 to index
      %get3A_108 = arith.constant 16 : index
      %get3A_109 = tpu.vector_load %arg11[%get3A_107, %get3A_108] {strides = array<i32>} : memref<80x128xf32, #tpu.memory_space<vmem>>, vector<1x16xf32>,
      %get3A_110 = vector.shape_cast %get3A_109 : vector<1x16xf32> to vector<16xf32>
      %mul3A_111 = arith.mulf %get3A_110, %get3A_97 : vector<16xf32>
      %swap3A_112 = arith.index_cast %scan3A_93 : i32 to index
      %swap3A_113 = arith.constant 16 : index
      %swap3A_114 = tpu.vector_load %arg11[%swap3A_112, %swap3A_113] {strides = array<i32>} : memref<80x128xf32, #tpu.memory_space<vmem>>, vector<1x16xf32>,
      %swap3A_115 = vector.shape_cast %swap3A_114 : vector<1x16xf32> to vector<16xf32>
      %swap3A_116 = vector.shape_cast %mul3A_111 : vector<16xf32> to vector<1x16xf32>
      tpu.vector_store %arg11[%swap3A_112, %swap3A_113], %swap3A_116 {strides = array<i32>} : memref<80x128xf32, #tpu.memory_space<vmem>>, vector<1x16xf32>,
      %get3A_117 = arith.index_cast %scan3A_93 : i32 to index
      %get3A_118 = arith.constant 32 : index
      %get3A_119 = tpu.vector_load %arg11[%get3A_117, %get3A_118] {strides = array<i32>} : memref<80x128xf32, #tpu.memory_space<vmem>>, vector<1x16xf32>,
      %get3A_120 = vector.shape_cast %get3A_119 : vector<1x16xf32> to vector<16xf32>
      %mul3A_121 = arith.mulf %get3A_120, %get3A_97 : vector<16xf32>
      %swap3A_122 = arith.index_cast %scan3A_93 : i32 to index
      %swap3A_123 = arith.constant 32 : index
      %swap3A_124 = tpu.vector_load %arg11[%swap3A_122, %swap3A_123] {strides = array<i32>} : memref<80x128xf32, #tpu.memory_space<vmem>>, vector<1x16xf32>,
      %swap3A_125 = vector.shape_cast %swap3A_124 : vector<1x16xf32> to vector<16xf32>
      %swap3A_126 = vector.shape_cast %mul3A_121 : vector<16xf32> to vector<1x16xf32>
      tpu.vector_store %arg11[%swap3A_122, %swap3A_123], %swap3A_126 {strides = array<i32>} : memref<80x128xf32, #tpu.memory_space<vmem>>, vector<1x16xf32>,
      %get3A_127 = arith.index_cast %scan3A_93 : i32 to index
      %get3A_128 = arith.constant 48 : index
      %get3A_129 = tpu.vector_load %arg11[%get3A_127, %get3A_128] {strides = array<i32>} : memref<80x128xf32, #tpu.memory_space<vmem>>, vector<1x16xf32>,
      %get3A_130 = vector.shape_cast %get3A_129 : vector<1x16xf32> to vector<16xf32>
      %mul3A_131 = arith.mulf %get3A_130, %get3A_97 : vector<16xf32>
      %swap3A_132 = arith.index_cast %scan3A_93 : i32 to index
      %swap3A_133 = arith.constant 48 : index
      %swap3A_134 = tpu.vector_load %arg11[%swap3A_132, %swap3A_133] {strides = array<i32>} : memref<80x128xf32, #tpu.memory_space<vmem>>, vector<1x16xf32>,
      %swap3A_135 = vector.shape_cast %swap3A_134 : vector<1x16xf32> to vector<16xf32>
      %swap3A_136 = vector.shape_cast %mul3A_131 : vector<16xf32> to vector<1x16xf32>
      tpu.vector_store %arg11[%swap3A_132, %swap3A_133], %swap3A_136 {strides = array<i32>} : memref<80x128xf32, #tpu.memory_space<vmem>>, vector<1x16xf32>,
      %get3A_137 = arith.index_cast %scan3A_93 : i32 to index
      %get3A_138 = arith.constant 64 : index
      %get3A_139 = tpu.vector_load %arg11[%get3A_137, %get3A_138] {strides = array<i32>} : memref<80x128xf32, #tpu.memory_space<vmem>>, vector<1x16xf32>,
      %get3A_140 = vector.shape_cast %get3A_139 : vector<1x16xf32> to vector<16xf32>
      %mul3A_141 = arith.mulf %get3A_140, %get3A_97 : vector<16xf32>
      %swap3A_142 = arith.index_cast %scan3A_93 : i32 to index
      %swap3A_143 = arith.constant 64 : index
      %swap3A_144 = tpu.vector_load %arg11[%swap3A_142, %swap3A_143] {strides = array<i32>} : memref<80x128xf32, #tpu.memory_space<vmem>>, vector<1x16xf32>,
      %swap3A_145 = vector.shape_cast %swap3A_144 : vector<1x16xf32> to vector<16xf32>
      %swap3A_146 = vector.shape_cast %mul3A_141 : vector<16xf32> to vector<1x16xf32>
      tpu.vector_store %arg11[%swap3A_142, %swap3A_143], %swap3A_146 {strides = array<i32>} : memref<80x128xf32, #tpu.memory_space<vmem>>, vector<1x16xf32>,
      %get3A_147 = arith.index_cast %scan3A_93 : i32 to index
      %get3A_148 = arith.constant 80 : index
      %get3A_149 = tpu.vector_load %arg11[%get3A_147, %get3A_148] {strides = array<i32>} : memref<80x128xf32, #tpu.memory_space<vmem>>, vector<1x16xf32>,
      %get3A_150 = vector.shape_cast %get3A_149 : vector<1x16xf32> to vector<16xf32>
      %mul3A_151 = arith.mulf %get3A_150, %get3A_97 : vector<16xf32>
      %swap3A_152 = arith.index_cast %scan3A_93 : i32 to index
      %swap3A_153 = arith.constant 80 : index
      %swap3A_154 = tpu.vector_load %arg11[%swap3A_152, %swap3A_153] {strides = array<i32>} : memref<80x128xf32, #tpu.memory_space<vmem>>, vector<1x16xf32>,
      %swap3A_155 = vector.shape_cast %swap3A_154 : vector<1x16xf32> to vector<16xf32>
      %swap3A_156 = vector.shape_cast %mul3A_151 : vector<16xf32> to vector<1x16xf32>
      tpu.vector_store %arg11[%swap3A_152, %swap3A_153], %swap3A_156 {strides = array<i32>} : memref<80x128xf32, #tpu.memory_space<vmem>>, vector<1x16xf32>,
      %get3A_157 = arith.index_cast %scan3A_93 : i32 to index
      %get3A_158 = arith.constant 96 : index
      %get3A_159 = tpu.vector_load %arg11[%get3A_157, %get3A_158] {strides = array<i32>} : memref<80x128xf32, #tpu.memory_space<vmem>>, vector<1x16xf32>,
      %get3A_160 = vector.shape_cast %get3A_159 : vector<1x16xf32> to vector<16xf32>
      %mul3A_161 = arith.mulf %get3A_160, %get3A_97 : vector<16xf32>
      %swap3A_162 = arith.index_cast %scan3A_93 : i32 to index
      %swap3A_163 = arith.constant 96 : index
      %swap3A_164 = tpu.vector_load %arg11[%swap3A_162, %swap3A_163] {strides = array<i32>} : memref<80x128xf32, #tpu.memory_space<vmem>>, vector<1x16xf32>,
      %swap3A_165 = vector.shape_cast %swap3A_164 : vector<1x16xf32> to vector<16xf32>
      %swap3A_166 = vector.shape_cast %mul3A_161 : vector<16xf32> to vector<1x16xf32>
      tpu.vector_store %arg11[%swap3A_162, %swap3A_163], %swap3A_166 {strides = array<i32>} : memref<80x128xf32, #tpu.memory_space<vmem>>, vector<1x16xf32>,
      %get3A_167 = arith.index_cast %scan3A_93 : i32 to index
      %get3A_168 = arith.constant 112 : index
      %get3A_169 = tpu.vector_load %arg11[%get3A_167, %get3A_168] {strides = array<i32>} : memref<80x128xf32, #tpu.memory_space<vmem>>, vector<1x16xf32>,
      %get3A_170 = vector.shape_cast %get3A_169 : vector<1x16xf32> to vector<16xf32>
      %mul3A_171 = arith.mulf %get3A_170, %get3A_97 : vector<16xf32>
      %swap3A_172 = arith.index_cast %scan3A_93 : i32 to index
      %swap3A_173 = arith.constant 112 : index
      %swap3A_174 = tpu.vector_load %arg11[%swap3A_172, %swap3A_173] {strides = array<i32>} : memref<80x128xf32, #tpu.memory_space<vmem>>, vector<1x16xf32>,
      %swap3A_175 = vector.shape_cast %swap3A_174 : vector<1x16xf32> to vector<16xf32>
      %swap3A_176 = vector.shape_cast %mul3A_171 : vector<16xf32> to vector<1x16xf32>
      tpu.vector_store %arg11[%swap3A_172, %swap3A_173], %swap3A_176 {strides = array<i32>} : memref<80x128xf32, #tpu.memory_space<vmem>>, vector<1x16xf32>,
    }
    %scan3A_61 = arith.constant 80 : i32
    "tpu.region"() ({
      %run_scoped3A = tpu.sem_alloc : memref<!tpu.dma_semaphore, #tpu.memory_space<semaphore_mem>>
      %dma_start3A_93 = arith.constant 0 : i32
      %dma_start3A_94 = arith.constant 0 : i32
      %dma_start3A_95 = tpu.memref_slice %arg14[%dma_start3A_93, %dma_start3A_94] : memref<10000x128xf32, #tpu.memory_space<vmem_shared>> -> memref<10000x128xf32, #tpu.memory_space<vmem_shared>>
      tpu.enqueue_indirect_dma source(%arg11 : memref<80x128xf32, #tpu.memory_space<vmem>>) target(%dma_start3A_95 : memref<10000x128xf32, #tpu.memory_space<vmem_shared>>) offsets(%arg8 : memref<80xi32, #tpu.memory_space<vmem>>) semaphore(%run_scoped3A : memref<!tpu.dma_semaphore, #tpu.memory_space<semaphore_mem>>) {add = true}
      %dma_wait3A_96 = arith.constant 0 : i32
      %dma_wait3A_97 = arith.constant 0 : i32
      %dma_wait3A_98 = tpu.memref_slice %arg14[%dma_wait3A_96, %dma_wait3A_97] : memref<10000x128xf32, #tpu.memory_space<vmem_shared>> -> memref<10000x128xf32, #tpu.memory_space<vmem_shared>>
      tpu.wait_indirect_dma semaphore(%run_scoped3A : memref<!tpu.dma_semaphore, #tpu.memory_space<semaphore_mem>>) src(%arg11 : memref<80x128xf32, #tpu.memory_space<vmem>>) dst(%dma_wait3A_98 : memref<10000x128xf32, #tpu.memory_space<vmem_shared>>)
      tpu.yield
    }) : () -> ()
    %dma_wait3A_62 = arith.constant 0 : i32
    %dma_wait3A_63 = arith.constant 0 : i32
    %dma_wait3A_64 = tpu.memref_slice %arg2[%dma_wait3A_62, %dma_wait3A_63] : memref<10000x128xf32, #tpu.memory_space<hbm>> -> memref<80x128xf32, #tpu.memory_space<hbm>>
    %dma_wait3A_65 = arith.constant 0 : i32
    %dma_wait3A_66 = arith.constant 0 : i32
    %dma_wait3A_67 = tpu.memref_slice %arg2[%dma_wait3A_65, %dma_wait3A_66] : memref<10000x128xf32, #tpu.memory_space<hbm>> -> memref<80x128xf32, #tpu.memory_space<hbm>>
    tpu.wait_dma2 semaphore(%arg16 : memref<!tpu.dma_semaphore, #tpu.memory_space<semaphore_mem>>) src(%dma_wait3A_67 : memref<80x128xf32, #tpu.memory_space<hbm>>) dst(%arg12 : memref<80x128xf32, #tpu.memory_space<vmem>>)
    %dma_wait3A_68 = arith.constant 0 : i32
    %dma_wait3A_69 = tpu.memref_slice %arg4[%dma_wait3A_68] : memref<320000xi32, #tpu.memory_space<hbm>> -> memref<80xi32, #tpu.memory_space<hbm>>
    %dma_wait3A_70 = arith.constant 0 : i32
    %dma_wait3A_71 = tpu.memref_slice %arg4[%dma_wait3A_70] : memref<320000xi32, #tpu.memory_space<hbm>> -> memref<80xi32, #tpu.memory_space<hbm>>
    tpu.wait_dma2 semaphore(%arg19 : memref<!tpu.dma_semaphore, #tpu.memory_space<semaphore_mem>>) src(%dma_wait3A_71 : memref<80xi32, #tpu.memory_space<hbm>>) dst(%arg9 : memref<80xi32, #tpu.memory_space<vmem>>)
    %dma_wait3A_72 = arith.constant 0 : i32
    %dma_wait3A_73 = tpu.memref_slice %arg5[%dma_wait3A_72] : memref<5120000xf32, #tpu.memory_space<hbm>> -> memref<1280xf32, #tpu.memory_space<hbm>>
    %dma_wait3A_74 = arith.constant 0 : i32
    %dma_wait3A_75 = tpu.memref_slice %arg5[%dma_wait3A_74] : memref<5120000xf32, #tpu.memory_space<hbm>> -> memref<1280xf32, #tpu.memory_space<hbm>>
    tpu.wait_dma2 semaphore(%arg26 : memref<!tpu.dma_semaphore, #tpu.memory_space<semaphore_mem>>) src(%dma_wait3A_75 : memref<1280xf32, #tpu.memory_space<hbm>>) dst(%arg23 : memref<1280xf32, #tpu.memory_space<vmem>>)
    %scan3A_76 = arith.constant 0 : i32
    %scan3A_77 = arith.constant 0 : i32
    %scan3A_78 = arith.constant 80 : i32
    %scan3A_79 = arith.addi %scan3A_77, %scan3A_78 : i32
    %scan3A_80 = arith.constant 1 : i32
    scf.for %scan3A_93 = %scan3A_77 to %scan3A_79 step %scan3A_80  : i32 {
      %mul3A_94 = arith.constant 16 : i32
      %mul3A_95 = arith.muli %scan3A_93, %mul3A_94 : i32
      %get3A = arith.index_cast %mul3A_95 : i32 to index
      %get3A_96 = tpu.vector_load %arg23[%get3A] {strides = array<i32>} : memref<1280xf32, #tpu.memory_space<vmem>>, vector<16xf32>,
      %get3A_97 = vector.shape_cast %get3A_96 : vector<16xf32> to vector<16xf32>
      %get3A_98 = arith.index_cast %scan3A_93 : i32 to index
      %get3A_99 = arith.constant 0 : index
      %get3A_100 = tpu.vector_load %arg12[%get3A_98, %get3A_99] {strides = array<i32>} : memref<80x128xf32, #tpu.memory_space<vmem>>, vector<1x16xf32>,
      %get3A_101 = vector.shape_cast %get3A_100 : vector<1x16xf32> to vector<16xf32>
      %mul3A_102 = arith.mulf %get3A_101, %get3A_97 : vector<16xf32>
      %swap3A = arith.index_cast %scan3A_93 : i32 to index
      %swap3A_103 = arith.constant 0 : index
      %swap3A_104 = tpu.vector_load %arg12[%swap3A, %swap3A_103] {strides = array<i32>} : memref<80x128xf32, #tpu.memory_space<vmem>>, vector<1x16xf32>,
      %swap3A_105 = vector.shape_cast %swap3A_104 : vector<1x16xf32> to vector<16xf32>
      %swap3A_106 = vector.shape_cast %mul3A_102 : vector<16xf32> to vector<1x16xf32>
      tpu.vector_store %arg12[%swap3A, %swap3A_103], %swap3A_106 {strides = array<i32>} : memref<80x128xf32, #tpu.memory_space<vmem>>, vector<1x16xf32>,
      %get3A_107 = arith.index_cast %scan3A_93 : i32 to index
      %get3A_108 = arith.constant 16 : index
      %get3A_109 = tpu.vector_load %arg12[%get3A_107, %get3A_108] {strides = array<i32>} : memref<80x128xf32, #tpu.memory_space<vmem>>, vector<1x16xf32>,
      %get3A_110 = vector.shape_cast %get3A_109 : vector<1x16xf32> to vector<16xf32>
      %mul3A_111 = arith.mulf %get3A_110, %get3A_97 : vector<16xf32>
      %swap3A_112 = arith.index_cast %scan3A_93 : i32 to index
      %swap3A_113 = arith.constant 16 : index
      %swap3A_114 = tpu.vector_load %arg12[%swap3A_112, %swap3A_113] {strides = array<i32>} : memref<80x128xf32, #tpu.memory_space<vmem>>, vector<1x16xf32>,
      %swap3A_115 = vector.shape_cast %swap3A_114 : vector<1x16xf32> to vector<16xf32>
      %swap3A_116 = vector.shape_cast %mul3A_111 : vector<16xf32> to vector<1x16xf32>
      tpu.vector_store %arg12[%swap3A_112, %swap3A_113], %swap3A_116 {strides = array<i32>} : memref<80x128xf32, #tpu.memory_space<vmem>>, vector<1x16xf32>,
      %get3A_117 = arith.index_cast %scan3A_93 : i32 to index
      %get3A_118 = arith.constant 32 : index
      %get3A_119 = tpu.vector_load %arg12[%get3A_117, %get3A_118] {strides = array<i32>} : memref<80x128xf32, #tpu.memory_space<vmem>>, vector<1x16xf32>,
      %get3A_120 = vector.shape_cast %get3A_119 : vector<1x16xf32> to vector<16xf32>
      %mul3A_121 = arith.mulf %get3A_120, %get3A_97 : vector<16xf32>
      %swap3A_122 = arith.index_cast %scan3A_93 : i32 to index
      %swap3A_123 = arith.constant 32 : index
      %swap3A_124 = tpu.vector_load %arg12[%swap3A_122, %swap3A_123] {strides = array<i32>} : memref<80x128xf32, #tpu.memory_space<vmem>>, vector<1x16xf32>,
      %swap3A_125 = vector.shape_cast %swap3A_124 : vector<1x16xf32> to vector<16xf32>
      %swap3A_126 = vector.shape_cast %mul3A_121 : vector<16xf32> to vector<1x16xf32>
      tpu.vector_store %arg12[%swap3A_122, %swap3A_123], %swap3A_126 {strides = array<i32>} : memref<80x128xf32, #tpu.memory_space<vmem>>, vector<1x16xf32>,
      %get3A_127 = arith.index_cast %scan3A_93 : i32 to index
      %get3A_128 = arith.constant 48 : index
      %get3A_129 = tpu.vector_load %arg12[%get3A_127, %get3A_128] {strides = array<i32>} : memref<80x128xf32, #tpu.memory_space<vmem>>, vector<1x16xf32>,
      %get3A_130 = vector.shape_cast %get3A_129 : vector<1x16xf32> to vector<16xf32>
      %mul3A_131 = arith.mulf %get3A_130, %get3A_97 : vector<16xf32>
      %swap3A_132 = arith.index_cast %scan3A_93 : i32 to index
      %swap3A_133 = arith.constant 48 : index
      %swap3A_134 = tpu.vector_load %arg12[%swap3A_132, %swap3A_133] {strides = array<i32>} : memref<80x128xf32, #tpu.memory_space<vmem>>, vector<1x16xf32>,
      %swap3A_135 = vector.shape_cast %swap3A_134 : vector<1x16xf32> to vector<16xf32>
      %swap3A_136 = vector.shape_cast %mul3A_131 : vector<16xf32> to vector<1x16xf32>
      tpu.vector_store %arg12[%swap3A_132, %swap3A_133], %swap3A_136 {strides = array<i32>} : memref<80x128xf32, #tpu.memory_space<vmem>>, vector<1x16xf32>,
      %get3A_137 = arith.index_cast %scan3A_93 : i32 to index
      %get3A_138 = arith.constant 64 : index
      %get3A_139 = tpu.vector_load %arg12[%get3A_137, %get3A_138] {strides = array<i32>} : memref<80x128xf32, #tpu.memory_space<vmem>>, vector<1x16xf32>,
      %get3A_140 = vector.shape_cast %get3A_139 : vector<1x16xf32> to vector<16xf32>
      %mul3A_141 = arith.mulf %get3A_140, %get3A_97 : vector<16xf32>
      %swap3A_142 = arith.index_cast %scan3A_93 : i32 to index
      %swap3A_143 = arith.constant 64 : index
      %swap3A_144 = tpu.vector_load %arg12[%swap3A_142, %swap3A_143] {strides = array<i32>} : memref<80x128xf32, #tpu.memory_space<vmem>>, vector<1x16xf32>,
      %swap3A_145 = vector.shape_cast %swap3A_144 : vector<1x16xf32> to vector<16xf32>
      %swap3A_146 = vector.shape_cast %mul3A_141 : vector<16xf32> to vector<1x16xf32>
      tpu.vector_store %arg12[%swap3A_142, %swap3A_143], %swap3A_146 {strides = array<i32>} : memref<80x128xf32, #tpu.memory_space<vmem>>, vector<1x16xf32>,
      %get3A_147 = arith.index_cast %scan3A_93 : i32 to index
      %get3A_148 = arith.constant 80 : index
      %get3A_149 = tpu.vector_load %arg12[%get3A_147, %get3A_148] {strides = array<i32>} : memref<80x128xf32, #tpu.memory_space<vmem>>, vector<1x16xf32>,
      %get3A_150 = vector.shape_cast %get3A_149 : vector<1x16xf32> to vector<16xf32>
      %mul3A_151 = arith.mulf %get3A_150, %get3A_97 : vector<16xf32>
      %swap3A_152 = arith.index_cast %scan3A_93 : i32 to index
      %swap3A_153 = arith.constant 80 : index
      %swap3A_154 = tpu.vector_load %arg12[%swap3A_152, %swap3A_153] {strides = array<i32>} : memref<80x128xf32, #tpu.memory_space<vmem>>, vector<1x16xf32>,
      %swap3A_155 = vector.shape_cast %swap3A_154 : vector<1x16xf32> to vector<16xf32>
      %swap3A_156 = vector.shape_cast %mul3A_151 : vector<16xf32> to vector<1x16xf32>
      tpu.vector_store %arg12[%swap3A_152, %swap3A_153], %swap3A_156 {strides = array<i32>} : memref<80x128xf32, #tpu.memory_space<vmem>>, vector<1x16xf32>,
      %get3A_157 = arith.index_cast %scan3A_93 : i32 to index
      %get3A_158 = arith.constant 96 : index
      %get3A_159 = tpu.vector_load %arg12[%get3A_157, %get3A_158] {strides = array<i32>} : memref<80x128xf32, #tpu.memory_space<vmem>>, vector<1x16xf32>,
      %get3A_160 = vector.shape_cast %get3A_159 : vector<1x16xf32> to vector<16xf32>
      %mul3A_161 = arith.mulf %get3A_160, %get3A_97 : vector<16xf32>
      %swap3A_162 = arith.index_cast %scan3A_93 : i32 to index
      %swap3A_163 = arith.constant 96 : index
      %swap3A_164 = tpu.vector_load %arg12[%swap3A_162, %swap3A_163] {strides = array<i32>} : memref<80x128xf32, #tpu.memory_space<vmem>>, vector<1x16xf32>,
      %swap3A_165 = vector.shape_cast %swap3A_164 : vector<1x16xf32> to vector<16xf32>
      %swap3A_166 = vector.shape_cast %mul3A_161 : vector<16xf32> to vector<1x16xf32>
      tpu.vector_store %arg12[%swap3A_162, %swap3A_163], %swap3A_166 {strides = array<i32>} : memref<80x128xf32, #tpu.memory_space<vmem>>, vector<1x16xf32>,
      %get3A_167 = arith.index_cast %scan3A_93 : i32 to index
      %get3A_168 = arith.constant 112 : index
      %get3A_169 = tpu.vector_load %arg12[%get3A_167, %get3A_168] {strides = array<i32>} : memref<80x128xf32, #tpu.memory_space<vmem>>, vector<1x16xf32>,
      %get3A_170 = vector.shape_cast %get3A_169 : vector<1x16xf32> to vector<16xf32>
      %mul3A_171 = arith.mulf %get3A_170, %get3A_97 : vector<16xf32>
      %swap3A_172 = arith.index_cast %scan3A_93 : i32 to index
      %swap3A_173 = arith.constant 112 : index
      %swap3A_174 = tpu.vector_load %arg12[%swap3A_172, %swap3A_173] {strides = array<i32>} : memref<80x128xf32, #tpu.memory_space<vmem>>, vector<1x16xf32>,
      %swap3A_175 = vector.shape_cast %swap3A_174 : vector<1x16xf32> to vector<16xf32>
      %swap3A_176 = vector.shape_cast %mul3A_171 : vector<16xf32> to vector<1x16xf32>
      tpu.vector_store %arg12[%swap3A_172, %swap3A_173], %swap3A_176 {strides = array<i32>} : memref<80x128xf32, #tpu.memory_space<vmem>>, vector<1x16xf32>,
    }
    %scan3A_81 = arith.constant 80 : i32
    "tpu.region"() ({
      %run_scoped3A = tpu.sem_alloc : memref<!tpu.dma_semaphore, #tpu.memory_space<semaphore_mem>>
      %dma_start3A_93 = arith.constant 0 : i32
      %dma_start3A_94 = arith.constant 0 : i32
      %dma_start3A_95 = tpu.memref_slice %arg14[%dma_start3A_93, %dma_start3A_94] : memref<10000x128xf32, #tpu.memory_space<vmem_shared>> -> memref<10000x128xf32, #tpu.memory_space<vmem_shared>>
      tpu.enqueue_indirect_dma source(%arg12 : memref<80x128xf32, #tpu.memory_space<vmem>>) target(%dma_start3A_95 : memref<10000x128xf32, #tpu.memory_space<vmem_shared>>) offsets(%arg9 : memref<80xi32, #tpu.memory_space<vmem>>) semaphore(%run_scoped3A : memref<!tpu.dma_semaphore, #tpu.memory_space<semaphore_mem>>) {add = true}
      %dma_wait3A_96 = arith.constant 0 : i32
      %dma_wait3A_97 = arith.constant 0 : i32
      %dma_wait3A_98 = tpu.memref_slice %arg14[%dma_wait3A_96, %dma_wait3A_97] : memref<10000x128xf32, #tpu.memory_space<vmem_shared>> -> memref<10000x128xf32, #tpu.memory_space<vmem_shared>>
      tpu.wait_indirect_dma semaphore(%run_scoped3A : memref<!tpu.dma_semaphore, #tpu.memory_space<semaphore_mem>>) src(%arg12 : memref<80x128xf32, #tpu.memory_space<vmem>>) dst(%dma_wait3A_98 : memref<10000x128xf32, #tpu.memory_space<vmem_shared>>)
      tpu.yield
    }) : () -> ()
    %barrier3A_82 = arith.constant 0 : index
    tpu.barrier barrier_id(%barrier3A_82)
    %lt3A_83 = arith.constant 15 : i32
    %lt3A_84 = arith.cmpi slt, %arg1, %lt3A_83 : i32
    %convert_element_type3A_85 = arith.extui %lt3A_84 : i1 to i32
    %cond3A_86 = arith.constant 0 : i32
    %cond3A_87 = arith.cmpi ne, %convert_element_type3A_85, %cond3A_86 : i32
    scf.if %cond3A_87 {
      %mul3A_93 = arith.constant 640 : i32
      %mul3A_94 = arith.muli %arg1, %mul3A_93 : i32
      "tpu.region"() ({
        %run_scoped3A = tpu.sem_alloc : memref<!tpu.dma_semaphore, #tpu.memory_space<semaphore_mem>>
        %dma_start3A_95 = arith.constant 0 : i32
        %dma_start3A_96 = tpu.memref_slice %arg7[%arg0, %mul3A_94, %dma_start3A_95] : memref<2x10000x128xf32, #tpu.memory_space<hbm>> -> memref<1x640x128xf32, #tpu.memory_space<hbm>>
        %dma_start3A_97 = tpu.memref_squeeze %dma_start3A_96 : memref<1x640x128xf32, #tpu.memory_space<hbm>> -> memref<640x128xf32, #tpu.memory_space<hbm>>
        %dma_start3A_98 = arith.constant 0 : i32
        %dma_start3A_99 = tpu.memref_slice %arg14[%mul3A_94, %dma_start3A_98] : memref<10000x128xf32, #tpu.memory_space<vmem_shared>> -> memref<640x128xf32, #tpu.memory_space<vmem_shared>>
        tpu.enqueue_dma source(%dma_start3A_99 : memref<640x128xf32, #tpu.memory_space<vmem_shared>>) target(%dma_start3A_97 : memref<640x128xf32, #tpu.memory_space<hbm>>) target_semaphore(%run_scoped3A : memref<!tpu.dma_semaphore, #tpu.memory_space<semaphore_mem>>)
        %dma_wait3A_100 = arith.constant 0 : i32
        %dma_wait3A_101 = tpu.memref_slice %arg7[%arg0, %mul3A_94, %dma_wait3A_100] : memref<2x10000x128xf32, #tpu.memory_space<hbm>> -> memref<1x640x128xf32, #tpu.memory_space<hbm>>
        %dma_wait3A_102 = tpu.memref_squeeze %dma_wait3A_101 : memref<1x640x128xf32, #tpu.memory_space<hbm>> -> memref<640x128xf32, #tpu.memory_space<hbm>>
        %dma_wait3A_103 = arith.constant 0 : i32
        %dma_wait3A_104 = tpu.memref_slice %arg14[%mul3A_94, %dma_wait3A_103] : memref<10000x128xf32, #tpu.memory_space<vmem_shared>> -> memref<640x128xf32, #tpu.memory_space<vmem_shared>>
        tpu.wait_dma2 semaphore(%run_scoped3A : memref<!tpu.dma_semaphore, #tpu.memory_space<semaphore_mem>>) src(%dma_wait3A_104 : memref<640x128xf32, #tpu.memory_space<vmem_shared>>) dst(%dma_wait3A_102 : memref<640x128xf32, #tpu.memory_space<hbm>>)
        tpu.yield
      }) : () -> ()
    } else {
    }
    %eq3A_88 = arith.constant 15 : i32
    %eq3A_89 = arith.cmpi eq, %arg1, %eq3A_88 : i32
    %convert_element_type3A_90 = arith.extui %eq3A_89 : i1 to i32
    %cond3A_91 = arith.constant 0 : i32
    %cond3A_92 = arith.cmpi ne, %convert_element_type3A_90, %cond3A_91 : i32
    scf.if %cond3A_92 {
      "tpu.region"() ({
        %run_scoped3A = tpu.sem_alloc : memref<!tpu.dma_semaphore, #tpu.memory_space<semaphore_mem>>
        %dma_start3A_93 = arith.constant 9600 : i32
        %dma_start3A_94 = arith.constant 0 : i32
        %dma_start3A_95 = tpu.memref_slice %arg7[%arg0, %dma_start3A_93, %dma_start3A_94] : memref<2x10000x128xf32, #tpu.memory_space<hbm>> -> memref<1x400x128xf32, #tpu.memory_space<hbm>>
        %dma_start3A_96 = tpu.memref_squeeze %dma_start3A_95 : memref<1x400x128xf32, #tpu.memory_space<hbm>> -> memref<400x128xf32, #tpu.memory_space<hbm>>
        %dma_start3A_97 = arith.constant 9600 : i32
        %dma_start3A_98 = arith.constant 0 : i32
        %dma_start3A_99 = tpu.memref_slice %arg14[%dma_start3A_97, %dma_start3A_98] : memref<10000x128xf32, #tpu.memory_space<vmem_shared>> -> memref<400x128xf32, #tpu.memory_space<vmem_shared>>
        tpu.enqueue_dma source(%dma_start3A_99 : memref<400x128xf32, #tpu.memory_space<vmem_shared>>) target(%dma_start3A_96 : memref<400x128xf32, #tpu.memory_space<hbm>>) target_semaphore(%run_scoped3A : memref<!tpu.dma_semaphore, #tpu.memory_space<semaphore_mem>>)
        %dma_wait3A_100 = arith.constant 9600 : i32
        %dma_wait3A_101 = arith.constant 0 : i32
        %dma_wait3A_102 = tpu.memref_slice %arg7[%arg0, %dma_wait3A_100, %dma_wait3A_101] : memref<2x10000x128xf32, #tpu.memory_space<hbm>> -> memref<1x400x128xf32, #tpu.memory_space<hbm>>
        %dma_wait3A_103 = tpu.memref_squeeze %dma_wait3A_102 : memref<1x400x128xf32, #tpu.memory_space<hbm>> -> memref<400x128xf32, #tpu.memory_space<hbm>>
        %dma_wait3A_104 = arith.constant 9600 : i32
        %dma_wait3A_105 = arith.constant 0 : i32
        %dma_wait3A_106 = tpu.memref_slice %arg14[%dma_wait3A_104, %dma_wait3A_105] : memref<10000x128xf32, #tpu.memory_space<vmem_shared>> -> memref<400x128xf32, #tpu.memory_space<vmem_shared>>
        tpu.wait_dma2 semaphore(%run_scoped3A : memref<!tpu.dma_semaphore, #tpu.memory_space<semaphore_mem>>) src(%dma_wait3A_106 : memref<400x128xf32, #tpu.memory_space<vmem_shared>>) dst(%dma_wait3A_103 : memref<400x128xf32, #tpu.memory_space<hbm>>)
        tpu.yield
      }) : () -> ()
    } else {
    }
    return
  }
}

module attributes {stable_mosaic.version = 14 : i64} {
  func.func @_mm_body(%arg0: i32, %arg1: memref<1000x16xf32, #tpu.memory_space<vmem>>, %arg2: memref<16x128xf32, #tpu.memory_space<vmem>>, %arg3: memref<1000x128xf32, #tpu.memory_space<vmem>>) attributes {dimension_semantics = [#tpu.dimension_semantics<arbitrary>], iteration_bounds = array<i64: 10>, scalar_prefetch = 0 : i64, scratch_operands = 0 : i64, tpu.core_type = #tpu.core_type<tc>, window_params = [{transform_indices = @transform_0, window_bounds = array<i64: 1000, 16>}, {pipeline_mode = #tpu.pipeline_mode<synchronous>, transform_indices = @transform_1, window_bounds = array<i64: 16, 128>}, {transform_indices = @transform_2, window_bounds = array<i64: 1000, 128>}]} {
    %get3A = arith.constant 0 : index
    %get3A_0 = arith.constant 0 : index
    %get3A_1 = vector.load %arg1[%get3A, %get3A_0] : memref<1000x16xf32, #tpu.memory_space<vmem>>, vector<1000x16xf32>
    %get3A_2 = arith.constant 0 : index
    %get3A_3 = arith.constant 0 : index
    %get3A_4 = vector.load %arg2[%get3A_2, %get3A_3] : memref<16x128xf32, #tpu.memory_space<vmem>>, vector<16x128xf32>
    %dot_general3A = arith.constant dense<0.000000e+00> : vector<1000x128xf32>
    %dot_general3A_5 = tpu.matmul %get3A_1, %get3A_4, %dot_general3A {dimension_numbers = #tpu.dot_dimension_numbers<[1], [0], [0], [1], [0, 0, 1, 1], [], []>, transpose_lhs_hint = false} : vector<1000x16xf32>, vector<16x128xf32>, vector<1000x128xf32> -> vector<1000x128xf32>
    %swap3A = arith.constant 0 : index
    %swap3A_6 = arith.constant 0 : index
    %swap3A_7 = vector.load %arg3[%swap3A, %swap3A_6] : memref<1000x128xf32, #tpu.memory_space<vmem>>, vector<1000x128xf32>
    tpu.vector_store %arg3[%swap3A, %swap3A_6], %dot_general3A_5 {strides = array<i32>} : memref<1000x128xf32, #tpu.memory_space<vmem>>, vector<1000x128xf32>,
    return
  }
  func.func @transform_0(%arg0: i32) -> (i32, i32) {
    %c0_i32 = arith.constant 0 : i32
    %c0_i32_0 = arith.constant 0 : i32
    return %arg0, %c0_i32 : i32, i32
  }
  func.func @transform_1(%arg0: i32) -> (i32, i32) {
    %c0_i32 = arith.constant 0 : i32
    %c0_i32_0 = arith.constant 0 : i32
    %c0_i32_1 = arith.constant 0 : i32
    return %c0_i32, %c0_i32_0 : i32, i32
  }
  func.func @transform_2(%arg0: i32) -> (i32, i32) {
    %c0_i32 = arith.constant 0 : i32
    %c0_i32_0 = arith.constant 0 : i32
    return %arg0, %c0_i32 : i32, i32
  }
}

module attributes {stable_mosaic.version = 14 : i64} {
  func.func @_mm_body(%arg0: i32, %arg1: memref<2000x16xf32, #tpu.memory_space<vmem>>, %arg2: memref<16x128xf32, #tpu.memory_space<vmem>>, %arg3: memref<2000x128xf32, #tpu.memory_space<vmem>>) attributes {dimension_semantics = [#tpu.dimension_semantics<arbitrary>], iteration_bounds = array<i64: 160>, scalar_prefetch = 0 : i64, scratch_operands = 0 : i64, tpu.core_type = #tpu.core_type<tc>, window_params = [{transform_indices = @transform_0, window_bounds = array<i64: 2000, 16>}, {pipeline_mode = #tpu.pipeline_mode<synchronous>, transform_indices = @transform_1, window_bounds = array<i64: 16, 128>}, {transform_indices = @transform_2, window_bounds = array<i64: 2000, 128>}]} {
    %get3A = arith.constant 0 : index
    %get3A_0 = arith.constant 0 : index
    %get3A_1 = vector.load %arg1[%get3A, %get3A_0] : memref<2000x16xf32, #tpu.memory_space<vmem>>, vector<2000x16xf32>
    %get3A_2 = arith.constant 0 : index
    %get3A_3 = arith.constant 0 : index
    %get3A_4 = vector.load %arg2[%get3A_2, %get3A_3] : memref<16x128xf32, #tpu.memory_space<vmem>>, vector<16x128xf32>
    %dot_general3A = arith.constant dense<0.000000e+00> : vector<2000x128xf32>
    %dot_general3A_5 = tpu.matmul %get3A_1, %get3A_4, %dot_general3A {dimension_numbers = #tpu.dot_dimension_numbers<[1], [0], [0], [1], [0, 0, 1, 1], [], []>, transpose_lhs_hint = false} : vector<2000x16xf32>, vector<16x128xf32>, vector<2000x128xf32> -> vector<2000x128xf32>
    %swap3A = arith.constant 0 : index
    %swap3A_6 = arith.constant 0 : index
    %swap3A_7 = vector.load %arg3[%swap3A, %swap3A_6] : memref<2000x128xf32, #tpu.memory_space<vmem>>, vector<2000x128xf32>
    tpu.vector_store %arg3[%swap3A, %swap3A_6], %dot_general3A_5 {strides = array<i32>} : memref<2000x128xf32, #tpu.memory_space<vmem>>, vector<2000x128xf32>,
    return
  }
  func.func @transform_0(%arg0: i32) -> (i32, i32) {
    %c0_i32 = arith.constant 0 : i32
    %c0_i32_0 = arith.constant 0 : i32
    return %arg0, %c0_i32 : i32, i32
  }
  func.func @transform_1(%arg0: i32) -> (i32, i32) {
    %c0_i32 = arith.constant 0 : i32
    %c0_i32_0 = arith.constant 0 : i32
    %c0_i32_1 = arith.constant 0 : i32
    return %c0_i32, %c0_i32_0 : i32, i32
  }
  func.func @transform_2(%arg0: i32) -> (i32, i32) {
    %c0_i32 = arith.constant 0 : i32
    %c0_i32_0 = arith.constant 0 : i32
    return %arg0, %c0_i32 : i32, i32
  }
}

module attributes {stable_mosaic.version = 14 : i64} {
  func.func @_t1_body(%arg0: i32, %arg1: memref<1000x128xf32, #tpu.memory_space<vmem>>, %arg2: memref<2x1000x128xf32, #tpu.memory_space<vmem>>, %arg3: memref<2x1000x128xf32, #tpu.memory_space<vmem>>, %arg4: memref<128x128xf32, #tpu.memory_space<vmem>>, %arg5: memref<1x128xf32, #tpu.memory_space<vmem>>, %arg6: memref<1000x128xf32, #tpu.memory_space<vmem>>) attributes {dimension_semantics = [#tpu.dimension_semantics<arbitrary>], iteration_bounds = array<i64: 10>, scalar_prefetch = 0 : i64, scratch_operands = 0 : i64, tpu.core_type = #tpu.core_type<tc>, window_params = [{transform_indices = @transform_0, window_bounds = array<i64: 1000, 128>}, {transform_indices = @transform_1, window_bounds = array<i64: 2, 1000, 128>}, {transform_indices = @transform_2, window_bounds = array<i64: 2, 1000, 128>}, {pipeline_mode = #tpu.pipeline_mode<synchronous>, transform_indices = @transform_3, window_bounds = array<i64: 128, 128>}, {pipeline_mode = #tpu.pipeline_mode<synchronous>, transform_indices = @transform_4, window_bounds = array<i64: 1, 128>}, {transform_indices = @transform_5, window_bounds = array<i64: 1000, 128>}]} {
    %get3A = arith.constant 0 : index
    %get3A_0 = arith.constant 0 : index
    %get3A_1 = vector.load %arg1[%get3A, %get3A_0] : memref<1000x128xf32, #tpu.memory_space<vmem>>, vector<1000x128xf32>
    %get3A_2 = arith.constant 0 : index
    %get3A_3 = arith.constant 0 : index
    %get3A_4 = arith.constant 0 : index
    %get3A_5 = vector.load %arg2[%get3A_2, %get3A_3, %get3A_4] : memref<2x1000x128xf32, #tpu.memory_space<vmem>>, vector<1x1000x128xf32>
    %get3A_6 = vector.shape_cast %get3A_5 : vector<1x1000x128xf32> to vector<1000x128xf32>
    %add3A = arith.addf %get3A_1, %get3A_6 : vector<1000x128xf32>
    %get3A_7 = arith.constant 1 : index
    %get3A_8 = arith.constant 0 : index
    %get3A_9 = arith.constant 0 : index
    %get3A_10 = vector.load %arg2[%get3A_7, %get3A_8, %get3A_9] : memref<2x1000x128xf32, #tpu.memory_space<vmem>>, vector<1x1000x128xf32>
    %get3A_11 = vector.shape_cast %get3A_10 : vector<1x1000x128xf32> to vector<1000x128xf32>
    %add3A_12 = arith.addf %add3A, %get3A_11 : vector<1000x128xf32>
    %get3A_13 = arith.constant 0 : index
    %get3A_14 = arith.constant 0 : index
    %get3A_15 = arith.constant 0 : index
    %get3A_16 = vector.load %arg3[%get3A_13, %get3A_14, %get3A_15] : memref<2x1000x128xf32, #tpu.memory_space<vmem>>, vector<1x1000x128xf32>
    %get3A_17 = vector.shape_cast %get3A_16 : vector<1x1000x128xf32> to vector<1000x128xf32>
    %add3A_18 = arith.addf %add3A_12, %get3A_17 : vector<1000x128xf32>
    %get3A_19 = arith.constant 1 : index
    %get3A_20 = arith.constant 0 : index
    %get3A_21 = arith.constant 0 : index
    %get3A_22 = vector.load %arg3[%get3A_19, %get3A_20, %get3A_21] : memref<2x1000x128xf32, #tpu.memory_space<vmem>>, vector<1x1000x128xf32>
    %get3A_23 = vector.shape_cast %get3A_22 : vector<1x1000x128xf32> to vector<1000x128xf32>
    %add3A_24 = arith.addf %add3A_18, %get3A_23 : vector<1000x128xf32>
    %get3A_25 = arith.constant 0 : index
    %get3A_26 = arith.constant 0 : index
    %get3A_27 = vector.load %arg4[%get3A_25, %get3A_26] : memref<128x128xf32, #tpu.memory_space<vmem>>, vector<128x128xf32>
    %dot_general3A = arith.constant dense<0.000000e+00> : vector<1000x128xf32>
    %dot_general3A_28 = tpu.matmul %add3A_24, %get3A_27, %dot_general3A {dimension_numbers = #tpu.dot_dimension_numbers<[1], [0], [0], [1], [0, 0, 1, 1], [], []>, transpose_lhs_hint = false} : vector<1000x128xf32>, vector<128x128xf32>, vector<1000x128xf32> -> vector<1000x128xf32>
    %get3A_29 = arith.constant 0 : index
    %get3A_30 = arith.constant 0 : index
    %get3A_31 = vector.load %arg5[%get3A_29, %get3A_30] : memref<1x128xf32, #tpu.memory_space<vmem>>, vector<1x128xf32>
    %add3A_32 = vector.broadcast %get3A_31 : vector<1x128xf32> to vector<1000x128xf32>
    %add3A_33 = arith.addf %dot_general3A_28, %add3A_32 : vector<1000x128xf32>
    %max3A = arith.constant 0.000000e+00 : f32
    %max3A_34 = vector.broadcast %max3A : f32 to vector<1000x128xf32>
    %max3A_35 = arith.maximumf %add3A_33, %max3A_34 : vector<1000x128xf32>
    %swap3A = arith.constant 0 : index
    %swap3A_36 = arith.constant 0 : index
    %swap3A_37 = vector.load %arg6[%swap3A, %swap3A_36] : memref<1000x128xf32, #tpu.memory_space<vmem>>, vector<1000x128xf32>
    tpu.vector_store %arg6[%swap3A, %swap3A_36], %max3A_35 {strides = array<i32>} : memref<1000x128xf32, #tpu.memory_space<vmem>>, vector<1000x128xf32>,
    return
  }
  func.func @transform_0(%arg0: i32) -> (i32, i32) {
    %c0_i32 = arith.constant 0 : i32
    %c0_i32_0 = arith.constant 0 : i32
    return %arg0, %c0_i32 : i32, i32
  }
  func.func @transform_1(%arg0: i32) -> (i32, i32, i32) {
    %c0_i32 = arith.constant 0 : i32
    %c0_i32_0 = arith.constant 0 : i32
    %c0_i32_1 = arith.constant 0 : i32
    return %c0_i32, %arg0, %c0_i32_0 : i32, i32, i32
  }
  func.func @transform_2(%arg0: i32) -> (i32, i32, i32) {
    %c0_i32 = arith.constant 0 : i32
    %c0_i32_0 = arith.constant 0 : i32
    %c0_i32_1 = arith.constant 0 : i32
    return %c0_i32, %arg0, %c0_i32_0 : i32, i32, i32
  }
  func.func @transform_3(%arg0: i32) -> (i32, i32) {
    %c0_i32 = arith.constant 0 : i32
    %c0_i32_0 = arith.constant 0 : i32
    %c0_i32_1 = arith.constant 0 : i32
    return %c0_i32, %c0_i32_0 : i32, i32
  }
  func.func @transform_4(%arg0: i32) -> (i32, i32) {
    %c0_i32 = arith.constant 0 : i32
    %c0_i32_0 = arith.constant 0 : i32
    %c0_i32_1 = arith.constant 0 : i32
    return %c0_i32, %c0_i32_0 : i32, i32
  }
  func.func @transform_5(%arg0: i32) -> (i32, i32) {
    %c0_i32 = arith.constant 0 : i32
    %c0_i32_0 = arith.constant 0 : i32
    return %arg0, %c0_i32 : i32, i32
  }
}

module attributes {stable_mosaic.version = 14 : i64} {
  func.func @_t2_body(%arg0: i32, %arg1: memref<1000x128xf32, #tpu.memory_space<vmem>>, %arg2: memref<2x1000x128xf32, #tpu.memory_space<vmem>>, %arg3: memref<2x1000x128xf32, #tpu.memory_space<vmem>>, %arg4: memref<128x128xf32, #tpu.memory_space<vmem>>, %arg5: memref<1x128xf32, #tpu.memory_space<vmem>>, %arg6: memref<128x128xf32, #tpu.memory_space<vmem>>, %arg7: memref<1x128xf32, #tpu.memory_space<vmem>>, %arg8: memref<1000x128xf32, #tpu.memory_space<vmem>>) attributes {dimension_semantics = [#tpu.dimension_semantics<arbitrary>], iteration_bounds = array<i64: 10>, scalar_prefetch = 0 : i64, scratch_operands = 0 : i64, tpu.core_type = #tpu.core_type<tc>, window_params = [{transform_indices = @transform_0, window_bounds = array<i64: 1000, 128>}, {transform_indices = @transform_1, window_bounds = array<i64: 2, 1000, 128>}, {transform_indices = @transform_2, window_bounds = array<i64: 2, 1000, 128>}, {pipeline_mode = #tpu.pipeline_mode<synchronous>, transform_indices = @transform_3, window_bounds = array<i64: 128, 128>}, {pipeline_mode = #tpu.pipeline_mode<synchronous>, transform_indices = @transform_4, window_bounds = array<i64: 1, 128>}, {pipeline_mode = #tpu.pipeline_mode<synchronous>, transform_indices = @transform_5, window_bounds = array<i64: 128, 128>}, {pipeline_mode = #tpu.pipeline_mode<synchronous>, transform_indices = @transform_6, window_bounds = array<i64: 1, 128>}, {transform_indices = @transform_7, window_bounds = array<i64: 1000, 128>}]} {
    %get3A = arith.constant 0 : index
    %get3A_0 = arith.constant 0 : index
    %get3A_1 = vector.load %arg1[%get3A, %get3A_0] : memref<1000x128xf32, #tpu.memory_space<vmem>>, vector<1000x128xf32>
    %get3A_2 = arith.constant 0 : index
    %get3A_3 = arith.constant 0 : index
    %get3A_4 = arith.constant 0 : index
    %get3A_5 = vector.load %arg2[%get3A_2, %get3A_3, %get3A_4] : memref<2x1000x128xf32, #tpu.memory_space<vmem>>, vector<1x1000x128xf32>
    %get3A_6 = vector.shape_cast %get3A_5 : vector<1x1000x128xf32> to vector<1000x128xf32>
    %add3A = arith.addf %get3A_1, %get3A_6 : vector<1000x128xf32>
    %get3A_7 = arith.constant 1 : index
    %get3A_8 = arith.constant 0 : index
    %get3A_9 = arith.constant 0 : index
    %get3A_10 = vector.load %arg2[%get3A_7, %get3A_8, %get3A_9] : memref<2x1000x128xf32, #tpu.memory_space<vmem>>, vector<1x1000x128xf32>
    %get3A_11 = vector.shape_cast %get3A_10 : vector<1x1000x128xf32> to vector<1000x128xf32>
    %add3A_12 = arith.addf %add3A, %get3A_11 : vector<1000x128xf32>
    %get3A_13 = arith.constant 0 : index
    %get3A_14 = arith.constant 0 : index
    %get3A_15 = arith.constant 0 : index
    %get3A_16 = vector.load %arg3[%get3A_13, %get3A_14, %get3A_15] : memref<2x1000x128xf32, #tpu.memory_space<vmem>>, vector<1x1000x128xf32>
    %get3A_17 = vector.shape_cast %get3A_16 : vector<1x1000x128xf32> to vector<1000x128xf32>
    %add3A_18 = arith.addf %add3A_12, %get3A_17 : vector<1000x128xf32>
    %get3A_19 = arith.constant 1 : index
    %get3A_20 = arith.constant 0 : index
    %get3A_21 = arith.constant 0 : index
    %get3A_22 = vector.load %arg3[%get3A_19, %get3A_20, %get3A_21] : memref<2x1000x128xf32, #tpu.memory_space<vmem>>, vector<1x1000x128xf32>
    %get3A_23 = vector.shape_cast %get3A_22 : vector<1x1000x128xf32> to vector<1000x128xf32>
    %add3A_24 = arith.addf %add3A_18, %get3A_23 : vector<1000x128xf32>
    %get3A_25 = arith.constant 0 : index
    %get3A_26 = arith.constant 0 : index
    %get3A_27 = vector.load %arg4[%get3A_25, %get3A_26] : memref<128x128xf32, #tpu.memory_space<vmem>>, vector<128x128xf32>
    %dot_general3A = arith.constant dense<0.000000e+00> : vector<1000x128xf32>
    %dot_general3A_28 = tpu.matmul %add3A_24, %get3A_27, %dot_general3A {dimension_numbers = #tpu.dot_dimension_numbers<[1], [0], [0], [1], [0, 0, 1, 1], [], []>, transpose_lhs_hint = false} : vector<1000x128xf32>, vector<128x128xf32>, vector<1000x128xf32> -> vector<1000x128xf32>
    %get3A_29 = arith.constant 0 : index
    %get3A_30 = arith.constant 0 : index
    %get3A_31 = vector.load %arg5[%get3A_29, %get3A_30] : memref<1x128xf32, #tpu.memory_space<vmem>>, vector<1x128xf32>
    %add3A_32 = vector.broadcast %get3A_31 : vector<1x128xf32> to vector<1000x128xf32>
    %add3A_33 = arith.addf %dot_general3A_28, %add3A_32 : vector<1000x128xf32>
    %max3A = arith.constant 0.000000e+00 : f32
    %max3A_34 = vector.broadcast %max3A : f32 to vector<1000x128xf32>
    %max3A_35 = arith.maximumf %add3A_33, %max3A_34 : vector<1000x128xf32>
    %get3A_36 = arith.constant 0 : index
    %get3A_37 = arith.constant 0 : index
    %get3A_38 = vector.load %arg6[%get3A_36, %get3A_37] : memref<128x128xf32, #tpu.memory_space<vmem>>, vector<128x128xf32>
    %dot_general3A_39 = arith.constant dense<0.000000e+00> : vector<1000x128xf32>
    %dot_general3A_40 = tpu.matmul %max3A_35, %get3A_38, %dot_general3A_39 {dimension_numbers = #tpu.dot_dimension_numbers<[1], [0], [0], [1], [0, 0, 1, 1], [], []>, transpose_lhs_hint = false} : vector<1000x128xf32>, vector<128x128xf32>, vector<1000x128xf32> -> vector<1000x128xf32>
    %get3A_41 = arith.constant 0 : index
    %get3A_42 = arith.constant 0 : index
    %get3A_43 = vector.load %arg7[%get3A_41, %get3A_42] : memref<1x128xf32, #tpu.memory_space<vmem>>, vector<1x128xf32>
    %add3A_44 = vector.broadcast %get3A_43 : vector<1x128xf32> to vector<1000x128xf32>
    %add3A_45 = arith.addf %dot_general3A_40, %add3A_44 : vector<1000x128xf32>
    %swap3A = arith.constant 0 : index
    %swap3A_46 = arith.constant 0 : index
    %swap3A_47 = vector.load %arg8[%swap3A, %swap3A_46] : memref<1000x128xf32, #tpu.memory_space<vmem>>, vector<1000x128xf32>
    tpu.vector_store %arg8[%swap3A, %swap3A_46], %add3A_45 {strides = array<i32>} : memref<1000x128xf32, #tpu.memory_space<vmem>>, vector<1000x128xf32>,
    return
  }
  func.func @transform_0(%arg0: i32) -> (i32, i32) {
    %c0_i32 = arith.constant 0 : i32
    %c0_i32_0 = arith.constant 0 : i32
    return %arg0, %c0_i32 : i32, i32
  }
  func.func @transform_1(%arg0: i32) -> (i32, i32, i32) {
    %c0_i32 = arith.constant 0 : i32
    %c0_i32_0 = arith.constant 0 : i32
    %c0_i32_1 = arith.constant 0 : i32
    return %c0_i32, %arg0, %c0_i32_0 : i32, i32, i32
  }
  func.func @transform_2(%arg0: i32) -> (i32, i32, i32) {
    %c0_i32 = arith.constant 0 : i32
    %c0_i32_0 = arith.constant 0 : i32
    %c0_i32_1 = arith.constant 0 : i32
    return %c0_i32, %arg0, %c0_i32_0 : i32, i32, i32
  }
  func.func @transform_3(%arg0: i32) -> (i32, i32) {
    %c0_i32 = arith.constant 0 : i32
    %c0_i32_0 = arith.constant 0 : i32
    %c0_i32_1 = arith.constant 0 : i32
    return %c0_i32, %c0_i32_0 : i32, i32
  }
  func.func @transform_4(%arg0: i32) -> (i32, i32) {
    %c0_i32 = arith.constant 0 : i32
    %c0_i32_0 = arith.constant 0 : i32
    %c0_i32_1 = arith.constant 0 : i32
    return %c0_i32, %c0_i32_0 : i32, i32
  }
  func.func @transform_5(%arg0: i32) -> (i32, i32) {
    %c0_i32 = arith.constant 0 : i32
    %c0_i32_0 = arith.constant 0 : i32
    %c0_i32_1 = arith.constant 0 : i32
    return %c0_i32, %c0_i32_0 : i32, i32
  }
  func.func @transform_6(%arg0: i32) -> (i32, i32) {
    %c0_i32 = arith.constant 0 : i32
    %c0_i32_0 = arith.constant 0 : i32
    %c0_i32_1 = arith.constant 0 : i32
    return %c0_i32, %c0_i32_0 : i32, i32
  }
  func.func @transform_7(%arg0: i32) -> (i32, i32) {
    %c0_i32 = arith.constant 0 : i32
    %c0_i32_0 = arith.constant 0 : i32
    return %arg0, %c0_i32 : i32, i32
  }
}

module attributes {stable_mosaic.version = 14 : i64} {
  func.func @_t3_body(%arg0: i32, %arg1: memref<2x1000x128xf32, #tpu.memory_space<vmem>>, %arg2: memref<128x128xf32, #tpu.memory_space<vmem>>, %arg3: memref<1x128xf32, #tpu.memory_space<vmem>>, %arg4: memref<1000x128xf32, #tpu.memory_space<vmem>>) attributes {dimension_semantics = [#tpu.dimension_semantics<arbitrary>], iteration_bounds = array<i64: 10>, scalar_prefetch = 0 : i64, scratch_operands = 0 : i64, tpu.core_type = #tpu.core_type<tc>, window_params = [{transform_indices = @transform_0, window_bounds = array<i64: 2, 1000, 128>}, {pipeline_mode = #tpu.pipeline_mode<synchronous>, transform_indices = @transform_1, window_bounds = array<i64: 128, 128>}, {pipeline_mode = #tpu.pipeline_mode<synchronous>, transform_indices = @transform_2, window_bounds = array<i64: 1, 128>}, {transform_indices = @transform_3, window_bounds = array<i64: 1000, 128>}]} {
    %get3A = arith.constant 0 : index
    %get3A_0 = arith.constant 0 : index
    %get3A_1 = arith.constant 0 : index
    %get3A_2 = vector.load %arg1[%get3A, %get3A_0, %get3A_1] : memref<2x1000x128xf32, #tpu.memory_space<vmem>>, vector<1x1000x128xf32>
    %get3A_3 = vector.shape_cast %get3A_2 : vector<1x1000x128xf32> to vector<1000x128xf32>
    %get3A_4 = arith.constant 1 : index
    %get3A_5 = arith.constant 0 : index
    %get3A_6 = arith.constant 0 : index
    %get3A_7 = vector.load %arg1[%get3A_4, %get3A_5, %get3A_6] : memref<2x1000x128xf32, #tpu.memory_space<vmem>>, vector<1x1000x128xf32>
    %get3A_8 = vector.shape_cast %get3A_7 : vector<1x1000x128xf32> to vector<1000x128xf32>
    %add3A = arith.addf %get3A_3, %get3A_8 : vector<1000x128xf32>
    %max3A = arith.constant 0.000000e+00 : f32
    %max3A_9 = vector.broadcast %max3A : f32 to vector<1000x128xf32>
    %max3A_10 = arith.maximumf %add3A, %max3A_9 : vector<1000x128xf32>
    %get3A_11 = arith.constant 0 : index
    %get3A_12 = arith.constant 0 : index
    %get3A_13 = vector.load %arg2[%get3A_11, %get3A_12] : memref<128x128xf32, #tpu.memory_space<vmem>>, vector<128x128xf32>
    %dot_general3A = arith.constant dense<0.000000e+00> : vector<1000x128xf32>
    %dot_general3A_14 = tpu.matmul %max3A_10, %get3A_13, %dot_general3A {dimension_numbers = #tpu.dot_dimension_numbers<[1], [0], [0], [1], [0, 0, 1, 1], [], []>, transpose_lhs_hint = false} : vector<1000x128xf32>, vector<128x128xf32>, vector<1000x128xf32> -> vector<1000x128xf32>
    %get3A_15 = arith.constant 0 : index
    %get3A_16 = arith.constant 0 : index
    %get3A_17 = vector.load %arg3[%get3A_15, %get3A_16] : memref<1x128xf32, #tpu.memory_space<vmem>>, vector<1x128xf32>
    %add3A_18 = vector.broadcast %get3A_17 : vector<1x128xf32> to vector<1000x128xf32>
    %add3A_19 = arith.addf %dot_general3A_14, %add3A_18 : vector<1000x128xf32>
    %swap3A = arith.constant 0 : index
    %swap3A_20 = arith.constant 0 : index
    %swap3A_21 = vector.load %arg4[%swap3A, %swap3A_20] : memref<1000x128xf32, #tpu.memory_space<vmem>>, vector<1000x128xf32>
    tpu.vector_store %arg4[%swap3A, %swap3A_20], %add3A_19 {strides = array<i32>} : memref<1000x128xf32, #tpu.memory_space<vmem>>, vector<1000x128xf32>,
    return
  }
  func.func @transform_0(%arg0: i32) -> (i32, i32, i32) {
    %c0_i32 = arith.constant 0 : i32
    %c0_i32_0 = arith.constant 0 : i32
    %c0_i32_1 = arith.constant 0 : i32
    return %c0_i32, %arg0, %c0_i32_0 : i32, i32, i32
  }
  func.func @transform_1(%arg0: i32) -> (i32, i32) {
    %c0_i32 = arith.constant 0 : i32
    %c0_i32_0 = arith.constant 0 : i32
    %c0_i32_1 = arith.constant 0 : i32
    return %c0_i32, %c0_i32_0 : i32, i32
  }
  func.func @transform_2(%arg0: i32) -> (i32, i32) {
    %c0_i32 = arith.constant 0 : i32
    %c0_i32_0 = arith.constant 0 : i32
    %c0_i32_1 = arith.constant 0 : i32
    return %c0_i32, %c0_i32_0 : i32, i32
  }
  func.func @transform_3(%arg0: i32) -> (i32, i32) {
    %c0_i32 = arith.constant 0 : i32
    %c0_i32_0 = arith.constant 0 : i32
    return %arg0, %c0_i32 : i32, i32
  }
}

module attributes {stable_mosaic.version = 14 : i64} {
  func.func @_t4_body(%arg0: i32, %arg1: memref<2x1000x128xf32, #tpu.memory_space<vmem>>, %arg2: memref<1x1x1000xi32, #tpu.memory_space<vmem>>, %arg3: memref<128x64xf32, #tpu.memory_space<vmem>>, %arg4: memref<1x64xf32, #tpu.memory_space<vmem>>, %arg5: memref<64x1xf32, #tpu.memory_space<vmem>>, %arg6: memref<1x1xf32, #tpu.memory_space<vmem>>, %arg7: memref<64x1xf32, #tpu.memory_space<vmem>>, %arg8: memref<64x128xf32, #tpu.memory_space<vmem>>) attributes {dimension_semantics = [#tpu.dimension_semantics<arbitrary>], iteration_bounds = array<i64: 10>, scalar_prefetch = 0 : i64, scratch_operands = 1 : i64, tpu.core_type = #tpu.core_type<tc>, window_params = [{transform_indices = @transform_0, window_bounds = array<i64: 2, 1000, 128>}, {transform_indices = @transform_1, window_bounds = array<i64: 1, 1, 1000>}, {pipeline_mode = #tpu.pipeline_mode<synchronous>, transform_indices = @transform_2, window_bounds = array<i64: 128, 64>}, {pipeline_mode = #tpu.pipeline_mode<synchronous>, transform_indices = @transform_3, window_bounds = array<i64: 1, 64>}, {pipeline_mode = #tpu.pipeline_mode<synchronous>, transform_indices = @transform_4, window_bounds = array<i64: 64, 1>}, {pipeline_mode = #tpu.pipeline_mode<synchronous>, transform_indices = @transform_5, window_bounds = array<i64: 1, 1>}, {pipeline_mode = #tpu.pipeline_mode<synchronous>, transform_indices = @transform_6, window_bounds = array<i64: 64, 1>}]} {
    %eq3A = arith.constant 0 : i32
    %eq3A_0 = arith.cmpi eq, %arg0, %eq3A : i32
    %convert_element_type3A = arith.extui %eq3A_0 : i1 to i32
    %cond3A = arith.constant 0 : i32
    %cond3A_1 = arith.cmpi ne, %convert_element_type3A, %cond3A : i32
    scf.if %cond3A_1 {
      %broadcast_in_dim3A = arith.constant 0.000000e+00 : f32
      %broadcast_in_dim3A_34 = vector.broadcast %broadcast_in_dim3A : f32 to vector<64x128xf32>
      %swap3A_35 = arith.constant 0 : index
      %swap3A_36 = arith.constant 0 : index
      %swap3A_37 = vector.load %arg8[%swap3A_35, %swap3A_36] : memref<64x128xf32, #tpu.memory_space<vmem>>, vector<64x128xf32>
      tpu.vector_store %arg8[%swap3A_35, %swap3A_36], %broadcast_in_dim3A_34 {strides = array<i32>} : memref<64x128xf32, #tpu.memory_space<vmem>>, vector<64x128xf32>,
    } else {
    }
    %get3A = arith.constant 0 : index
    %get3A_2 = arith.constant 0 : index
    %get3A_3 = arith.constant 0 : index
    %get3A_4 = vector.load %arg1[%get3A, %get3A_2, %get3A_3] : memref<2x1000x128xf32, #tpu.memory_space<vmem>>, vector<1x1000x128xf32>
    %get3A_5 = vector.shape_cast %get3A_4 : vector<1x1000x128xf32> to vector<1000x128xf32>
    %get3A_6 = arith.constant 1 : index
    %get3A_7 = arith.constant 0 : index
    %get3A_8 = arith.constant 0 : index
    %get3A_9 = vector.load %arg1[%get3A_6, %get3A_7, %get3A_8] : memref<2x1000x128xf32, #tpu.memory_space<vmem>>, vector<1x1000x128xf32>
    %get3A_10 = vector.shape_cast %get3A_9 : vector<1x1000x128xf32> to vector<1000x128xf32>
    %add3A = arith.addf %get3A_5, %get3A_10 : vector<1000x128xf32>
    %max3A = arith.constant 0.000000e+00 : f32
    %max3A_11 = vector.broadcast %max3A : f32 to vector<1000x128xf32>
    %max3A_12 = arith.maximumf %add3A, %max3A_11 : vector<1000x128xf32>
    %get3A_13 = arith.constant 0 : index
    %get3A_14 = arith.constant 0 : index
    %get3A_15 = arith.constant 0 : index
    %get3A_16 = vector.load %arg2[%get3A_13, %get3A_14, %get3A_15] : memref<1x1x1000xi32, #tpu.memory_space<vmem>>, vector<1x1x1000xi32>
    %get3A_17 = vector.shape_cast %get3A_16 : vector<1x1x1000xi32> to vector<1x1000xi32>
    %iota3A = tpu.iota {dimensions = array<i32: 0>} : vector<64x1000xi32>
    %eq3A_18 = vector.broadcast %get3A_17 : vector<1x1000xi32> to vector<64x1000xi32>
    %eq3A_19 = arith.cmpi eq, %iota3A, %eq3A_18 : vector<64x1000xi32>
    %convert_element_type3A_20 = arith.extui %eq3A_19 : vector<64x1000xi1> to vector<64x1000xi32>
    %convert_element_type3A_21 = arith.sitofp %convert_element_type3A_20 : vector<64x1000xi32> to vector<64x1000xf32>
    %get3A_22 = arith.constant 0 : index
    %get3A_23 = arith.constant 0 : index
    %get3A_24 = vector.load %arg8[%get3A_22, %get3A_23] : memref<64x128xf32, #tpu.memory_space<vmem>>, vector<64x128xf32>
    %dot_general3A = arith.constant dense<0.000000e+00> : vector<64x128xf32>
    %dot_general3A_25 = tpu.matmul %convert_element_type3A_21, %max3A_12, %dot_general3A {dimension_numbers = #tpu.dot_dimension_numbers<[1], [0], [0], [1], [0, 0, 1, 1], [], []>, transpose_lhs_hint = false} : vector<64x1000xf32>, vector<1000x128xf32>, vector<64x128xf32> -> vector<64x128xf32>
    %add3A_26 = arith.addf %get3A_24, %dot_general3A_25 : vector<64x128xf32>
    %swap3A = arith.constant 0 : index
    %swap3A_27 = arith.constant 0 : index
    %swap3A_28 = vector.load %arg8[%swap3A, %swap3A_27] : memref<64x128xf32, #tpu.memory_space<vmem>>, vector<64x128xf32>
    tpu.vector_store %arg8[%swap3A, %swap3A_27], %add3A_26 {strides = array<i32>} : memref<64x128xf32, #tpu.memory_space<vmem>>, vector<64x128xf32>,
    %eq3A_29 = arith.constant 9 : i32
    %eq3A_30 = arith.cmpi eq, %arg0, %eq3A_29 : i32
    %convert_element_type3A_31 = arith.extui %eq3A_30 : i1 to i32
    %cond3A_32 = arith.constant 0 : i32
    %cond3A_33 = arith.cmpi ne, %convert_element_type3A_31, %cond3A_32 : i32
    scf.if %cond3A_33 {
      %get3A_34 = arith.constant 0 : index
      %get3A_35 = arith.constant 0 : index
      %get3A_36 = vector.load %arg8[%get3A_34, %get3A_35] : memref<64x128xf32, #tpu.memory_space<vmem>>, vector<64x128xf32>
      %get3A_37 = arith.constant 0 : index
      %get3A_38 = arith.constant 0 : index
      %get3A_39 = vector.load %arg3[%get3A_37, %get3A_38] : memref<128x64xf32, #tpu.memory_space<vmem>>, vector<128x64xf32>
      %dot_general3A_40 = arith.constant dense<0.000000e+00> : vector<64x64xf32>
      %dot_general3A_41 = tpu.matmul %get3A_36, %get3A_39, %dot_general3A_40 {dimension_numbers = #tpu.dot_dimension_numbers<[1], [0], [0], [1], [0, 0, 1, 1], [], []>, transpose_lhs_hint = false} : vector<64x128xf32>, vector<128x64xf32>, vector<64x64xf32> -> vector<64x64xf32>
      %get3A_42 = arith.constant 0 : index
      %get3A_43 = arith.constant 0 : index
      %get3A_44 = vector.load %arg4[%get3A_42, %get3A_43] : memref<1x64xf32, #tpu.memory_space<vmem>>, vector<1x64xf32>
      %add3A_45 = vector.broadcast %get3A_44 : vector<1x64xf32> to vector<64x64xf32>
      %add3A_46 = arith.addf %dot_general3A_41, %add3A_45 : vector<64x64xf32>
      %max3A_47 = arith.constant 0.000000e+00 : f32
      %max3A_48 = vector.broadcast %max3A_47 : f32 to vector<64x64xf32>
      %max3A_49 = arith.maximumf %add3A_46, %max3A_48 : vector<64x64xf32>
      %get3A_50 = arith.constant 0 : index
      %get3A_51 = arith.constant 0 : index
      %get3A_52 = vector.load %arg5[%get3A_50, %get3A_51] : memref<64x1xf32, #tpu.memory_space<vmem>>, vector<64x1xf32>
      %dot_general3A_53 = arith.constant dense<0.000000e+00> : vector<64x1xf32>
      %dot_general3A_54 = tpu.matmul %max3A_49, %get3A_52, %dot_general3A_53 {dimension_numbers = #tpu.dot_dimension_numbers<[1], [0], [0], [1], [0, 0, 1, 1], [], []>, transpose_lhs_hint = false} : vector<64x64xf32>, vector<64x1xf32>, vector<64x1xf32> -> vector<64x1xf32>
      %get3A_55 = arith.constant 0 : index
      %get3A_56 = arith.constant 0 : index
      %get3A_57 = vector.load %arg6[%get3A_55, %get3A_56] : memref<1x1xf32, #tpu.memory_space<vmem>>, vector<1x1xf32>
      %add3A_58 = vector.broadcast %get3A_57 : vector<1x1xf32> to vector<64x1xf32>
      %add3A_59 = arith.addf %dot_general3A_54, %add3A_58 : vector<64x1xf32>
      %swap3A_60 = arith.constant 0 : index
      %swap3A_61 = arith.constant 0 : index
      %swap3A_62 = vector.load %arg7[%swap3A_60, %swap3A_61] : memref<64x1xf32, #tpu.memory_space<vmem>>, vector<64x1xf32>
      tpu.vector_store %arg7[%swap3A_60, %swap3A_61], %add3A_59 {strides = array<i32>} : memref<64x1xf32, #tpu.memory_space<vmem>>, vector<64x1xf32>,
    } else {
    }
    return
  }
  func.func @transform_0(%arg0: i32) -> (i32, i32, i32) {
    %c0_i32 = arith.constant 0 : i32
    %c0_i32_0 = arith.constant 0 : i32
    %c0_i32_1 = arith.constant 0 : i32
    return %c0_i32, %arg0, %c0_i32_0 : i32, i32, i32
  }
  func.func @transform_1(%arg0: i32) -> (i32, i32, i32) {
    %c0_i32 = arith.constant 0 : i32
    %c0_i32_0 = arith.constant 0 : i32
    %c0_i32_1 = arith.constant 0 : i32
    return %arg0, %c0_i32, %c0_i32_0 : i32, i32, i32
  }
  func.func @transform_2(%arg0: i32) -> (i32, i32) {
    %c0_i32 = arith.constant 0 : i32
    %c0_i32_0 = arith.constant 0 : i32
    %c0_i32_1 = arith.constant 0 : i32
    return %c0_i32, %c0_i32_0 : i32, i32
  }
  func.func @transform_3(%arg0: i32) -> (i32, i32) {
    %c0_i32 = arith.constant 0 : i32
    %c0_i32_0 = arith.constant 0 : i32
    %c0_i32_1 = arith.constant 0 : i32
    return %c0_i32, %c0_i32_0 : i32, i32
  }
  func.func @transform_4(%arg0: i32) -> (i32, i32) {
    %c0_i32 = arith.constant 0 : i32
    %c0_i32_0 = arith.constant 0 : i32
    %c0_i32_1 = arith.constant 0 : i32
    return %c0_i32, %c0_i32_0 : i32, i32
  }
  func.func @transform_5(%arg0: i32) -> (i32, i32) {
    %c0_i32 = arith.constant 0 : i32
    %c0_i32_0 = arith.constant 0 : i32
    %c0_i32_1 = arith.constant 0 : i32
    return %c0_i32, %c0_i32_0 : i32, i32
  }
  func.func @transform_6(%arg0: i32) -> (i32, i32) {
    %c0_i32 = arith.constant 0 : i32
    %c0_i32_0 = arith.constant 0 : i32
    %c0_i32_1 = arith.constant 0 : i32
    return %c0_i32, %c0_i32_0 : i32, i32
  }
}

</mosaic_0001>

<sc_bundles>
// kernel: kernel.13.cloned.1.call-start
scs
__scs_entry_jumppad:
0x0: {  	(pc) =	sbr.rel $0x88, $3  }
0x1: {  	(tag) =	ssettag $0x0;
	lr =	simm.s32 $0x1  }
0x2: {  	[smem:$0x3F8F] =	sst lr;
	_ =	strace $0xD0000000  }
0x3: {  	_ = 	snop  }
0x4: {  	_ = 	snop  }
0x5: {  	_ = 	snop  }
0x6: {  	_ = 	snop  }
0x7: {  	_ = 	snop  }
__scs_overlays_trampoline_lowered:
0x8: {  	[smem:$0x3F9E] =	sst s0  }
0x9: {  	[smem:$0x3F9F] =	sst s1  }
0xa: {  	[smem:$0x3FA0] =	sst s2  }
0xb: {  	[smem:$0x3FA1] =	sst s3  }
0xc: {  	[smem:$0x3FA2] =	sst s4  }
0xd: {  	[smem:$0x3FA3] =	sst s5  }
0xe: {  	[smem:$0x3FA4] =	sst s6  }
0xf: {  	[smem:$0x3FA5] =	sst s7  }
0x10: {  	[smem:$0x3FA6] =	sst s8  }
0x11: {  	[smem:$0x3FA7] =	sst s9;
	s0 =	simm.s32 @!p0 $0x0  }
0x12: {  	s1 =	sld [smem:$0x3F8D];
	s0 =	simm.s32 @p0 $0x1  }
0x13: {  	[smem:$0x3FA8] =	sst s0;
	s0 =	simm.s32 @!p1 $0x0  }
0x14: {  	s2 =	sld [smem:$0x3F8C];
	s0 =	simm.s32 @p1 $0x1  }
0x15: {  	[smem:$0x3FA9] =	sst s0;
	s0 =	simm.s32 @!p2 $0x0  }
0x16: {  	s3 =	sld [smem:$0x3FDB];
	s0 =	simm.s32 @p2 $0x1  }
0x17: {  	s4 =	simm.s32 $0x1BF5;
	[smem:$0x3FAB] =	sst s0  }
0x18: {  	s0 =	sld [smem:$0x3F8E];
	_ =	swait.ge [sflag:s4], $0x0  }
0x19: {  	s7 =	sld [smem:$0x3F8F]  }
0x1a: {  	s8 =	sadd.s32 $0xFFFFE003, lr  }
0x1b: {  	s9 =	sadd.s32 $0xFFFFFEF7, lr;
	s5 =	simm.s32 $0xFFFFFFFF;
	p2 =	slt.u32 s8, $0xFFFFF086  }
0x1c: {  	p1 =	slt.u32 s9, $0xF7A;
	s5 =	simm.s32 @!p2 $0x0  }
0x1d: {  	s5 =	simm.s32 @p1 $0x1;
	p0 =	seq.s32 s7, s2  }
0x1e: {  	s7 =	smul.u32 @!p0 $0xF7A, s2;
	p2 =	seq.s32 @!p0 s5, $0x0  }
0x1f: {  	s9 =	smul.u32 $0xF7A, s1;
	s8 =	simm.s32 @!p0 $0x1BF5;
	p2 =	por !p2, p0  }
0x20: {  	[sflag:s8] =	ssyncset.s32 @!p0 $0xFFFFF086;
	s6 =	sadd.s32 @!p0 s3, s7;
	s7 =	simm.s32 @!p0 $0x108  }
0x21: {  	s3 =	sadd.s32 s3, s9;
	s6 =	sadd.s32 @!p0 $0x88, s6;
	s7 =	simm.s32 @p2 $0x1082  }
0x22: {  	[simem:s7], [sflag:s8] =	dma.local @!p0 [hbm:s6], $0xF7A  }
0x23: {  	s9 =	sor.u32 $0xD0000000, s2;
	s6 =	simm.s32 $0x108;
	_ =	swait.ge @!p0 [sflag:s8], $0x0  }
0x24: {  	s3 =	sadd.s32 $0x88, s3;
	s6 =	simm.s32 @!p1 $0x1082;
	[sflag:s4] =	ssyncset.s32 $0xFFFFF086  }
0x25: {  	[simem:s6], [sflag:s4] =	dma.local [hbm:s3], $0xF7A  }
0x26: {  	[smem:$0x3F8F] =	sst s1;
	(tag) =	ssettag s2;
	_ =	strace s9  }
0x27: {  	s1 =	sld [smem:$0x3F9F]  }
0x28: {  	s2 =	sld [smem:$0x3FA0]  }
0x29: {  	s4 =	sld [smem:$0x3FA2]  }
0x2a: {  	p0 =	seq.s32 s5, $0x0;
	s5 =	sld [smem:$0x3FA3]  }
0x2b: {  	s6 =	sld [smem:$0x3FA4]  }
0x2c: {  	s7 =	sld [smem:$0x3FA5]  }
0x2d: {  	s3 =	simm.s32 $0x108;
	s8 =	sld [smem:$0x3FA6]  }
0x2e: {  	s3 =	simm.s32 @!p0 $0x1082;
	s9 =	sld [smem:$0x3FA7]  }
0x2f: {  	lr =	sadd.s32 s0, s3;
	s0 =	sld [smem:$0x3F9E]  }
0x30: {  	s3 =	sld [smem:$0x3FA1]  }
0x31: {  	[smem:$0x3FAA] =	sst s10  }
0x32: {  	s10 =	sld [smem:$0x3FA8];
	_ =	sdelay $0x3  }
0x33: {  	p0 =	seq.s32 s10, $0x1;
	s10 =	sld [smem:$0x3FAA];
	_ =	sdelay $0x3  }
0x34: {  	[smem:$0x3FAA] =	sst s10  }
0x35: {  	s10 =	sld [smem:$0x3FA9];
	_ =	sdelay $0x3  }
0x36: {  	p1 =	seq.s32 s10, $0x1;
	s10 =	sld [smem:$0x3FAA];
	_ =	sdelay $0x3  }
0x37: {  	[smem:$0x3FAA] =	sst s10  }
0x38: {  	s10 =	sld [smem:$0x3FAB]  }
0x39: {  	_ = 	snop;
	(pc) =	sbr.ind lr, $3  }
0x3a: {  	_ = 	snop  }
0x3b: {  	_ = 	snop  }
0x3c: {  	p2 =	seq.s32 s10, $0x1;
	s10 =	sld [smem:$0x3FAA]  }
0x3d: {  	_ =	shalt  }
0x3e: {  	_ =	shalt  }
0x3f: {  	_ =	shalt  }
0x40: {  	_ =	shalt  }
0x41: {  	_ =	shalt  }
0x42: {  	_ =	shalt  }
0x43: {  	_ =	shalt  }
0x44: {  	_ =	shalt  }
0x45: {  	_ =	shalt  }
0x46: {  	_ =	shalt  }
0x47: {  	_ =	shalt  }
0x48: {  	_ =	shalt  }
0x49: {  	_ =	shalt  }
0x4a: {  	_ =	shalt  }
0x4b: {  	_ =	shalt  }
0x4c: {  	_ =	shalt  }
0x4d: {  	_ =	shalt  }
0x4e: {  	_ =	shalt  }
0x4f: {  	_ =	shalt  }
0x50: {  	_ =	shalt  }
0x51: {  	_ =	shalt  }
0x52: {  	_ =	shalt  }
0x53: {  	_ =	shalt  }
0x54: {  	_ =	shalt  }
0x55: {  	_ =	shalt  }
0x56: {  	_ =	shalt  }
0x57: {  	_ =	shalt  }
0x58: {  	_ =	shalt  }
0x59: {  	_ =	shalt  }
0x5a: {  	_ =	shalt  }
0x5b: {  	_ =	shalt  }
0x5c: {  	_ =	shalt  }
0x5d: {  	_ =	shalt  }
0x5e: {  	_ =	shalt  }
0x5f: {  	_ =	shalt  }
0x60: {  	_ =	shalt  }
0x61: {  	_ =	shalt  }
0x62: {  	_ =	shalt  }
0x63: {  	_ =	shalt  }
0x64: {  	_ =	shalt  }
0x65: {  	_ =	shalt  }
0x66: {  	_ =	shalt  }
0x67: {  	_ =	shalt  }
0x68: {  	_ =	shalt  }
0x69: {  	_ =	shalt  }
0x6a: {  	_ =	shalt  }
0x6b: {  	_ =	shalt  }
0x6c: {  	_ =	shalt  }
0x6d: {  	_ =	shalt  }
0x6e: {  	_ =	shalt  }
0x6f: {  	_ =	shalt  }
0x70: {  	_ =	shalt  }
0x71: {  	_ =	shalt  }
0x72: {  	_ =	shalt  }
0x73: {  	_ =	shalt  }
0x74: {  	_ =	shalt  }
0x75: {  	_ =	shalt  }
0x76: {  	_ =	shalt  }
0x77: {  	_ =	shalt  }
0x78: {  	_ =	shalt  }
0x79: {  	_ =	shalt  }
0x7a: {  	_ =	shalt  }
0x7b: {  	_ =	shalt  }
0x7c: {  	_ =	shalt  }
0x7d: {  	_ =	shalt  }
0x7e: {  	_ =	shalt  }
0x7f: {  	_ =	shalt  }
0x80: {  	_ =	shalt  }
0x81: {  	_ =	shalt  }
0x82: {  	_ =	shalt  }
0x83: {  	_ =	shalt  }
0x84: {  	_ =	shalt  }
0x85: {  	_ =	shalt  }
0x86: {  	_ =	shalt  }
0x87: {  	_ =	shalt  }
.Lfunc_end0:
.L_simem_size_0:
called_computation_lowered:
.L_overlay_start_0:
0x88: {  	s2 =	sld [smem:$0x3FD9]  }
0x89: {  	s3 =	sld [smem:$0x3FFE];
	_ =	sdelay $0x1  }
0x8a: {  	s1 =	srdreg.scid  }
0x8b: {  	s0 =	sand.u32 $0x1, s1  }
0x8c: {  	s17 =	sshll.u32 s0, $0xA;
	s2 =	sadd.s32 s3, s2  }
0x8d: {  	s2 =	sadd.s32 s2, s17  }
0x8e: {  	[smem:$0x3FB6] =	sst s2  }
0x8f: {  	_ = 	snop  }
0x90: {  	(tm) =	ssettm $0x1  }
0x91: {  	s18 =	sld [smem:$0x3FFB];
	_ =	sdelay $0x3  }
0x92: {  	_ =	strace s18  }
0x93: {  	s2 =	sld [smem:$0x3FFC];
	_ =	sdelay $0x3  }
0x94: {  	_ =	strace s2  }
0x95: {  	s2 =	sld [smem:$0x3FFD];
	_ =	sdelay $0x3  }
0x96: {  	_ =	strace s2  }
0x97: {  	_ =	strace $0x8FFFFFFF  }
0x98: {  	s19 =	sld [smem:$0x3FDB];
	_ =	sdelay $0x1  }
0x99: {  	s20 =	simm.s32 $_scs_section_size  }
0x9a: {  	s4 =	simm.s32 $_size__tile_overlayer_lowered;
	s5 =	simm.s32 $_tile_overlayer_lowered  }
0x9b: {  	s6 =	simm.s32 $0x1BFF;
	s21 =	sshll.u32 s5, $0x1;
	s3 =	sadd.s32 s20, s19  }
0x9c: {  	s22 =	simm.s32 $0x0;
	s4 =	sshll.u32 s4, $0x1;
	s5 =	sadd.s32 s21, s3  }
0x9d: {  	[timem:s22], [sflag:s6] =	dma.local [hbm:s5], s4  }
0x9e: {  	_ =	swait.ge [sflag:s6], s4  }
0x9f: {  	s4 =	ssub.s32 $0x0, s4;
	[sflag:s6] =	ssyncset.done $0x0  }
0xa0: {  	[sflag:s6] =	ssyncadd.s32 s4;
	_ =	sdelay $0x1  }
0xa1: {  	s23 =	simm.s32 $0x1B8B  }
0xa2: {  	_ =	swait.ge [sflag:s23], $0x1  }
0xa3: {  	[sflag:s23] =	ssyncset.done $0x0  }
0xa4: {  	[sflag:s23] =	ssyncadd.s32 $0xFFFFFFFF  }
0xa5: {  	s4 =	sld [smem:$0x0]  }
0xa6: {  	s5 =	sand.u32 $0xFFFFFFFE, s1  }
0xa7: {  	p0 =	sne.s32 s1, s5  }
0xa8: {  	s5 =	sshll.u32 @p0 s5, $0xE  }
0xa9: {  	s5 =	sadd.s32 @p0 $0x11B8D, s5;
	s6 =	sshll.u32 @p0 s4, $0x11  }
0xaa: {  	s5 =	sor.u32 @p0 s6, s5  }
0xab: {  	[sflag:s5] =	ssyncadd.remote.s32 @p0 $0x1;
	_ =	sdelay $0x1  }
0xac: {  	s5 =	simm.s32 @p0 $0x1B8D  }
0xad: {  	_ =	swait.eq @p0 [sflag:s5], $0x1  }
0xae: {  	[sflag:s5] =	ssyncadd.s32 @p0 $0xFFFFFFFF  }
0xaf: {  	s6 =	sshll.u32 @!p0 s1, $0xE  }
0xb0: {  	s6 =	sor.u32 @!p0 $0x4000, s6;
	s5 =	simm.s32 @!p0 $0x1B8D  }
0xb1: {  	s4 =	sshll.u32 @!p0 s4, $0x11;
	s6 =	sadd.s32 @!p0 $0x11B8D, s6;
	_ =	swait.eq @!p0 [sflag:s5], $0x1  }
0xb2: {  	s4 =	sor.u32 @!p0 s4, s6;
	[sflag:s5] =	ssyncadd.s32 @!p0 $0xFFFFFFFF  }
0xb3: {  	s25 =	simm.s32 $0x1B8E;
	s24 =	sld [smem:$0x3FFE];
	[sflag:s4] =	ssyncadd.remote.s32 @!p0 $0x1  }
0xb4: {  	s26 =	simm.s32 $execute0_lowered;
	[smem:$0x3FD2] =	sst s25  }
0xb5: {  	s5 =	sshll.u32 s26, $0x1;
	_ =	strace $0x80000049;
	[dreg:$0x1] =	wrdreg $0xFFFFFFFF  }
0xb6: {  	s28 =	simm.s32 $_size_execute0_lowered;
	s3 =	sadd.s32 s3, s5;
	[dreg:$0x0] =	wrdreg $0x0  }
0xb7: {  	s5 =	sshll.u32 s28, $0x1;
	[dreg:$0x2] =	wrdreg s3  }
0xb8: {  	[dreg:$0x3] =	wrdreg s5  }
0xb9: {  	[dreg:$0x4] =	wrdreg $0xC0  }
0xba: {  	_ =	task [dreg:s22], $0x5FFFF  }
0xbb: {  	[dreg:$0x1] =	wrdreg $0xFFFFFFFF  }
0xbc: {  	[dreg:$0x0] =	wrdreg $0x60  }
0xbd: {  	[dreg:$0x2] =	wrdreg s24  }
0xbe: {  	[dreg:$0x3] =	wrdreg $0x79800  }
0xbf: {  	[dreg:$0x4] =	wrdreg $0x9  }
0xc0: {  	_ =	task.clear_ibuf [dreg:s22], $0x5FFFF;
	_ =	strace $0x90000049  }
0xc1: {  	s29 =	simm.s32 $0x9;
	_ =	strace $0x8000004B  }
0xc2: {  	_ =	swait.ge [sflag:s29], $0x1  }
0xc3: {  	[sflag:s29] =	ssyncadd.s32 $0xFFFFFFFF  }
0xc4: {  	_ =	strace $0x9000004B  }
0xc5: {  	_ =	sfence  }
0xc6: {  	s30 =	sld [smem:$0x0];
	_ =	sdelay $0x2  }
0xc7: {  	s31 =	sshll.u32 s1, $0xD;
	s1 =	sshrl.u32 s1, $0x2  }
0xc8: {  	s4 =	sand.u32 $0x4000, s31;
	s1 =	sadd.s32 s1, s30  }
0xc9: {  	s0 =	sor.u32 s4, s0;
	s1 =	sshll.u32 s1, $0x11  }
0xca: {  	s0 =	sor.u32 s1, s0  }
0xcb: {  	s0 =	sadd.s32 $0x8F2B, s0  }
0xcc: {  	[sflag:s0] =	ssyncadd.remote.s32 $0x1  }
0xcd: {  	_ =	sfence.sel $0xFFFF  }
0xce: {  	[dreg:$0x0] =	wrdreg $0xFFFFFFFF;
	(pc) =	sbr.abs _section_cstart, $3  }
0xcf: {  	[dreg:$0x1] =	wrdreg $0xFFFFFFFF  }
0xd0: {  	_ =	task.clear_ibuf [dreg:s22], $0x2FFFF;
	_ =	strace $0x9FFFFFFF  }
0xd1: {  	(tm) =	ssettm $0x7FFFFFFF  }
tec
execute0_lowered:
.L_overlay_start_1:
0x0: {  	(tag) =	ssettag $0x1  }
0x1: {  	s0 =	rddreg [dreg:$0x0]  }
0x2: {  	s1 =	rddreg [dreg:$0x1];
	s2 =	simm.s32 $0x0  }
0x3: {  	s6 =	srdreg.scid;
	s5 =	stileid.u32;
	s28 =	simm.s32 $0x50  }
0x4: {  	s29 =	simm.s32 $0x7;
	s30 =	simm.s32 $0x2;
	s9 =	smul.u32 $0x50000, s5  }
0x5: {  	s31 =	simm.s32 $0x5;
	[smem:$0x7FF] =	sst s2;
	s13 =	smul.u32 $0x14000, s5  }
0x6: {  	s3 =	sadd.s32 $0x572600, s0;
	s4 =	sadd.s32 $0x4E00, s0;
	s19 =	smul.u32 $0x4E20, s5  }
0x7: {  	s7 =	sadd.s32 $0x3FC00, s0;
	s6 =	sand.u32 $0x1, s6;
	s22 =	smul.u32 $0x4E200, s5  }
0x8: {  	s15 =	sshll.u32 s5, $0x1;
	s0 =	sadd.s32 $0x90600, s0;
	s16 =	smul.u32 $0x138800, s6  }
0x9: {  	_ =	strace $0x8000004A;
	[dreg:$0x3] =	wrdreg s7;
	s20 =	smul.u32 $0x2710, s6  }
0xa: {  	s8 =	ssub.s32 $0x2, s6;
	s7 =	sor.u32 s6, s15;
	s24 =	smul.u32 $0x27100, s6  }
0xb: {  	p0 =	seq.s32 s5, $0xF;
	s10 =	sshrl.u32 s8, $0x1;
	s11 =	smul.u32 $0x2710, s7  }
0xc: {  	s9 =	sshrl.u32 s9, $0x2;
	s7 =	smul.u32 $0x27100, s7;
	s8 =	ssub.s32 s8, s10  }
0xd: {  	s9 =	sadd.s32 s9, s1;
	s18 =	sadd.s32 s13, s16;
	s21 =	sshrl.u32 s16, $0x3  }
0xe: {  	s23 =	sadd.s32 s20, s19;
	s20 =	simm.s32 $0x180;
	[dreg:$0x4] =	wrdreg s9  }
0xf: {  	s9 =	sadd.s32 $0x12C000, s1;
	s12 =	sshrl.u32 s11, $0x3;
	s11 =	sadd.s32 $0x50, s11  }
0x10: {  	s7 =	sadd.s32 s3, s7;
	s25 =	sadd.s32 $0x140, s23;
	s8 =	smax.u32 s8, $0x1  }
0x11: {  	s26 =	sadd.s32 $0xA0, s23;
	s16 =	sadd.s32 $0xF0, s23;
	s23 =	simm.s32 $0x100  }
0x12: {  	s12 =	sadd.s32 s4, s12;
	[dreg:$0x6] =	wrdreg s7;
	s17 =	sshrl.u32 s11, $0x3  }
0x13: {  	s11 =	sshll.u32 s11, $0x4;
	[dreg:$0xb] =	wrdreg s8;
	s6 =	sshrl.u32 s25, $0x3  }
0x14: {  	s25 =	simm.s32 $0x1;
	[dreg:$0x5] =	wrdreg s12;
	s7 =	sadd.s32 s4, s17  }
0x15: {  	s11 =	sadd.s32 s3, s11;
	s3 =	sadd.s32 s22, s3;
	s15 =	sadd.s32 s6, s4  }
0x16: {  	s22 =	simm.s32 $0x2980;
	s6 =	simm.s32 $0x0;
	[dreg:$0x7] =	wrdreg s7  }
0x17: {  	s7 =	sshrl.u32 s18, $0x3;
	[dreg:$0x8] =	wrdreg s11;
	s14 =	sadd.s32 s24, s3  }
0x18: {  	s18 =	sshrl.u32 @p0 s9, $0x3;
	s7 =	sadd.s32 s0, s7;
	s0 =	sadd.s32 s0, s21  }
0x19: {  	s24 =	simm.s32 $0x5180;
	s3 =	simm.s32 $0x6;
	s0 =	sadd.s32 $0x25800, s0  }
0x1a: {  	s21 =	simm.s32 $0x80;
	[dreg:$0xa] =	wrdreg s0;
	s0 =	sshrl.u32 s26, $0x3  }
0x1b: {  	[dreg:$0x9] =	wrdreg s7;
	s17 =	sadd.s32 s0, s4;
	s0 =	sshll.u32 @!p0 s5, $0x6  }
0x1c: {  	s26 =	simm.s32 $0x4;
	s19 =	sor.u32 @!p0 $0x1C07, s0;
	s0 =	simm.s32 $0x3  }
.LBB2_1:
0x1d: {  	s7 =	simm.s32 @p0 $0x1FC7;
	s5 =	rddreg [dreg:$0x3]  }
0x1e: {  	[spmem:s18], [sflag:s7] =	dma.local @p0 [hbm:s5], $0x1900  }
0x1f: {  	s7 =	simm.s32 @p0 $0x7  }
0x20: {  	_ =	swait.ge @p0 [sflag:s7], $0x1900  }
0x21: {  	[sflag:s7] =	ssyncset.done @p0 $0x0  }
0x22: {  	[sflag:s7] =	ssyncadd.s32 @p0 $0xFFFFE700;
	s7 =	rddreg [dreg:$0x4]  }
0x23: {  	s8 =	simm.s32 @!p0 $0x7;
	s7 =	sshrl.u32 @!p0 s7, $0x3  }
0x24: {  	[spmem:s7], [sflag:s19] =	dma.local @!p0 [hbm:s5], $0x2800  }
0x25: {  	_ =	swait.ge @!p0 [sflag:s8], $0x2800  }
0x26: {  	[sflag:s8] =	ssyncset.done @!p0 $0x0  }
0x27: {  	[sflag:s8] =	ssyncadd.s32 @!p0 $0xFFFFD800  }
0x28: {  	[bflag:$0x0] =	sbarrier.arrive $0xFFFF  }
0x29: {  	s13 =	rddreg [dreg:$0x5]  }
0x2a: {  	[tilespmem:s2], [sflag:$0x4] =	stream.linear.gather [hbm4b:s13+s2], $0x50, $0x38;
	[tilespmem:$0x1B200] =	vst v63  }
0x2b: {  	s8 =	rddreg [dreg:$0x6]  }
0x2c: {  	[tilespmem:s20], [sflag:$0x1] =	stream.linear.gather [hbm4b:s8+s2], $0x2800, $0x38;
	[tilespmem:$0x1B200] =	vst v63  }
0x2d: {  	s9 =	rddreg [dreg:$0x7]  }
0x2e: {  	[tilespmem:s21], [sflag:$0x5] =	stream.linear.gather [hbm4b:s9+s2], $0x50, $0x38;
	[tilespmem:$0x1B200] =	vst v63  }
0x2f: {  	s10 =	rddreg [dreg:$0x8]  }
0x30: {  	[tilespmem:s22], [sflag:$0x2] =	stream.linear.gather [hbm4b:s10+s2], $0x2800, $0x38;
	[tilespmem:$0x1B200] =	vst v63  }
0x31: {  	s11 =	sadd.s32 $0x0, s14  }
0x32: {  	[tilespmem:s23], [sflag:$0x6] =	stream.linear.gather [hbm4b:s17+s2], $0x50, $0x38;
	[tilespmem:$0x1B200] =	vst v63  }
0x33: {  	s9 =	sadd.s32 $0xA00, s11  }
0x34: {  	[tilespmem:s24], [sflag:$0x3] =	stream.linear.gather [hbm4b:s9+s2], $0x2800, $0x38;
	[tilespmem:$0x1B200] =	vst v63  }
0x35: {  	_ =	swait.ge [sflag:s25], $0x2800  }
0x36: {  	[sflag:s25] =	ssyncset.done $0x0  }
0x37: {  	[sflag:s25] =	ssyncadd.s32 $0xFFFFD800  }
0x38: {  	_ =	swait.ge [sflag:s26], $0x50  }
0x39: {  	[sflag:s26] =	ssyncset.done $0x0  }
0x3a: {  	[sflag:s26] =	ssyncadd.s32 $0xFFFFFFB0  }
0x3b: {  	[spmem:s1] =	stream.indirect.scatter.add.f32 [tilespmem:s20], [sflag:$0x7], $0x80, s2, s28, $0xb8;
	[tilespmem:$0x1B200] =	vst v63  }
0x3c: {  	_ =	swait.ge [sflag:s29], $0x2800  }
0x3d: {  	s12 =	sshrl.u32 s16, $0x3;
	[sflag:s29] =	ssyncset.done $0x0  }
0x3e: {  	s9 =	sadd.s32 s4, s12;
	[sflag:s29] =	ssyncadd.s32 $0xFFFFD800  }
0x3f: {  	[tilespmem:s2], [sflag:$0x4] =	stream.linear.gather [hbm4b:s9+s2], $0x50, $0x38;
	[tilespmem:$0x1B200] =	vst v63  }
0x40: {  	s13 =	sadd.s32 $0xF00, s11  }
0x41: {  	[tilespmem:s20], [sflag:$0x1] =	stream.linear.gather [hbm4b:s13+s2], $0x2800, $0x38;
	[tilespmem:$0x1B200] =	vst v63  }
0x42: {  	_ =	swait.ge [sflag:s30], $0x2800  }
0x43: {  	[sflag:s30] =	ssyncset.done $0x0  }
0x44: {  	[sflag:s30] =	ssyncadd.s32 $0xFFFFD800  }
0x45: {  	_ =	swait.ge [sflag:s31], $0x50  }
0x46: {  	[sflag:s31] =	ssyncset.done $0x0  }
0x47: {  	[sflag:s31] =	ssyncadd.s32 $0xFFFFFFB0  }
0x48: {  	[spmem:s1] =	stream.indirect.scatter.add.f32 [tilespmem:s22], [sflag:$0x7], $0x80, s21, s28, $0xb8;
	[tilespmem:$0x1B200] =	vst v63  }
0x49: {  	_ =	swait.ge [sflag:s29], $0x2800  }
0x4a: {  	[sflag:s29] =	ssyncset.done $0x0  }
0x4b: {  	[sflag:s29] =	ssyncadd.s32 $0xFFFFD800  }
0x4c: {  	[tilespmem:s21], [sflag:$0x5] =	stream.linear.gather [hbm4b:s15+s2], $0x50, $0x38;
	[tilespmem:$0x1B200] =	vst v63  }
0x4d: {  	s8 =	sadd.s32 $0x1400, s11  }
0x4e: {  	[tilespmem:s22], [sflag:$0x2] =	stream.linear.gather [hbm4b:s8+s2], $0x2800, $0x38;
	[tilespmem:$0x1B200] =	vst v63  }
0x4f: {  	_ =	swait.ge [sflag:s0], $0x2800  }
0x50: {  	[sflag:s0] =	ssyncset.done $0x0  }
0x51: {  	[sflag:s0] =	ssyncadd.s32 $0xFFFFD800  }
0x52: {  	_ =	swait.ge [sflag:s3], $0x50  }
0x53: {  	[sflag:s3] =	ssyncset.done $0x0  }
0x54: {  	[sflag:s3] =	ssyncadd.s32 $0xFFFFFFB0  }
0x55: {  	[spmem:s1] =	stream.indirect.scatter.add.f32 [tilespmem:s24], [sflag:$0x7], $0x80, s23, s28, $0xb8;
	[tilespmem:$0x1B200] =	vst v63  }
0x56: {  	s11 =	simm.s32 $0xF00;
	s10 =	sadd.s32 $0xF0, s16;
	_ =	swait.ge [sflag:s29], $0x2800  }
0x57: {  	s9 =	sadd.s32 $0x1E, s15;
	s8 =	sadd.s32 $0x1E, s17;
	[sflag:s29] =	ssyncset.done $0x0  }
.LBB2_2:
0x58: {  	s12 =	smov.u32 s11  }
0x59: {  	s13 =	sadd.s32 s11, s14;
	[sflag:s29] =	ssyncadd.s32 $0xFFFFD800;
	s12 =	sadd.s32 $0xF00, s11  }
0x5a: {  	[tilespmem:s23], [sflag:$0x6] =	stream.linear.gather [hbm4b:s8+s2], $0x50, $0x38;
	[tilespmem:$0x1B200] =	vst v63  }
0x5b: {  	p1 =	sne.s32 s11, $0x25800;
	s5 =	sadd.s32 $0xA00, s13  }
0x5c: {  	[tilespmem:s24], [sflag:$0x3] =	stream.linear.gather [hbm4b:s5+s2], $0x2800, $0x38;
	[tilespmem:$0x1B200] =	vst v63  }
0x5d: {  	_ =	swait.ge [sflag:s25], $0x2800  }
0x5e: {  	[sflag:s25] =	ssyncset.done $0x0  }
0x5f: {  	[sflag:s25] =	ssyncadd.s32 $0xFFFFD800  }
0x60: {  	_ =	swait.ge [sflag:s26], $0x50  }
0x61: {  	[sflag:s26] =	ssyncset.done $0x0  }
0x62: {  	[sflag:s26] =	ssyncadd.s32 $0xFFFFFFB0  }
0x63: {  	[spmem:s1] =	stream.indirect.scatter.add.f32 [tilespmem:s20], [sflag:$0x7], $0x80, s2, s28, $0xb8;
	[tilespmem:$0x1B200] =	vst v63  }
0x64: {  	_ =	swait.ge [sflag:s29], $0x2800  }
0x65: {  	s5 =	sshrl.u32 s10, $0x3;
	[sflag:s29] =	ssyncset.done $0x0  }
0x66: {  	s5 =	sadd.s32 s4, s5;
	[sflag:s29] =	ssyncadd.s32 $0xFFFFD800  }
0x67: {  	[tilespmem:s2], [sflag:$0x4] =	stream.linear.gather [hbm4b:s5+s2], $0x50, $0x38;
	[tilespmem:$0x1B200] =	vst v63  }
0x68: {  	s5 =	sadd.s32 $0xF00, s13  }
0x69: {  	[tilespmem:s20], [sflag:$0x1] =	stream.linear.gather [hbm4b:s5+s2], $0x2800, $0x38;
	[tilespmem:$0x1B200] =	vst v63  }
0x6a: {  	_ =	swait.ge [sflag:s30], $0x2800  }
0x6b: {  	[sflag:s30] =	ssyncset.done $0x0  }
0x6c: {  	[sflag:s30] =	ssyncadd.s32 $0xFFFFD800  }
0x6d: {  	_ =	swait.ge [sflag:s31], $0x50  }
0x6e: {  	[sflag:s31] =	ssyncset.done $0x0  }
0x6f: {  	[sflag:s31] =	ssyncadd.s32 $0xFFFFFFB0  }
0x70: {  	[spmem:s1] =	stream.indirect.scatter.add.f32 [tilespmem:s22], [sflag:$0x7], $0x80, s21, s28, $0xb8;
	[tilespmem:$0x1B200] =	vst v63  }
0x71: {  	_ =	swait.ge [sflag:s29], $0x2800  }
0x72: {  	[sflag:s29] =	ssyncset.done $0x0  }
0x73: {  	[sflag:s29] =	ssyncadd.s32 $0xFFFFD800  }
0x74: {  	[tilespmem:s21], [sflag:$0x5] =	stream.linear.gather [hbm4b:s9+s2], $0x50, $0x38;
	[tilespmem:$0x1B200] =	vst v63  }
0x75: {  	s5 =	sadd.s32 $0x1400, s13  }
0x76: {  	[tilespmem:s22], [sflag:$0x2] =	stream.linear.gather [hbm4b:s5+s2], $0x2800, $0x38;
	[tilespmem:$0x1B200] =	vst v63  }
0x77: {  	_ =	swait.ge [sflag:s0], $0x2800  }
0x78: {  	[sflag:s0] =	ssyncset.done $0x0  }
0x79: {  	[sflag:s0] =	ssyncadd.s32 $0xFFFFD800  }
0x7a: {  	_ =	swait.ge [sflag:s3], $0x50  }
.Ltmp0:
0x7b: {  	[sflag:s3] =	ssyncset.done $0x0;
	(pc) =	sbr.rel @p1 .LBB2_2-.Ltmp0, $4  }
0x7c: {  	[sflag:s3] =	ssyncadd.s32 $0xFFFFFFB0  }
0x7d: {  	[spmem:s1] =	stream.indirect.scatter.add.f32 [tilespmem:s24], [sflag:$0x7], $0x80, s23, s28, $0xb8;
	[tilespmem:$0x1B200] =	vst v63  }
0x7e: {  	s8 =	sadd.s32 $0x1E, s8;
	s11 =	smov.u32 s12;
	_ =	swait.ge [sflag:s29], $0x2800  }
0x7f: {  	s10 =	sadd.s32 $0xF0, s10;
	s9 =	sadd.s32 $0x1E, s9;
	[sflag:s29] =	ssyncset.done $0x0  }
0x80: {  	[sflag:s29] =	ssyncadd.s32 $0xFFFFD800  }
0x81: {  	_ =	swait.ge [sflag:s25], $0x2800  }
0x82: {  	[sflag:s25] =	ssyncset.done $0x0  }
0x83: {  	[sflag:s25] =	ssyncadd.s32 $0xFFFFD800  }
0x84: {  	_ =	swait.ge [sflag:s26], $0x50  }
0x85: {  	[sflag:s26] =	ssyncset.done $0x0  }
0x86: {  	[sflag:s26] =	ssyncadd.s32 $0xFFFFFFB0  }
0x87: {  	[spmem:s1] =	stream.indirect.scatter.add.f32 [tilespmem:s20], [sflag:$0x7], $0x80, s2, s28, $0xb8;
	[tilespmem:$0x1B200] =	vst v63  }
0x88: {  	_ =	swait.ge [sflag:s29], $0x2800  }
0x89: {  	[sflag:s29] =	ssyncset.done $0x0  }
0x8a: {  	[sflag:s29] =	ssyncadd.s32 $0xFFFFD800  }
0x8b: {  	_ =	swait.ge [sflag:s30], $0x2800  }
0x8c: {  	[sflag:s30] =	ssyncset.done $0x0  }
0x8d: {  	[sflag:s30] =	ssyncadd.s32 $0xFFFFD800  }
0x8e: {  	_ =	swait.ge [sflag:s31], $0x50  }
0x8f: {  	[sflag:s31] =	ssyncset.done $0x0  }
0x90: {  	[sflag:s31] =	ssyncadd.s32 $0xFFFFFFB0  }
0x91: {  	[spmem:s1] =	stream.indirect.scatter.add.f32 [tilespmem:s22], [sflag:$0x7], $0x80, s21, s28, $0xb8;
	[tilespmem:$0x1B200] =	vst v63  }
0x92: {  	_ =	swait.ge [sflag:s29], $0x2800  }
0x93: {  	[sflag:s29] =	ssyncset.done $0x0  }
0x94: {  	[sflag:s29] =	ssyncadd.s32 $0xFFFFD800  }
0x95: {  	[bflag:$0x0] =	sbarrier.arrive $0xFFFF  }
0x96: {  	s5 =	simm.s32 @p0 $0x1FC7;
	s8 =	rddreg [dreg:$0xa]  }
0x97: {  	[hbm:s8], [sflag:s5] =	dma.local @p0 [spmem:s18], $0x1900  }
0x98: {  	s5 =	simm.s32 @p0 $0x7  }
0x99: {  	_ =	swait.ge @p0 [sflag:s5], $0x1900  }
0x9a: {  	[sflag:s5] =	ssyncset.done @p0 $0x0  }
0x9b: {  	[sflag:s5] =	ssyncadd.s32 @p0 $0xFFFFE700;
	s5 =	rddreg [dreg:$0x9]  }
0x9c: {  	[hbm:s5], [sflag:s19] =	dma.local @!p0 [spmem:s7], $0x2800  }
0x9d: {  	s5 =	simm.s32 @!p0 $0x7  }
0x9e: {  	_ =	swait.ge @!p0 [sflag:s5], $0x2800  }
0x9f: {  	s6 =	sadd.s32 $0x1, s6;
	s13 =	rddreg [dreg:$0xb]  }
0xa0: {  	p1 =	sne.s32 s6, s13  }
.Ltmp1:
0xa1: {  	_ = 	snop;
	(pc) =	sbr.rel @p1 .LBB2_1-.Ltmp1, $3  }
0xa2: {  	_ =	sdelay $0x1  }
0xa3: {  	[sflag:s5] =	ssyncset.done @!p0 $0x0  }
0xa4: {  	[sflag:s5] =	ssyncadd.s32 @!p0 $0xFFFFD800  }
0xa5: {  	_ =	sfence.sel $0x180000  }
0xa6: {  	[bflag:$0x0] =	sbarrier.arrive $0xFFFF  }
0xa7: {  	_ =	strace $0x9000004A  }
0xa8: {  	s0 =	stileid.u32;
	[bflag:$0x2] =	sbarrier.arrive $0xFFFF  }
0xa9: {  	p0 =	sne.s32 s0, $0x0;
	s0 =	rddreg [dreg:$0x2]  }
0xaa: {  	s0 =	sadd.s32 @!p0 $0x100000, s0  }
0xab: {  	[sflag:s0] =	ssyncadd.tile.s32 @!p0 $0x1;
	_ =	shalt  }
.Lfunc_end2:
_tile_overlayer_lowered:
.L_overlay_start_2:
0xac: {  	(tag) =	ssettag $0x2  }
0xad: {  	s0 =	rddreg [dreg:$0x0];
	s2 =	stileid.u32  }
0xae: {  	s1 =	rddreg [dreg:$0x1];
	p0 =	sne.s32 s2, $0x0  }
0xaf: {  	s3 =	rddreg [dreg:$0x2];
	[bflag:$0x3] =	sbarrier.arrive $0xFFFF;
	s2 =	simm.s32 @!p0 $0x1C07  }
0xb0: {  	[timem:s3], [sflag:s2] =	dma.local @!p0 [hbm:s0], s1  }
0xb1: {  	s0 =	simm.s32 @!p0 $0x7  }
0xb2: {  	_ =	swait.ge @!p0 [sflag:s0], s1  }
0xb3: {  	s1 =	ssub.s32 @!p0 $0x0, s1;
	[sflag:s0] =	ssyncset.done @!p0 $0x0  }
0xb4: {  	[sflag:s0] =	ssyncadd.s32 @!p0 s1  }
0xb5: {  	[bflag:$0x3] =	sbarrier.arrive $0xFFFF  }
0xb6: {  	_ =	shalt  }

// kernel: kernel.16.cloned.1.call-start
scs
__scs_entry_jumppad:
0x0: {  	(pc) =	sbr.rel $0x88, $3  }
0x1: {  	(tag) =	ssettag $0x0;
	lr =	simm.s32 $0x1  }
0x2: {  	[smem:$0x3F8F] =	sst lr;
	_ =	strace $0xD0000000  }
0x3: {  	_ = 	snop  }
0x4: {  	_ = 	snop  }
0x5: {  	_ = 	snop  }
0x6: {  	_ = 	snop  }
0x7: {  	_ = 	snop  }
__scs_overlays_trampoline_lowered:
0x8: {  	[smem:$0x3F9E] =	sst s0  }
0x9: {  	[smem:$0x3F9F] =	sst s1  }
0xa: {  	[smem:$0x3FA0] =	sst s2  }
0xb: {  	[smem:$0x3FA1] =	sst s3  }
0xc: {  	[smem:$0x3FA2] =	sst s4  }
0xd: {  	[smem:$0x3FA3] =	sst s5  }
0xe: {  	[smem:$0x3FA4] =	sst s6  }
0xf: {  	[smem:$0x3FA5] =	sst s7  }
0x10: {  	[smem:$0x3FA6] =	sst s8  }
0x11: {  	[smem:$0x3FA7] =	sst s9;
	s0 =	simm.s32 @!p0 $0x0  }
0x12: {  	s1 =	sld [smem:$0x3F8D];
	s0 =	simm.s32 @p0 $0x1  }
0x13: {  	[smem:$0x3FA8] =	sst s0;
	s0 =	simm.s32 @!p1 $0x0  }
0x14: {  	s2 =	sld [smem:$0x3F8C];
	s0 =	simm.s32 @p1 $0x1  }
0x15: {  	[smem:$0x3FA9] =	sst s0;
	s0 =	simm.s32 @!p2 $0x0  }
0x16: {  	s3 =	sld [smem:$0x3FDB];
	s0 =	simm.s32 @p2 $0x1  }
0x17: {  	s4 =	simm.s32 $0x1BF5;
	[smem:$0x3FAB] =	sst s0  }
0x18: {  	s0 =	sld [smem:$0x3F8E];
	_ =	swait.ge [sflag:s4], $0x0  }
0x19: {  	s7 =	sld [smem:$0x3F8F]  }
0x1a: {  	s8 =	sadd.s32 $0xFFFFE003, lr  }
0x1b: {  	s9 =	sadd.s32 $0xFFFFFEF7, lr;
	s5 =	simm.s32 $0xFFFFFFFF;
	p2 =	slt.u32 s8, $0xFFFFF086  }
0x1c: {  	p1 =	slt.u32 s9, $0xF7A;
	s5 =	simm.s32 @!p2 $0x0  }
0x1d: {  	s5 =	simm.s32 @p1 $0x1;
	p0 =	seq.s32 s7, s2  }
0x1e: {  	s7 =	smul.u32 @!p0 $0xF7A, s2;
	p2 =	seq.s32 @!p0 s5, $0x0  }
0x1f: {  	s9 =	smul.u32 $0xF7A, s1;
	s8 =	simm.s32 @!p0 $0x1BF5;
	p2 =	por !p2, p0  }
0x20: {  	[sflag:s8] =	ssyncset.s32 @!p0 $0xFFFFF086;
	s6 =	sadd.s32 @!p0 s3, s7;
	s7 =	simm.s32 @!p0 $0x108  }
0x21: {  	s3 =	sadd.s32 s3, s9;
	s6 =	sadd.s32 @!p0 $0x88, s6;
	s7 =	simm.s32 @p2 $0x1082  }
0x22: {  	[simem:s7], [sflag:s8] =	dma.local @!p0 [hbm:s6], $0xF7A  }
0x23: {  	s9 =	sor.u32 $0xD0000000, s2;
	s6 =	simm.s32 $0x108;
	_ =	swait.ge @!p0 [sflag:s8], $0x0  }
0x24: {  	s3 =	sadd.s32 $0x88, s3;
	s6 =	simm.s32 @!p1 $0x1082;
	[sflag:s4] =	ssyncset.s32 $0xFFFFF086  }
0x25: {  	[simem:s6], [sflag:s4] =	dma.local [hbm:s3], $0xF7A  }
0x26: {  	[smem:$0x3F8F] =	sst s1;
	(tag) =	ssettag s2;
	_ =	strace s9  }
0x27: {  	s1 =	sld [smem:$0x3F9F]  }
0x28: {  	s2 =	sld [smem:$0x3FA0]  }
0x29: {  	s4 =	sld [smem:$0x3FA2]  }
0x2a: {  	p0 =	seq.s32 s5, $0x0;
	s5 =	sld [smem:$0x3FA3]  }
0x2b: {  	s6 =	sld [smem:$0x3FA4]  }
0x2c: {  	s7 =	sld [smem:$0x3FA5]  }
0x2d: {  	s3 =	simm.s32 $0x108;
	s8 =	sld [smem:$0x3FA6]  }
0x2e: {  	s3 =	simm.s32 @!p0 $0x1082;
	s9 =	sld [smem:$0x3FA7]  }
0x2f: {  	lr =	sadd.s32 s0, s3;
	s0 =	sld [smem:$0x3F9E]  }
0x30: {  	s3 =	sld [smem:$0x3FA1]  }
0x31: {  	[smem:$0x3FAA] =	sst s10  }
0x32: {  	s10 =	sld [smem:$0x3FA8];
	_ =	sdelay $0x3  }
0x33: {  	p0 =	seq.s32 s10, $0x1;
	s10 =	sld [smem:$0x3FAA];
	_ =	sdelay $0x3  }
0x34: {  	[smem:$0x3FAA] =	sst s10  }
0x35: {  	s10 =	sld [smem:$0x3FA9];
	_ =	sdelay $0x3  }
0x36: {  	p1 =	seq.s32 s10, $0x1;
	s10 =	sld [smem:$0x3FAA];
	_ =	sdelay $0x3  }
0x37: {  	[smem:$0x3FAA] =	sst s10  }
0x38: {  	s10 =	sld [smem:$0x3FAB]  }
0x39: {  	_ = 	snop;
	(pc) =	sbr.ind lr, $3  }
0x3a: {  	_ = 	snop  }
0x3b: {  	_ = 	snop  }
0x3c: {  	p2 =	seq.s32 s10, $0x1;
	s10 =	sld [smem:$0x3FAA]  }
0x3d: {  	_ =	shalt  }
0x3e: {  	_ =	shalt  }
0x3f: {  	_ =	shalt  }
0x40: {  	_ =	shalt  }
0x41: {  	_ =	shalt  }
0x42: {  	_ =	shalt  }
0x43: {  	_ =	shalt  }
0x44: {  	_ =	shalt  }
0x45: {  	_ =	shalt  }
0x46: {  	_ =	shalt  }
0x47: {  	_ =	shalt  }
0x48: {  	_ =	shalt  }
0x49: {  	_ =	shalt  }
0x4a: {  	_ =	shalt  }
0x4b: {  	_ =	shalt  }
0x4c: {  	_ =	shalt  }
0x4d: {  	_ =	shalt  }
0x4e: {  	_ =	shalt  }
0x4f: {  	_ =	shalt  }
0x50: {  	_ =	shalt  }
0x51: {  	_ =	shalt  }
0x52: {  	_ =	shalt  }
0x53: {  	_ =	shalt  }
0x54: {  	_ =	shalt  }
0x55: {  	_ =	shalt  }
0x56: {  	_ =	shalt  }
0x57: {  	_ =	shalt  }
0x58: {  	_ =	shalt  }
0x59: {  	_ =	shalt  }
0x5a: {  	_ =	shalt  }
0x5b: {  	_ =	shalt  }
0x5c: {  	_ =	shalt  }
0x5d: {  	_ =	shalt  }
0x5e: {  	_ =	shalt  }
0x5f: {  	_ =	shalt  }
0x60: {  	_ =	shalt  }
0x61: {  	_ =	shalt  }
0x62: {  	_ =	shalt  }
0x63: {  	_ =	shalt  }
0x64: {  	_ =	shalt  }
0x65: {  	_ =	shalt  }
0x66: {  	_ =	shalt  }
0x67: {  	_ =	shalt  }
0x68: {  	_ =	shalt  }
0x69: {  	_ =	shalt  }
0x6a: {  	_ =	shalt  }
0x6b: {  	_ =	shalt  }
0x6c: {  	_ =	shalt  }
0x6d: {  	_ =	shalt  }
0x6e: {  	_ =	shalt  }
0x6f: {  	_ =	shalt  }
0x70: {  	_ =	shalt  }
0x71: {  	_ =	shalt  }
0x72: {  	_ =	shalt  }
0x73: {  	_ =	shalt  }
0x74: {  	_ =	shalt  }
0x75: {  	_ =	shalt  }
0x76: {  	_ =	shalt  }
0x77: {  	_ =	shalt  }
0x78: {  	_ =	shalt  }
0x79: {  	_ =	shalt  }
0x7a: {  	_ =	shalt  }
0x7b: {  	_ =	shalt  }
0x7c: {  	_ =	shalt  }
0x7d: {  	_ =	shalt  }
0x7e: {  	_ =	shalt  }
0x7f: {  	_ =	shalt  }
0x80: {  	_ =	shalt  }
0x81: {  	_ =	shalt  }
0x82: {  	_ =	shalt  }
0x83: {  	_ =	shalt  }
0x84: {  	_ =	shalt  }
0x85: {  	_ =	shalt  }
0x86: {  	_ =	shalt  }
0x87: {  	_ =	shalt  }
.Lfunc_end0:
.L_simem_size_0:
called_computation.1_lowered:
.L_overlay_start_0:
0x88: {  	s2 =	sld [smem:$0x3FD9]  }
0x89: {  	s3 =	sld [smem:$0x3FFE];
	_ =	sdelay $0x1  }
0x8a: {  	s1 =	srdreg.scid  }
0x8b: {  	s0 =	sand.u32 $0x1, s1  }
0x8c: {  	s16 =	sshll.u32 s0, $0xA;
	s2 =	sadd.s32 s3, s2  }
0x8d: {  	s2 =	sadd.s32 s2, s16  }
0x8e: {  	[smem:$0x3FB6] =	sst s2  }
0x8f: {  	_ = 	snop  }
0x90: {  	(tm) =	ssettm $0x1  }
0x91: {  	s17 =	sld [smem:$0x3FFB];
	_ =	sdelay $0x3  }
0x92: {  	_ =	strace s17  }
0x93: {  	s2 =	sld [smem:$0x3FFC];
	_ =	sdelay $0x3  }
0x94: {  	_ =	strace s2  }
0x95: {  	s2 =	sld [smem:$0x3FFD];
	_ =	sdelay $0x3  }
0x96: {  	_ =	strace s2  }
0x97: {  	_ =	strace $0x8FFFFFFF  }
0x98: {  	s18 =	sld [smem:$0x3FDB];
	_ =	sdelay $0x1  }
0x99: {  	s19 =	simm.s32 $_scs_section_size  }
0x9a: {  	s4 =	simm.s32 $_size__tile_overlayer_lowered;
	s5 =	simm.s32 $_tile_overlayer_lowered  }
0x9b: {  	s22 =	simm.s32 $0x1BFF;
	s21 =	sshll.u32 s5, $0x1;
	s2 =	sadd.s32 s19, s18  }
0x9c: {  	s6 =	simm.s32 $0x0;
	s20 =	sshll.u32 s4, $0x1;
	s4 =	sadd.s32 s21, s2  }
0x9d: {  	[timem:s6], [sflag:s22] =	dma.local [hbm:s4], s20  }
0x9e: {  	_ =	swait.ge [sflag:s22], s20  }
0x9f: {  	s3 =	ssub.s32 $0x0, s20;
	[sflag:s22] =	ssyncset.done $0x0  }
0xa0: {  	[sflag:s22] =	ssyncadd.s32 s3;
	_ =	sdelay $0x1  }
0xa1: {  	s23 =	simm.s32 $0x1B8B  }
0xa2: {  	_ =	swait.ge [sflag:s23], $0x1  }
0xa3: {  	[sflag:s23] =	ssyncset.done $0x0  }
0xa4: {  	s25 =	simm.s32 $0x1B8E;
	s24 =	sld [smem:$0x3FFE];
	[sflag:s23] =	ssyncadd.s32 $0xFFFFFFFF  }
0xa5: {  	s26 =	simm.s32 $execute0_lowered;
	[smem:$0x3FD2] =	sst s25  }
0xa6: {  	s4 =	sshll.u32 s26, $0x1;
	_ =	strace $0x80000046;
	[dreg:$0x1] =	wrdreg $0xFFFFFFFF  }
0xa7: {  	s28 =	simm.s32 $_size_execute0_lowered;
	s2 =	sadd.s32 s2, s4;
	[dreg:$0x0] =	wrdreg $0x0  }
0xa8: {  	s4 =	sshll.u32 s28, $0x1;
	[dreg:$0x2] =	wrdreg s2  }
0xa9: {  	[dreg:$0x3] =	wrdreg s4  }
0xaa: {  	[dreg:$0x4] =	wrdreg $0xC0  }
0xab: {  	_ =	task [dreg:s6], $0x5FFFF  }
0xac: {  	[dreg:$0x1] =	wrdreg $0xFFFFFFFF  }
0xad: {  	[dreg:$0x0] =	wrdreg $0x60  }
0xae: {  	[dreg:$0x2] =	wrdreg s24  }
0xaf: {  	[dreg:$0x3] =	wrdreg $0x79800  }
0xb0: {  	[dreg:$0x4] =	wrdreg $0xA  }
0xb1: {  	_ =	task.clear_ibuf [dreg:s6], $0x5FFFF;
	_ =	strace $0x90000046  }
0xb2: {  	s29 =	simm.s32 $0xA;
	_ =	strace $0x80000048  }
0xb3: {  	_ =	swait.ge [sflag:s29], $0x1  }
0xb4: {  	[sflag:s29] =	ssyncadd.s32 $0xFFFFFFFF  }
0xb5: {  	_ =	strace $0x90000048  }
0xb6: {  	_ =	sfence  }
0xb7: {  	s30 =	sld [smem:$0x0];
	_ =	sdelay $0x2  }
0xb8: {  	s31 =	sshll.u32 s1, $0xD;
	s1 =	sshrl.u32 s1, $0x2  }
0xb9: {  	s3 =	sand.u32 $0x4000, s31;
	s1 =	sadd.s32 s1, s30  }
0xba: {  	s0 =	sor.u32 s3, s0;
	s1 =	sshll.u32 s1, $0x11  }
0xbb: {  	s0 =	sor.u32 s1, s0  }
0xbc: {  	s0 =	sadd.s32 $0x8F2B, s0  }
0xbd: {  	[sflag:s0] =	ssyncadd.remote.s32 $0x1  }
0xbe: {  	_ =	sfence.sel $0xFFFF  }
0xbf: {  	[dreg:$0x0] =	wrdreg $0xFFFFFFFF;
	(pc) =	sbr.abs _section_cstart, $3  }
0xc0: {  	[dreg:$0x1] =	wrdreg $0xFFFFFFFF  }
0xc1: {  	_ =	task.clear_ibuf [dreg:s6], $0x2FFFF;
	_ =	strace $0x9FFFFFFF  }
0xc2: {  	(tm) =	ssettm $0x7FFFFFFF  }
0xc3: {  	_ =	shalt  }
tec
execute0_lowered:
.L_overlay_start_1:
0x0: {  	(tag) =	ssettag $0x1  }
0x1: {  	s0 =	srdreg.scid  }
0x2: {  	s6 =	stileid.u32;
	s1 =	rddreg [dreg:$0x0]  }
0x3: {  	s2 =	rddreg [dreg:$0x1];
	s28 =	simm.s32 $0x5180;
	s9 =	smul.u32 $0x50000, s6  }
0x4: {  	s29 =	simm.s32 $0x1;
	s30 =	simm.s32 $0x4;
	s13 =	smul.u32 $0x14000, s6  }
0x5: {  	s31 =	simm.s32 $0x2;
	s0 =	sand.u32 $0x1, s0;
	s19 =	smul.u32 $0x4E20, s6  }
0x6: {  	s3 =	sshll.u32 s6, $0x1;
	s10 =	sadd.s32 $0x3FC00, s1;
	s11 =	smul.u32 $0x138800, s0  }
0x7: {  	s4 =	sor.u32 s0, s3;
	s18 =	ssub.s32 $0x2, s0;
	s0 =	smul.u32 $0x2710, s0  }
0x8: {  	p0 =	seq.s32 s6, $0xF;
	s3 =	simm.s32 $0x0;
	s5 =	smul.u32 $0x2710, s4  }
0x9: {  	[smem:$0x7FF] =	sst s3;
	s4 =	sadd.s32 $0x18A00, s1;
	s12 =	sshrl.u32 s18, $0x1  }
0xa: {  	s9 =	sshrl.u32 s9, $0x2;
	_ =	strace $0x80000047;
	[dreg:$0x3] =	wrdreg s10  }
0xb: {  	s10 =	ssub.s32 s18, s12;
	s9 =	sadd.s32 s9, s2;
	s21 =	sadd.s32 s13, s11  }
0xc: {  	s11 =	sshrl.u32 s11, $0x3;
	s0 =	sadd.s32 s0, s19;
	s7 =	sshrl.u32 s5, $0x3  }
0xd: {  	s5 =	sadd.s32 $0x4E00, s1;
	s12 =	sadd.s32 $0x140, s0;
	s24 =	smax.u32 s10, $0x1  }
0xe: {  	s25 =	sadd.s32 $0xA0, s0;
	s18 =	sshrl.u32 @!p0 s9, $0x3;
	s8 =	sadd.s32 s7, s1  }
0xf: {  	s1 =	sadd.s32 $0x42400, s1;
	s14 =	sadd.s32 s5, s7;
	s7 =	sadd.s32 $0x12C000, s2  }
0x10: {  	s23 =	sshrl.u32 s12, $0x3;
	[dreg:$0x9] =	wrdreg s24;
	s26 =	sshrl.u32 s25, $0x3  }
0x11: {  	s25 =	simm.s32 $0x2980;
	s24 =	simm.s32 $0x6;
	s8 =	sadd.s32 $0xEC00, s8  }
0x12: {  	[dreg:$0x4] =	wrdreg s14;
	s20 =	sadd.s32 $0xA, s14;
	s11 =	sadd.s32 s1, s11  }
0x13: {  	s13 =	sadd.s32 s23, s5;
	s14 =	sadd.s32 $0xF0, s0;
	s15 =	sadd.s32 s26, s5  }
0x14: {  	s16 =	sshrl.u32 @p0 s7, $0x3;
	s0 =	sshll.u32 @!p0 s6, $0x6;
	[dreg:$0x5] =	wrdreg s8  }
0x15: {  	s23 =	simm.s32 $0x80;
	s26 =	simm.s32 $0x100;
	[dreg:$0x6] =	wrdreg s20  }
0x16: {  	s8 =	sshrl.u32 s21, $0x3;
	s22 =	sadd.s32 $0x25800, s11;
	s17 =	sor.u32 @!p0 $0x1C07, s0  }
0x17: {  	s20 =	simm.s32 $0x7;
	s21 =	simm.s32 $0x50;
	s0 =	simm.s32 $0x3  }
0x18: {  	s1 =	sadd.s32 s1, s8;
	[dreg:$0x8] =	wrdreg s22;
	s22 =	simm.s32 $0x180  }
0x19: {  	s8 =	simm.s32 $0x0;
	[dreg:$0x7] =	wrdreg s1;
	s1 =	simm.s32 $0x5  }
.LBB2_1:
0x1a: {  	s7 =	simm.s32 @p0 $0x1FC7;
	s6 =	rddreg [dreg:$0x3]  }
0x1b: {  	[spmem:s16], [sflag:s7] =	dma.local @p0 [hbm:s6], $0x1900  }
0x1c: {  	s7 =	simm.s32 @p0 $0x7  }
0x1d: {  	_ =	swait.ge @p0 [sflag:s7], $0x1900  }
0x1e: {  	[sflag:s7] =	ssyncset.done @p0 $0x0  }
0x1f: {  	[sflag:s7] =	ssyncadd.s32 @p0 $0xFFFFE700;
	s7 =	simm.s32 @!p0 $0x7  }
0x20: {  	[spmem:s18], [sflag:s17] =	dma.local @!p0 [hbm:s6], $0x2800  }
0x21: {  	_ =	swait.ge @!p0 [sflag:s7], $0x2800  }
0x22: {  	[sflag:s7] =	ssyncset.done @!p0 $0x0  }
0x23: {  	s12 =	simm.s32 $0x1B200;
	s11 =	rddreg [dreg:$0x5];
	[sflag:s7] =	ssyncadd.s32 @!p0 $0xFFFFD800  }
0x24: {  	[tilespmem:s12], [sflag:$0x7] =	stream.linear.gather [hbm4b:s11+s3], $0x2710, $0x38;
	[tilespmem:$0x1D980] =	vst v63  }
0x25: {  	_ =	swait.ge [sflag:s20], $0x2710  }
0x26: {  	[sflag:s20] =	ssyncset.done $0x0  }
0x27: {  	[sflag:s20] =	ssyncadd.s32 $0xFFFFD8F0  }
0x28: {  	[bflag:$0x0] =	sbarrier.arrive $0xFFFF  }
0x29: {  	s19 =	rddreg [dreg:$0x4]  }
0x2a: {  	[tilespmem:s3], [sflag:$0x4] =	stream.linear.gather [hbm4b:s19+s3], $0x50, $0x38;
	[tilespmem:$0x1D980] =	vst v63  }
0x2b: {  	_ = 	snop  }
0x2c: {  	[tilespmem:s22], [sflag:$0x1] =	stream.indirect.gather [hbm4b:s4+s21], $0x80, s12, s21, $0xb8;
	[tilespmem:$0x1D980] =	vst v63  }
0x2d: {  	s7 =	rddreg [dreg:$0x6]  }
0x2e: {  	[tilespmem:s23], [sflag:$0x5] =	stream.linear.gather [hbm4b:s7+s3], $0x50, $0x38;
	[tilespmem:$0x1D980] =	vst v63  }
0x2f: {  	s9 =	simm.s32 $0x1B250  }
0x30: {  	[tilespmem:s25], [sflag:$0x2] =	stream.indirect.gather [hbm4b:s4+s21], $0x80, s9, s21, $0xb8;
	[tilespmem:$0x1D980] =	vst v63  }
0x31: {  	_ = 	snop  }
0x32: {  	[tilespmem:s26], [sflag:$0x6] =	stream.linear.gather [hbm4b:s15+s3], $0x50, $0x38;
	[tilespmem:$0x1D980] =	vst v63  }
0x33: {  	s10 =	simm.s32 $0x1B2A0  }
0x34: {  	[tilespmem:s28], [sflag:$0x3] =	stream.indirect.gather [hbm4b:s4+s21], $0x80, s10, s21, $0xb8;
	[tilespmem:$0x1D980] =	vst v63  }
0x35: {  	_ =	swait.ge [sflag:s29], $0x2800  }
0x36: {  	[sflag:s29] =	ssyncset.done $0x0  }
0x37: {  	[sflag:s29] =	ssyncadd.s32 $0xFFFFD800  }
0x38: {  	_ =	swait.ge [sflag:s30], $0x50  }
0x39: {  	[sflag:s30] =	ssyncset.done $0x0  }
0x3a: {  	[sflag:s30] =	ssyncadd.s32 $0xFFFFFFB0  }
0x3b: {  	[spmem:s2] =	stream.indirect.scatter.add.f32 [tilespmem:s22], [sflag:$0x7], $0x80, s3, s21, $0xb8;
	[tilespmem:$0x1D980] =	vst v63  }
0x3c: {  	_ =	swait.ge [sflag:s20], $0x2800  }
0x3d: {  	s11 =	sshrl.u32 s14, $0x3;
	[sflag:s20] =	ssyncset.done $0x0  }
0x3e: {  	s7 =	sadd.s32 s5, s11;
	[sflag:s20] =	ssyncadd.s32 $0xFFFFD800  }
0x3f: {  	[tilespmem:s3], [sflag:$0x4] =	stream.linear.gather [hbm4b:s7+s3], $0x50, $0x38;
	[tilespmem:$0x1D980] =	vst v63  }
0x40: {  	s12 =	simm.s32 $0x1B2F0  }
0x41: {  	[tilespmem:s22], [sflag:$0x1] =	stream.indirect.gather [hbm4b:s4+s21], $0x80, s12, s21, $0xb8;
	[tilespmem:$0x1D980] =	vst v63  }
0x42: {  	_ =	swait.ge [sflag:s31], $0x2800  }
0x43: {  	[sflag:s31] =	ssyncset.done $0x0  }
0x44: {  	[sflag:s31] =	ssyncadd.s32 $0xFFFFD800  }
0x45: {  	_ =	swait.ge [sflag:s1], $0x50  }
0x46: {  	[sflag:s1] =	ssyncset.done $0x0  }
0x47: {  	[sflag:s1] =	ssyncadd.s32 $0xFFFFFFB0  }
0x48: {  	[spmem:s2] =	stream.indirect.scatter.add.f32 [tilespmem:s25], [sflag:$0x7], $0x80, s23, s21, $0xb8;
	[tilespmem:$0x1D980] =	vst v63  }
0x49: {  	_ =	swait.ge [sflag:s20], $0x2800  }
0x4a: {  	[sflag:s20] =	ssyncset.done $0x0  }
0x4b: {  	[sflag:s20] =	ssyncadd.s32 $0xFFFFD800  }
0x4c: {  	[tilespmem:s23], [sflag:$0x5] =	stream.linear.gather [hbm4b:s13+s3], $0x50, $0x38;
	[tilespmem:$0x1D980] =	vst v63  }
0x4d: {  	s19 =	simm.s32 $0x1B340  }
0x4e: {  	[tilespmem:s25], [sflag:$0x2] =	stream.indirect.gather [hbm4b:s4+s21], $0x80, s19, s21, $0xb8;
	[tilespmem:$0x1D980] =	vst v63  }
0x4f: {  	_ =	swait.ge [sflag:s0], $0x2800  }
0x50: {  	[sflag:s0] =	ssyncset.done $0x0  }
0x51: {  	[sflag:s0] =	ssyncadd.s32 $0xFFFFD800  }
0x52: {  	_ =	swait.ge [sflag:s24], $0x50  }
0x53: {  	[sflag:s24] =	ssyncset.done $0x0  }
0x54: {  	[sflag:s24] =	ssyncadd.s32 $0xFFFFFFB0  }
0x55: {  	[spmem:s2] =	stream.indirect.scatter.add.f32 [tilespmem:s28], [sflag:$0x7], $0x80, s26, s21, $0xb8;
	[tilespmem:$0x1D980] =	vst v63  }
0x56: {  	s11 =	simm.s32 $0x3C0;
	s9 =	sadd.s32 $0x1E, s15;
	_ =	swait.ge [sflag:s20], $0x2800  }
0x57: {  	s10 =	sadd.s32 $0xF0, s14;
	s7 =	sadd.s32 $0x1E, s13;
	[sflag:s20] =	ssyncset.done $0x0  }
.LBB2_2:
0x58: {  	s12 =	smov.u32 s11  }
0x59: {  	s19 =	sshra.s32 s11, $0x2;
	[sflag:s20] =	ssyncadd.s32 $0xFFFFD800;
	s12 =	sadd.s32 $0x3C0, s11  }
0x5a: {  	[tilespmem:s26], [sflag:$0x6] =	stream.linear.gather [hbm4b:s9+s3], $0x50, $0x38;
	[tilespmem:$0x1D980] =	vst v63  }
0x5b: {  	p1 =	sne.s32 s11, $0x9600;
	s6 =	sadd.s32 $0x1B2A0, s19  }
0x5c: {  	[tilespmem:s28], [sflag:$0x3] =	stream.indirect.gather [hbm4b:s4+s21], $0x80, s6, s21, $0xb8;
	[tilespmem:$0x1D980] =	vst v63  }
0x5d: {  	_ =	swait.ge [sflag:s29], $0x2800  }
0x5e: {  	[sflag:s29] =	ssyncset.done $0x0  }
0x5f: {  	[sflag:s29] =	ssyncadd.s32 $0xFFFFD800  }
0x60: {  	_ =	swait.ge [sflag:s30], $0x50  }
0x61: {  	[sflag:s30] =	ssyncset.done $0x0  }
0x62: {  	[sflag:s30] =	ssyncadd.s32 $0xFFFFFFB0  }
0x63: {  	[spmem:s2] =	stream.indirect.scatter.add.f32 [tilespmem:s22], [sflag:$0x7], $0x80, s3, s21, $0xb8;
	[tilespmem:$0x1D980] =	vst v63  }
0x64: {  	_ =	swait.ge [sflag:s20], $0x2800  }
0x65: {  	s6 =	sshrl.u32 s10, $0x3;
	[sflag:s20] =	ssyncset.done $0x0  }
0x66: {  	s6 =	sadd.s32 s5, s6;
	[sflag:s20] =	ssyncadd.s32 $0xFFFFD800  }
0x67: {  	[tilespmem:s3], [sflag:$0x4] =	stream.linear.gather [hbm4b:s6+s3], $0x50, $0x38;
	[tilespmem:$0x1D980] =	vst v63  }
0x68: {  	s6 =	sadd.s32 $0x1B2F0, s19  }
0x69: {  	[tilespmem:s22], [sflag:$0x1] =	stream.indirect.gather [hbm4b:s4+s21], $0x80, s6, s21, $0xb8;
	[tilespmem:$0x1D980] =	vst v63  }
0x6a: {  	_ =	swait.ge [sflag:s31], $0x2800  }
0x6b: {  	[sflag:s31] =	ssyncset.done $0x0  }
0x6c: {  	[sflag:s31] =	ssyncadd.s32 $0xFFFFD800  }
0x6d: {  	_ =	swait.ge [sflag:s1], $0x50  }
0x6e: {  	[sflag:s1] =	ssyncset.done $0x0  }
0x6f: {  	[sflag:s1] =	ssyncadd.s32 $0xFFFFFFB0  }
0x70: {  	[spmem:s2] =	stream.indirect.scatter.add.f32 [tilespmem:s25], [sflag:$0x7], $0x80, s23, s21, $0xb8;
	[tilespmem:$0x1D980] =	vst v63  }
0x71: {  	_ =	swait.ge [sflag:s20], $0x2800  }
0x72: {  	[sflag:s20] =	ssyncset.done $0x0  }
0x73: {  	[sflag:s20] =	ssyncadd.s32 $0xFFFFD800  }
0x74: {  	[tilespmem:s23], [sflag:$0x5] =	stream.linear.gather [hbm4b:s7+s3], $0x50, $0x38;
	[tilespmem:$0x1D980] =	vst v63  }
0x75: {  	s6 =	sadd.s32 $0x1B340, s19  }
0x76: {  	[tilespmem:s25], [sflag:$0x2] =	stream.indirect.gather [hbm4b:s4+s21], $0x80, s6, s21, $0xb8;
	[tilespmem:$0x1D980] =	vst v63  }
0x77: {  	_ =	swait.ge [sflag:s0], $0x2800  }
0x78: {  	[sflag:s0] =	ssyncset.done $0x0  }
0x79: {  	[sflag:s0] =	ssyncadd.s32 $0xFFFFD800  }
0x7a: {  	_ =	swait.ge [sflag:s24], $0x50  }
.Ltmp0:
0x7b: {  	[sflag:s24] =	ssyncset.done $0x0;
	(pc) =	sbr.rel @p1 .LBB2_2-.Ltmp0, $4  }
0x7c: {  	[sflag:s24] =	ssyncadd.s32 $0xFFFFFFB0  }
0x7d: {  	[spmem:s2] =	stream.indirect.scatter.add.f32 [tilespmem:s28], [sflag:$0x7], $0x80, s26, s21, $0xb8;
	[tilespmem:$0x1D980] =	vst v63  }
0x7e: {  	s9 =	sadd.s32 $0x1E, s9;
	s11 =	smov.u32 s12;
	_ =	swait.ge [sflag:s20], $0x2800  }
0x7f: {  	s10 =	sadd.s32 $0xF0, s10;
	s7 =	sadd.s32 $0x1E, s7;
	[sflag:s20] =	ssyncset.done $0x0  }
0x80: {  	[sflag:s20] =	ssyncadd.s32 $0xFFFFD800  }
0x81: {  	_ =	swait.ge [sflag:s29], $0x2800  }
0x82: {  	[sflag:s29] =	ssyncset.done $0x0  }
0x83: {  	[sflag:s29] =	ssyncadd.s32 $0xFFFFD800  }
0x84: {  	_ =	swait.ge [sflag:s30], $0x50  }
0x85: {  	[sflag:s30] =	ssyncset.done $0x0  }
0x86: {  	[sflag:s30] =	ssyncadd.s32 $0xFFFFFFB0  }
0x87: {  	[spmem:s2] =	stream.indirect.scatter.add.f32 [tilespmem:s22], [sflag:$0x7], $0x80, s3, s21, $0xb8;
	[tilespmem:$0x1D980] =	vst v63  }
0x88: {  	_ =	swait.ge [sflag:s20], $0x2800  }
0x89: {  	[sflag:s20] =	ssyncset.done $0x0  }
0x8a: {  	[sflag:s20] =	ssyncadd.s32 $0xFFFFD800  }
0x8b: {  	_ =	swait.ge [sflag:s31], $0x2800  }
0x8c: {  	[sflag:s31] =	ssyncset.done $0x0  }
0x8d: {  	[sflag:s31] =	ssyncadd.s32 $0xFFFFD800  }
0x8e: {  	_ =	swait.ge [sflag:s1], $0x50  }
0x8f: {  	[sflag:s1] =	ssyncset.done $0x0  }
0x90: {  	[sflag:s1] =	ssyncadd.s32 $0xFFFFFFB0  }
0x91: {  	[spmem:s2] =	stream.indirect.scatter.add.f32 [tilespmem:s25], [sflag:$0x7], $0x80, s23, s21, $0xb8;
	[tilespmem:$0x1D980] =	vst v63  }
0x92: {  	_ =	swait.ge [sflag:s20], $0x2800  }
0x93: {  	[sflag:s20] =	ssyncset.done $0x0  }
0x94: {  	[sflag:s20] =	ssyncadd.s32 $0xFFFFD800  }
0x95: {  	[bflag:$0x0] =	sbarrier.arrive $0xFFFF  }
0x96: {  	s6 =	simm.s32 @p0 $0x1FC7;
	s7 =	rddreg [dreg:$0x8]  }
0x97: {  	[hbm:s7], [sflag:s6] =	dma.local @p0 [spmem:s16], $0x1900  }
0x98: {  	s6 =	simm.s32 @p0 $0x7  }
0x99: {  	_ =	swait.ge @p0 [sflag:s6], $0x1900  }
0x9a: {  	[sflag:s6] =	ssyncset.done @p0 $0x0  }
0x9b: {  	[sflag:s6] =	ssyncadd.s32 @p0 $0xFFFFE700;
	s6 =	rddreg [dreg:$0x7]  }
0x9c: {  	[hbm:s6], [sflag:s17] =	dma.local @!p0 [spmem:s18], $0x2800  }
0x9d: {  	s6 =	simm.s32 @!p0 $0x7  }
0x9e: {  	_ =	swait.ge @!p0 [sflag:s6], $0x2800  }
0x9f: {  	s8 =	sadd.s32 $0x1, s8;
	s19 =	rddreg [dreg:$0x9]  }
0xa0: {  	p1 =	sne.s32 s8, s19  }
.Ltmp1:
0xa1: {  	_ = 	snop;
	(pc) =	sbr.rel @p1 .LBB2_1-.Ltmp1, $3  }
0xa2: {  	_ =	sdelay $0x1  }
0xa3: {  	[sflag:s6] =	ssyncset.done @!p0 $0x0  }
0xa4: {  	[sflag:s6] =	ssyncadd.s32 @!p0 $0xFFFFD800  }
0xa5: {  	_ =	sfence.sel $0x180000  }
0xa6: {  	[bflag:$0x0] =	sbarrier.arrive $0xFFFF  }
0xa7: {  	_ =	strace $0x90000047  }
0xa8: {  	s0 =	stileid.u32;
	[bflag:$0x2] =	sbarrier.arrive $0xFFFF  }
0xa9: {  	p0 =	sne.s32 s0, $0x0;
	s0 =	rddreg [dreg:$0x2]  }
0xaa: {  	s0 =	sadd.s32 @!p0 $0x100000, s0  }
0xab: {  	[sflag:s0] =	ssyncadd.tile.s32 @!p0 $0x1;
	_ =	shalt  }
.Lfunc_end2:
_tile_overlayer_lowered:
.L_overlay_start_2:
0xac: {  	(tag) =	ssettag $0x2  }
0xad: {  	s0 =	rddreg [dreg:$0x0];
	s2 =	stileid.u32  }
0xae: {  	s1 =	rddreg [dreg:$0x1];
	p0 =	sne.s32 s2, $0x0  }
0xaf: {  	s3 =	rddreg [dreg:$0x2];
	[bflag:$0x3] =	sbarrier.arrive $0xFFFF;
	s2 =	simm.s32 @!p0 $0x1C07  }
0xb0: {  	[timem:s3], [sflag:s2] =	dma.local @!p0 [hbm:s0], s1  }
0xb1: {  	s0 =	simm.s32 @!p0 $0x7  }
0xb2: {  	_ =	swait.ge @!p0 [sflag:s0], s1  }
0xb3: {  	s1 =	ssub.s32 @!p0 $0x0, s1;
	[sflag:s0] =	ssyncset.done @!p0 $0x0  }
0xb4: {  	[sflag:s0] =	ssyncadd.s32 @!p0 s1  }
0xb5: {  	[bflag:$0x3] =	sbarrier.arrive $0xFFFF  }
0xb6: {  	_ =	shalt  }

// kernel: kernel.19.cloned.1.call-start
scs
__scs_entry_jumppad:
0x0: {  	(pc) =	sbr.rel $0x88, $3  }
0x1: {  	(tag) =	ssettag $0x0;
	lr =	simm.s32 $0x1  }
0x2: {  	[smem:$0x3F8F] =	sst lr;
	_ =	strace $0xD0000000  }
0x3: {  	_ = 	snop  }
0x4: {  	_ = 	snop  }
0x5: {  	_ = 	snop  }
0x6: {  	_ = 	snop  }
0x7: {  	_ = 	snop  }
__scs_overlays_trampoline_lowered:
0x8: {  	[smem:$0x3F9E] =	sst s0  }
0x9: {  	[smem:$0x3F9F] =	sst s1  }
0xa: {  	[smem:$0x3FA0] =	sst s2  }
0xb: {  	[smem:$0x3FA1] =	sst s3  }
0xc: {  	[smem:$0x3FA2] =	sst s4  }
0xd: {  	[smem:$0x3FA3] =	sst s5  }
0xe: {  	[smem:$0x3FA4] =	sst s6  }
0xf: {  	[smem:$0x3FA5] =	sst s7  }
0x10: {  	[smem:$0x3FA6] =	sst s8  }
0x11: {  	[smem:$0x3FA7] =	sst s9;
	s0 =	simm.s32 @!p0 $0x0  }
0x12: {  	s1 =	sld [smem:$0x3F8D];
	s0 =	simm.s32 @p0 $0x1  }
0x13: {  	[smem:$0x3FA8] =	sst s0;
	s0 =	simm.s32 @!p1 $0x0  }
0x14: {  	s2 =	sld [smem:$0x3F8C];
	s0 =	simm.s32 @p1 $0x1  }
0x15: {  	[smem:$0x3FA9] =	sst s0;
	s0 =	simm.s32 @!p2 $0x0  }
0x16: {  	s3 =	sld [smem:$0x3FDB];
	s0 =	simm.s32 @p2 $0x1  }
0x17: {  	s4 =	simm.s32 $0x1BF5;
	[smem:$0x3FAB] =	sst s0  }
0x18: {  	s0 =	sld [smem:$0x3F8E];
	_ =	swait.ge [sflag:s4], $0x0  }
0x19: {  	s7 =	sld [smem:$0x3F8F]  }
0x1a: {  	s8 =	sadd.s32 $0xFFFFE003, lr  }
0x1b: {  	s9 =	sadd.s32 $0xFFFFFEF7, lr;
	s5 =	simm.s32 $0xFFFFFFFF;
	p2 =	slt.u32 s8, $0xFFFFF086  }
0x1c: {  	p1 =	slt.u32 s9, $0xF7A;
	s5 =	simm.s32 @!p2 $0x0  }
0x1d: {  	s5 =	simm.s32 @p1 $0x1;
	p0 =	seq.s32 s7, s2  }
0x1e: {  	s7 =	smul.u32 @!p0 $0xF7A, s2;
	p2 =	seq.s32 @!p0 s5, $0x0  }
0x1f: {  	s9 =	smul.u32 $0xF7A, s1;
	s8 =	simm.s32 @!p0 $0x1BF5;
	p2 =	por !p2, p0  }
0x20: {  	[sflag:s8] =	ssyncset.s32 @!p0 $0xFFFFF086;
	s6 =	sadd.s32 @!p0 s3, s7;
	s7 =	simm.s32 @!p0 $0x108  }
0x21: {  	s3 =	sadd.s32 s3, s9;
	s6 =	sadd.s32 @!p0 $0x88, s6;
	s7 =	simm.s32 @p2 $0x1082  }
0x22: {  	[simem:s7], [sflag:s8] =	dma.local @!p0 [hbm:s6], $0xF7A  }
0x23: {  	s9 =	sor.u32 $0xD0000000, s2;
	s6 =	simm.s32 $0x108;
	_ =	swait.ge @!p0 [sflag:s8], $0x0  }
0x24: {  	s3 =	sadd.s32 $0x88, s3;
	s6 =	simm.s32 @!p1 $0x1082;
	[sflag:s4] =	ssyncset.s32 $0xFFFFF086  }
0x25: {  	[simem:s6], [sflag:s4] =	dma.local [hbm:s3], $0xF7A  }
0x26: {  	[smem:$0x3F8F] =	sst s1;
	(tag) =	ssettag s2;
	_ =	strace s9  }
0x27: {  	s1 =	sld [smem:$0x3F9F]  }
0x28: {  	s2 =	sld [smem:$0x3FA0]  }
0x29: {  	s4 =	sld [smem:$0x3FA2]  }
0x2a: {  	p0 =	seq.s32 s5, $0x0;
	s5 =	sld [smem:$0x3FA3]  }
0x2b: {  	s6 =	sld [smem:$0x3FA4]  }
0x2c: {  	s7 =	sld [smem:$0x3FA5]  }
0x2d: {  	s3 =	simm.s32 $0x108;
	s8 =	sld [smem:$0x3FA6]  }
0x2e: {  	s3 =	simm.s32 @!p0 $0x1082;
	s9 =	sld [smem:$0x3FA7]  }
0x2f: {  	lr =	sadd.s32 s0, s3;
	s0 =	sld [smem:$0x3F9E]  }
0x30: {  	s3 =	sld [smem:$0x3FA1]  }
0x31: {  	[smem:$0x3FAA] =	sst s10  }
0x32: {  	s10 =	sld [smem:$0x3FA8];
	_ =	sdelay $0x3  }
0x33: {  	p0 =	seq.s32 s10, $0x1;
	s10 =	sld [smem:$0x3FAA];
	_ =	sdelay $0x3  }
0x34: {  	[smem:$0x3FAA] =	sst s10  }
0x35: {  	s10 =	sld [smem:$0x3FA9];
	_ =	sdelay $0x3  }
0x36: {  	p1 =	seq.s32 s10, $0x1;
	s10 =	sld [smem:$0x3FAA];
	_ =	sdelay $0x3  }
0x37: {  	[smem:$0x3FAA] =	sst s10  }
0x38: {  	s10 =	sld [smem:$0x3FAB]  }
0x39: {  	_ = 	snop;
	(pc) =	sbr.ind lr, $3  }
0x3a: {  	_ = 	snop  }
0x3b: {  	_ = 	snop  }
0x3c: {  	p2 =	seq.s32 s10, $0x1;
	s10 =	sld [smem:$0x3FAA]  }
0x3d: {  	_ =	shalt  }
0x3e: {  	_ =	shalt  }
0x3f: {  	_ =	shalt  }
0x40: {  	_ =	shalt  }
0x41: {  	_ =	shalt  }
0x42: {  	_ =	shalt  }
0x43: {  	_ =	shalt  }
0x44: {  	_ =	shalt  }
0x45: {  	_ =	shalt  }
0x46: {  	_ =	shalt  }
0x47: {  	_ =	shalt  }
0x48: {  	_ =	shalt  }
0x49: {  	_ =	shalt  }
0x4a: {  	_ =	shalt  }
0x4b: {  	_ =	shalt  }
0x4c: {  	_ =	shalt  }
0x4d: {  	_ =	shalt  }
0x4e: {  	_ =	shalt  }
0x4f: {  	_ =	shalt  }
0x50: {  	_ =	shalt  }
0x51: {  	_ =	shalt  }
0x52: {  	_ =	shalt  }
0x53: {  	_ =	shalt  }
0x54: {  	_ =	shalt  }
0x55: {  	_ =	shalt  }
0x56: {  	_ =	shalt  }
0x57: {  	_ =	shalt  }
0x58: {  	_ =	shalt  }
0x59: {  	_ =	shalt  }
0x5a: {  	_ =	shalt  }
0x5b: {  	_ =	shalt  }
0x5c: {  	_ =	shalt  }
0x5d: {  	_ =	shalt  }
0x5e: {  	_ =	shalt  }
0x5f: {  	_ =	shalt  }
0x60: {  	_ =	shalt  }
0x61: {  	_ =	shalt  }
0x62: {  	_ =	shalt  }
0x63: {  	_ =	shalt  }
0x64: {  	_ =	shalt  }
0x65: {  	_ =	shalt  }
0x66: {  	_ =	shalt  }
0x67: {  	_ =	shalt  }
0x68: {  	_ =	shalt  }
0x69: {  	_ =	shalt  }
0x6a: {  	_ =	shalt  }
0x6b: {  	_ =	shalt  }
0x6c: {  	_ =	shalt  }
0x6d: {  	_ =	shalt  }
0x6e: {  	_ =	shalt  }
0x6f: {  	_ =	shalt  }
0x70: {  	_ =	shalt  }
0x71: {  	_ =	shalt  }
0x72: {  	_ =	shalt  }
0x73: {  	_ =	shalt  }
0x74: {  	_ =	shalt  }
0x75: {  	_ =	shalt  }
0x76: {  	_ =	shalt  }
0x77: {  	_ =	shalt  }
0x78: {  	_ =	shalt  }
0x79: {  	_ =	shalt  }
0x7a: {  	_ =	shalt  }
0x7b: {  	_ =	shalt  }
0x7c: {  	_ =	shalt  }
0x7d: {  	_ =	shalt  }
0x7e: {  	_ =	shalt  }
0x7f: {  	_ =	shalt  }
0x80: {  	_ =	shalt  }
0x81: {  	_ =	shalt  }
0x82: {  	_ =	shalt  }
0x83: {  	_ =	shalt  }
0x84: {  	_ =	shalt  }
0x85: {  	_ =	shalt  }
0x86: {  	_ =	shalt  }
0x87: {  	_ =	shalt  }
.Lfunc_end0:
.L_simem_size_0:
called_computation.2_lowered:
.L_overlay_start_0:
0x88: {  	s2 =	sld [smem:$0x3FD9]  }
0x89: {  	s3 =	sld [smem:$0x3FFE];
	_ =	sdelay $0x1  }
0x8a: {  	s1 =	srdreg.scid  }
0x8b: {  	s0 =	sand.u32 $0x1, s1  }
0x8c: {  	s16 =	sshll.u32 s0, $0xA;
	s2 =	sadd.s32 s3, s2  }
0x8d: {  	s2 =	sadd.s32 s2, s16  }
0x8e: {  	[smem:$0x3FB6] =	sst s2  }
0x8f: {  	_ = 	snop  }
0x90: {  	(tm) =	ssettm $0x1  }
0x91: {  	s17 =	sld [smem:$0x3FFB];
	_ =	sdelay $0x3  }
0x92: {  	_ =	strace s17  }
0x93: {  	s2 =	sld [smem:$0x3FFC];
	_ =	sdelay $0x3  }
0x94: {  	_ =	strace s2  }
0x95: {  	s2 =	sld [smem:$0x3FFD];
	_ =	sdelay $0x3  }
0x96: {  	_ =	strace s2  }
0x97: {  	_ =	strace $0x8FFFFFFF  }
0x98: {  	s18 =	sld [smem:$0x3FDB];
	_ =	sdelay $0x1  }
0x99: {  	s19 =	simm.s32 $_scs_section_size  }
0x9a: {  	s4 =	simm.s32 $_size__tile_overlayer_lowered;
	s5 =	simm.s32 $_tile_overlayer_lowered  }
0x9b: {  	s22 =	simm.s32 $0x1BFF;
	s21 =	sshll.u32 s5, $0x1;
	s2 =	sadd.s32 s19, s18  }
0x9c: {  	s6 =	simm.s32 $0x0;
	s20 =	sshll.u32 s4, $0x1;
	s4 =	sadd.s32 s21, s2  }
0x9d: {  	[timem:s6], [sflag:s22] =	dma.local [hbm:s4], s20  }
0x9e: {  	_ =	swait.ge [sflag:s22], s20  }
0x9f: {  	s3 =	ssub.s32 $0x0, s20;
	[sflag:s22] =	ssyncset.done $0x0  }
0xa0: {  	[sflag:s22] =	ssyncadd.s32 s3;
	_ =	sdelay $0x1  }
0xa1: {  	s23 =	simm.s32 $0x1B8B  }
0xa2: {  	_ =	swait.ge [sflag:s23], $0x1  }
0xa3: {  	[sflag:s23] =	ssyncset.done $0x0  }
0xa4: {  	s25 =	simm.s32 $0x1B8E;
	s24 =	sld [smem:$0x3FFE];
	[sflag:s23] =	ssyncadd.s32 $0xFFFFFFFF  }
0xa5: {  	s26 =	simm.s32 $execute0_lowered;
	[smem:$0x3FD2] =	sst s25  }
0xa6: {  	s4 =	sshll.u32 s26, $0x1;
	_ =	strace $0x8000004C;
	[dreg:$0x1] =	wrdreg $0xFFFFFFFF  }
0xa7: {  	s28 =	simm.s32 $_size_execute0_lowered;
	s2 =	sadd.s32 s2, s4;
	[dreg:$0x0] =	wrdreg $0x0  }
0xa8: {  	s4 =	sshll.u32 s28, $0x1;
	[dreg:$0x2] =	wrdreg s2  }
0xa9: {  	[dreg:$0x3] =	wrdreg s4  }
0xaa: {  	[dreg:$0x4] =	wrdreg $0xC0  }
0xab: {  	_ =	task [dreg:s6], $0x5FFFF  }
0xac: {  	[dreg:$0x1] =	wrdreg $0xFFFFFFFF  }
0xad: {  	[dreg:$0x0] =	wrdreg $0x60  }
0xae: {  	[dreg:$0x2] =	wrdreg s24  }
0xaf: {  	[dreg:$0x3] =	wrdreg $0x79800  }
0xb0: {  	[dreg:$0x4] =	wrdreg $0x9  }
0xb1: {  	_ =	task.clear_ibuf [dreg:s6], $0x5FFFF;
	_ =	strace $0x9000004C  }
0xb2: {  	s29 =	simm.s32 $0x9;
	_ =	strace $0x8000004E  }
0xb3: {  	_ =	swait.ge [sflag:s29], $0x1  }
0xb4: {  	[sflag:s29] =	ssyncadd.s32 $0xFFFFFFFF  }
0xb5: {  	_ =	strace $0x9000004E  }
0xb6: {  	_ =	sfence  }
0xb7: {  	s30 =	sld [smem:$0x0];
	_ =	sdelay $0x2  }
0xb8: {  	s31 =	sshll.u32 s1, $0xD;
	s1 =	sshrl.u32 s1, $0x2  }
0xb9: {  	s3 =	sand.u32 $0x4000, s31;
	s1 =	sadd.s32 s1, s30  }
0xba: {  	s0 =	sor.u32 s3, s0;
	s1 =	sshll.u32 s1, $0x11  }
0xbb: {  	s0 =	sor.u32 s1, s0  }
0xbc: {  	s0 =	sadd.s32 $0x8F2B, s0  }
0xbd: {  	[sflag:s0] =	ssyncadd.remote.s32 $0x1  }
0xbe: {  	_ =	sfence.sel $0xFFFF  }
0xbf: {  	[dreg:$0x0] =	wrdreg $0xFFFFFFFF;
	(pc) =	sbr.abs _section_cstart, $3  }
0xc0: {  	[dreg:$0x1] =	wrdreg $0xFFFFFFFF  }
0xc1: {  	_ =	task.clear_ibuf [dreg:s6], $0x2FFFF;
	_ =	strace $0x9FFFFFFF  }
0xc2: {  	(tm) =	ssettm $0x7FFFFFFF  }
0xc3: {  	_ =	shalt  }
tec
execute0_lowered:
.L_overlay_start_1:
0x0: {  	(tag) =	ssettag $0x1  }
0x1: {  	s0 =	srdreg.scid  }
0x2: {  	s6 =	stileid.u32;
	s1 =	rddreg [dreg:$0x0]  }
0x3: {  	s2 =	rddreg [dreg:$0x1];
	s28 =	simm.s32 $0x5180;
	s9 =	smul.u32 $0x50000, s6  }
0x4: {  	s29 =	simm.s32 $0x1;
	s30 =	simm.s32 $0x4;
	s13 =	smul.u32 $0x14000, s6  }
0x5: {  	s31 =	simm.s32 $0x2;
	s0 =	sand.u32 $0x1, s0;
	s19 =	smul.u32 $0x4E20, s6  }
0x6: {  	s3 =	sshll.u32 s6, $0x1;
	s10 =	sadd.s32 $0x3FC00, s1;
	s11 =	smul.u32 $0x138800, s0  }
0x7: {  	s4 =	sor.u32 s0, s3;
	s18 =	ssub.s32 $0x2, s0;
	s0 =	smul.u32 $0x2710, s0  }
0x8: {  	p0 =	seq.s32 s6, $0xF;
	s3 =	simm.s32 $0x0;
	s5 =	smul.u32 $0x2710, s4  }
0x9: {  	[smem:$0x7FF] =	sst s3;
	s4 =	sadd.s32 $0x18A00, s1;
	s12 =	sshrl.u32 s18, $0x1  }
0xa: {  	s9 =	sshrl.u32 s9, $0x2;
	_ =	strace $0x8000004D;
	[dreg:$0x3] =	wrdreg s10  }
0xb: {  	s10 =	ssub.s32 s18, s12;
	s9 =	sadd.s32 s9, s2;
	s21 =	sadd.s32 s13, s11  }
0xc: {  	s11 =	sshrl.u32 s11, $0x3;
	s0 =	sadd.s32 s0, s19;
	s7 =	sshrl.u32 s5, $0x3  }
0xd: {  	s5 =	sadd.s32 $0x4E00, s1;
	s12 =	sadd.s32 $0x140, s0;
	s24 =	smax.u32 s10, $0x1  }
0xe: {  	s25 =	sadd.s32 $0xA0, s0;
	s18 =	sshrl.u32 @!p0 s9, $0x3;
	s8 =	sadd.s32 s7, s1  }
0xf: {  	s1 =	sadd.s32 $0x42400, s1;
	s14 =	sadd.s32 s5, s7;
	s7 =	sadd.s32 $0x12C000, s2  }
0x10: {  	s23 =	sshrl.u32 s12, $0x3;
	[dreg:$0x9] =	wrdreg s24;
	s26 =	sshrl.u32 s25, $0x3  }
0x11: {  	s25 =	simm.s32 $0x2980;
	s24 =	simm.s32 $0x6;
	s8 =	sadd.s32 $0xEC00, s8  }
0x12: {  	[dreg:$0x4] =	wrdreg s14;
	s20 =	sadd.s32 $0xA, s14;
	s11 =	sadd.s32 s1, s11  }
0x13: {  	s13 =	sadd.s32 s23, s5;
	s14 =	sadd.s32 $0xF0, s0;
	s15 =	sadd.s32 s26, s5  }
0x14: {  	s16 =	sshrl.u32 @p0 s7, $0x3;
	s0 =	sshll.u32 @!p0 s6, $0x6;
	[dreg:$0x5] =	wrdreg s8  }
0x15: {  	s23 =	simm.s32 $0x80;
	s26 =	simm.s32 $0x100;
	[dreg:$0x6] =	wrdreg s20  }
0x16: {  	s8 =	sshrl.u32 s21, $0x3;
	s22 =	sadd.s32 $0x25800, s11;
	s17 =	sor.u32 @!p0 $0x1C07, s0  }
0x17: {  	s20 =	simm.s32 $0x7;
	s21 =	simm.s32 $0x50;
	s0 =	simm.s32 $0x3  }
0x18: {  	s1 =	sadd.s32 s1, s8;
	[dreg:$0x8] =	wrdreg s22;
	s22 =	simm.s32 $0x180  }
0x19: {  	s8 =	simm.s32 $0x0;
	[dreg:$0x7] =	wrdreg s1;
	s1 =	simm.s32 $0x5  }
.LBB2_1:
0x1a: {  	s7 =	simm.s32 @p0 $0x1FC7;
	s6 =	rddreg [dreg:$0x3]  }
0x1b: {  	[spmem:s16], [sflag:s7] =	dma.local @p0 [hbm:s6], $0x1900  }
0x1c: {  	s7 =	simm.s32 @p0 $0x7  }
0x1d: {  	_ =	swait.ge @p0 [sflag:s7], $0x1900  }
0x1e: {  	[sflag:s7] =	ssyncset.done @p0 $0x0  }
0x1f: {  	[sflag:s7] =	ssyncadd.s32 @p0 $0xFFFFE700;
	s7 =	simm.s32 @!p0 $0x7  }
0x20: {  	[spmem:s18], [sflag:s17] =	dma.local @!p0 [hbm:s6], $0x2800  }
0x21: {  	_ =	swait.ge @!p0 [sflag:s7], $0x2800  }
0x22: {  	[sflag:s7] =	ssyncset.done @!p0 $0x0  }
0x23: {  	s12 =	simm.s32 $0x1B200;
	s11 =	rddreg [dreg:$0x5];
	[sflag:s7] =	ssyncadd.s32 @!p0 $0xFFFFD800  }
0x24: {  	[tilespmem:s12], [sflag:$0x7] =	stream.linear.gather [hbm4b:s11+s3], $0x2710, $0x38;
	[tilespmem:$0x1D980] =	vst v63  }
0x25: {  	_ =	swait.ge [sflag:s20], $0x2710  }
0x26: {  	[sflag:s20] =	ssyncset.done $0x0  }
0x27: {  	[sflag:s20] =	ssyncadd.s32 $0xFFFFD8F0  }
0x28: {  	[bflag:$0x0] =	sbarrier.arrive $0xFFFF  }
0x29: {  	s19 =	rddreg [dreg:$0x4]  }
0x2a: {  	[tilespmem:s3], [sflag:$0x4] =	stream.linear.gather [hbm4b:s19+s3], $0x50, $0x38;
	[tilespmem:$0x1D980] =	vst v63  }
0x2b: {  	_ = 	snop  }
0x2c: {  	[tilespmem:s22], [sflag:$0x1] =	stream.indirect.gather [hbm4b:s4+s21], $0x80, s12, s21, $0xb8;
	[tilespmem:$0x1D980] =	vst v63  }
0x2d: {  	s7 =	rddreg [dreg:$0x6]  }
0x2e: {  	[tilespmem:s23], [sflag:$0x5] =	stream.linear.gather [hbm4b:s7+s3], $0x50, $0x38;
	[tilespmem:$0x1D980] =	vst v63  }
0x2f: {  	s9 =	simm.s32 $0x1B250  }
0x30: {  	[tilespmem:s25], [sflag:$0x2] =	stream.indirect.gather [hbm4b:s4+s21], $0x80, s9, s21, $0xb8;
	[tilespmem:$0x1D980] =	vst v63  }
0x31: {  	_ = 	snop  }
0x32: {  	[tilespmem:s26], [sflag:$0x6] =	stream.linear.gather [hbm4b:s15+s3], $0x50, $0x38;
	[tilespmem:$0x1D980] =	vst v63  }
0x33: {  	s10 =	simm.s32 $0x1B2A0  }
0x34: {  	[tilespmem:s28], [sflag:$0x3] =	stream.indirect.gather [hbm4b:s4+s21], $0x80, s10, s21, $0xb8;
	[tilespmem:$0x1D980] =	vst v63  }
0x35: {  	_ =	swait.ge [sflag:s29], $0x2800  }
0x36: {  	[sflag:s29] =	ssyncset.done $0x0  }
0x37: {  	[sflag:s29] =	ssyncadd.s32 $0xFFFFD800  }
0x38: {  	_ =	swait.ge [sflag:s30], $0x50  }
0x39: {  	[sflag:s30] =	ssyncset.done $0x0  }
0x3a: {  	[sflag:s30] =	ssyncadd.s32 $0xFFFFFFB0  }
0x3b: {  	[spmem:s2] =	stream.indirect.scatter.add.f32 [tilespmem:s22], [sflag:$0x7], $0x80, s3, s21, $0xb8;
	[tilespmem:$0x1D980] =	vst v63  }
0x3c: {  	_ =	swait.ge [sflag:s20], $0x2800  }
0x3d: {  	s11 =	sshrl.u32 s14, $0x3;
	[sflag:s20] =	ssyncset.done $0x0  }
0x3e: {  	s7 =	sadd.s32 s5, s11;
	[sflag:s20] =	ssyncadd.s32 $0xFFFFD800  }
0x3f: {  	[tilespmem:s3], [sflag:$0x4] =	stream.linear.gather [hbm4b:s7+s3], $0x50, $0x38;
	[tilespmem:$0x1D980] =	vst v63  }
0x40: {  	s12 =	simm.s32 $0x1B2F0  }
0x41: {  	[tilespmem:s22], [sflag:$0x1] =	stream.indirect.gather [hbm4b:s4+s21], $0x80, s12, s21, $0xb8;
	[tilespmem:$0x1D980] =	vst v63  }
0x42: {  	_ =	swait.ge [sflag:s31], $0x2800  }
0x43: {  	[sflag:s31] =	ssyncset.done $0x0  }
0x44: {  	[sflag:s31] =	ssyncadd.s32 $0xFFFFD800  }
0x45: {  	_ =	swait.ge [sflag:s1], $0x50  }
0x46: {  	[sflag:s1] =	ssyncset.done $0x0  }
0x47: {  	[sflag:s1] =	ssyncadd.s32 $0xFFFFFFB0  }
0x48: {  	[spmem:s2] =	stream.indirect.scatter.add.f32 [tilespmem:s25], [sflag:$0x7], $0x80, s23, s21, $0xb8;
	[tilespmem:$0x1D980] =	vst v63  }
0x49: {  	_ =	swait.ge [sflag:s20], $0x2800  }
0x4a: {  	[sflag:s20] =	ssyncset.done $0x0  }
0x4b: {  	[sflag:s20] =	ssyncadd.s32 $0xFFFFD800  }
0x4c: {  	[tilespmem:s23], [sflag:$0x5] =	stream.linear.gather [hbm4b:s13+s3], $0x50, $0x38;
	[tilespmem:$0x1D980] =	vst v63  }
0x4d: {  	s19 =	simm.s32 $0x1B340  }
0x4e: {  	[tilespmem:s25], [sflag:$0x2] =	stream.indirect.gather [hbm4b:s4+s21], $0x80, s19, s21, $0xb8;
	[tilespmem:$0x1D980] =	vst v63  }
0x4f: {  	_ =	swait.ge [sflag:s0], $0x2800  }
0x50: {  	[sflag:s0] =	ssyncset.done $0x0  }
0x51: {  	[sflag:s0] =	ssyncadd.s32 $0xFFFFD800  }
0x52: {  	_ =	swait.ge [sflag:s24], $0x50  }
0x53: {  	[sflag:s24] =	ssyncset.done $0x0  }
0x54: {  	[sflag:s24] =	ssyncadd.s32 $0xFFFFFFB0  }
0x55: {  	[spmem:s2] =	stream.indirect.scatter.add.f32 [tilespmem:s28], [sflag:$0x7], $0x80, s26, s21, $0xb8;
	[tilespmem:$0x1D980] =	vst v63  }
0x56: {  	s11 =	simm.s32 $0x3C0;
	s9 =	sadd.s32 $0x1E, s15;
	_ =	swait.ge [sflag:s20], $0x2800  }
0x57: {  	s10 =	sadd.s32 $0xF0, s14;
	s7 =	sadd.s32 $0x1E, s13;
	[sflag:s20] =	ssyncset.done $0x0  }
.LBB2_2:
0x58: {  	s12 =	smov.u32 s11  }
0x59: {  	s19 =	sshra.s32 s11, $0x2;
	[sflag:s20] =	ssyncadd.s32 $0xFFFFD800;
	s12 =	sadd.s32 $0x3C0, s11  }
0x5a: {  	[tilespmem:s26], [sflag:$0x6] =	stream.linear.gather [hbm4b:s9+s3], $0x50, $0x38;
	[tilespmem:$0x1D980] =	vst v63  }
0x5b: {  	p1 =	sne.s32 s11, $0x9600;
	s6 =	sadd.s32 $0x1B2A0, s19  }
0x5c: {  	[tilespmem:s28], [sflag:$0x3] =	stream.indirect.gather [hbm4b:s4+s21], $0x80, s6, s21, $0xb8;
	[tilespmem:$0x1D980] =	vst v63  }
0x5d: {  	_ =	swait.ge [sflag:s29], $0x2800  }
0x5e: {  	[sflag:s29] =	ssyncset.done $0x0  }
0x5f: {  	[sflag:s29] =	ssyncadd.s32 $0xFFFFD800  }
0x60: {  	_ =	swait.ge [sflag:s30], $0x50  }
0x61: {  	[sflag:s30] =	ssyncset.done $0x0  }
0x62: {  	[sflag:s30] =	ssyncadd.s32 $0xFFFFFFB0  }
0x63: {  	[spmem:s2] =	stream.indirect.scatter.add.f32 [tilespmem:s22], [sflag:$0x7], $0x80, s3, s21, $0xb8;
	[tilespmem:$0x1D980] =	vst v63  }
0x64: {  	_ =	swait.ge [sflag:s20], $0x2800  }
0x65: {  	s6 =	sshrl.u32 s10, $0x3;
	[sflag:s20] =	ssyncset.done $0x0  }
0x66: {  	s6 =	sadd.s32 s5, s6;
	[sflag:s20] =	ssyncadd.s32 $0xFFFFD800  }
0x67: {  	[tilespmem:s3], [sflag:$0x4] =	stream.linear.gather [hbm4b:s6+s3], $0x50, $0x38;
	[tilespmem:$0x1D980] =	vst v63  }
0x68: {  	s6 =	sadd.s32 $0x1B2F0, s19  }
0x69: {  	[tilespmem:s22], [sflag:$0x1] =	stream.indirect.gather [hbm4b:s4+s21], $0x80, s6, s21, $0xb8;
	[tilespmem:$0x1D980] =	vst v63  }
0x6a: {  	_ =	swait.ge [sflag:s31], $0x2800  }
0x6b: {  	[sflag:s31] =	ssyncset.done $0x0  }
0x6c: {  	[sflag:s31] =	ssyncadd.s32 $0xFFFFD800  }
0x6d: {  	_ =	swait.ge [sflag:s1], $0x50  }
0x6e: {  	[sflag:s1] =	ssyncset.done $0x0  }
0x6f: {  	[sflag:s1] =	ssyncadd.s32 $0xFFFFFFB0  }
0x70: {  	[spmem:s2] =	stream.indirect.scatter.add.f32 [tilespmem:s25], [sflag:$0x7], $0x80, s23, s21, $0xb8;
	[tilespmem:$0x1D980] =	vst v63  }
0x71: {  	_ =	swait.ge [sflag:s20], $0x2800  }
0x72: {  	[sflag:s20] =	ssyncset.done $0x0  }
0x73: {  	[sflag:s20] =	ssyncadd.s32 $0xFFFFD800  }
0x74: {  	[tilespmem:s23], [sflag:$0x5] =	stream.linear.gather [hbm4b:s7+s3], $0x50, $0x38;
	[tilespmem:$0x1D980] =	vst v63  }
0x75: {  	s6 =	sadd.s32 $0x1B340, s19  }
0x76: {  	[tilespmem:s25], [sflag:$0x2] =	stream.indirect.gather [hbm4b:s4+s21], $0x80, s6, s21, $0xb8;
	[tilespmem:$0x1D980] =	vst v63  }
0x77: {  	_ =	swait.ge [sflag:s0], $0x2800  }
0x78: {  	[sflag:s0] =	ssyncset.done $0x0  }
0x79: {  	[sflag:s0] =	ssyncadd.s32 $0xFFFFD800  }
0x7a: {  	_ =	swait.ge [sflag:s24], $0x50  }
.Ltmp0:
0x7b: {  	[sflag:s24] =	ssyncset.done $0x0;
	(pc) =	sbr.rel @p1 .LBB2_2-.Ltmp0, $4  }
0x7c: {  	[sflag:s24] =	ssyncadd.s32 $0xFFFFFFB0  }
0x7d: {  	[spmem:s2] =	stream.indirect.scatter.add.f32 [tilespmem:s28], [sflag:$0x7], $0x80, s26, s21, $0xb8;
	[tilespmem:$0x1D980] =	vst v63  }
0x7e: {  	s9 =	sadd.s32 $0x1E, s9;
	s11 =	smov.u32 s12;
	_ =	swait.ge [sflag:s20], $0x2800  }
0x7f: {  	s10 =	sadd.s32 $0xF0, s10;
	s7 =	sadd.s32 $0x1E, s7;
	[sflag:s20] =	ssyncset.done $0x0  }
0x80: {  	[sflag:s20] =	ssyncadd.s32 $0xFFFFD800  }
0x81: {  	_ =	swait.ge [sflag:s29], $0x2800  }
0x82: {  	[sflag:s29] =	ssyncset.done $0x0  }
0x83: {  	[sflag:s29] =	ssyncadd.s32 $0xFFFFD800  }
0x84: {  	_ =	swait.ge [sflag:s30], $0x50  }
0x85: {  	[sflag:s30] =	ssyncset.done $0x0  }
0x86: {  	[sflag:s30] =	ssyncadd.s32 $0xFFFFFFB0  }
0x87: {  	[spmem:s2] =	stream.indirect.scatter.add.f32 [tilespmem:s22], [sflag:$0x7], $0x80, s3, s21, $0xb8;
	[tilespmem:$0x1D980] =	vst v63  }
0x88: {  	_ =	swait.ge [sflag:s20], $0x2800  }
0x89: {  	[sflag:s20] =	ssyncset.done $0x0  }
0x8a: {  	[sflag:s20] =	ssyncadd.s32 $0xFFFFD800  }
0x8b: {  	_ =	swait.ge [sflag:s31], $0x2800  }
0x8c: {  	[sflag:s31] =	ssyncset.done $0x0  }
0x8d: {  	[sflag:s31] =	ssyncadd.s32 $0xFFFFD800  }
0x8e: {  	_ =	swait.ge [sflag:s1], $0x50  }
0x8f: {  	[sflag:s1] =	ssyncset.done $0x0  }
0x90: {  	[sflag:s1] =	ssyncadd.s32 $0xFFFFFFB0  }
0x91: {  	[spmem:s2] =	stream.indirect.scatter.add.f32 [tilespmem:s25], [sflag:$0x7], $0x80, s23, s21, $0xb8;
	[tilespmem:$0x1D980] =	vst v63  }
0x92: {  	_ =	swait.ge [sflag:s20], $0x2800  }
0x93: {  	[sflag:s20] =	ssyncset.done $0x0  }
0x94: {  	[sflag:s20] =	ssyncadd.s32 $0xFFFFD800  }
0x95: {  	[bflag:$0x0] =	sbarrier.arrive $0xFFFF  }
0x96: {  	s6 =	simm.s32 @p0 $0x1FC7;
	s7 =	rddreg [dreg:$0x8]  }
0x97: {  	[hbm:s7], [sflag:s6] =	dma.local @p0 [spmem:s16], $0x1900  }
0x98: {  	s6 =	simm.s32 @p0 $0x7  }
0x99: {  	_ =	swait.ge @p0 [sflag:s6], $0x1900  }
0x9a: {  	[sflag:s6] =	ssyncset.done @p0 $0x0  }
0x9b: {  	[sflag:s6] =	ssyncadd.s32 @p0 $0xFFFFE700;
	s6 =	rddreg [dreg:$0x7]  }
0x9c: {  	[hbm:s6], [sflag:s17] =	dma.local @!p0 [spmem:s18], $0x2800  }
0x9d: {  	s6 =	simm.s32 @!p0 $0x7  }
0x9e: {  	_ =	swait.ge @!p0 [sflag:s6], $0x2800  }
0x9f: {  	s8 =	sadd.s32 $0x1, s8;
	s19 =	rddreg [dreg:$0x9]  }
0xa0: {  	p1 =	sne.s32 s8, s19  }
.Ltmp1:
0xa1: {  	_ = 	snop;
	(pc) =	sbr.rel @p1 .LBB2_1-.Ltmp1, $3  }
0xa2: {  	_ =	sdelay $0x1  }
0xa3: {  	[sflag:s6] =	ssyncset.done @!p0 $0x0  }
0xa4: {  	[sflag:s6] =	ssyncadd.s32 @!p0 $0xFFFFD800  }
0xa5: {  	_ =	sfence.sel $0x180000  }
0xa6: {  	[bflag:$0x0] =	sbarrier.arrive $0xFFFF  }
0xa7: {  	_ =	strace $0x9000004D  }
0xa8: {  	s0 =	stileid.u32;
	[bflag:$0x2] =	sbarrier.arrive $0xFFFF  }
0xa9: {  	p0 =	sne.s32 s0, $0x0;
	s0 =	rddreg [dreg:$0x2]  }
0xaa: {  	s0 =	sadd.s32 @!p0 $0x100000, s0  }
0xab: {  	[sflag:s0] =	ssyncadd.tile.s32 @!p0 $0x1;
	_ =	shalt  }
.Lfunc_end2:
_tile_overlayer_lowered:
.L_overlay_start_2:
0xac: {  	(tag) =	ssettag $0x2  }
0xad: {  	s0 =	rddreg [dreg:$0x0];
	s2 =	stileid.u32  }
0xae: {  	s1 =	rddreg [dreg:$0x1];
	p0 =	sne.s32 s2, $0x0  }
0xaf: {  	s3 =	rddreg [dreg:$0x2];
	[bflag:$0x3] =	sbarrier.arrive $0xFFFF;
	s2 =	simm.s32 @!p0 $0x1C07  }
0xb0: {  	[timem:s3], [sflag:s2] =	dma.local @!p0 [hbm:s0], s1  }
0xb1: {  	s0 =	simm.s32 @!p0 $0x7  }
0xb2: {  	_ =	swait.ge @!p0 [sflag:s0], s1  }
0xb3: {  	s1 =	ssub.s32 @!p0 $0x0, s1;
	[sflag:s0] =	ssyncset.done @!p0 $0x0  }
0xb4: {  	[sflag:s0] =	ssyncadd.s32 @!p0 s1  }
0xb5: {  	[bflag:$0x3] =	sbarrier.arrive $0xFFFF  }
0xb6: {  	_ =	shalt  }

// kernel: kernel.22.cloned.1.call-start
scs
__scs_entry_jumppad:
0x0: {  	(pc) =	sbr.rel $0x88, $3  }
0x1: {  	(tag) =	ssettag $0x0;
	lr =	simm.s32 $0x1  }
0x2: {  	[smem:$0x3F8F] =	sst lr;
	_ =	strace $0xD0000000  }
0x3: {  	_ = 	snop  }
0x4: {  	_ = 	snop  }
0x5: {  	_ = 	snop  }
0x6: {  	_ = 	snop  }
0x7: {  	_ = 	snop  }
__scs_overlays_trampoline_lowered:
0x8: {  	[smem:$0x3F9E] =	sst s0  }
0x9: {  	[smem:$0x3F9F] =	sst s1  }
0xa: {  	[smem:$0x3FA0] =	sst s2  }
0xb: {  	[smem:$0x3FA1] =	sst s3  }
0xc: {  	[smem:$0x3FA2] =	sst s4  }
0xd: {  	[smem:$0x3FA3] =	sst s5  }
0xe: {  	[smem:$0x3FA4] =	sst s6  }
0xf: {  	[smem:$0x3FA5] =	sst s7  }
0x10: {  	[smem:$0x3FA6] =	sst s8  }
0x11: {  	[smem:$0x3FA7] =	sst s9;
	s0 =	simm.s32 @!p0 $0x0  }
0x12: {  	s1 =	sld [smem:$0x3F8D];
	s0 =	simm.s32 @p0 $0x1  }
0x13: {  	[smem:$0x3FA8] =	sst s0;
	s0 =	simm.s32 @!p1 $0x0  }
0x14: {  	s2 =	sld [smem:$0x3F8C];
	s0 =	simm.s32 @p1 $0x1  }
0x15: {  	[smem:$0x3FA9] =	sst s0;
	s0 =	simm.s32 @!p2 $0x0  }
0x16: {  	s3 =	sld [smem:$0x3FDB];
	s0 =	simm.s32 @p2 $0x1  }
0x17: {  	s4 =	simm.s32 $0x1BF5;
	[smem:$0x3FAB] =	sst s0  }
0x18: {  	s0 =	sld [smem:$0x3F8E];
	_ =	swait.ge [sflag:s4], $0x0  }
0x19: {  	s7 =	sld [smem:$0x3F8F]  }
0x1a: {  	s8 =	sadd.s32 $0xFFFFE003, lr  }
0x1b: {  	s9 =	sadd.s32 $0xFFFFFEF7, lr;
	s5 =	simm.s32 $0xFFFFFFFF;
	p2 =	slt.u32 s8, $0xFFFFF086  }
0x1c: {  	p1 =	slt.u32 s9, $0xF7A;
	s5 =	simm.s32 @!p2 $0x0  }
0x1d: {  	s5 =	simm.s32 @p1 $0x1;
	p0 =	seq.s32 s7, s2  }
0x1e: {  	s7 =	smul.u32 @!p0 $0xF7A, s2;
	p2 =	seq.s32 @!p0 s5, $0x0  }
0x1f: {  	s9 =	smul.u32 $0xF7A, s1;
	s8 =	simm.s32 @!p0 $0x1BF5;
	p2 =	por !p2, p0  }
0x20: {  	[sflag:s8] =	ssyncset.s32 @!p0 $0xFFFFF086;
	s6 =	sadd.s32 @!p0 s3, s7;
	s7 =	simm.s32 @!p0 $0x108  }
0x21: {  	s3 =	sadd.s32 s3, s9;
	s6 =	sadd.s32 @!p0 $0x88, s6;
	s7 =	simm.s32 @p2 $0x1082  }
0x22: {  	[simem:s7], [sflag:s8] =	dma.local @!p0 [hbm:s6], $0xF7A  }
0x23: {  	s9 =	sor.u32 $0xD0000000, s2;
	s6 =	simm.s32 $0x108;
	_ =	swait.ge @!p0 [sflag:s8], $0x0  }
0x24: {  	s3 =	sadd.s32 $0x88, s3;
	s6 =	simm.s32 @!p1 $0x1082;
	[sflag:s4] =	ssyncset.s32 $0xFFFFF086  }
0x25: {  	[simem:s6], [sflag:s4] =	dma.local [hbm:s3], $0xF7A  }
0x26: {  	[smem:$0x3F8F] =	sst s1;
	(tag) =	ssettag s2;
	_ =	strace s9  }
0x27: {  	s1 =	sld [smem:$0x3F9F]  }
0x28: {  	s2 =	sld [smem:$0x3FA0]  }
0x29: {  	s4 =	sld [smem:$0x3FA2]  }
0x2a: {  	p0 =	seq.s32 s5, $0x0;
	s5 =	sld [smem:$0x3FA3]  }
0x2b: {  	s6 =	sld [smem:$0x3FA4]  }
0x2c: {  	s7 =	sld [smem:$0x3FA5]  }
0x2d: {  	s3 =	simm.s32 $0x108;
	s8 =	sld [smem:$0x3FA6]  }
0x2e: {  	s3 =	simm.s32 @!p0 $0x1082;
	s9 =	sld [smem:$0x3FA7]  }
0x2f: {  	lr =	sadd.s32 s0, s3;
	s0 =	sld [smem:$0x3F9E]  }
0x30: {  	s3 =	sld [smem:$0x3FA1]  }
0x31: {  	[smem:$0x3FAA] =	sst s10  }
0x32: {  	s10 =	sld [smem:$0x3FA8];
	_ =	sdelay $0x3  }
0x33: {  	p0 =	seq.s32 s10, $0x1;
	s10 =	sld [smem:$0x3FAA];
	_ =	sdelay $0x3  }
0x34: {  	[smem:$0x3FAA] =	sst s10  }
0x35: {  	s10 =	sld [smem:$0x3FA9];
	_ =	sdelay $0x3  }
0x36: {  	p1 =	seq.s32 s10, $0x1;
	s10 =	sld [smem:$0x3FAA];
	_ =	sdelay $0x3  }
0x37: {  	[smem:$0x3FAA] =	sst s10  }
0x38: {  	s10 =	sld [smem:$0x3FAB]  }
0x39: {  	_ = 	snop;
	(pc) =	sbr.ind lr, $3  }
0x3a: {  	_ = 	snop  }
0x3b: {  	_ = 	snop  }
0x3c: {  	p2 =	seq.s32 s10, $0x1;
	s10 =	sld [smem:$0x3FAA]  }
0x3d: {  	_ =	shalt  }
0x3e: {  	_ =	shalt  }
0x3f: {  	_ =	shalt  }
0x40: {  	_ =	shalt  }
0x41: {  	_ =	shalt  }
0x42: {  	_ =	shalt  }
0x43: {  	_ =	shalt  }
0x44: {  	_ =	shalt  }
0x45: {  	_ =	shalt  }
0x46: {  	_ =	shalt  }
0x47: {  	_ =	shalt  }
0x48: {  	_ =	shalt  }
0x49: {  	_ =	shalt  }
0x4a: {  	_ =	shalt  }
0x4b: {  	_ =	shalt  }
0x4c: {  	_ =	shalt  }
0x4d: {  	_ =	shalt  }
0x4e: {  	_ =	shalt  }
0x4f: {  	_ =	shalt  }
0x50: {  	_ =	shalt  }
0x51: {  	_ =	shalt  }
0x52: {  	_ =	shalt  }
0x53: {  	_ =	shalt  }
0x54: {  	_ =	shalt  }
0x55: {  	_ =	shalt  }
0x56: {  	_ =	shalt  }
0x57: {  	_ =	shalt  }
0x58: {  	_ =	shalt  }
0x59: {  	_ =	shalt  }
0x5a: {  	_ =	shalt  }
0x5b: {  	_ =	shalt  }
0x5c: {  	_ =	shalt  }
0x5d: {  	_ =	shalt  }
0x5e: {  	_ =	shalt  }
0x5f: {  	_ =	shalt  }
0x60: {  	_ =	shalt  }
0x61: {  	_ =	shalt  }
0x62: {  	_ =	shalt  }
0x63: {  	_ =	shalt  }
0x64: {  	_ =	shalt  }
0x65: {  	_ =	shalt  }
0x66: {  	_ =	shalt  }
0x67: {  	_ =	shalt  }
0x68: {  	_ =	shalt  }
0x69: {  	_ =	shalt  }
0x6a: {  	_ =	shalt  }
0x6b: {  	_ =	shalt  }
0x6c: {  	_ =	shalt  }
0x6d: {  	_ =	shalt  }
0x6e: {  	_ =	shalt  }
0x6f: {  	_ =	shalt  }
0x70: {  	_ =	shalt  }
0x71: {  	_ =	shalt  }
0x72: {  	_ =	shalt  }
0x73: {  	_ =	shalt  }
0x74: {  	_ =	shalt  }
0x75: {  	_ =	shalt  }
0x76: {  	_ =	shalt  }
0x77: {  	_ =	shalt  }
0x78: {  	_ =	shalt  }
0x79: {  	_ =	shalt  }
0x7a: {  	_ =	shalt  }
0x7b: {  	_ =	shalt  }
0x7c: {  	_ =	shalt  }
0x7d: {  	_ =	shalt  }
0x7e: {  	_ =	shalt  }
0x7f: {  	_ =	shalt  }
0x80: {  	_ =	shalt  }
0x81: {  	_ =	shalt  }
0x82: {  	_ =	shalt  }
0x83: {  	_ =	shalt  }
0x84: {  	_ =	shalt  }
0x85: {  	_ =	shalt  }
0x86: {  	_ =	shalt  }
0x87: {  	_ =	shalt  }
.Lfunc_end0:
.L_simem_size_0:
called_computation.3_lowered:
.L_overlay_start_0:
0x88: {  	s2 =	sld [smem:$0x3FD9]  }
0x89: {  	s3 =	sld [smem:$0x3FFE];
	_ =	sdelay $0x1  }
0x8a: {  	s1 =	srdreg.scid  }
0x8b: {  	s0 =	sand.u32 $0x1, s1  }
0x8c: {  	s16 =	sshll.u32 s0, $0xA;
	s2 =	sadd.s32 s3, s2  }
0x8d: {  	s2 =	sadd.s32 s2, s16  }
0x8e: {  	[smem:$0x3FB6] =	sst s2  }
0x8f: {  	_ = 	snop  }
0x90: {  	(tm) =	ssettm $0x1  }
0x91: {  	s17 =	sld [smem:$0x3FFB];
	_ =	sdelay $0x3  }
0x92: {  	_ =	strace s17  }
0x93: {  	s2 =	sld [smem:$0x3FFC];
	_ =	sdelay $0x3  }
0x94: {  	_ =	strace s2  }
0x95: {  	s2 =	sld [smem:$0x3FFD];
	_ =	sdelay $0x3  }
0x96: {  	_ =	strace s2  }
0x97: {  	_ =	strace $0x8FFFFFFF  }
0x98: {  	s18 =	sld [smem:$0x3FDB];
	_ =	sdelay $0x1  }
0x99: {  	s19 =	simm.s32 $_scs_section_size  }
0x9a: {  	s4 =	simm.s32 $_size__tile_overlayer_lowered;
	s5 =	simm.s32 $_tile_overlayer_lowered  }
0x9b: {  	s22 =	simm.s32 $0x1BFF;
	s21 =	sshll.u32 s5, $0x1;
	s2 =	sadd.s32 s19, s18  }
0x9c: {  	s6 =	simm.s32 $0x0;
	s20 =	sshll.u32 s4, $0x1;
	s4 =	sadd.s32 s21, s2  }
0x9d: {  	[timem:s6], [sflag:s22] =	dma.local [hbm:s4], s20  }
0x9e: {  	_ =	swait.ge [sflag:s22], s20  }
0x9f: {  	s3 =	ssub.s32 $0x0, s20;
	[sflag:s22] =	ssyncset.done $0x0  }
0xa0: {  	[sflag:s22] =	ssyncadd.s32 s3;
	_ =	sdelay $0x1  }
0xa1: {  	s23 =	simm.s32 $0x1B8B  }
0xa2: {  	_ =	swait.ge [sflag:s23], $0x1  }
0xa3: {  	[sflag:s23] =	ssyncset.done $0x0  }
0xa4: {  	s25 =	simm.s32 $0x1B8E;
	s24 =	sld [smem:$0x3FFE];
	[sflag:s23] =	ssyncadd.s32 $0xFFFFFFFF  }
0xa5: {  	s26 =	simm.s32 $execute0_lowered;
	[smem:$0x3FD2] =	sst s25  }
0xa6: {  	s4 =	sshll.u32 s26, $0x1;
	_ =	strace $0x8000004F;
	[dreg:$0x1] =	wrdreg $0xFFFFFFFF  }
0xa7: {  	s28 =	simm.s32 $_size_execute0_lowered;
	s2 =	sadd.s32 s2, s4;
	[dreg:$0x0] =	wrdreg $0x0  }
0xa8: {  	s4 =	sshll.u32 s28, $0x1;
	[dreg:$0x2] =	wrdreg s2  }
0xa9: {  	[dreg:$0x3] =	wrdreg s4  }
0xaa: {  	[dreg:$0x4] =	wrdreg $0xC0  }
0xab: {  	_ =	task [dreg:s6], $0x5FFFF  }
0xac: {  	[dreg:$0x1] =	wrdreg $0xFFFFFFFF  }
0xad: {  	[dreg:$0x0] =	wrdreg $0x60  }
0xae: {  	[dreg:$0x2] =	wrdreg s24  }
0xaf: {  	[dreg:$0x3] =	wrdreg $0x79800  }
0xb0: {  	[dreg:$0x4] =	wrdreg $0x9  }
0xb1: {  	_ =	task.clear_ibuf [dreg:s6], $0x5FFFF;
	_ =	strace $0x9000004F  }
0xb2: {  	s29 =	simm.s32 $0x9;
	_ =	strace $0x80000051  }
0xb3: {  	_ =	swait.ge [sflag:s29], $0x1  }
0xb4: {  	[sflag:s29] =	ssyncadd.s32 $0xFFFFFFFF  }
0xb5: {  	_ =	strace $0x90000051  }
0xb6: {  	_ =	sfence  }
0xb7: {  	s30 =	sld [smem:$0x0];
	_ =	sdelay $0x2  }
0xb8: {  	s31 =	sshll.u32 s1, $0xD;
	s1 =	sshrl.u32 s1, $0x2  }
0xb9: {  	s3 =	sand.u32 $0x4000, s31;
	s1 =	sadd.s32 s1, s30  }
0xba: {  	s0 =	sor.u32 s3, s0;
	s1 =	sshll.u32 s1, $0x11  }
0xbb: {  	s0 =	sor.u32 s1, s0  }
0xbc: {  	s0 =	sadd.s32 $0x8F2B, s0  }
0xbd: {  	[sflag:s0] =	ssyncadd.remote.s32 $0x1  }
0xbe: {  	_ =	sfence.sel $0xFFFF  }
0xbf: {  	[dreg:$0x0] =	wrdreg $0xFFFFFFFF;
	(pc) =	sbr.abs _section_cstart, $3  }
0xc0: {  	[dreg:$0x1] =	wrdreg $0xFFFFFFFF  }
0xc1: {  	_ =	task.clear_ibuf [dreg:s6], $0x2FFFF;
	_ =	strace $0x9FFFFFFF  }
0xc2: {  	(tm) =	ssettm $0x7FFFFFFF  }
0xc3: {  	_ =	shalt  }
tec
execute0_lowered:
.L_overlay_start_1:
0x0: {  	(tag) =	ssettag $0x1  }
0x1: {  	s0 =	srdreg.scid;
	s1 =	rddreg [dreg:$0x0]  }
0x2: {  	s15 =	stileid.u32;
	s2 =	rddreg [dreg:$0x1];
	s5 =	simm.s32 $0x0  }
0x3: {  	s28 =	simm.s32 $0x2980;
	s29 =	simm.s32 $0x1DE80;
	s30 =	simm.s32 $0x100  }
0x4: {  	s31 =	simm.s32 $0x5180;
	s18 =	simm.s32 $0x0;
	s0 =	sand.u32 $0x1, s0  }
0x5: {  	s3 =	sshll.u32 s15, $0x1;
	[smem:$0x7FF] =	sst s5;
	s5 =	sadd.s32 $0x4E00, s1  }
0x6: {  	s6 =	sadd.s32 $0xDE800, s1;
	s10 =	smul.u32 $0x50000, s15;
	s7 =	sadd.s32 $0x5C0800, s1  }
0x7: {  	s11 =	sadd.s32 $0x3FC00, s1;
	s14 =	smul.u32 $0x14000, s15;
	p0 =	seq.s32 s15, $0xF  }
0x8: {  	s3 =	sor.u32 s0, s3;
	s20 =	ssub.s32 $0x2, s0;
	s0 =	smul.u32 $0x138800, s0  }
0x9: {  	_ =	strace $0x80000050;
	[dreg:$0x3] =	wrdreg s11;
	s4 =	smul.u32 $0x2710, s3  }
0xa: {  	s12 =	sshrl.u32 s20, $0x1;
	s10 =	sshrl.u32 s10, $0x2;
	s3 =	smul.u32 $0x4E20, s3  }
0xb: {  	s11 =	ssub.s32 s20, s12;
	s10 =	sadd.s32 s10, s2;
	s12 =	sadd.s32 $0x12C000, s2  }
0xc: {  	s24 =	sadd.s32 s14, s0;
	s0 =	sshrl.u32 s0, $0x3;
	s20 =	simm.s32 $0x6  }
0xd: {  	s14 =	simm.s32 $0x9;
	s8 =	sshrl.u32 s4, $0x3;
	s13 =	sadd.s32 $0x50, s4  }
0xe: {  	s3 =	sadd.s32 s7, s3;
	s25 =	sshrl.u32 s24, $0x3;
	s26 =	smax.u32 s11, $0x1  }
0xf: {  	s16 =	sshrl.u32 @p0 s12, $0x3;
	s17 =	sshrl.u32 @!p0 s10, $0x3;
	s24 =	simm.s32 $0x1D980  }
0x10: {  	s10 =	simm.s32 $0x2;
	s11 =	simm.s32 $0x5;
	[dreg:$0x6] =	wrdreg s3  }
0x11: {  	s12 =	simm.s32 $0x8;
	s9 =	sadd.s32 s8, s1;
	[dreg:$0xb] =	wrdreg s26  }
0x12: {  	s1 =	sadd.s32 $0x42400, s1;
	s21 =	sshrl.u32 s13, $0x3;
	[dreg:$0xc] =	wrdreg s16  }
0x13: {  	s8 =	sadd.s32 s6, s8;
	s23 =	sshll.u32 s13, $0x1;
	[dreg:$0xe] =	wrdreg s17  }
0x14: {  	s26 =	simm.s32 $0x4;
	s9 =	sadd.s32 $0xE8600, s9;
	[dreg:$0x5] =	wrdreg s8  }
0x15: {  	s13 =	simm.s32 $0x3;
	s22 =	sadd.s32 s6, s21;
	[dreg:$0x4] =	wrdreg s9  }
0x16: {  	s3 =	sadd.s32 s7, s23;
	s0 =	sadd.s32 s1, s0;
	[dreg:$0x7] =	wrdreg s22  }
0x17: {  	s1 =	sadd.s32 s1, s25;
	s21 =	simm.s32 $0xA;
	[dreg:$0x8] =	wrdreg s3  }
0x18: {  	s23 =	simm.s32 $0x180;
	[dreg:$0x9] =	wrdreg s1;
	s0 =	sadd.s32 $0x25800, s0  }
0x19: {  	s25 =	simm.s32 $0x80;
	[dreg:$0xa] =	wrdreg s0;
	s0 =	sshll.u32 @!p0 s15, $0x6  }
0x1a: {  	s22 =	simm.s32 $0x50;
	s1 =	simm.s32 $0x1E380;
	s15 =	sor.u32 @!p0 $0x1C0A, s0  }
0x1b: {  	s9 =	simm.s32 $0x7;
	s0 =	simm.s32 $0x1;
	[dreg:$0xd] =	wrdreg s15  }
.LBB2_1:
0x1c: {  	[dreg:$0xf] =	wrdreg s18  }
0x1d: {  	s3 =	simm.s32 @p0 $0x1FCA;
	s8 =	rddreg [dreg:$0x3]  }
0x1e: {  	[spmem:s16], [sflag:s3] =	dma.local @p0 [hbm:s8], $0x1900  }
0x1f: {  	s3 =	simm.s32 @p0 $0xA  }
0x20: {  	_ =	swait.ge @p0 [sflag:s3], $0x1900  }
0x21: {  	[sflag:s3] =	ssyncset.done @p0 $0x0  }
0x22: {  	[sflag:s3] =	ssyncadd.s32 @p0 $0xFFFFE700;
	s3 =	simm.s32 @!p0 $0xA  }
0x23: {  	[spmem:s17], [sflag:s15] =	dma.local @!p0 [hbm:s8], $0x2800  }
0x24: {  	_ =	swait.ge @!p0 [sflag:s3], $0x2800  }
0x25: {  	s18 =	simm.s32 $0x1B200;
	[sflag:s3] =	ssyncset.done @!p0 $0x0  }
0x26: {  	s17 =	rddreg [dreg:$0x4];
	[sflag:s3] =	ssyncadd.s32 @!p0 $0xFFFFD800;
	s3 =	simm.s32 $0x0  }
0x27: {  	[tilespmem:s18], [sflag:$0xA] =	stream.linear.gather [hbm4b:s17+s3], $0x2710, $0x38;
	[tilespmem:$0x1E880] =	vst v63  }
0x28: {  	_ =	swait.ge [sflag:s21], $0x2710  }
0x29: {  	[sflag:s21] =	ssyncset.done $0x0  }
0x2a: {  	[sflag:s21] =	ssyncadd.s32 $0xFFFFD8F0  }
0x2b: {  	[bflag:$0x0] =	sbarrier.arrive $0xFFFF  }
0x2c: {  	s19 =	rddreg [dreg:$0x5]  }
0x2d: {  	[tilespmem:s3], [sflag:$0x4] =	stream.linear.gather [hbm4b:s19+s3], $0x50, $0x38;
	[tilespmem:$0x1E880] =	vst v63  }
0x2e: {  	_ = 	snop  }
0x2f: {  	[tilespmem:s23], [sflag:$0x1] =	stream.indirect.gather [hbm4b:s5+s22], $0x80, s18, s22, $0xb8;
	[tilespmem:$0x1E880] =	vst v63  }
0x30: {  	s16 =	rddreg [dreg:$0x6]  }
0x31: {  	[tilespmem:s24], [sflag:$0x7] =	stream.linear.gather [hbm4b:s16+s3], $0x500, $0x38;
	[tilespmem:$0x1E880] =	vst v63  }
0x32: {  	s17 =	rddreg [dreg:$0x7]  }
0x33: {  	[tilespmem:s25], [sflag:$0x5] =	stream.linear.gather [hbm4b:s17+s3], $0x50, $0x38;
	[tilespmem:$0x1E880] =	vst v63  }
0x34: {  	s18 =	simm.s32 $0x1B250  }
0x35: {  	[tilespmem:s28], [sflag:$0x2] =	stream.indirect.gather [hbm4b:s5+s22], $0x80, s18, s22, $0xb8;
	[tilespmem:$0x1E880] =	vst v63  }
0x36: {  	s19 =	rddreg [dreg:$0x8];
	s16 =	simm.s32 $0x0  }
0x37: {  	[tilespmem:s29], [sflag:$0x8] =	stream.linear.gather [hbm4b:s19+s3], $0x500, $0x38;
	[tilespmem:$0x1E880] =	vst v63  }
.LBB2_2:
0x38: {  	s8 =	smul.u32 $0xF0, s16;
	_ =	sdelay $0x1  }
0x39: {  	s17 =	sadd.s32 s4, s8  }
0x3a: {  	s3 =	sadd.s32 $0xA0, s17  }
0x3b: {  	s18 =	sshrl.u32 s3, $0x3  }
0x3c: {  	s19 =	simm.s32 $0x0;
	s3 =	sshll.u32 s3, $0x1;
	s18 =	sadd.s32 s6, s18  }
0x3d: {  	[tilespmem:s30], [sflag:$0x6] =	stream.linear.gather [hbm4b:s18+s19], $0x50, $0x38;
	[tilespmem:$0x1E880] =	vst v63  }
0x3e: {  	s15 =	sadd.s32 $0x1B2A0, s8;
	s3 =	sand.u32 $0x1FFFFFE0, s3  }
0x3f: {  	[tilespmem:s31], [sflag:$0x3] =	stream.indirect.gather [hbm4b:s5+s22], $0x80, s15, s22, $0xb8;
	[tilespmem:$0x1E880] =	vst v63  }
0x40: {  	s3 =	sadd.s32 s7, s3  }
0x41: {  	[tilespmem:s1], [sflag:$0x9] =	stream.linear.gather [hbm4b:s3+s19], $0x500, $0x38;
	[tilespmem:$0x1E880] =	vst v63  }
0x42: {  	_ =	swait.ge [sflag:s0], $0x2800  }
0x43: {  	[sflag:s0] =	ssyncset.done $0x0  }
0x44: {  	[sflag:s0] =	ssyncadd.s32 $0xFFFFD800  }
0x45: {  	_ =	swait.ge [sflag:s26], $0x50  }
0x46: {  	[sflag:s26] =	ssyncset.done $0x0  }
0x47: {  	[sflag:s26] =	ssyncadd.s32 $0xFFFFFFB0  }
0x48: {  	_ =	swait.ge [sflag:s9], $0x500  }
0x49: {  	[sflag:s9] =	ssyncset.done $0x0  }
0x4a: {  	s18 =	simm.s32 $0x1C0;
	[sflag:s9] =	ssyncadd.s32 $0xFFFFFB00  }
0x4b: {  	v4 =	vld [tilespmem:s18+$0x30]  }
0x4c: {  	v7 =	vld [tilespmem:s18+$0x10]  }
0x4d: {  	s19 =	simm.s32 $0x0;
	v5 =	vld [tilespmem:s18+$0xFFFFFFC0]  }
0x4e: {  	v1 =	vld [tilespmem:s19+$0x1D980]  }
0x4f: {  	v9 =	vld [tilespmem:s18+$0xFFFFFFE0]  }
0x50: {  	v0 =	vld [tilespmem:s18+$0xFFFFFFF0]  }
0x51: {  	v2 =	vld [tilespmem:s18+$0x20]  }
0x52: {  	v3 =	vld [tilespmem:s18+$0xFFFFFFD0]  }
0x53: {  	v8 =	vmul.f32 v4, v1;
	v4 =	vld [tilespmem:s18+$0x0]  }
0x54: {  	v6 =	vmul.f32 v5, v1  }
0x55: {  	s3 =	simm.s32 $0x1C0;
	s19 =	simm.s32 $0x40;
	v5 =	vmul.f32 v9, v1;
	v7 =	vmul.f32 v7, v1  }
.LBB2_3:
0x56: {  	p1 =	sne.s32 s19, $0x13C0  }
0x57: {  	v3 =	vmul.f32 v3, v1;
	v2 =	vmul.f32 v2, v1;
	[tilespmem:s18+$0x30] =	vst v8;
	s3 =	sadd.s32 $0x80, s3;
	s15 =	smov.u32 s19;
	s19 =	sadd.s32 $0x40, s19  }
0x58: {  	[tilespmem:s18+$0xFFFFFFC0] =	vst v6;
	v6 =	vmul.f32 v0, v1;
	v1 =	vmul.f32 v4, v1  }
0x59: {  	[tilespmem:s18+$0x10] =	vst v7  }
0x5a: {  	v0 =	vld [tilespmem:s3+$0xFFFFFFF0];
	[tilespmem:s18+$0xFFFFFFE0] =	vst v5  }
0x5b: {  	v5 =	vld [tilespmem:s3+$0x30];
	[tilespmem:s18+$0xFFFFFFF0] =	vst v6  }
0x5c: {  	v7 =	vld [tilespmem:s3+$0x10];
	[tilespmem:s18+$0x0] =	vst v1  }
0x5d: {  	v6 =	vld [tilespmem:s3+$0xFFFFFFC0];
	[tilespmem:s18+$0x20] =	vst v2  }
0x5e: {  	s15 =	sshra.s32 s15, $0x2;
	v9 =	vld [tilespmem:s3+$0xFFFFFFE0];
	[tilespmem:s18+$0xFFFFFFD0] =	vst v3;
	s18 =	smov.u32 s3  }
0x5f: {  	v1 =	vld [tilespmem:s15+$0x1D980]  }
0x60: {  	v2 =	vld [tilespmem:s3+$0x20]  }
.Ltmp0:
0x61: {  	v3 =	vld [tilespmem:s3+$0xFFFFFFD0];
	(pc) =	sbr.rel @p1 .LBB2_3-.Ltmp0, $3  }
0x62: {  	v4 =	vld [tilespmem:s3+$0x0];
	_ =	sdelay $0x1  }
0x63: {  	v6 =	vmul.f32 v6, v1;
	v8 =	vmul.f32 v5, v1  }
0x64: {  	v5 =	vmul.f32 v9, v1;
	v7 =	vmul.f32 v7, v1  }
0x65: {  	[tilespmem:s18+$0x30] =	vst v8  }
0x66: {  	[tilespmem:s18+$0xFFFFFFC0] =	vst v6  }
0x67: {  	v0 =	vmul.f32 v0, v1;
	[tilespmem:s18+$0x10] =	vst v7  }
0x68: {  	v2 =	vmul.f32 v2, v1;
	[tilespmem:s18+$0xFFFFFFE0] =	vst v5  }
0x69: {  	v4 =	vmul.f32 v4, v1;
	[tilespmem:s18+$0xFFFFFFF0] =	vst v0  }
0x6a: {  	v0 =	vmul.f32 v3, v1;
	[tilespmem:s18+$0x20] =	vst v2  }
0x6b: {  	[tilespmem:s18+$0x0] =	vst v4  }
0x6c: {  	s3 =	simm.s32 $0x0;
	[tilespmem:s18+$0xFFFFFFD0] =	vst v0  }
0x6d: {  	[spmem:s2] =	stream.indirect.scatter.add.f32 [tilespmem:s23], [sflag:$0xA], $0x80, s3, s22, $0xb8;
	[tilespmem:$0x1E880] =	vst v63  }
0x6e: {  	s15 =	sadd.s32 $0xF0, s17;
	_ =	swait.ge [sflag:s21], $0x2800  }
0x6f: {  	s19 =	sshrl.u32 s15, $0x3;
	[sflag:s21] =	ssyncset.done $0x0  }
0x70: {  	s15 =	sshll.u32 s15, $0x1;
	s18 =	sadd.s32 s6, s19;
	[sflag:s21] =	ssyncadd.s32 $0xFFFFD800  }
0x71: {  	[tilespmem:s3], [sflag:$0x4] =	stream.linear.gather [hbm4b:s18+s3], $0x50, $0x38;
	[tilespmem:$0x1E880] =	vst v63  }
0x72: {  	s15 =	sand.u32 $0x1FFFFFE0, s15;
	s19 =	sadd.s32 $0x1B2F0, s8  }
0x73: {  	[tilespmem:s23], [sflag:$0x1] =	stream.indirect.gather [hbm4b:s5+s22], $0x80, s19, s22, $0xb8;
	[tilespmem:$0x1E880] =	vst v63  }
0x74: {  	s15 =	sadd.s32 s7, s15  }
0x75: {  	[tilespmem:s24], [sflag:$0x7] =	stream.linear.gather [hbm4b:s15+s3], $0x500, $0x38;
	[tilespmem:$0x1E880] =	vst v63  }
0x76: {  	_ =	swait.ge [sflag:s10], $0x2800  }
0x77: {  	[sflag:s10] =	ssyncset.done $0x0  }
0x78: {  	[sflag:s10] =	ssyncadd.s32 $0xFFFFD800  }
0x79: {  	_ =	swait.ge [sflag:s11], $0x50  }
0x7a: {  	[sflag:s11] =	ssyncset.done $0x0  }
0x7b: {  	[sflag:s11] =	ssyncadd.s32 $0xFFFFFFB0  }
0x7c: {  	_ =	swait.ge [sflag:s12], $0x500  }
0x7d: {  	[sflag:s12] =	ssyncset.done $0x0  }
0x7e: {  	s18 =	simm.s32 $0x29C0;
	[sflag:s12] =	ssyncadd.s32 $0xFFFFFB00  }
0x7f: {  	v4 =	vld [tilespmem:s18+$0x30]  }
0x80: {  	v7 =	vld [tilespmem:s18+$0x10]  }
0x81: {  	s19 =	simm.s32 $0x0;
	v5 =	vld [tilespmem:s18+$0xFFFFFFC0]  }
0x82: {  	v1 =	vld [tilespmem:s19+$0x1DE80]  }
0x83: {  	v9 =	vld [tilespmem:s18+$0xFFFFFFE0]  }
0x84: {  	v0 =	vld [tilespmem:s18+$0xFFFFFFF0]  }
0x85: {  	v2 =	vld [tilespmem:s18+$0x20]  }
0x86: {  	v3 =	vld [tilespmem:s18+$0xFFFFFFD0]  }
0x87: {  	v8 =	vmul.f32 v4, v1;
	v4 =	vld [tilespmem:s18+$0x0]  }
0x88: {  	v6 =	vmul.f32 v5, v1  }
0x89: {  	s3 =	simm.s32 $0x29C0;
	s19 =	simm.s32 $0x40;
	v5 =	vmul.f32 v9, v1;
	v7 =	vmul.f32 v7, v1  }
.LBB2_5:
0x8a: {  	p1 =	sne.s32 s19, $0x13C0  }
0x8b: {  	v3 =	vmul.f32 v3, v1;
	v2 =	vmul.f32 v2, v1;
	[tilespmem:s18+$0x30] =	vst v8;
	s3 =	sadd.s32 $0x80, s3;
	s15 =	smov.u32 s19;
	s19 =	sadd.s32 $0x40, s19  }
0x8c: {  	[tilespmem:s18+$0xFFFFFFC0] =	vst v6;
	v6 =	vmul.f32 v0, v1;
	v1 =	vmul.f32 v4, v1  }
0x8d: {  	[tilespmem:s18+$0x10] =	vst v7  }
0x8e: {  	v0 =	vld [tilespmem:s3+$0xFFFFFFF0];
	[tilespmem:s18+$0xFFFFFFE0] =	vst v5  }
0x8f: {  	v5 =	vld [tilespmem:s3+$0x30];
	[tilespmem:s18+$0xFFFFFFF0] =	vst v6  }
0x90: {  	v7 =	vld [tilespmem:s3+$0x10];
	[tilespmem:s18+$0x0] =	vst v1  }
0x91: {  	v6 =	vld [tilespmem:s3+$0xFFFFFFC0];
	[tilespmem:s18+$0x20] =	vst v2  }
0x92: {  	s15 =	sshra.s32 s15, $0x2;
	v9 =	vld [tilespmem:s3+$0xFFFFFFE0];
	[tilespmem:s18+$0xFFFFFFD0] =	vst v3;
	s18 =	smov.u32 s3  }
0x93: {  	v1 =	vld [tilespmem:s15+$0x1DE80]  }
0x94: {  	v2 =	vld [tilespmem:s3+$0x20]  }
.Ltmp1:
0x95: {  	v3 =	vld [tilespmem:s3+$0xFFFFFFD0];
	(pc) =	sbr.rel @p1 .LBB2_5-.Ltmp1, $3  }
0x96: {  	v4 =	vld [tilespmem:s3+$0x0];
	_ =	sdelay $0x1  }
0x97: {  	v6 =	vmul.f32 v6, v1;
	v8 =	vmul.f32 v5, v1  }
0x98: {  	v5 =	vmul.f32 v9, v1;
	v7 =	vmul.f32 v7, v1  }
0x99: {  	[tilespmem:s18+$0x30] =	vst v8  }
0x9a: {  	[tilespmem:s18+$0xFFFFFFC0] =	vst v6  }
0x9b: {  	v0 =	vmul.f32 v0, v1;
	[tilespmem:s18+$0x10] =	vst v7  }
0x9c: {  	v2 =	vmul.f32 v2, v1;
	[tilespmem:s18+$0xFFFFFFE0] =	vst v5  }
0x9d: {  	v4 =	vmul.f32 v4, v1;
	[tilespmem:s18+$0xFFFFFFF0] =	vst v0  }
0x9e: {  	v0 =	vmul.f32 v3, v1;
	[tilespmem:s18+$0x20] =	vst v2  }
0x9f: {  	[tilespmem:s18+$0x0] =	vst v4  }
0xa0: {  	[tilespmem:s18+$0xFFFFFFD0] =	vst v0  }
0xa1: {  	[spmem:s2] =	stream.indirect.scatter.add.f32 [tilespmem:s28], [sflag:$0xA], $0x80, s25, s22, $0xb8;
	[tilespmem:$0x1E880] =	vst v63  }
0xa2: {  	s3 =	sadd.s32 $0x140, s17;
	_ =	swait.ge [sflag:s21], $0x2800  }
0xa3: {  	s15 =	sshrl.u32 s3, $0x3;
	s3 =	sshll.u32 s3, $0x1;
	[sflag:s21] =	ssyncset.done $0x0  }
0xa4: {  	s15 =	sadd.s32 s6, s15;
	s18 =	simm.s32 $0x0;
	[sflag:s21] =	ssyncadd.s32 $0xFFFFD800  }
0xa5: {  	[tilespmem:s25], [sflag:$0x5] =	stream.linear.gather [hbm4b:s15+s18], $0x50, $0x38;
	[tilespmem:$0x1E880] =	vst v63  }
0xa6: {  	s8 =	sadd.s32 $0x1B340, s8;
	s3 =	sand.u32 $0x1FFFFFE0, s3  }
0xa7: {  	[tilespmem:s28], [sflag:$0x2] =	stream.indirect.gather [hbm4b:s5+s22], $0x80, s8, s22, $0xb8;
	[tilespmem:$0x1E880] =	vst v63  }
0xa8: {  	s3 =	sadd.s32 s7, s3  }
0xa9: {  	[tilespmem:s29], [sflag:$0x8] =	stream.linear.gather [hbm4b:s3+s18], $0x500, $0x38;
	[tilespmem:$0x1E880] =	vst v63  }
0xaa: {  	_ =	swait.ge [sflag:s13], $0x2800  }
0xab: {  	[sflag:s13] =	ssyncset.done $0x0  }
0xac: {  	[sflag:s13] =	ssyncadd.s32 $0xFFFFD800  }
0xad: {  	_ =	swait.ge [sflag:s20], $0x50  }
0xae: {  	[sflag:s20] =	ssyncset.done $0x0  }
0xaf: {  	[sflag:s20] =	ssyncadd.s32 $0xFFFFFFB0  }
0xb0: {  	_ =	swait.ge [sflag:s14], $0x500  }
0xb1: {  	[sflag:s14] =	ssyncset.done $0x0  }
0xb2: {  	s8 =	simm.s32 $0x51C0;
	[sflag:s14] =	ssyncadd.s32 $0xFFFFFB00  }
0xb3: {  	v4 =	vld [tilespmem:s8+$0x30]  }
0xb4: {  	v7 =	vld [tilespmem:s8+$0x10]  }
0xb5: {  	s19 =	simm.s32 $0x0;
	v5 =	vld [tilespmem:s8+$0xFFFFFFC0]  }
0xb6: {  	v1 =	vld [tilespmem:s19+$0x1E380]  }
0xb7: {  	v9 =	vld [tilespmem:s8+$0xFFFFFFE0]  }
0xb8: {  	v0 =	vld [tilespmem:s8+$0xFFFFFFF0]  }
0xb9: {  	v2 =	vld [tilespmem:s8+$0x20]  }
0xba: {  	v3 =	vld [tilespmem:s8+$0xFFFFFFD0]  }
0xbb: {  	v8 =	vmul.f32 v4, v1;
	v4 =	vld [tilespmem:s8+$0x0]  }
0xbc: {  	v6 =	vmul.f32 v5, v1  }
0xbd: {  	s17 =	simm.s32 $0x40;
	s3 =	simm.s32 $0x51C0;
	v5 =	vmul.f32 v9, v1;
	v7 =	vmul.f32 v7, v1  }
.LBB2_7:
0xbe: {  	p1 =	sne.s32 s17, $0x13C0  }
0xbf: {  	v3 =	vmul.f32 v3, v1;
	v2 =	vmul.f32 v2, v1;
	[tilespmem:s8+$0x30] =	vst v8;
	s3 =	sadd.s32 $0x80, s3;
	s15 =	smov.u32 s17;
	s17 =	sadd.s32 $0x40, s17  }
0xc0: {  	[tilespmem:s8+$0xFFFFFFC0] =	vst v6;
	v6 =	vmul.f32 v0, v1;
	v1 =	vmul.f32 v4, v1  }
0xc1: {  	[tilespmem:s8+$0x10] =	vst v7  }
0xc2: {  	v0 =	vld [tilespmem:s3+$0xFFFFFFF0];
	[tilespmem:s8+$0xFFFFFFE0] =	vst v5  }
0xc3: {  	v5 =	vld [tilespmem:s3+$0x30];
	[tilespmem:s8+$0xFFFFFFF0] =	vst v6  }
0xc4: {  	v7 =	vld [tilespmem:s3+$0x10];
	[tilespmem:s8+$0x0] =	vst v1  }
0xc5: {  	v6 =	vld [tilespmem:s3+$0xFFFFFFC0];
	[tilespmem:s8+$0x20] =	vst v2  }
0xc6: {  	s15 =	sshra.s32 s15, $0x2;
	v9 =	vld [tilespmem:s3+$0xFFFFFFE0];
	[tilespmem:s8+$0xFFFFFFD0] =	vst v3;
	s8 =	smov.u32 s3  }
0xc7: {  	v1 =	vld [tilespmem:s15+$0x1E380]  }
0xc8: {  	v2 =	vld [tilespmem:s3+$0x20]  }
.Ltmp2:
0xc9: {  	v3 =	vld [tilespmem:s3+$0xFFFFFFD0];
	(pc) =	sbr.rel @p1 .LBB2_7-.Ltmp2, $3  }
0xca: {  	v4 =	vld [tilespmem:s3+$0x0];
	_ =	sdelay $0x1  }
0xcb: {  	v6 =	vmul.f32 v6, v1;
	v8 =	vmul.f32 v5, v1  }
0xcc: {  	v5 =	vmul.f32 v9, v1;
	v7 =	vmul.f32 v7, v1  }
0xcd: {  	[tilespmem:s8+$0x30] =	vst v8  }
0xce: {  	[tilespmem:s8+$0xFFFFFFC0] =	vst v6  }
0xcf: {  	v0 =	vmul.f32 v0, v1;
	[tilespmem:s8+$0x10] =	vst v7  }
0xd0: {  	v2 =	vmul.f32 v2, v1;
	[tilespmem:s8+$0xFFFFFFE0] =	vst v5  }
0xd1: {  	v63 =	vmul.f32 v3, v1;
	[tilespmem:s8+$0xFFFFFFF0] =	vst v0  }
0xd2: {  	s16 =	sadd.s32 $0x1, s16;
	v4 =	vmul.f32 v4, v1;
	[tilespmem:s8+$0x20] =	vst v2  }
0xd3: {  	p1 =	sne.s32 s16, $0x29;
	[tilespmem:s8+$0xFFFFFFD0] =	vst v63  }
.Ltmp3:
0xd4: {  	[tilespmem:s8+$0x0] =	vst v4;
	(pc) =	sbr.rel @p1 .LBB2_2-.Ltmp3, $4  }
0xd5: {  	[spmem:s2] =	stream.indirect.scatter.add.f32 [tilespmem:s31], [sflag:$0xA], $0x80, s30, s22, $0xb8;
	[tilespmem:$0x1E880] =	vst v63  }
0xd6: {  	_ =	swait.ge [sflag:s21], $0x2800  }
0xd7: {  	[sflag:s21] =	ssyncset.done $0x0  }
0xd8: {  	[sflag:s21] =	ssyncadd.s32 $0xFFFFD800  }
0xd9: {  	_ =	swait.ge [sflag:s0], $0x2800  }
0xda: {  	[sflag:s0] =	ssyncset.done $0x0  }
0xdb: {  	[sflag:s0] =	ssyncadd.s32 $0xFFFFD800  }
0xdc: {  	_ =	swait.ge [sflag:s26], $0x50  }
0xdd: {  	[sflag:s26] =	ssyncset.done $0x0  }
0xde: {  	[sflag:s26] =	ssyncadd.s32 $0xFFFFFFB0  }
0xdf: {  	_ =	swait.ge [sflag:s9], $0x500  }
0xe0: {  	[sflag:s9] =	ssyncset.done $0x0  }
0xe1: {  	s8 =	simm.s32 $0x1C0;
	[sflag:s9] =	ssyncadd.s32 $0xFFFFFB00  }
0xe2: {  	v4 =	vld [tilespmem:s8+$0x30]  }
0xe3: {  	v7 =	vld [tilespmem:s8+$0x10]  }
0xe4: {  	s3 =	simm.s32 $0x0;
	v5 =	vld [tilespmem:s8+$0xFFFFFFC0]  }
0xe5: {  	v1 =	vld [tilespmem:s3+$0x1D980]  }
0xe6: {  	v9 =	vld [tilespmem:s8+$0xFFFFFFE0]  }
0xe7: {  	v0 =	vld [tilespmem:s8+$0xFFFFFFF0]  }
0xe8: {  	v2 =	vld [tilespmem:s8+$0x20]  }
0xe9: {  	v3 =	vld [tilespmem:s8+$0xFFFFFFD0]  }
0xea: {  	v8 =	vmul.f32 v4, v1;
	v4 =	vld [tilespmem:s8+$0x0]  }
0xeb: {  	v6 =	vmul.f32 v5, v1  }
0xec: {  	s16 =	simm.s32 $0x40;
	s3 =	simm.s32 $0x1C0;
	v5 =	vmul.f32 v9, v1;
	v7 =	vmul.f32 v7, v1  }
.LBB2_10:
0xed: {  	p1 =	sne.s32 s16, $0x13C0  }
0xee: {  	v3 =	vmul.f32 v3, v1;
	v2 =	vmul.f32 v2, v1;
	[tilespmem:s8+$0x30] =	vst v8;
	s3 =	sadd.s32 $0x80, s3;
	s15 =	smov.u32 s16;
	s16 =	sadd.s32 $0x40, s16  }
0xef: {  	[tilespmem:s8+$0xFFFFFFC0] =	vst v6;
	v6 =	vmul.f32 v0, v1;
	v1 =	vmul.f32 v4, v1  }
0xf0: {  	[tilespmem:s8+$0x10] =	vst v7  }
0xf1: {  	v0 =	vld [tilespmem:s3+$0xFFFFFFF0];
	[tilespmem:s8+$0xFFFFFFE0] =	vst v5  }
0xf2: {  	v5 =	vld [tilespmem:s3+$0x30];
	[tilespmem:s8+$0xFFFFFFF0] =	vst v6  }
0xf3: {  	v7 =	vld [tilespmem:s3+$0x10];
	[tilespmem:s8+$0x0] =	vst v1  }
0xf4: {  	v6 =	vld [tilespmem:s3+$0xFFFFFFC0];
	[tilespmem:s8+$0x20] =	vst v2  }
0xf5: {  	s15 =	sshra.s32 s15, $0x2;
	v9 =	vld [tilespmem:s3+$0xFFFFFFE0];
	[tilespmem:s8+$0xFFFFFFD0] =	vst v3;
	s8 =	smov.u32 s3  }
0xf6: {  	v1 =	vld [tilespmem:s15+$0x1D980]  }
0xf7: {  	v2 =	vld [tilespmem:s3+$0x20]  }
.Ltmp4:
0xf8: {  	v3 =	vld [tilespmem:s3+$0xFFFFFFD0];
	(pc) =	sbr.rel @p1 .LBB2_10-.Ltmp4, $3  }
0xf9: {  	v4 =	vld [tilespmem:s3+$0x0];
	_ =	sdelay $0x1  }
0xfa: {  	v6 =	vmul.f32 v6, v1;
	v8 =	vmul.f32 v5, v1  }
0xfb: {  	v5 =	vmul.f32 v9, v1;
	v7 =	vmul.f32 v7, v1  }
0xfc: {  	[tilespmem:s8+$0x30] =	vst v8  }
0xfd: {  	[tilespmem:s8+$0xFFFFFFC0] =	vst v6  }
0xfe: {  	v0 =	vmul.f32 v0, v1;
	[tilespmem:s8+$0x10] =	vst v7  }
0xff: {  	v2 =	vmul.f32 v2, v1;
	[tilespmem:s8+$0xFFFFFFE0] =	vst v5  }
0x100: {  	v4 =	vmul.f32 v4, v1;
	[tilespmem:s8+$0xFFFFFFF0] =	vst v0  }
0x101: {  	v0 =	vmul.f32 v3, v1;
	[tilespmem:s8+$0x20] =	vst v2  }
0x102: {  	[tilespmem:s8+$0x0] =	vst v4  }
0x103: {  	s3 =	simm.s32 $0x0;
	[tilespmem:s8+$0xFFFFFFD0] =	vst v0  }
0x104: {  	[spmem:s2] =	stream.indirect.scatter.add.f32 [tilespmem:s23], [sflag:$0xA], $0x80, s3, s22, $0xb8;
	[tilespmem:$0x1E880] =	vst v63  }
0x105: {  	_ =	swait.ge [sflag:s21], $0x2800  }
0x106: {  	[sflag:s21] =	ssyncset.done $0x0  }
0x107: {  	[sflag:s21] =	ssyncadd.s32 $0xFFFFD800  }
0x108: {  	_ =	swait.ge [sflag:s10], $0x2800  }
0x109: {  	[sflag:s10] =	ssyncset.done $0x0  }
0x10a: {  	[sflag:s10] =	ssyncadd.s32 $0xFFFFD800  }
0x10b: {  	_ =	swait.ge [sflag:s11], $0x50  }
0x10c: {  	[sflag:s11] =	ssyncset.done $0x0  }
0x10d: {  	[sflag:s11] =	ssyncadd.s32 $0xFFFFFFB0  }
0x10e: {  	_ =	swait.ge [sflag:s12], $0x500  }
0x10f: {  	[sflag:s12] =	ssyncset.done $0x0  }
0x110: {  	s8 =	simm.s32 $0x29C0;
	[sflag:s12] =	ssyncadd.s32 $0xFFFFFB00  }
0x111: {  	v4 =	vld [tilespmem:s8+$0x30]  }
0x112: {  	v7 =	vld [tilespmem:s8+$0x10]  }
0x113: {  	s19 =	simm.s32 $0x0;
	v5 =	vld [tilespmem:s8+$0xFFFFFFC0]  }
0x114: {  	v1 =	vld [tilespmem:s19+$0x1DE80]  }
0x115: {  	v9 =	vld [tilespmem:s8+$0xFFFFFFE0]  }
0x116: {  	v0 =	vld [tilespmem:s8+$0xFFFFFFF0]  }
0x117: {  	v2 =	vld [tilespmem:s8+$0x20]  }
0x118: {  	v3 =	vld [tilespmem:s8+$0xFFFFFFD0]  }
0x119: {  	v8 =	vmul.f32 v4, v1;
	v4 =	vld [tilespmem:s8+$0x0]  }
0x11a: {  	s17 =	rddreg [dreg:$0xe];
	v6 =	vmul.f32 v5, v1  }
0x11b: {  	s16 =	simm.s32 $0x40;
	s3 =	simm.s32 $0x29C0;
	s18 =	rddreg [dreg:$0xf];
	v5 =	vmul.f32 v9, v1;
	v7 =	vmul.f32 v7, v1  }
.LBB2_12:
0x11c: {  	p1 =	sne.s32 s16, $0x13C0  }
0x11d: {  	v3 =	vmul.f32 v3, v1;
	v2 =	vmul.f32 v2, v1;
	[tilespmem:s8+$0x30] =	vst v8;
	s3 =	sadd.s32 $0x80, s3;
	s15 =	smov.u32 s16;
	s16 =	sadd.s32 $0x40, s16  }
0x11e: {  	[tilespmem:s8+$0xFFFFFFC0] =	vst v6;
	v6 =	vmul.f32 v0, v1;
	v1 =	vmul.f32 v4, v1  }
0x11f: {  	[tilespmem:s8+$0x10] =	vst v7  }
0x120: {  	v0 =	vld [tilespmem:s3+$0xFFFFFFF0];
	[tilespmem:s8+$0xFFFFFFE0] =	vst v5  }
0x121: {  	v5 =	vld [tilespmem:s3+$0x30];
	[tilespmem:s8+$0xFFFFFFF0] =	vst v6  }
0x122: {  	v7 =	vld [tilespmem:s3+$0x10];
	[tilespmem:s8+$0x0] =	vst v1  }
0x123: {  	v6 =	vld [tilespmem:s3+$0xFFFFFFC0];
	[tilespmem:s8+$0x20] =	vst v2  }
0x124: {  	s15 =	sshra.s32 s15, $0x2;
	v9 =	vld [tilespmem:s3+$0xFFFFFFE0];
	[tilespmem:s8+$0xFFFFFFD0] =	vst v3;
	s8 =	smov.u32 s3  }
0x125: {  	v1 =	vld [tilespmem:s15+$0x1DE80]  }
0x126: {  	v2 =	vld [tilespmem:s3+$0x20]  }
.Ltmp5:
0x127: {  	v3 =	vld [tilespmem:s3+$0xFFFFFFD0];
	(pc) =	sbr.rel @p1 .LBB2_12-.Ltmp5, $3  }
0x128: {  	v4 =	vld [tilespmem:s3+$0x0];
	_ =	sdelay $0x1  }
0x129: {  	v6 =	vmul.f32 v6, v1;
	v8 =	vmul.f32 v5, v1  }
0x12a: {  	v5 =	vmul.f32 v9, v1;
	v7 =	vmul.f32 v7, v1  }
0x12b: {  	[tilespmem:s8+$0x30] =	vst v8  }
0x12c: {  	[tilespmem:s8+$0xFFFFFFC0] =	vst v6  }
0x12d: {  	v0 =	vmul.f32 v0, v1;
	[tilespmem:s8+$0x10] =	vst v7  }
0x12e: {  	v2 =	vmul.f32 v2, v1;
	[tilespmem:s8+$0xFFFFFFE0] =	vst v5  }
0x12f: {  	v63 =	vmul.f32 v3, v1;
	[tilespmem:s8+$0xFFFFFFF0] =	vst v0  }
0x130: {  	v4 =	vmul.f32 v4, v1;
	[tilespmem:s8+$0x20] =	vst v2  }
0x131: {  	[tilespmem:s8+$0xFFFFFFD0] =	vst v63  }
0x132: {  	[tilespmem:s8+$0x0] =	vst v4  }
0x133: {  	[spmem:s2] =	stream.indirect.scatter.add.f32 [tilespmem:s28], [sflag:$0xA], $0x80, s25, s22, $0xb8;
	[tilespmem:$0x1E880] =	vst v63  }
0x134: {  	_ =	swait.ge [sflag:s21], $0x2800  }
0x135: {  	[sflag:s21] =	ssyncset.done $0x0  }
0x136: {  	[sflag:s21] =	ssyncadd.s32 $0xFFFFD800  }
0x137: {  	[bflag:$0x0] =	sbarrier.arrive $0xFFFF  }
0x138: {  	s8 =	rddreg [dreg:$0xa]  }
0x139: {  	s3 =	simm.s32 @p0 $0x1FCA;
	s16 =	rddreg [dreg:$0xc]  }
0x13a: {  	[hbm:s8], [sflag:s3] =	dma.local @p0 [spmem:s16], $0x1900  }
0x13b: {  	s3 =	simm.s32 @p0 $0xA  }
0x13c: {  	_ =	swait.ge @p0 [sflag:s3], $0x1900  }
0x13d: {  	[sflag:s3] =	ssyncset.done @p0 $0x0;
	s15 =	rddreg [dreg:$0xd]  }
0x13e: {  	[sflag:s3] =	ssyncadd.s32 @p0 $0xFFFFE700;
	s3 =	rddreg [dreg:$0x9]  }
0x13f: {  	[hbm:s3], [sflag:s15] =	dma.local @!p0 [spmem:s17], $0x2800  }
0x140: {  	s3 =	simm.s32 @!p0 $0xA  }
0x141: {  	_ =	swait.ge @!p0 [sflag:s3], $0x2800  }
0x142: {  	s18 =	sadd.s32 $0x1, s18;
	s19 =	rddreg [dreg:$0xb]  }
0x143: {  	p1 =	sne.s32 s18, s19  }
.Ltmp6:
0x144: {  	_ = 	snop;
	(pc) =	sbr.rel @p1 .LBB2_1-.Ltmp6, $3  }
0x145: {  	_ =	sdelay $0x1  }
0x146: {  	[sflag:s3] =	ssyncset.done @!p0 $0x0  }
0x147: {  	[sflag:s3] =	ssyncadd.s32 @!p0 $0xFFFFD800  }
0x148: {  	_ =	sfence.sel $0x180000  }
0x149: {  	[bflag:$0x0] =	sbarrier.arrive $0xFFFF  }
0x14a: {  	_ =	strace $0x90000050  }
0x14b: {  	s0 =	stileid.u32;
	[bflag:$0x2] =	sbarrier.arrive $0xFFFF  }
0x14c: {  	p0 =	sne.s32 s0, $0x0;
	s0 =	rddreg [dreg:$0x2]  }
0x14d: {  	s0 =	sadd.s32 @!p0 $0x100000, s0  }
0x14e: {  	[sflag:s0] =	ssyncadd.tile.s32 @!p0 $0x1;
	_ =	shalt  }
.Lfunc_end2:
_tile_overlayer_lowered:
.L_overlay_start_2:
0x14f: {  	(tag) =	ssettag $0x2  }
0x150: {  	s0 =	rddreg [dreg:$0x0];
	s2 =	stileid.u32  }
0x151: {  	s1 =	rddreg [dreg:$0x1];
	p0 =	sne.s32 s2, $0x0  }
0x152: {  	s3 =	rddreg [dreg:$0x2];
	[bflag:$0x3] =	sbarrier.arrive $0xFFFF;
	s2 =	simm.s32 @!p0 $0x1C0A  }
0x153: {  	[timem:s3], [sflag:s2] =	dma.local @!p0 [hbm:s0], s1  }
0x154: {  	s0 =	simm.s32 @!p0 $0xA  }
0x155: {  	_ =	swait.ge @!p0 [sflag:s0], s1  }
0x156: {  	s1 =	ssub.s32 @!p0 $0x0, s1;
	[sflag:s0] =	ssyncset.done @!p0 $0x0  }
0x157: {  	[sflag:s0] =	ssyncadd.s32 @!p0 s1  }
0x158: {  	[bflag:$0x3] =	sbarrier.arrive $0xFFFF  }
0x159: {  	_ =	shalt  }

// kernel: kernel.25.cloned.1.call-start
scs
__scs_entry_jumppad:
0x0: {  	(pc) =	sbr.rel $0x88, $3  }
0x1: {  	(tag) =	ssettag $0x0;
	lr =	simm.s32 $0x1  }
0x2: {  	[smem:$0x3F8F] =	sst lr;
	_ =	strace $0xD0000000  }
0x3: {  	_ = 	snop  }
0x4: {  	_ = 	snop  }
0x5: {  	_ = 	snop  }
0x6: {  	_ = 	snop  }
0x7: {  	_ = 	snop  }
__scs_overlays_trampoline_lowered:
0x8: {  	[smem:$0x3F9E] =	sst s0  }
0x9: {  	[smem:$0x3F9F] =	sst s1  }
0xa: {  	[smem:$0x3FA0] =	sst s2  }
0xb: {  	[smem:$0x3FA1] =	sst s3  }
0xc: {  	[smem:$0x3FA2] =	sst s4  }
0xd: {  	[smem:$0x3FA3] =	sst s5  }
0xe: {  	[smem:$0x3FA4] =	sst s6  }
0xf: {  	[smem:$0x3FA5] =	sst s7  }
0x10: {  	[smem:$0x3FA6] =	sst s8  }
0x11: {  	[smem:$0x3FA7] =	sst s9;
	s0 =	simm.s32 @!p0 $0x0  }
0x12: {  	s1 =	sld [smem:$0x3F8D];
	s0 =	simm.s32 @p0 $0x1  }
0x13: {  	[smem:$0x3FA8] =	sst s0;
	s0 =	simm.s32 @!p1 $0x0  }
0x14: {  	s2 =	sld [smem:$0x3F8C];
	s0 =	simm.s32 @p1 $0x1  }
0x15: {  	[smem:$0x3FA9] =	sst s0;
	s0 =	simm.s32 @!p2 $0x0  }
0x16: {  	s3 =	sld [smem:$0x3FDB];
	s0 =	simm.s32 @p2 $0x1  }
0x17: {  	s4 =	simm.s32 $0x1BF5;
	[smem:$0x3FAB] =	sst s0  }
0x18: {  	s0 =	sld [smem:$0x3F8E];
	_ =	swait.ge [sflag:s4], $0x0  }
0x19: {  	s7 =	sld [smem:$0x3F8F]  }
0x1a: {  	s8 =	sadd.s32 $0xFFFFE003, lr  }
0x1b: {  	s9 =	sadd.s32 $0xFFFFFEF7, lr;
	s5 =	simm.s32 $0xFFFFFFFF;
	p2 =	slt.u32 s8, $0xFFFFF086  }
0x1c: {  	p1 =	slt.u32 s9, $0xF7A;
	s5 =	simm.s32 @!p2 $0x0  }
0x1d: {  	s5 =	simm.s32 @p1 $0x1;
	p0 =	seq.s32 s7, s2  }
0x1e: {  	s7 =	smul.u32 @!p0 $0xF7A, s2;
	p2 =	seq.s32 @!p0 s5, $0x0  }
0x1f: {  	s9 =	smul.u32 $0xF7A, s1;
	s8 =	simm.s32 @!p0 $0x1BF5;
	p2 =	por !p2, p0  }
0x20: {  	[sflag:s8] =	ssyncset.s32 @!p0 $0xFFFFF086;
	s6 =	sadd.s32 @!p0 s3, s7;
	s7 =	simm.s32 @!p0 $0x108  }
0x21: {  	s3 =	sadd.s32 s3, s9;
	s6 =	sadd.s32 @!p0 $0x88, s6;
	s7 =	simm.s32 @p2 $0x1082  }
0x22: {  	[simem:s7], [sflag:s8] =	dma.local @!p0 [hbm:s6], $0xF7A  }
0x23: {  	s9 =	sor.u32 $0xD0000000, s2;
	s6 =	simm.s32 $0x108;
	_ =	swait.ge @!p0 [sflag:s8], $0x0  }
0x24: {  	s3 =	sadd.s32 $0x88, s3;
	s6 =	simm.s32 @!p1 $0x1082;
	[sflag:s4] =	ssyncset.s32 $0xFFFFF086  }
0x25: {  	[simem:s6], [sflag:s4] =	dma.local [hbm:s3], $0xF7A  }
0x26: {  	[smem:$0x3F8F] =	sst s1;
	(tag) =	ssettag s2;
	_ =	strace s9  }
0x27: {  	s1 =	sld [smem:$0x3F9F]  }
0x28: {  	s2 =	sld [smem:$0x3FA0]  }
0x29: {  	s4 =	sld [smem:$0x3FA2]  }
0x2a: {  	p0 =	seq.s32 s5, $0x0;
	s5 =	sld [smem:$0x3FA3]  }
0x2b: {  	s6 =	sld [smem:$0x3FA4]  }
0x2c: {  	s7 =	sld [smem:$0x3FA5]  }
0x2d: {  	s3 =	simm.s32 $0x108;
	s8 =	sld [smem:$0x3FA6]  }
0x2e: {  	s3 =	simm.s32 @!p0 $0x1082;
	s9 =	sld [smem:$0x3FA7]  }
0x2f: {  	lr =	sadd.s32 s0, s3;
	s0 =	sld [smem:$0x3F9E]  }
0x30: {  	s3 =	sld [smem:$0x3FA1]  }
0x31: {  	[smem:$0x3FAA] =	sst s10  }
0x32: {  	s10 =	sld [smem:$0x3FA8];
	_ =	sdelay $0x3  }
0x33: {  	p0 =	seq.s32 s10, $0x1;
	s10 =	sld [smem:$0x3FAA];
	_ =	sdelay $0x3  }
0x34: {  	[smem:$0x3FAA] =	sst s10  }
0x35: {  	s10 =	sld [smem:$0x3FA9];
	_ =	sdelay $0x3  }
0x36: {  	p1 =	seq.s32 s10, $0x1;
	s10 =	sld [smem:$0x3FAA];
	_ =	sdelay $0x3  }
0x37: {  	[smem:$0x3FAA] =	sst s10  }
0x38: {  	s10 =	sld [smem:$0x3FAB]  }
0x39: {  	_ = 	snop;
	(pc) =	sbr.ind lr, $3  }
0x3a: {  	_ = 	snop  }
0x3b: {  	_ = 	snop  }
0x3c: {  	p2 =	seq.s32 s10, $0x1;
	s10 =	sld [smem:$0x3FAA]  }
0x3d: {  	_ =	shalt  }
0x3e: {  	_ =	shalt  }
0x3f: {  	_ =	shalt  }
0x40: {  	_ =	shalt  }
0x41: {  	_ =	shalt  }
0x42: {  	_ =	shalt  }
0x43: {  	_ =	shalt  }
0x44: {  	_ =	shalt  }
0x45: {  	_ =	shalt  }
0x46: {  	_ =	shalt  }
0x47: {  	_ =	shalt  }
0x48: {  	_ =	shalt  }
0x49: {  	_ =	shalt  }
0x4a: {  	_ =	shalt  }
0x4b: {  	_ =	shalt  }
0x4c: {  	_ =	shalt  }
0x4d: {  	_ =	shalt  }
0x4e: {  	_ =	shalt  }
0x4f: {  	_ =	shalt  }
0x50: {  	_ =	shalt  }
0x51: {  	_ =	shalt  }
0x52: {  	_ =	shalt  }
0x53: {  	_ =	shalt  }
0x54: {  	_ =	shalt  }
0x55: {  	_ =	shalt  }
0x56: {  	_ =	shalt  }
0x57: {  	_ =	shalt  }
0x58: {  	_ =	shalt  }
0x59: {  	_ =	shalt  }
0x5a: {  	_ =	shalt  }
0x5b: {  	_ =	shalt  }
0x5c: {  	_ =	shalt  }
0x5d: {  	_ =	shalt  }
0x5e: {  	_ =	shalt  }
0x5f: {  	_ =	shalt  }
0x60: {  	_ =	shalt  }
0x61: {  	_ =	shalt  }
0x62: {  	_ =	shalt  }
0x63: {  	_ =	shalt  }
0x64: {  	_ =	shalt  }
0x65: {  	_ =	shalt  }
0x66: {  	_ =	shalt  }
0x67: {  	_ =	shalt  }
0x68: {  	_ =	shalt  }
0x69: {  	_ =	shalt  }
0x6a: {  	_ =	shalt  }
0x6b: {  	_ =	shalt  }
0x6c: {  	_ =	shalt  }
0x6d: {  	_ =	shalt  }
0x6e: {  	_ =	shalt  }
0x6f: {  	_ =	shalt  }
0x70: {  	_ =	shalt  }
0x71: {  	_ =	shalt  }
0x72: {  	_ =	shalt  }
0x73: {  	_ =	shalt  }
0x74: {  	_ =	shalt  }
0x75: {  	_ =	shalt  }
0x76: {  	_ =	shalt  }
0x77: {  	_ =	shalt  }
0x78: {  	_ =	shalt  }
0x79: {  	_ =	shalt  }
0x7a: {  	_ =	shalt  }
0x7b: {  	_ =	shalt  }
0x7c: {  	_ =	shalt  }
0x7d: {  	_ =	shalt  }
0x7e: {  	_ =	shalt  }
0x7f: {  	_ =	shalt  }
0x80: {  	_ =	shalt  }
0x81: {  	_ =	shalt  }
0x82: {  	_ =	shalt  }
0x83: {  	_ =	shalt  }
0x84: {  	_ =	shalt  }
0x85: {  	_ =	shalt  }
0x86: {  	_ =	shalt  }
0x87: {  	_ =	shalt  }
.Lfunc_end0:
.L_simem_size_0:
called_computation.4_lowered:
.L_overlay_start_0:
0x88: {  	s2 =	sld [smem:$0x3FD9]  }
0x89: {  	s3 =	sld [smem:$0x3FFE];
	_ =	sdelay $0x1  }
0x8a: {  	s1 =	srdreg.scid  }
0x8b: {  	s0 =	sand.u32 $0x1, s1  }
0x8c: {  	s16 =	sshll.u32 s0, $0xA;
	s2 =	sadd.s32 s3, s2  }
0x8d: {  	s2 =	sadd.s32 s2, s16  }
0x8e: {  	[smem:$0x3FB6] =	sst s2  }
0x8f: {  	_ = 	snop  }
0x90: {  	(tm) =	ssettm $0x1  }
0x91: {  	s17 =	sld [smem:$0x3FFB];
	_ =	sdelay $0x3  }
0x92: {  	_ =	strace s17  }
0x93: {  	s2 =	sld [smem:$0x3FFC];
	_ =	sdelay $0x3  }
0x94: {  	_ =	strace s2  }
0x95: {  	s2 =	sld [smem:$0x3FFD];
	_ =	sdelay $0x3  }
0x96: {  	_ =	strace s2  }
0x97: {  	_ =	strace $0x8FFFFFFF  }
0x98: {  	s18 =	sld [smem:$0x3FDB];
	_ =	sdelay $0x1  }
0x99: {  	s19 =	simm.s32 $_scs_section_size  }
0x9a: {  	s4 =	simm.s32 $_size__tile_overlayer_lowered;
	s5 =	simm.s32 $_tile_overlayer_lowered  }
0x9b: {  	s22 =	simm.s32 $0x1BFF;
	s21 =	sshll.u32 s5, $0x1;
	s2 =	sadd.s32 s19, s18  }
0x9c: {  	s6 =	simm.s32 $0x0;
	s20 =	sshll.u32 s4, $0x1;
	s4 =	sadd.s32 s21, s2  }
0x9d: {  	[timem:s6], [sflag:s22] =	dma.local [hbm:s4], s20  }
0x9e: {  	_ =	swait.ge [sflag:s22], s20  }
0x9f: {  	s3 =	ssub.s32 $0x0, s20;
	[sflag:s22] =	ssyncset.done $0x0  }
0xa0: {  	[sflag:s22] =	ssyncadd.s32 s3;
	_ =	sdelay $0x1  }
0xa1: {  	s23 =	simm.s32 $0x1B8B  }
0xa2: {  	_ =	swait.ge [sflag:s23], $0x1  }
0xa3: {  	[sflag:s23] =	ssyncset.done $0x0  }
0xa4: {  	s25 =	simm.s32 $0x1B8E;
	s24 =	sld [smem:$0x3FFE];
	[sflag:s23] =	ssyncadd.s32 $0xFFFFFFFF  }
0xa5: {  	s26 =	simm.s32 $execute0_lowered;
	[smem:$0x3FD2] =	sst s25  }
0xa6: {  	s4 =	sshll.u32 s26, $0x1;
	_ =	strace $0x80000052;
	[dreg:$0x1] =	wrdreg $0xFFFFFFFF  }
0xa7: {  	s28 =	simm.s32 $_size_execute0_lowered;
	s2 =	sadd.s32 s2, s4;
	[dreg:$0x0] =	wrdreg $0x0  }
0xa8: {  	s4 =	sshll.u32 s28, $0x1;
	[dreg:$0x2] =	wrdreg s2  }
0xa9: {  	[dreg:$0x3] =	wrdreg s4  }
0xaa: {  	[dreg:$0x4] =	wrdreg $0xC0  }
0xab: {  	_ =	task [dreg:s6], $0x5FFFF  }
0xac: {  	[dreg:$0x1] =	wrdreg $0xFFFFFFFF  }
0xad: {  	[dreg:$0x0] =	wrdreg $0x60  }
0xae: {  	[dreg:$0x2] =	wrdreg s24  }
0xaf: {  	[dreg:$0x3] =	wrdreg $0x79800  }
0xb0: {  	[dreg:$0x4] =	wrdreg $0x9  }
0xb1: {  	_ =	task.clear_ibuf [dreg:s6], $0x5FFFF;
	_ =	strace $0x90000052  }
0xb2: {  	s29 =	simm.s32 $0x9;
	_ =	strace $0x80000054  }
0xb3: {  	_ =	swait.ge [sflag:s29], $0x1  }
0xb4: {  	[sflag:s29] =	ssyncadd.s32 $0xFFFFFFFF  }
0xb5: {  	_ =	strace $0x90000054  }
0xb6: {  	_ =	sfence  }
0xb7: {  	s30 =	sld [smem:$0x0];
	_ =	sdelay $0x2  }
0xb8: {  	s31 =	sshll.u32 s1, $0xD;
	s1 =	sshrl.u32 s1, $0x2  }
0xb9: {  	s3 =	sand.u32 $0x4000, s31;
	s1 =	sadd.s32 s1, s30  }
0xba: {  	s0 =	sor.u32 s3, s0;
	s1 =	sshll.u32 s1, $0x11  }
0xbb: {  	s0 =	sor.u32 s1, s0  }
0xbc: {  	s0 =	sadd.s32 $0x8F2B, s0  }
0xbd: {  	[sflag:s0] =	ssyncadd.remote.s32 $0x1  }
0xbe: {  	_ =	sfence.sel $0xFFFF  }
0xbf: {  	[dreg:$0x0] =	wrdreg $0xFFFFFFFF;
	(pc) =	sbr.abs _section_cstart, $3  }
0xc0: {  	[dreg:$0x1] =	wrdreg $0xFFFFFFFF  }
0xc1: {  	_ =	task.clear_ibuf [dreg:s6], $0x2FFFF;
	_ =	strace $0x9FFFFFFF  }
0xc2: {  	(tm) =	ssettm $0x7FFFFFFF  }
0xc3: {  	_ =	shalt  }
tec
execute0_lowered:
.L_overlay_start_1:
0x0: {  	(tag) =	ssettag $0x1  }
0x1: {  	s0 =	srdreg.scid;
	s1 =	rddreg [dreg:$0x0]  }
0x2: {  	s15 =	stileid.u32;
	s2 =	rddreg [dreg:$0x1];
	s5 =	simm.s32 $0x0  }
0x3: {  	s28 =	simm.s32 $0x2980;
	s29 =	simm.s32 $0x1DE80;
	s30 =	simm.s32 $0x100  }
0x4: {  	s31 =	simm.s32 $0x5180;
	s18 =	simm.s32 $0x0;
	s0 =	sand.u32 $0x1, s0  }
0x5: {  	s3 =	sshll.u32 s15, $0x1;
	[smem:$0x7FF] =	sst s5;
	s5 =	sadd.s32 $0x4E00, s1  }
0x6: {  	s6 =	sadd.s32 $0xDE800, s1;
	s10 =	smul.u32 $0x50000, s15;
	s7 =	sadd.s32 $0x5C0800, s1  }
0x7: {  	s11 =	sadd.s32 $0x3FC00, s1;
	s14 =	smul.u32 $0x14000, s15;
	p0 =	seq.s32 s15, $0xF  }
0x8: {  	s3 =	sor.u32 s0, s3;
	s20 =	ssub.s32 $0x2, s0;
	s0 =	smul.u32 $0x138800, s0  }
0x9: {  	_ =	strace $0x80000053;
	[dreg:$0x3] =	wrdreg s11;
	s4 =	smul.u32 $0x2710, s3  }
0xa: {  	s12 =	sshrl.u32 s20, $0x1;
	s10 =	sshrl.u32 s10, $0x2;
	s3 =	smul.u32 $0x4E20, s3  }
0xb: {  	s11 =	ssub.s32 s20, s12;
	s10 =	sadd.s32 s10, s2;
	s12 =	sadd.s32 $0x12C000, s2  }
0xc: {  	s24 =	sadd.s32 s14, s0;
	s0 =	sshrl.u32 s0, $0x3;
	s20 =	simm.s32 $0x6  }
0xd: {  	s14 =	simm.s32 $0x9;
	s8 =	sshrl.u32 s4, $0x3;
	s13 =	sadd.s32 $0x50, s4  }
0xe: {  	s3 =	sadd.s32 s7, s3;
	s25 =	sshrl.u32 s24, $0x3;
	s26 =	smax.u32 s11, $0x1  }
0xf: {  	s16 =	sshrl.u32 @p0 s12, $0x3;
	s17 =	sshrl.u32 @!p0 s10, $0x3;
	s24 =	simm.s32 $0x1D980  }
0x10: {  	s10 =	simm.s32 $0x2;
	s11 =	simm.s32 $0x5;
	[dreg:$0x6] =	wrdreg s3  }
0x11: {  	s12 =	simm.s32 $0x8;
	s9 =	sadd.s32 s8, s1;
	[dreg:$0xb] =	wrdreg s26  }
0x12: {  	s1 =	sadd.s32 $0x42400, s1;
	s21 =	sshrl.u32 s13, $0x3;
	[dreg:$0xc] =	wrdreg s16  }
0x13: {  	s8 =	sadd.s32 s6, s8;
	s23 =	sshll.u32 s13, $0x1;
	[dreg:$0xe] =	wrdreg s17  }
0x14: {  	s26 =	simm.s32 $0x4;
	s9 =	sadd.s32 $0xE8600, s9;
	[dreg:$0x5] =	wrdreg s8  }
0x15: {  	s13 =	simm.s32 $0x3;
	s22 =	sadd.s32 s6, s21;
	[dreg:$0x4] =	wrdreg s9  }
0x16: {  	s3 =	sadd.s32 s7, s23;
	s0 =	sadd.s32 s1, s0;
	[dreg:$0x7] =	wrdreg s22  }
0x17: {  	s1 =	sadd.s32 s1, s25;
	s21 =	simm.s32 $0xA;
	[dreg:$0x8] =	wrdreg s3  }
0x18: {  	s23 =	simm.s32 $0x180;
	[dreg:$0x9] =	wrdreg s1;
	s0 =	sadd.s32 $0x25800, s0  }
0x19: {  	s25 =	simm.s32 $0x80;
	[dreg:$0xa] =	wrdreg s0;
	s0 =	sshll.u32 @!p0 s15, $0x6  }
0x1a: {  	s22 =	simm.s32 $0x50;
	s1 =	simm.s32 $0x1E380;
	s15 =	sor.u32 @!p0 $0x1C0A, s0  }
0x1b: {  	s9 =	simm.s32 $0x7;
	s0 =	simm.s32 $0x1;
	[dreg:$0xd] =	wrdreg s15  }
.LBB2_1:
0x1c: {  	[dreg:$0xf] =	wrdreg s18  }
0x1d: {  	s3 =	simm.s32 @p0 $0x1FCA;
	s8 =	rddreg [dreg:$0x3]  }
0x1e: {  	[spmem:s16], [sflag:s3] =	dma.local @p0 [hbm:s8], $0x1900  }
0x1f: {  	s3 =	simm.s32 @p0 $0xA  }
0x20: {  	_ =	swait.ge @p0 [sflag:s3], $0x1900  }
0x21: {  	[sflag:s3] =	ssyncset.done @p0 $0x0  }
0x22: {  	[sflag:s3] =	ssyncadd.s32 @p0 $0xFFFFE700;
	s3 =	simm.s32 @!p0 $0xA  }
0x23: {  	[spmem:s17], [sflag:s15] =	dma.local @!p0 [hbm:s8], $0x2800  }
0x24: {  	_ =	swait.ge @!p0 [sflag:s3], $0x2800  }
0x25: {  	s18 =	simm.s32 $0x1B200;
	[sflag:s3] =	ssyncset.done @!p0 $0x0  }
0x26: {  	s17 =	rddreg [dreg:$0x4];
	[sflag:s3] =	ssyncadd.s32 @!p0 $0xFFFFD800;
	s3 =	simm.s32 $0x0  }
0x27: {  	[tilespmem:s18], [sflag:$0xA] =	stream.linear.gather [hbm4b:s17+s3], $0x2710, $0x38;
	[tilespmem:$0x1E880] =	vst v63  }
0x28: {  	_ =	swait.ge [sflag:s21], $0x2710  }
0x29: {  	[sflag:s21] =	ssyncset.done $0x0  }
0x2a: {  	[sflag:s21] =	ssyncadd.s32 $0xFFFFD8F0  }
0x2b: {  	[bflag:$0x0] =	sbarrier.arrive $0xFFFF  }
0x2c: {  	s19 =	rddreg [dreg:$0x5]  }
0x2d: {  	[tilespmem:s3], [sflag:$0x4] =	stream.linear.gather [hbm4b:s19+s3], $0x50, $0x38;
	[tilespmem:$0x1E880] =	vst v63  }
0x2e: {  	_ = 	snop  }
0x2f: {  	[tilespmem:s23], [sflag:$0x1] =	stream.indirect.gather [hbm4b:s5+s22], $0x80, s18, s22, $0xb8;
	[tilespmem:$0x1E880] =	vst v63  }
0x30: {  	s16 =	rddreg [dreg:$0x6]  }
0x31: {  	[tilespmem:s24], [sflag:$0x7] =	stream.linear.gather [hbm4b:s16+s3], $0x500, $0x38;
	[tilespmem:$0x1E880] =	vst v63  }
0x32: {  	s17 =	rddreg [dreg:$0x7]  }
0x33: {  	[tilespmem:s25], [sflag:$0x5] =	stream.linear.gather [hbm4b:s17+s3], $0x50, $0x38;
	[tilespmem:$0x1E880] =	vst v63  }
0x34: {  	s18 =	simm.s32 $0x1B250  }
0x35: {  	[tilespmem:s28], [sflag:$0x2] =	stream.indirect.gather [hbm4b:s5+s22], $0x80, s18, s22, $0xb8;
	[tilespmem:$0x1E880] =	vst v63  }
0x36: {  	s19 =	rddreg [dreg:$0x8];
	s16 =	simm.s32 $0x0  }
0x37: {  	[tilespmem:s29], [sflag:$0x8] =	stream.linear.gather [hbm4b:s19+s3], $0x500, $0x38;
	[tilespmem:$0x1E880] =	vst v63  }
.LBB2_2:
0x38: {  	s8 =	smul.u32 $0xF0, s16;
	_ =	sdelay $0x1  }
0x39: {  	s17 =	sadd.s32 s4, s8  }
0x3a: {  	s3 =	sadd.s32 $0xA0, s17  }
0x3b: {  	s18 =	sshrl.u32 s3, $0x3  }
0x3c: {  	s19 =	simm.s32 $0x0;
	s3 =	sshll.u32 s3, $0x1;
	s18 =	sadd.s32 s6, s18  }
0x3d: {  	[tilespmem:s30], [sflag:$0x6] =	stream.linear.gather [hbm4b:s18+s19], $0x50, $0x38;
	[tilespmem:$0x1E880] =	vst v63  }
0x3e: {  	s15 =	sadd.s32 $0x1B2A0, s8;
	s3 =	sand.u32 $0x1FFFFFE0, s3  }
0x3f: {  	[tilespmem:s31], [sflag:$0x3] =	stream.indirect.gather [hbm4b:s5+s22], $0x80, s15, s22, $0xb8;
	[tilespmem:$0x1E880] =	vst v63  }
0x40: {  	s3 =	sadd.s32 s7, s3  }
0x41: {  	[tilespmem:s1], [sflag:$0x9] =	stream.linear.gather [hbm4b:s3+s19], $0x500, $0x38;
	[tilespmem:$0x1E880] =	vst v63  }
0x42: {  	_ =	swait.ge [sflag:s0], $0x2800  }
0x43: {  	[sflag:s0] =	ssyncset.done $0x0  }
0x44: {  	[sflag:s0] =	ssyncadd.s32 $0xFFFFD800  }
0x45: {  	_ =	swait.ge [sflag:s26], $0x50  }
0x46: {  	[sflag:s26] =	ssyncset.done $0x0  }
0x47: {  	[sflag:s26] =	ssyncadd.s32 $0xFFFFFFB0  }
0x48: {  	_ =	swait.ge [sflag:s9], $0x500  }
0x49: {  	[sflag:s9] =	ssyncset.done $0x0  }
0x4a: {  	s18 =	simm.s32 $0x1C0;
	[sflag:s9] =	ssyncadd.s32 $0xFFFFFB00  }
0x4b: {  	v4 =	vld [tilespmem:s18+$0x30]  }
0x4c: {  	v7 =	vld [tilespmem:s18+$0x10]  }
0x4d: {  	s19 =	simm.s32 $0x0;
	v5 =	vld [tilespmem:s18+$0xFFFFFFC0]  }
0x4e: {  	v1 =	vld [tilespmem:s19+$0x1D980]  }
0x4f: {  	v9 =	vld [tilespmem:s18+$0xFFFFFFE0]  }
0x50: {  	v0 =	vld [tilespmem:s18+$0xFFFFFFF0]  }
0x51: {  	v2 =	vld [tilespmem:s18+$0x20]  }
0x52: {  	v3 =	vld [tilespmem:s18+$0xFFFFFFD0]  }
0x53: {  	v8 =	vmul.f32 v4, v1;
	v4 =	vld [tilespmem:s18+$0x0]  }
0x54: {  	v6 =	vmul.f32 v5, v1  }
0x55: {  	s3 =	simm.s32 $0x1C0;
	s19 =	simm.s32 $0x40;
	v5 =	vmul.f32 v9, v1;
	v7 =	vmul.f32 v7, v1  }
.LBB2_3:
0x56: {  	p1 =	sne.s32 s19, $0x13C0  }
0x57: {  	v3 =	vmul.f32 v3, v1;
	v2 =	vmul.f32 v2, v1;
	[tilespmem:s18+$0x30] =	vst v8;
	s3 =	sadd.s32 $0x80, s3;
	s15 =	smov.u32 s19;
	s19 =	sadd.s32 $0x40, s19  }
0x58: {  	[tilespmem:s18+$0xFFFFFFC0] =	vst v6;
	v6 =	vmul.f32 v0, v1;
	v1 =	vmul.f32 v4, v1  }
0x59: {  	[tilespmem:s18+$0x10] =	vst v7  }
0x5a: {  	v0 =	vld [tilespmem:s3+$0xFFFFFFF0];
	[tilespmem:s18+$0xFFFFFFE0] =	vst v5  }
0x5b: {  	v5 =	vld [tilespmem:s3+$0x30];
	[tilespmem:s18+$0xFFFFFFF0] =	vst v6  }
0x5c: {  	v7 =	vld [tilespmem:s3+$0x10];
	[tilespmem:s18+$0x0] =	vst v1  }
0x5d: {  	v6 =	vld [tilespmem:s3+$0xFFFFFFC0];
	[tilespmem:s18+$0x20] =	vst v2  }
0x5e: {  	s15 =	sshra.s32 s15, $0x2;
	v9 =	vld [tilespmem:s3+$0xFFFFFFE0];
	[tilespmem:s18+$0xFFFFFFD0] =	vst v3;
	s18 =	smov.u32 s3  }
0x5f: {  	v1 =	vld [tilespmem:s15+$0x1D980]  }
0x60: {  	v2 =	vld [tilespmem:s3+$0x20]  }
.Ltmp0:
0x61: {  	v3 =	vld [tilespmem:s3+$0xFFFFFFD0];
	(pc) =	sbr.rel @p1 .LBB2_3-.Ltmp0, $3  }
0x62: {  	v4 =	vld [tilespmem:s3+$0x0];
	_ =	sdelay $0x1  }
0x63: {  	v6 =	vmul.f32 v6, v1;
	v8 =	vmul.f32 v5, v1  }
0x64: {  	v5 =	vmul.f32 v9, v1;
	v7 =	vmul.f32 v7, v1  }
0x65: {  	[tilespmem:s18+$0x30] =	vst v8  }
0x66: {  	[tilespmem:s18+$0xFFFFFFC0] =	vst v6  }
0x67: {  	v0 =	vmul.f32 v0, v1;
	[tilespmem:s18+$0x10] =	vst v7  }
0x68: {  	v2 =	vmul.f32 v2, v1;
	[tilespmem:s18+$0xFFFFFFE0] =	vst v5  }
0x69: {  	v4 =	vmul.f32 v4, v1;
	[tilespmem:s18+$0xFFFFFFF0] =	vst v0  }
0x6a: {  	v0 =	vmul.f32 v3, v1;
	[tilespmem:s18+$0x20] =	vst v2  }
0x6b: {  	[tilespmem:s18+$0x0] =	vst v4  }
0x6c: {  	s3 =	simm.s32 $0x0;
	[tilespmem:s18+$0xFFFFFFD0] =	vst v0  }
0x6d: {  	[spmem:s2] =	stream.indirect.scatter.add.f32 [tilespmem:s23], [sflag:$0xA], $0x80, s3, s22, $0xb8;
	[tilespmem:$0x1E880] =	vst v63  }
0x6e: {  	s15 =	sadd.s32 $0xF0, s17;
	_ =	swait.ge [sflag:s21], $0x2800  }
0x6f: {  	s19 =	sshrl.u32 s15, $0x3;
	[sflag:s21] =	ssyncset.done $0x0  }
0x70: {  	s15 =	sshll.u32 s15, $0x1;
	s18 =	sadd.s32 s6, s19;
	[sflag:s21] =	ssyncadd.s32 $0xFFFFD800  }
0x71: {  	[tilespmem:s3], [sflag:$0x4] =	stream.linear.gather [hbm4b:s18+s3], $0x50, $0x38;
	[tilespmem:$0x1E880] =	vst v63  }
0x72: {  	s15 =	sand.u32 $0x1FFFFFE0, s15;
	s19 =	sadd.s32 $0x1B2F0, s8  }
0x73: {  	[tilespmem:s23], [sflag:$0x1] =	stream.indirect.gather [hbm4b:s5+s22], $0x80, s19, s22, $0xb8;
	[tilespmem:$0x1E880] =	vst v63  }
0x74: {  	s15 =	sadd.s32 s7, s15  }
0x75: {  	[tilespmem:s24], [sflag:$0x7] =	stream.linear.gather [hbm4b:s15+s3], $0x500, $0x38;
	[tilespmem:$0x1E880] =	vst v63  }
0x76: {  	_ =	swait.ge [sflag:s10], $0x2800  }
0x77: {  	[sflag:s10] =	ssyncset.done $0x0  }
0x78: {  	[sflag:s10] =	ssyncadd.s32 $0xFFFFD800  }
0x79: {  	_ =	swait.ge [sflag:s11], $0x50  }
0x7a: {  	[sflag:s11] =	ssyncset.done $0x0  }
0x7b: {  	[sflag:s11] =	ssyncadd.s32 $0xFFFFFFB0  }
0x7c: {  	_ =	swait.ge [sflag:s12], $0x500  }
0x7d: {  	[sflag:s12] =	ssyncset.done $0x0  }
0x7e: {  	s18 =	simm.s32 $0x29C0;
	[sflag:s12] =	ssyncadd.s32 $0xFFFFFB00  }
0x7f: {  	v4 =	vld [tilespmem:s18+$0x30]  }
0x80: {  	v7 =	vld [tilespmem:s18+$0x10]  }
0x81: {  	s19 =	simm.s32 $0x0;
	v5 =	vld [tilespmem:s18+$0xFFFFFFC0]  }
0x82: {  	v1 =	vld [tilespmem:s19+$0x1DE80]  }
0x83: {  	v9 =	vld [tilespmem:s18+$0xFFFFFFE0]  }
0x84: {  	v0 =	vld [tilespmem:s18+$0xFFFFFFF0]  }
0x85: {  	v2 =	vld [tilespmem:s18+$0x20]  }
0x86: {  	v3 =	vld [tilespmem:s18+$0xFFFFFFD0]  }
0x87: {  	v8 =	vmul.f32 v4, v1;
	v4 =	vld [tilespmem:s18+$0x0]  }
0x88: {  	v6 =	vmul.f32 v5, v1  }
0x89: {  	s3 =	simm.s32 $0x29C0;
	s19 =	simm.s32 $0x40;
	v5 =	vmul.f32 v9, v1;
	v7 =	vmul.f32 v7, v1  }
.LBB2_5:
0x8a: {  	p1 =	sne.s32 s19, $0x13C0  }
0x8b: {  	v3 =	vmul.f32 v3, v1;
	v2 =	vmul.f32 v2, v1;
	[tilespmem:s18+$0x30] =	vst v8;
	s3 =	sadd.s32 $0x80, s3;
	s15 =	smov.u32 s19;
	s19 =	sadd.s32 $0x40, s19  }
0x8c: {  	[tilespmem:s18+$0xFFFFFFC0] =	vst v6;
	v6 =	vmul.f32 v0, v1;
	v1 =	vmul.f32 v4, v1  }
0x8d: {  	[tilespmem:s18+$0x10] =	vst v7  }
0x8e: {  	v0 =	vld [tilespmem:s3+$0xFFFFFFF0];
	[tilespmem:s18+$0xFFFFFFE0] =	vst v5  }
0x8f: {  	v5 =	vld [tilespmem:s3+$0x30];
	[tilespmem:s18+$0xFFFFFFF0] =	vst v6  }
0x90: {  	v7 =	vld [tilespmem:s3+$0x10];
	[tilespmem:s18+$0x0] =	vst v1  }
0x91: {  	v6 =	vld [tilespmem:s3+$0xFFFFFFC0];
	[tilespmem:s18+$0x20] =	vst v2  }
0x92: {  	s15 =	sshra.s32 s15, $0x2;
	v9 =	vld [tilespmem:s3+$0xFFFFFFE0];
	[tilespmem:s18+$0xFFFFFFD0] =	vst v3;
	s18 =	smov.u32 s3  }
0x93: {  	v1 =	vld [tilespmem:s15+$0x1DE80]  }
0x94: {  	v2 =	vld [tilespmem:s3+$0x20]  }
.Ltmp1:
0x95: {  	v3 =	vld [tilespmem:s3+$0xFFFFFFD0];
	(pc) =	sbr.rel @p1 .LBB2_5-.Ltmp1, $3  }
0x96: {  	v4 =	vld [tilespmem:s3+$0x0];
	_ =	sdelay $0x1  }
0x97: {  	v6 =	vmul.f32 v6, v1;
	v8 =	vmul.f32 v5, v1  }
0x98: {  	v5 =	vmul.f32 v9, v1;
	v7 =	vmul.f32 v7, v1  }
0x99: {  	[tilespmem:s18+$0x30] =	vst v8  }
0x9a: {  	[tilespmem:s18+$0xFFFFFFC0] =	vst v6  }
0x9b: {  	v0 =	vmul.f32 v0, v1;
	[tilespmem:s18+$0x10] =	vst v7  }
0x9c: {  	v2 =	vmul.f32 v2, v1;
	[tilespmem:s18+$0xFFFFFFE0] =	vst v5  }
0x9d: {  	v4 =	vmul.f32 v4, v1;
	[tilespmem:s18+$0xFFFFFFF0] =	vst v0  }
0x9e: {  	v0 =	vmul.f32 v3, v1;
	[tilespmem:s18+$0x20] =	vst v2  }
0x9f: {  	[tilespmem:s18+$0x0] =	vst v4  }
0xa0: {  	[tilespmem:s18+$0xFFFFFFD0] =	vst v0  }
0xa1: {  	[spmem:s2] =	stream.indirect.scatter.add.f32 [tilespmem:s28], [sflag:$0xA], $0x80, s25, s22, $0xb8;
	[tilespmem:$0x1E880] =	vst v63  }
0xa2: {  	s3 =	sadd.s32 $0x140, s17;
	_ =	swait.ge [sflag:s21], $0x2800  }
0xa3: {  	s15 =	sshrl.u32 s3, $0x3;
	s3 =	sshll.u32 s3, $0x1;
	[sflag:s21] =	ssyncset.done $0x0  }
0xa4: {  	s15 =	sadd.s32 s6, s15;
	s18 =	simm.s32 $0x0;
	[sflag:s21] =	ssyncadd.s32 $0xFFFFD800  }
0xa5: {  	[tilespmem:s25], [sflag:$0x5] =	stream.linear.gather [hbm4b:s15+s18], $0x50, $0x38;
	[tilespmem:$0x1E880] =	vst v63  }
0xa6: {  	s8 =	sadd.s32 $0x1B340, s8;
	s3 =	sand.u32 $0x1FFFFFE0, s3  }
0xa7: {  	[tilespmem:s28], [sflag:$0x2] =	stream.indirect.gather [hbm4b:s5+s22], $0x80, s8, s22, $0xb8;
	[tilespmem:$0x1E880] =	vst v63  }
0xa8: {  	s3 =	sadd.s32 s7, s3  }
0xa9: {  	[tilespmem:s29], [sflag:$0x8] =	stream.linear.gather [hbm4b:s3+s18], $0x500, $0x38;
	[tilespmem:$0x1E880] =	vst v63  }
0xaa: {  	_ =	swait.ge [sflag:s13], $0x2800  }
0xab: {  	[sflag:s13] =	ssyncset.done $0x0  }
0xac: {  	[sflag:s13] =	ssyncadd.s32 $0xFFFFD800  }
0xad: {  	_ =	swait.ge [sflag:s20], $0x50  }
0xae: {  	[sflag:s20] =	ssyncset.done $0x0  }
0xaf: {  	[sflag:s20] =	ssyncadd.s32 $0xFFFFFFB0  }
0xb0: {  	_ =	swait.ge [sflag:s14], $0x500  }
0xb1: {  	[sflag:s14] =	ssyncset.done $0x0  }
0xb2: {  	s8 =	simm.s32 $0x51C0;
	[sflag:s14] =	ssyncadd.s32 $0xFFFFFB00  }
0xb3: {  	v4 =	vld [tilespmem:s8+$0x30]  }
0xb4: {  	v7 =	vld [tilespmem:s8+$0x10]  }
0xb5: {  	s19 =	simm.s32 $0x0;
	v5 =	vld [tilespmem:s8+$0xFFFFFFC0]  }
0xb6: {  	v1 =	vld [tilespmem:s19+$0x1E380]  }
0xb7: {  	v9 =	vld [tilespmem:s8+$0xFFFFFFE0]  }
0xb8: {  	v0 =	vld [tilespmem:s8+$0xFFFFFFF0]  }
0xb9: {  	v2 =	vld [tilespmem:s8+$0x20]  }
0xba: {  	v3 =	vld [tilespmem:s8+$0xFFFFFFD0]  }
0xbb: {  	v8 =	vmul.f32 v4, v1;
	v4 =	vld [tilespmem:s8+$0x0]  }
0xbc: {  	v6 =	vmul.f32 v5, v1  }
0xbd: {  	s17 =	simm.s32 $0x40;
	s3 =	simm.s32 $0x51C0;
	v5 =	vmul.f32 v9, v1;
	v7 =	vmul.f32 v7, v1  }
.LBB2_7:
0xbe: {  	p1 =	sne.s32 s17, $0x13C0  }
0xbf: {  	v3 =	vmul.f32 v3, v1;
	v2 =	vmul.f32 v2, v1;
	[tilespmem:s8+$0x30] =	vst v8;
	s3 =	sadd.s32 $0x80, s3;
	s15 =	smov.u32 s17;
	s17 =	sadd.s32 $0x40, s17  }
0xc0: {  	[tilespmem:s8+$0xFFFFFFC0] =	vst v6;
	v6 =	vmul.f32 v0, v1;
	v1 =	vmul.f32 v4, v1  }
0xc1: {  	[tilespmem:s8+$0x10] =	vst v7  }
0xc2: {  	v0 =	vld [tilespmem:s3+$0xFFFFFFF0];
	[tilespmem:s8+$0xFFFFFFE0] =	vst v5  }
0xc3: {  	v5 =	vld [tilespmem:s3+$0x30];
	[tilespmem:s8+$0xFFFFFFF0] =	vst v6  }
0xc4: {  	v7 =	vld [tilespmem:s3+$0x10];
	[tilespmem:s8+$0x0] =	vst v1  }
0xc5: {  	v6 =	vld [tilespmem:s3+$0xFFFFFFC0];
	[tilespmem:s8+$0x20] =	vst v2  }
0xc6: {  	s15 =	sshra.s32 s15, $0x2;
	v9 =	vld [tilespmem:s3+$0xFFFFFFE0];
	[tilespmem:s8+$0xFFFFFFD0] =	vst v3;
	s8 =	smov.u32 s3  }
0xc7: {  	v1 =	vld [tilespmem:s15+$0x1E380]  }
0xc8: {  	v2 =	vld [tilespmem:s3+$0x20]  }
.Ltmp2:
0xc9: {  	v3 =	vld [tilespmem:s3+$0xFFFFFFD0];
	(pc) =	sbr.rel @p1 .LBB2_7-.Ltmp2, $3  }
0xca: {  	v4 =	vld [tilespmem:s3+$0x0];
	_ =	sdelay $0x1  }
0xcb: {  	v6 =	vmul.f32 v6, v1;
	v8 =	vmul.f32 v5, v1  }
0xcc: {  	v5 =	vmul.f32 v9, v1;
	v7 =	vmul.f32 v7, v1  }
0xcd: {  	[tilespmem:s8+$0x30] =	vst v8  }
0xce: {  	[tilespmem:s8+$0xFFFFFFC0] =	vst v6  }
0xcf: {  	v0 =	vmul.f32 v0, v1;
	[tilespmem:s8+$0x10] =	vst v7  }
0xd0: {  	v2 =	vmul.f32 v2, v1;
	[tilespmem:s8+$0xFFFFFFE0] =	vst v5  }
0xd1: {  	v63 =	vmul.f32 v3, v1;
	[tilespmem:s8+$0xFFFFFFF0] =	vst v0  }
0xd2: {  	s16 =	sadd.s32 $0x1, s16;
	v4 =	vmul.f32 v4, v1;
	[tilespmem:s8+$0x20] =	vst v2  }
0xd3: {  	p1 =	sne.s32 s16, $0x29;
	[tilespmem:s8+$0xFFFFFFD0] =	vst v63  }
.Ltmp3:
0xd4: {  	[tilespmem:s8+$0x0] =	vst v4;
	(pc) =	sbr.rel @p1 .LBB2_2-.Ltmp3, $4  }
0xd5: {  	[spmem:s2] =	stream.indirect.scatter.add.f32 [tilespmem:s31], [sflag:$0xA], $0x80, s30, s22, $0xb8;
	[tilespmem:$0x1E880] =	vst v63  }
0xd6: {  	_ =	swait.ge [sflag:s21], $0x2800  }
0xd7: {  	[sflag:s21] =	ssyncset.done $0x0  }
0xd8: {  	[sflag:s21] =	ssyncadd.s32 $0xFFFFD800  }
0xd9: {  	_ =	swait.ge [sflag:s0], $0x2800  }
0xda: {  	[sflag:s0] =	ssyncset.done $0x0  }
0xdb: {  	[sflag:s0] =	ssyncadd.s32 $0xFFFFD800  }
0xdc: {  	_ =	swait.ge [sflag:s26], $0x50  }
0xdd: {  	[sflag:s26] =	ssyncset.done $0x0  }
0xde: {  	[sflag:s26] =	ssyncadd.s32 $0xFFFFFFB0  }
0xdf: {  	_ =	swait.ge [sflag:s9], $0x500  }
0xe0: {  	[sflag:s9] =	ssyncset.done $0x0  }
0xe1: {  	s8 =	simm.s32 $0x1C0;
	[sflag:s9] =	ssyncadd.s32 $0xFFFFFB00  }
0xe2: {  	v4 =	vld [tilespmem:s8+$0x30]  }
0xe3: {  	v7 =	vld [tilespmem:s8+$0x10]  }
0xe4: {  	s3 =	simm.s32 $0x0;
	v5 =	vld [tilespmem:s8+$0xFFFFFFC0]  }
0xe5: {  	v1 =	vld [tilespmem:s3+$0x1D980]  }
0xe6: {  	v9 =	vld [tilespmem:s8+$0xFFFFFFE0]  }
0xe7: {  	v0 =	vld [tilespmem:s8+$0xFFFFFFF0]  }
0xe8: {  	v2 =	vld [tilespmem:s8+$0x20]  }
0xe9: {  	v3 =	vld [tilespmem:s8+$0xFFFFFFD0]  }
0xea: {  	v8 =	vmul.f32 v4, v1;
	v4 =	vld [tilespmem:s8+$0x0]  }
0xeb: {  	v6 =	vmul.f32 v5, v1  }
0xec: {  	s16 =	simm.s32 $0x40;
	s3 =	simm.s32 $0x1C0;
	v5 =	vmul.f32 v9, v1;
	v7 =	vmul.f32 v7, v1  }
.LBB2_10:
0xed: {  	p1 =	sne.s32 s16, $0x13C0  }
0xee: {  	v3 =	vmul.f32 v3, v1;
	v2 =	vmul.f32 v2, v1;
	[tilespmem:s8+$0x30] =	vst v8;
	s3 =	sadd.s32 $0x80, s3;
	s15 =	smov.u32 s16;
	s16 =	sadd.s32 $0x40, s16  }
0xef: {  	[tilespmem:s8+$0xFFFFFFC0] =	vst v6;
	v6 =	vmul.f32 v0, v1;
	v1 =	vmul.f32 v4, v1  }
0xf0: {  	[tilespmem:s8+$0x10] =	vst v7  }
0xf1: {  	v0 =	vld [tilespmem:s3+$0xFFFFFFF0];
	[tilespmem:s8+$0xFFFFFFE0] =	vst v5  }
0xf2: {  	v5 =	vld [tilespmem:s3+$0x30];
	[tilespmem:s8+$0xFFFFFFF0] =	vst v6  }
0xf3: {  	v7 =	vld [tilespmem:s3+$0x10];
	[tilespmem:s8+$0x0] =	vst v1  }
0xf4: {  	v6 =	vld [tilespmem:s3+$0xFFFFFFC0];
	[tilespmem:s8+$0x20] =	vst v2  }
0xf5: {  	s15 =	sshra.s32 s15, $0x2;
	v9 =	vld [tilespmem:s3+$0xFFFFFFE0];
	[tilespmem:s8+$0xFFFFFFD0] =	vst v3;
	s8 =	smov.u32 s3  }
0xf6: {  	v1 =	vld [tilespmem:s15+$0x1D980]  }
0xf7: {  	v2 =	vld [tilespmem:s3+$0x20]  }
.Ltmp4:
0xf8: {  	v3 =	vld [tilespmem:s3+$0xFFFFFFD0];
	(pc) =	sbr.rel @p1 .LBB2_10-.Ltmp4, $3  }
0xf9: {  	v4 =	vld [tilespmem:s3+$0x0];
	_ =	sdelay $0x1  }
0xfa: {  	v6 =	vmul.f32 v6, v1;
	v8 =	vmul.f32 v5, v1  }
0xfb: {  	v5 =	vmul.f32 v9, v1;
	v7 =	vmul.f32 v7, v1  }
0xfc: {  	[tilespmem:s8+$0x30] =	vst v8  }
0xfd: {  	[tilespmem:s8+$0xFFFFFFC0] =	vst v6  }
0xfe: {  	v0 =	vmul.f32 v0, v1;
	[tilespmem:s8+$0x10] =	vst v7  }
0xff: {  	v2 =	vmul.f32 v2, v1;
	[tilespmem:s8+$0xFFFFFFE0] =	vst v5  }
0x100: {  	v4 =	vmul.f32 v4, v1;
	[tilespmem:s8+$0xFFFFFFF0] =	vst v0  }
0x101: {  	v0 =	vmul.f32 v3, v1;
	[tilespmem:s8+$0x20] =	vst v2  }
0x102: {  	[tilespmem:s8+$0x0] =	vst v4  }
0x103: {  	s3 =	simm.s32 $0x0;
	[tilespmem:s8+$0xFFFFFFD0] =	vst v0  }
0x104: {  	[spmem:s2] =	stream.indirect.scatter.add.f32 [tilespmem:s23], [sflag:$0xA], $0x80, s3, s22, $0xb8;
	[tilespmem:$0x1E880] =	vst v63  }
0x105: {  	_ =	swait.ge [sflag:s21], $0x2800  }
0x106: {  	[sflag:s21] =	ssyncset.done $0x0  }
0x107: {  	[sflag:s21] =	ssyncadd.s32 $0xFFFFD800  }
0x108: {  	_ =	swait.ge [sflag:s10], $0x2800  }
0x109: {  	[sflag:s10] =	ssyncset.done $0x0  }
0x10a: {  	[sflag:s10] =	ssyncadd.s32 $0xFFFFD800  }
0x10b: {  	_ =	swait.ge [sflag:s11], $0x50  }
0x10c: {  	[sflag:s11] =	ssyncset.done $0x0  }
0x10d: {  	[sflag:s11] =	ssyncadd.s32 $0xFFFFFFB0  }
0x10e: {  	_ =	swait.ge [sflag:s12], $0x500  }
0x10f: {  	[sflag:s12] =	ssyncset.done $0x0  }
0x110: {  	s8 =	simm.s32 $0x29C0;
	[sflag:s12] =	ssyncadd.s32 $0xFFFFFB00  }
0x111: {  	v4 =	vld [tilespmem:s8+$0x30]  }
0x112: {  	v7 =	vld [tilespmem:s8+$0x10]  }
0x113: {  	s19 =	simm.s32 $0x0;
	v5 =	vld [tilespmem:s8+$0xFFFFFFC0]  }
0x114: {  	v1 =	vld [tilespmem:s19+$0x1DE80]  }
0x115: {  	v9 =	vld [tilespmem:s8+$0xFFFFFFE0]  }
0x116: {  	v0 =	vld [tilespmem:s8+$0xFFFFFFF0]  }
0x117: {  	v2 =	vld [tilespmem:s8+$0x20]  }
0x118: {  	v3 =	vld [tilespmem:s8+$0xFFFFFFD0]  }
0x119: {  	v8 =	vmul.f32 v4, v1;
	v4 =	vld [tilespmem:s8+$0x0]  }
0x11a: {  	s17 =	rddreg [dreg:$0xe];
	v6 =	vmul.f32 v5, v1  }
0x11b: {  	s16 =	simm.s32 $0x40;
	s3 =	simm.s32 $0x29C0;
	s18 =	rddreg [dreg:$0xf];
	v5 =	vmul.f32 v9, v1;
	v7 =	vmul.f32 v7, v1  }
.LBB2_12:
0x11c: {  	p1 =	sne.s32 s16, $0x13C0  }
0x11d: {  	v3 =	vmul.f32 v3, v1;
	v2 =	vmul.f32 v2, v1;
	[tilespmem:s8+$0x30] =	vst v8;
	s3 =	sadd.s32 $0x80, s3;
	s15 =	smov.u32 s16;
	s16 =	sadd.s32 $0x40, s16  }
0x11e: {  	[tilespmem:s8+$0xFFFFFFC0] =	vst v6;
	v6 =	vmul.f32 v0, v1;
	v1 =	vmul.f32 v4, v1  }
0x11f: {  	[tilespmem:s8+$0x10] =	vst v7  }
0x120: {  	v0 =	vld [tilespmem:s3+$0xFFFFFFF0];
	[tilespmem:s8+$0xFFFFFFE0] =	vst v5  }
0x121: {  	v5 =	vld [tilespmem:s3+$0x30];
	[tilespmem:s8+$0xFFFFFFF0] =	vst v6  }
0x122: {  	v7 =	vld [tilespmem:s3+$0x10];
	[tilespmem:s8+$0x0] =	vst v1  }
0x123: {  	v6 =	vld [tilespmem:s3+$0xFFFFFFC0];
	[tilespmem:s8+$0x20] =	vst v2  }
0x124: {  	s15 =	sshra.s32 s15, $0x2;
	v9 =	vld [tilespmem:s3+$0xFFFFFFE0];
	[tilespmem:s8+$0xFFFFFFD0] =	vst v3;
	s8 =	smov.u32 s3  }
0x125: {  	v1 =	vld [tilespmem:s15+$0x1DE80]  }
0x126: {  	v2 =	vld [tilespmem:s3+$0x20]  }
.Ltmp5:
0x127: {  	v3 =	vld [tilespmem:s3+$0xFFFFFFD0];
	(pc) =	sbr.rel @p1 .LBB2_12-.Ltmp5, $3  }
0x128: {  	v4 =	vld [tilespmem:s3+$0x0];
	_ =	sdelay $0x1  }
0x129: {  	v6 =	vmul.f32 v6, v1;
	v8 =	vmul.f32 v5, v1  }
0x12a: {  	v5 =	vmul.f32 v9, v1;
	v7 =	vmul.f32 v7, v1  }
0x12b: {  	[tilespmem:s8+$0x30] =	vst v8  }
0x12c: {  	[tilespmem:s8+$0xFFFFFFC0] =	vst v6  }
0x12d: {  	v0 =	vmul.f32 v0, v1;
	[tilespmem:s8+$0x10] =	vst v7  }
0x12e: {  	v2 =	vmul.f32 v2, v1;
	[tilespmem:s8+$0xFFFFFFE0] =	vst v5  }
0x12f: {  	v63 =	vmul.f32 v3, v1;
	[tilespmem:s8+$0xFFFFFFF0] =	vst v0  }
0x130: {  	v4 =	vmul.f32 v4, v1;
	[tilespmem:s8+$0x20] =	vst v2  }
0x131: {  	[tilespmem:s8+$0xFFFFFFD0] =	vst v63  }
0x132: {  	[tilespmem:s8+$0x0] =	vst v4  }
0x133: {  	[spmem:s2] =	stream.indirect.scatter.add.f32 [tilespmem:s28], [sflag:$0xA], $0x80, s25, s22, $0xb8;
	[tilespmem:$0x1E880] =	vst v63  }
0x134: {  	_ =	swait.ge [sflag:s21], $0x2800  }
0x135: {  	[sflag:s21] =	ssyncset.done $0x0  }
0x136: {  	[sflag:s21] =	ssyncadd.s32 $0xFFFFD800  }
0x137: {  	[bflag:$0x0] =	sbarrier.arrive $0xFFFF  }
0x138: {  	s8 =	rddreg [dreg:$0xa]  }
0x139: {  	s3 =	simm.s32 @p0 $0x1FCA;
	s16 =	rddreg [dreg:$0xc]  }
0x13a: {  	[hbm:s8], [sflag:s3] =	dma.local @p0 [spmem:s16], $0x1900  }
0x13b: {  	s3 =	simm.s32 @p0 $0xA  }
0x13c: {  	_ =	swait.ge @p0 [sflag:s3], $0x1900  }
0x13d: {  	[sflag:s3] =	ssyncset.done @p0 $0x0;
	s15 =	rddreg [dreg:$0xd]  }
0x13e: {  	[sflag:s3] =	ssyncadd.s32 @p0 $0xFFFFE700;
	s3 =	rddreg [dreg:$0x9]  }
0x13f: {  	[hbm:s3], [sflag:s15] =	dma.local @!p0 [spmem:s17], $0x2800  }
0x140: {  	s3 =	simm.s32 @!p0 $0xA  }
0x141: {  	_ =	swait.ge @!p0 [sflag:s3], $0x2800  }
0x142: {  	s18 =	sadd.s32 $0x1, s18;
	s19 =	rddreg [dreg:$0xb]  }
0x143: {  	p1 =	sne.s32 s18, s19  }
.Ltmp6:
0x144: {  	_ = 	snop;
	(pc) =	sbr.rel @p1 .LBB2_1-.Ltmp6, $3  }
0x145: {  	_ =	sdelay $0x1  }
0x146: {  	[sflag:s3] =	ssyncset.done @!p0 $0x0  }
0x147: {  	[sflag:s3] =	ssyncadd.s32 @!p0 $0xFFFFD800  }
0x148: {  	_ =	sfence.sel $0x180000  }
0x149: {  	[bflag:$0x0] =	sbarrier.arrive $0xFFFF  }
0x14a: {  	_ =	strace $0x90000053  }
0x14b: {  	s0 =	stileid.u32;
	[bflag:$0x2] =	sbarrier.arrive $0xFFFF  }
0x14c: {  	p0 =	sne.s32 s0, $0x0;
	s0 =	rddreg [dreg:$0x2]  }
0x14d: {  	s0 =	sadd.s32 @!p0 $0x100000, s0  }
0x14e: {  	[sflag:s0] =	ssyncadd.tile.s32 @!p0 $0x1;
	_ =	shalt  }
.Lfunc_end2:
_tile_overlayer_lowered:
.L_overlay_start_2:
0x14f: {  	(tag) =	ssettag $0x2  }
0x150: {  	s0 =	rddreg [dreg:$0x0];
	s2 =	stileid.u32  }
0x151: {  	s1 =	rddreg [dreg:$0x1];
	p0 =	sne.s32 s2, $0x0  }
0x152: {  	s3 =	rddreg [dreg:$0x2];
	[bflag:$0x3] =	sbarrier.arrive $0xFFFF;
	s2 =	simm.s32 @!p0 $0x1C0A  }
0x153: {  	[timem:s3], [sflag:s2] =	dma.local @!p0 [hbm:s0], s1  }
0x154: {  	s0 =	simm.s32 @!p0 $0xA  }
0x155: {  	_ =	swait.ge @!p0 [sflag:s0], s1  }
0x156: {  	s1 =	ssub.s32 @!p0 $0x0, s1;
	[sflag:s0] =	ssyncset.done @!p0 $0x0  }
0x157: {  	[sflag:s0] =	ssyncadd.s32 @!p0 s1  }
0x158: {  	[bflag:$0x3] =	sbarrier.arrive $0xFFFF  }
0x159: {  	_ =	shalt  }

</sc_bundles>
